<compile_context>
chip_gen: v7x
topology: tpu7x:2x2x1
jax: 0.10.2.dev20260603
libtpu: 0.0.44.dev20260713+nightly
codegen_flags: <defaults>
</compile_context>

<pallas_src>
import functools

import jax
import jax.numpy as jnp
from jax import lax
from jax.experimental import pallas as pl
from jax.experimental.pallas import tpu as pltpu
from jax.experimental.pallas import tpu_sc as plsc

E = 16
N = 8192
D = 2048
CAP = 2 * N // E

_NC = 2
_NS = 16
NW = _NC * _NS
CHUNK = 16
NCHUNK = E * CAP // (NW * CHUNK)


def _sc_body(in_hbm, srcp_hbm, cnt_hbm, z_hbm, out_hbm,
             idx_all_v, cnts_v, zrow_v, rows0_v, rows1_v,
             gsem, ssem0, ssem1):
    wid = lax.axis_index("s") * _NC + lax.axis_index("c")

    pltpu.sync_copy(srcp_hbm.at[wid], idx_all_v)
    pltpu.sync_copy(cnt_hbm.at[wid], cnts_v)
    pltpu.sync_copy(z_hbm, zrow_v)
    c_lo = cnts_v[pl.ds(0, 16)]
    c_hi = cnts_v[pl.ds(16, 16)]

    rows_v = (rows0_v, rows1_v)
    ssem = (ssem0, ssem1)

    for k in range(NCHUNK):
        b = k % 2
        nv = (c_lo if k < 16 else c_hi)[k % 16]
        c0 = wid * CHUNK + k * (NW * CHUNK)

        if k >= 2:
            pltpu.make_async_copy(z_hbm, rows_v[b], ssem[b]).wait()

        @pl.when(nv > 0)
        def _(b=b, k=k, nv=nv, c0=c0):
            pltpu.async_copy(in_hbm.at[idx_all_v.at[k]], rows_v[b], gsem
                             ).wait()

            @pl.when(nv < CHUNK)
            def _():
                @pl.loop(nv, CHUNK)
                def _(r):
                    @pl.loop(0, D // 16)
                    def _(j):
                        rows_v[b][r, pl.ds(j * 16, 16)] = jnp.zeros(
                            (16,), jnp.float32)

            pltpu.async_copy(rows_v[b], out_hbm.at[pl.ds(c0, CHUNK)], ssem[b])

        @pl.when(nv == 0)
        def _(b=b, c0=c0):
            pltpu.async_copy(zrow_v, out_hbm.at[pl.ds(c0, CHUNK)], ssem[b])

    pltpu.make_async_copy(z_hbm, rows0_v, ssem0).wait()
    pltpu.make_async_copy(z_hbm, rows1_v, ssem1).wait()


@jax.jit
def _route_gather(inputs, srcp, cnts, zrows):
    k = pl.kernel(
        _sc_body,
        out_type=jax.ShapeDtypeStruct((E * CAP, D), jnp.float32),
        mesh=plsc.VectorSubcoreMesh(core_axis_name="c", subcore_axis_name="s"),
        scratch_types=[
            pltpu.VMEM((NCHUNK, CHUNK), jnp.int32),
            pltpu.VMEM((NCHUNK,), jnp.int32),
            pltpu.VMEM((CHUNK, D), jnp.float32),
            pltpu.VMEM((CHUNK, D), jnp.float32),
            pltpu.VMEM((CHUNK, D), jnp.float32),
            pltpu.SemaphoreType.DMA,
            pltpu.SemaphoreType.DMA,
            pltpu.SemaphoreType.DMA,
        ],
    )
    return k(inputs, srcp, cnts, zrows)


_ROUTING = None


def _routing_tables():
    global _ROUTING
    if _ROUTING is None:
        score = jax.random.normal(jax.random.key(42), (N, E),
                                  dtype=jnp.float32)
        _, top_idx = jax.lax.top_k(score, 1)
        dst = top_idx[:, 0]
        onehot = (dst[:, None] == jnp.arange(E)[None, :]).astype(jnp.int32)
        pos = jnp.cumsum(onehot, axis=0) - 1
        pos_in_expert = jnp.take_along_axis(pos, dst[:, None], axis=1)[:, 0]
        counts = jnp.sum(onehot, axis=0)
        filled = jnp.minimum(counts, CAP)
        slot = jnp.where(pos_in_expert < CAP, dst * CAP + pos_in_expert,
                         E * CAP)
        src = jnp.zeros((E * CAP,), jnp.int32).at[slot].set(
            jnp.arange(N, dtype=jnp.int32), mode="drop")
        srcp = src.reshape(NCHUNK, NW, CHUNK).transpose(1, 0, 2)
        g = jnp.arange(E * CAP // CHUNK)
        cnt_chunk = jnp.clip(filled[g // (CAP // CHUNK)]
                             - (g % (CAP // CHUNK)) * CHUNK, 0, CHUNK)
        cnts = cnt_chunk.reshape(NCHUNK, NW).T.astype(jnp.int32)
        zrows = jnp.zeros((CHUNK, D), jnp.float32)
        _ROUTING = (jax.device_get(srcp), jax.device_get(cnts),
                    jax.device_get(zrows))
    return _ROUTING


def kernel(inputs):
    srcp, cnts, zrows = _routing_tables()
    out = _route_gather(inputs, jnp.asarray(srcp), jnp.asarray(cnts),
                        jnp.asarray(zrows))
    return out.reshape(E, CAP, inputs.shape[1])

# --- scband reference (transcript-rebuilt; emitter-appended) ---
"""Pipeline reference for scband-rand-scatter-router-34737695490468 (READ-ONLY COPY).

The authoritative reference and input builder live on the scoring server;
editing this copy changes nothing except your own understanding.
"""

import jax, jax.numpy as jnp
import numpy as np

DST_NUM = 16
N_TOK = 8192
D_MODEL = 2048
CAPACITY = 2 * N_TOK // DST_NUM  # 1024


def setup_inputs(seed: int = 0) -> dict:
    key = jax.random.key(seed)
    inputs = jax.random.normal(key, (N_TOK, D_MODEL), dtype=jnp.float32)
    return {"inputs": inputs}


def reference(inputs):
    # RandomGate: random scores, independent of inputs (fixed key for determinism)
    n = inputs.shape[0]
    skey = jax.random.key(42)
    score = jax.random.normal(skey, (n, DST_NUM), dtype=jnp.float32)
    # ScatterRouter with gate_method='topk', k=1: each token routed to argmax expert
    _, top_idx = jax.lax.top_k(score, 1)
    dst = top_idx[:, 0]  # [N] int32, expert id per token
    # position of each token within its destination expert (running count)
    onehot = (dst[:, None] == jnp.arange(DST_NUM)[None, :]).astype(jnp.int32)  # [N, E]
    pos = jnp.cumsum(onehot, axis=0) - 1  # [N, E]
    pos_in_expert = jnp.take_along_axis(pos, dst[:, None], axis=1)[:, 0]  # [N]
    # scatter tokens into per-expert capacity-bounded buffers; overflow dropped
    buffers = jnp.zeros((DST_NUM, CAPACITY, D_MODEL), dtype=inputs.dtype)
    buffers = buffers.at[dst, pos_in_expert].set(inputs, mode='drop')
    return buffers

if __name__ == "__main__":
    import jax
    _d = setup_inputs()
    print(jax.jit(kernel)(*tuple(_d.values())))

</pallas_src>

<mosaic_0001>
#map = affine_map<(d0, d1) -> (0, 0)>
#map1 = affine_map<(d0, d1) -> (0, 0, 0)>
module attributes {stable_mosaic.version = 14 : i64} {
  func.func @_sc_body(%arg0: i32, %arg1: i32, %arg2: memref<8192x2048xf32, #tpu.memory_space<hbm>>, %arg3: memref<32x32x16xi32, #tpu.memory_space<hbm>>, %arg4: memref<32x32xi32, #tpu.memory_space<hbm>>, %arg5: memref<16x2048xf32, #tpu.memory_space<hbm>>, %arg6: memref<16384x2048xf32, #tpu.memory_space<hbm>>, %arg7: memref<32x16xi32, #tpu.memory_space<vmem>>, %arg8: memref<32xi32, #tpu.memory_space<vmem>>, %arg9: memref<16x2048xf32, #tpu.memory_space<vmem>>, %arg10: memref<16x2048xf32, #tpu.memory_space<vmem>>, %arg11: memref<16x2048xf32, #tpu.memory_space<vmem>>, %arg12: memref<!tpu.dma_semaphore, #tpu.memory_space<semaphore_mem>>, %arg13: memref<!tpu.dma_semaphore, #tpu.memory_space<semaphore_mem>>, %arg14: memref<!tpu.dma_semaphore, #tpu.memory_space<semaphore_mem>>) attributes {dimension_semantics = [#tpu.dimension_semantics<core_parallel>, #tpu.dimension_semantics<subcore_parallel>], iteration_bounds = array<i64: 2, 16>, scalar_prefetch = 0 : i64, scratch_operands = 8 : i64, tpu.core_type = #tpu.core_type<sc_vector_subcore>, window_params = [{transform_indices = #map}, {transform_indices = #map1}, {transform_indices = #map}, {transform_indices = #map}, {transform_indices = #map}]} {
    %mul3A = arith.constant 2 : i32
    %mul3A_0 = arith.muli %arg1, %mul3A : i32
    %add3A = arith.addi %mul3A_0, %arg0 : i32
    "tpu.region"() ({
      %run_scoped3A = tpu.sem_alloc : memref<!tpu.dma_semaphore, #tpu.memory_space<semaphore_mem>>
      %dma_start3A = arith.constant 0 : i32
      %dma_start3A_512 = arith.constant 0 : i32
      %dma_start3A_513 = tpu.memref_slice %arg3[%add3A, %dma_start3A, %dma_start3A_512] : memref<32x32x16xi32, #tpu.memory_space<hbm>> -> memref<1x32x16xi32, #tpu.memory_space<hbm>>
      %dma_start3A_514 = tpu.memref_squeeze %dma_start3A_513 : memref<1x32x16xi32, #tpu.memory_space<hbm>> -> memref<32x16xi32, #tpu.memory_space<hbm>>
      %dma_start3A_515 = arith.constant 0 : i32
      %dma_start3A_516 = arith.constant 0 : i32
      %dma_start3A_517 = tpu.memref_slice %arg3[%add3A, %dma_start3A_515, %dma_start3A_516] : memref<32x32x16xi32, #tpu.memory_space<hbm>> -> memref<1x32x16xi32, #tpu.memory_space<hbm>>
      %dma_start3A_518 = tpu.memref_squeeze %dma_start3A_517 : memref<1x32x16xi32, #tpu.memory_space<hbm>> -> memref<32x16xi32, #tpu.memory_space<hbm>>
      tpu.enqueue_dma source(%dma_start3A_518 : memref<32x16xi32, #tpu.memory_space<hbm>>) target(%arg7 : memref<32x16xi32, #tpu.memory_space<vmem>>) target_semaphore(%run_scoped3A : memref<!tpu.dma_semaphore, #tpu.memory_space<semaphore_mem>>)
      %dma_wait3A = arith.constant 0 : i32
      %dma_wait3A_519 = arith.constant 0 : i32
      %dma_wait3A_520 = tpu.memref_slice %arg3[%add3A, %dma_wait3A, %dma_wait3A_519] : memref<32x32x16xi32, #tpu.memory_space<hbm>> -> memref<1x32x16xi32, #tpu.memory_space<hbm>>
      %dma_wait3A_521 = tpu.memref_squeeze %dma_wait3A_520 : memref<1x32x16xi32, #tpu.memory_space<hbm>> -> memref<32x16xi32, #tpu.memory_space<hbm>>
      %dma_wait3A_522 = arith.constant 0 : i32
      %dma_wait3A_523 = arith.constant 0 : i32
      %dma_wait3A_524 = tpu.memref_slice %arg3[%add3A, %dma_wait3A_522, %dma_wait3A_523] : memref<32x32x16xi32, #tpu.memory_space<hbm>> -> memref<1x32x16xi32, #tpu.memory_space<hbm>>
      %dma_wait3A_525 = tpu.memref_squeeze %dma_wait3A_524 : memref<1x32x16xi32, #tpu.memory_space<hbm>> -> memref<32x16xi32, #tpu.memory_space<hbm>>
      tpu.wait_dma2 semaphore(%run_scoped3A : memref<!tpu.dma_semaphore, #tpu.memory_space<semaphore_mem>>) src(%dma_wait3A_525 : memref<32x16xi32, #tpu.memory_space<hbm>>) dst(%arg7 : memref<32x16xi32, #tpu.memory_space<vmem>>)
      tpu.yield
    }) : () -> ()
    "tpu.region"() ({
      %run_scoped3A = tpu.sem_alloc : memref<!tpu.dma_semaphore, #tpu.memory_space<semaphore_mem>>
      %dma_start3A = arith.constant 0 : i32
      %dma_start3A_512 = tpu.memref_slice %arg4[%add3A, %dma_start3A] : memref<32x32xi32, #tpu.memory_space<hbm>> -> memref<1x32xi32, #tpu.memory_space<hbm>>
      %dma_start3A_513 = tpu.memref_squeeze %dma_start3A_512 : memref<1x32xi32, #tpu.memory_space<hbm>> -> memref<32xi32, #tpu.memory_space<hbm>>
      %dma_start3A_514 = arith.constant 0 : i32
      %dma_start3A_515 = tpu.memref_slice %arg4[%add3A, %dma_start3A_514] : memref<32x32xi32, #tpu.memory_space<hbm>> -> memref<1x32xi32, #tpu.memory_space<hbm>>
      %dma_start3A_516 = tpu.memref_squeeze %dma_start3A_515 : memref<1x32xi32, #tpu.memory_space<hbm>> -> memref<32xi32, #tpu.memory_space<hbm>>
      tpu.enqueue_dma source(%dma_start3A_516 : memref<32xi32, #tpu.memory_space<hbm>>) target(%arg8 : memref<32xi32, #tpu.memory_space<vmem>>) target_semaphore(%run_scoped3A : memref<!tpu.dma_semaphore, #tpu.memory_space<semaphore_mem>>)
      %dma_wait3A = arith.constant 0 : i32
      %dma_wait3A_517 = tpu.memref_slice %arg4[%add3A, %dma_wait3A] : memref<32x32xi32, #tpu.memory_space<hbm>> -> memref<1x32xi32, #tpu.memory_space<hbm>>
      %dma_wait3A_518 = tpu.memref_squeeze %dma_wait3A_517 : memref<1x32xi32, #tpu.memory_space<hbm>> -> memref<32xi32, #tpu.memory_space<hbm>>
      %dma_wait3A_519 = arith.constant 0 : i32
      %dma_wait3A_520 = tpu.memref_slice %arg4[%add3A, %dma_wait3A_519] : memref<32x32xi32, #tpu.memory_space<hbm>> -> memref<1x32xi32, #tpu.memory_space<hbm>>
      %dma_wait3A_521 = tpu.memref_squeeze %dma_wait3A_520 : memref<1x32xi32, #tpu.memory_space<hbm>> -> memref<32xi32, #tpu.memory_space<hbm>>
      tpu.wait_dma2 semaphore(%run_scoped3A : memref<!tpu.dma_semaphore, #tpu.memory_space<semaphore_mem>>) src(%dma_wait3A_521 : memref<32xi32, #tpu.memory_space<hbm>>) dst(%arg8 : memref<32xi32, #tpu.memory_space<vmem>>)
      tpu.yield
    }) : () -> ()
    "tpu.region"() ({
      %run_scoped3A = tpu.sem_alloc : memref<!tpu.dma_semaphore, #tpu.memory_space<semaphore_mem>>
      tpu.enqueue_dma source(%arg5 : memref<16x2048xf32, #tpu.memory_space<hbm>>) target(%arg9 : memref<16x2048xf32, #tpu.memory_space<vmem>>) target_semaphore(%run_scoped3A : memref<!tpu.dma_semaphore, #tpu.memory_space<semaphore_mem>>)
      tpu.wait_dma2 semaphore(%run_scoped3A : memref<!tpu.dma_semaphore, #tpu.memory_space<semaphore_mem>>) src(%arg5 : memref<16x2048xf32, #tpu.memory_space<hbm>>) dst(%arg9 : memref<16x2048xf32, #tpu.memory_space<vmem>>)
      tpu.yield
    }) : () -> ()
    %get3A = arith.constant 0 : index
    %get3A_1 = tpu.vector_load %arg8[%get3A] {strides = array<i32>} : memref<32xi32, #tpu.memory_space<vmem>>, vector<16xi32>,
    %get3A_2 = vector.shape_cast %get3A_1 : vector<16xi32> to vector<16xi32>
    %get3A_3 = arith.constant 16 : index
    %get3A_4 = tpu.vector_load %arg8[%get3A_3] {strides = array<i32>} : memref<32xi32, #tpu.memory_space<vmem>>, vector<16xi32>,
    %get3A_5 = vector.shape_cast %get3A_4 : vector<16xi32> to vector<16xi32>
    %slice3A = vector.extract_strided_slice %get3A_2 {offsets = [0], sizes = [1], strides = [1]} : vector<16xi32> to vector<1xi32>
    %squeeze3A = vector.extract %slice3A[0] : i32 from vector<1xi32>
    %mul3A_6 = arith.constant 16 : i32
    %mul3A_7 = arith.muli %add3A, %mul3A_6 : i32
    %add3A_8 = arith.constant 0 : i32
    %add3A_9 = arith.addi %mul3A_7, %add3A_8 : i32
    %gt3A = arith.constant 0 : i32
    %gt3A_10 = arith.cmpi sgt, %squeeze3A, %gt3A : i32
    %convert_element_type3A = arith.extui %gt3A_10 : i1 to i32
    %cond3A = arith.constant 0 : i32
    %cond3A_11 = arith.cmpi ne, %convert_element_type3A, %cond3A : i32
    scf.if %cond3A_11 {
      %dma_start3A = arith.constant 0 : i32
      %dma_start3A_512 = arith.constant 0 : i32
      %dma_start3A_513 = tpu.memref_slice %arg7[%dma_start3A, %dma_start3A_512] : memref<32x16xi32, #tpu.memory_space<vmem>> -> memref<1x16xi32, #tpu.memory_space<vmem>>
      %dma_start3A_514 = tpu.memref_squeeze %dma_start3A_513 : memref<1x16xi32, #tpu.memory_space<vmem>> -> memref<16xi32, #tpu.memory_space<vmem>>
      %dma_start3A_515 = arith.constant 0 : i32
      %dma_start3A_516 = arith.constant 0 : i32
      %dma_start3A_517 = tpu.memref_slice %arg2[%dma_start3A_515, %dma_start3A_516] : memref<8192x2048xf32, #tpu.memory_space<hbm>> -> memref<8192x2048xf32, #tpu.memory_space<hbm>>
      tpu.enqueue_indirect_dma source(%dma_start3A_517 : memref<8192x2048xf32, #tpu.memory_space<hbm>>) target(%arg10 : memref<16x2048xf32, #tpu.memory_space<vmem>>) offsets(%dma_start3A_514 : memref<16xi32, #tpu.memory_space<vmem>>) semaphore(%arg12 : memref<!tpu.dma_semaphore, #tpu.memory_space<semaphore_mem>>)
      %dma_wait3A = arith.constant 0 : i32
      %dma_wait3A_518 = arith.constant 0 : i32
      %dma_wait3A_519 = tpu.memref_slice %arg7[%dma_wait3A, %dma_wait3A_518] : memref<32x16xi32, #tpu.memory_space<vmem>> -> memref<1x16xi32, #tpu.memory_space<vmem>>
      %dma_wait3A_520 = tpu.memref_squeeze %dma_wait3A_519 : memref<1x16xi32, #tpu.memory_space<vmem>> -> memref<16xi32, #tpu.memory_space<vmem>>
      %dma_wait3A_521 = arith.constant 0 : i32
      %dma_wait3A_522 = arith.constant 0 : i32
      %dma_wait3A_523 = tpu.memref_slice %arg2[%dma_wait3A_521, %dma_wait3A_522] : memref<8192x2048xf32, #tpu.memory_space<hbm>> -> memref<8192x2048xf32, #tpu.memory_space<hbm>>
      tpu.wait_indirect_dma semaphore(%arg12 : memref<!tpu.dma_semaphore, #tpu.memory_space<semaphore_mem>>) src(%dma_wait3A_523 : memref<8192x2048xf32, #tpu.memory_space<hbm>>) dst(%arg10 : memref<16x2048xf32, #tpu.memory_space<vmem>>)
      %lt3A = arith.constant 16 : i32
      %lt3A_524 = arith.cmpi slt, %squeeze3A, %lt3A : i32
      %convert_element_type3A_525 = arith.extui %lt3A_524 : i1 to i32
      %cond3A_526 = arith.constant 0 : i32
      %cond3A_527 = arith.cmpi ne, %convert_element_type3A_525, %cond3A_526 : i32
      scf.if %cond3A_527 {
        %sub3A = arith.constant 16 : i32
        %sub3A_532 = arith.subi %sub3A, %squeeze3A : i32
        %sub3A_533 = arith.constant 1 : i32
        %sub3A_534 = arith.constant 1 : i32
        %sub3A_535 = arith.subi %sub3A_533, %sub3A_534 : i32
        %add3A_536 = arith.addi %sub3A_532, %sub3A_535 : i32
        %div3A = arith.constant 1 : i32
        %div3A_537 = arith.divsi %add3A_536, %div3A : i32
        %while3A = arith.constant 1 : i32
        %while3A_538 = arith.constant 0 : i32
        %while3A_539 = arith.subi %div3A_537, %while3A_538 : i32
        %while3A_540 = arith.addi %while3A_538, %while3A_539 : i32
        %while3A_541 = arith.constant 1 : i32
        %while3A_542 = arith.divsi %while3A_539, %while3A_541 : i32
        %while3A_543 = arith.muli %while3A_542, %while3A_541 : i32
        %while3A_544 = arith.addi %while3A_538, %while3A_543 : i32
        %while3A_545 = arith.constant 1 : i32
        scf.for %while3A_547 = %while3A_538 to %while3A_544 step %while3A_545  : i32 {
          %mul3A_548 = arith.muli %while3A_547, %while3A : i32
          %add3A_549 = arith.addi %squeeze3A, %mul3A_548 : i32
          %scan3A = arith.constant 0 : i32
          %scan3A_550 = arith.constant 128 : i32
          %scan3A_551 = arith.addi %scan3A, %scan3A_550 : i32
          %scan3A_552 = arith.constant 1 : i32
          scf.for %scan3A_554 = %scan3A to %scan3A_551 step %scan3A_552  : i32 {
            %mul3A_555 = arith.constant 1 : i32
            %mul3A_556 = arith.muli %scan3A_554, %mul3A_555 : i32
            %add3A_557 = arith.constant 0 : i32
            %add3A_558 = arith.addi %add3A_557, %mul3A_556 : i32
            %broadcast_in_dim3A = arith.constant 0.000000e+00 : f32
            %broadcast_in_dim3A_559 = vector.broadcast %broadcast_in_dim3A : f32 to vector<16xf32>
            %mul3A_560 = arith.constant 16 : i32
            %mul3A_561 = arith.muli %add3A_558, %mul3A_560 : i32
            %swap3A = arith.index_cast %add3A_549 : i32 to index
            %swap3A_562 = arith.index_cast %mul3A_561 : i32 to index
            %swap3A_563 = tpu.vector_load %arg10[%swap3A, %swap3A_562] {strides = array<i32>} : memref<16x2048xf32, #tpu.memory_space<vmem>>, vector<1x16xf32>,
            %swap3A_564 = vector.shape_cast %swap3A_563 : vector<1x16xf32> to vector<16xf32>
            %swap3A_565 = vector.shape_cast %broadcast_in_dim3A_559 : vector<16xf32> to vector<1x16xf32>
            tpu.vector_store %arg10[%swap3A, %swap3A_562], %swap3A_565 {strides = array<i32>} : memref<16x2048xf32, #tpu.memory_space<vmem>>, vector<1x16xf32>,
          }
          %scan3A_553 = arith.constant 128 : i32
        }
        %while3A_546 = arith.constant 1 : i32
        scf.for %while3A_547 = %while3A_544 to %while3A_540 step %while3A_546  : i32 {
          %mul3A_548 = arith.muli %while3A_547, %while3A : i32
          %add3A_549 = arith.addi %squeeze3A, %mul3A_548 : i32
          %scan3A = arith.constant 0 : i32
          %scan3A_550 = arith.constant 128 : i32
          %scan3A_551 = arith.addi %scan3A, %scan3A_550 : i32
          %scan3A_552 = arith.constant 1 : i32
          scf.for %scan3A_554 = %scan3A to %scan3A_551 step %scan3A_552  : i32 {
            %mul3A_555 = arith.constant 1 : i32
            %mul3A_556 = arith.muli %scan3A_554, %mul3A_555 : i32
            %add3A_557 = arith.constant 0 : i32
            %add3A_558 = arith.addi %add3A_557, %mul3A_556 : i32
            %broadcast_in_dim3A = arith.constant 0.000000e+00 : f32
            %broadcast_in_dim3A_559 = vector.broadcast %broadcast_in_dim3A : f32 to vector<16xf32>
            %mul3A_560 = arith.constant 16 : i32
            %mul3A_561 = arith.muli %add3A_558, %mul3A_560 : i32
            %swap3A = arith.index_cast %add3A_549 : i32 to index
            %swap3A_562 = arith.index_cast %mul3A_561 : i32 to index
            %swap3A_563 = tpu.vector_load %arg10[%swap3A, %swap3A_562] {strides = array<i32>} : memref<16x2048xf32, #tpu.memory_space<vmem>>, vector<1x16xf32>,
            %swap3A_564 = vector.shape_cast %swap3A_563 : vector<1x16xf32> to vector<16xf32>
            %swap3A_565 = vector.shape_cast %broadcast_in_dim3A_559 : vector<16xf32> to vector<1x16xf32>
            tpu.vector_store %arg10[%swap3A, %swap3A_562], %swap3A_565 {strides = array<i32>} : memref<16x2048xf32, #tpu.memory_space<vmem>>, vector<1x16xf32>,
          }
          %scan3A_553 = arith.constant 128 : i32
        }
      } else {
      }
      %dma_start3A_528 = arith.constant 0 : i32
      %dma_start3A_529 = tpu.memref_slice %arg6[%add3A_9, %dma_start3A_528] : memref<16384x2048xf32, #tpu.memory_space<hbm>> -> memref<16x2048xf32, #tpu.memory_space<hbm>>
      %dma_start3A_530 = arith.constant 0 : i32
      %dma_start3A_531 = tpu.memref_slice %arg6[%add3A_9, %dma_start3A_530] : memref<16384x2048xf32, #tpu.memory_space<hbm>> -> memref<16x2048xf32, #tpu.memory_space<hbm>>
      tpu.enqueue_dma source(%arg10 : memref<16x2048xf32, #tpu.memory_space<vmem>>) target(%dma_start3A_531 : memref<16x2048xf32, #tpu.memory_space<hbm>>) target_semaphore(%arg13 : memref<!tpu.dma_semaphore, #tpu.memory_space<semaphore_mem>>)
    } else {
    }
    %eq3A = arith.constant 0 : i32
    %eq3A_12 = arith.cmpi eq, %squeeze3A, %eq3A : i32
    %convert_element_type3A_13 = arith.extui %eq3A_12 : i1 to i32
    %cond3A_14 = arith.constant 0 : i32
    %cond3A_15 = arith.cmpi ne, %convert_element_type3A_13, %cond3A_14 : i32
    scf.if %cond3A_15 {
      %dma_start3A = arith.constant 0 : i32
      %dma_start3A_512 = tpu.memref_slice %arg6[%add3A_9, %dma_start3A] : memref<16384x2048xf32, #tpu.memory_space<hbm>> -> memref<16x2048xf32, #tpu.memory_space<hbm>>
      %dma_start3A_513 = arith.constant 0 : i32
      %dma_start3A_514 = tpu.memref_slice %arg6[%add3A_9, %dma_start3A_513] : memref<16384x2048xf32, #tpu.memory_space<hbm>> -> memref<16x2048xf32, #tpu.memory_space<hbm>>
      tpu.enqueue_dma source(%arg9 : memref<16x2048xf32, #tpu.memory_space<vmem>>) target(%dma_start3A_514 : memref<16x2048xf32, #tpu.memory_space<hbm>>) target_semaphore(%arg13 : memref<!tpu.dma_semaphore, #tpu.memory_space<semaphore_mem>>)
    } else {
    }
    %slice3A_16 = vector.extract_strided_slice %get3A_2 {offsets = [1], sizes = [1], strides = [1]} : vector<16xi32> to vector<1xi32>
    %squeeze3A_17 = vector.extract %slice3A_16[0] : i32 from vector<1xi32>
    %mul3A_18 = arith.constant 16 : i32
    %mul3A_19 = arith.muli %add3A, %mul3A_18 : i32
    %add3A_20 = arith.constant 512 : i32
    %add3A_21 = arith.addi %mul3A_19, %add3A_20 : i32
    %gt3A_22 = arith.constant 0 : i32
    %gt3A_23 = arith.cmpi sgt, %squeeze3A_17, %gt3A_22 : i32
    %convert_element_type3A_24 = arith.extui %gt3A_23 : i1 to i32
    %cond3A_25 = arith.constant 0 : i32
    %cond3A_26 = arith.cmpi ne, %convert_element_type3A_24, %cond3A_25 : i32
    scf.if %cond3A_26 {
      %dma_start3A = arith.constant 1 : i32
      %dma_start3A_512 = arith.constant 0 : i32
      %dma_start3A_513 = tpu.memref_slice %arg7[%dma_start3A, %dma_start3A_512] : memref<32x16xi32, #tpu.memory_space<vmem>> -> memref<1x16xi32, #tpu.memory_space<vmem>>
      %dma_start3A_514 = tpu.memref_squeeze %dma_start3A_513 : memref<1x16xi32, #tpu.memory_space<vmem>> -> memref<16xi32, #tpu.memory_space<vmem>>
      %dma_start3A_515 = arith.constant 0 : i32
      %dma_start3A_516 = arith.constant 0 : i32
      %dma_start3A_517 = tpu.memref_slice %arg2[%dma_start3A_515, %dma_start3A_516] : memref<8192x2048xf32, #tpu.memory_space<hbm>> -> memref<8192x2048xf32, #tpu.memory_space<hbm>>
      tpu.enqueue_indirect_dma source(%dma_start3A_517 : memref<8192x2048xf32, #tpu.memory_space<hbm>>) target(%arg11 : memref<16x2048xf32, #tpu.memory_space<vmem>>) offsets(%dma_start3A_514 : memref<16xi32, #tpu.memory_space<vmem>>) semaphore(%arg12 : memref<!tpu.dma_semaphore, #tpu.memory_space<semaphore_mem>>)
      %dma_wait3A = arith.constant 1 : i32
      %dma_wait3A_518 = arith.constant 0 : i32
      %dma_wait3A_519 = tpu.memref_slice %arg7[%dma_wait3A, %dma_wait3A_518] : memref<32x16xi32, #tpu.memory_space<vmem>> -> memref<1x16xi32, #tpu.memory_space<vmem>>
      %dma_wait3A_520 = tpu.memref_squeeze %dma_wait3A_519 : memref<1x16xi32, #tpu.memory_space<vmem>> -> memref<16xi32, #tpu.memory_space<vmem>>
      %dma_wait3A_521 = arith.constant 0 : i32
      %dma_wait3A_522 = arith.constant 0 : i32
      %dma_wait3A_523 = tpu.memref_slice %arg2[%dma_wait3A_521, %dma_wait3A_522] : memref<8192x2048xf32, #tpu.memory_space<hbm>> -> memref<8192x2048xf32, #tpu.memory_space<hbm>>
      tpu.wait_indirect_dma semaphore(%arg12 : memref<!tpu.dma_semaphore, #tpu.memory_space<semaphore_mem>>) src(%dma_wait3A_523 : memref<8192x2048xf32, #tpu.memory_space<hbm>>) dst(%arg11 : memref<16x2048xf32, #tpu.memory_space<vmem>>)
      %lt3A = arith.constant 16 : i32
      %lt3A_524 = arith.cmpi slt, %squeeze3A_17, %lt3A : i32
      %convert_element_type3A_525 = arith.extui %lt3A_524 : i1 to i32
      %cond3A_526 = arith.constant 0 : i32
      %cond3A_527 = arith.cmpi ne, %convert_element_type3A_525, %cond3A_526 : i32
      scf.if %cond3A_527 {
        %sub3A = arith.constant 16 : i32
        %sub3A_532 = arith.subi %sub3A, %squeeze3A_17 : i32
        %sub3A_533 = arith.constant 1 : i32
        %sub3A_534 = arith.constant 1 : i32
        %sub3A_535 = arith.subi %sub3A_533, %sub3A_534 : i32
        %add3A_536 = arith.addi %sub3A_532, %sub3A_535 : i32
        %div3A = arith.constant 1 : i32
        %div3A_537 = arith.divsi %add3A_536, %div3A : i32
        %while3A = arith.constant 1 : i32
        %while3A_538 = arith.constant 0 : i32
        %while3A_539 = arith.subi %div3A_537, %while3A_538 : i32
        %while3A_540 = arith.addi %while3A_538, %while3A_539 : i32
        %while3A_541 = arith.constant 1 : i32
        %while3A_542 = arith.divsi %while3A_539, %while3A_541 : i32
        %while3A_543 = arith.muli %while3A_542, %while3A_541 : i32
        %while3A_544 = arith.addi %while3A_538, %while3A_543 : i32
        %while3A_545 = arith.constant 1 : i32
        scf.for %while3A_547 = %while3A_538 to %while3A_544 step %while3A_545  : i32 {
          %mul3A_548 = arith.muli %while3A_547, %while3A : i32
          %add3A_549 = arith.addi %squeeze3A_17, %mul3A_548 : i32
          %scan3A = arith.constant 0 : i32
          %scan3A_550 = arith.constant 128 : i32
          %scan3A_551 = arith.addi %scan3A, %scan3A_550 : i32
          %scan3A_552 = arith.constant 1 : i32
          scf.for %scan3A_554 = %scan3A to %scan3A_551 step %scan3A_552  : i32 {
            %mul3A_555 = arith.constant 1 : i32
            %mul3A_556 = arith.muli %scan3A_554, %mul3A_555 : i32
            %add3A_557 = arith.constant 0 : i32
            %add3A_558 = arith.addi %add3A_557, %mul3A_556 : i32
            %broadcast_in_dim3A = arith.constant 0.000000e+00 : f32
            %broadcast_in_dim3A_559 = vector.broadcast %broadcast_in_dim3A : f32 to vector<16xf32>
            %mul3A_560 = arith.constant 16 : i32
            %mul3A_561 = arith.muli %add3A_558, %mul3A_560 : i32
            %swap3A = arith.index_cast %add3A_549 : i32 to index
            %swap3A_562 = arith.index_cast %mul3A_561 : i32 to index
            %swap3A_563 = tpu.vector_load %arg11[%swap3A, %swap3A_562] {strides = array<i32>} : memref<16x2048xf32, #tpu.memory_space<vmem>>, vector<1x16xf32>,
            %swap3A_564 = vector.shape_cast %swap3A_563 : vector<1x16xf32> to vector<16xf32>
            %swap3A_565 = vector.shape_cast %broadcast_in_dim3A_559 : vector<16xf32> to vector<1x16xf32>
            tpu.vector_store %arg11[%swap3A, %swap3A_562], %swap3A_565 {strides = array<i32>} : memref<16x2048xf32, #tpu.memory_space<vmem>>, vector<1x16xf32>,
          }
          %scan3A_553 = arith.constant 128 : i32
        }
        %while3A_546 = arith.constant 1 : i32
        scf.for %while3A_547 = %while3A_544 to %while3A_540 step %while3A_546  : i32 {
          %mul3A_548 = arith.muli %while3A_547, %while3A : i32
          %add3A_549 = arith.addi %squeeze3A_17, %mul3A_548 : i32
          %scan3A = arith.constant 0 : i32
          %scan3A_550 = arith.constant 128 : i32
          %scan3A_551 = arith.addi %scan3A, %scan3A_550 : i32
          %scan3A_552 = arith.constant 1 : i32
          scf.for %scan3A_554 = %scan3A to %scan3A_551 step %scan3A_552  : i32 {
            %mul3A_555 = arith.constant 1 : i32
            %mul3A_556 = arith.muli %scan3A_554, %mul3A_555 : i32
            %add3A_557 = arith.constant 0 : i32
            %add3A_558 = arith.addi %add3A_557, %mul3A_556 : i32
            %broadcast_in_dim3A = arith.constant 0.000000e+00 : f32
            %broadcast_in_dim3A_559 = vector.broadcast %broadcast_in_dim3A : f32 to vector<16xf32>
            %mul3A_560 = arith.constant 16 : i32
            %mul3A_561 = arith.muli %add3A_558, %mul3A_560 : i32
            %swap3A = arith.index_cast %add3A_549 : i32 to index
            %swap3A_562 = arith.index_cast %mul3A_561 : i32 to index
            %swap3A_563 = tpu.vector_load %arg11[%swap3A, %swap3A_562] {strides = array<i32>} : memref<16x2048xf32, #tpu.memory_space<vmem>>, vector<1x16xf32>,
            %swap3A_564 = vector.shape_cast %swap3A_563 : vector<1x16xf32> to vector<16xf32>
            %swap3A_565 = vector.shape_cast %broadcast_in_dim3A_559 : vector<16xf32> to vector<1x16xf32>
            tpu.vector_store %arg11[%swap3A, %swap3A_562], %swap3A_565 {strides = array<i32>} : memref<16x2048xf32, #tpu.memory_space<vmem>>, vector<1x16xf32>,
          }
          %scan3A_553 = arith.constant 128 : i32
        }
      } else {
      }
      %dma_start3A_528 = arith.constant 0 : i32
      %dma_start3A_529 = tpu.memref_slice %arg6[%add3A_21, %dma_start3A_528] : memref<16384x2048xf32, #tpu.memory_space<hbm>> -> memref<16x2048xf32, #tpu.memory_space<hbm>>
      %dma_start3A_530 = arith.constant 0 : i32
      %dma_start3A_531 = tpu.memref_slice %arg6[%add3A_21, %dma_start3A_530] : memref<16384x2048xf32, #tpu.memory_space<hbm>> -> memref<16x2048xf32, #tpu.memory_space<hbm>>
      tpu.enqueue_dma source(%arg11 : memref<16x2048xf32, #tpu.memory_space<vmem>>) target(%dma_start3A_531 : memref<16x2048xf32, #tpu.memory_space<hbm>>) target_semaphore(%arg14 : memref<!tpu.dma_semaphore, #tpu.memory_space<semaphore_mem>>)
    } else {
    }
    %eq3A_27 = arith.constant 0 : i32
    %eq3A_28 = arith.cmpi eq, %squeeze3A_17, %eq3A_27 : i32
    %convert_element_type3A_29 = arith.extui %eq3A_28 : i1 to i32
    %cond3A_30 = arith.constant 0 : i32
    %cond3A_31 = arith.cmpi ne, %convert_element_type3A_29, %cond3A_30 : i32
    scf.if %cond3A_31 {
      %dma_start3A = arith.constant 0 : i32
      %dma_start3A_512 = tpu.memref_slice %arg6[%add3A_21, %dma_start3A] : memref<16384x2048xf32, #tpu.memory_space<hbm>> -> memref<16x2048xf32, #tpu.memory_space<hbm>>
      %dma_start3A_513 = arith.constant 0 : i32
      %dma_start3A_514 = tpu.memref_slice %arg6[%add3A_21, %dma_start3A_513] : memref<16384x2048xf32, #tpu.memory_space<hbm>> -> memref<16x2048xf32, #tpu.memory_space<hbm>>
      tpu.enqueue_dma source(%arg9 : memref<16x2048xf32, #tpu.memory_space<vmem>>) target(%dma_start3A_514 : memref<16x2048xf32, #tpu.memory_space<hbm>>) target_semaphore(%arg14 : memref<!tpu.dma_semaphore, #tpu.memory_space<semaphore_mem>>)
    } else {
    }
    %slice3A_32 = vector.extract_strided_slice %get3A_2 {offsets = [2], sizes = [1], strides = [1]} : vector<16xi32> to vector<1xi32>
    %squeeze3A_33 = vector.extract %slice3A_32[0] : i32 from vector<1xi32>
    %mul3A_34 = arith.constant 16 : i32
    %mul3A_35 = arith.muli %add3A, %mul3A_34 : i32
    %add3A_36 = arith.constant 1024 : i32
    %add3A_37 = arith.addi %mul3A_35, %add3A_36 : i32
    tpu.wait_dma2 semaphore(%arg13 : memref<!tpu.dma_semaphore, #tpu.memory_space<semaphore_mem>>) src(%arg5 : memref<16x2048xf32, #tpu.memory_space<hbm>>) dst(%arg10 : memref<16x2048xf32, #tpu.memory_space<vmem>>)
    %gt3A_38 = arith.constant 0 : i32
    %gt3A_39 = arith.cmpi sgt, %squeeze3A_33, %gt3A_38 : i32
    %convert_element_type3A_40 = arith.extui %gt3A_39 : i1 to i32
    %cond3A_41 = arith.constant 0 : i32
    %cond3A_42 = arith.cmpi ne, %convert_element_type3A_40, %cond3A_41 : i32
    scf.if %cond3A_42 {
      %dma_start3A = arith.constant 2 : i32
      %dma_start3A_512 = arith.constant 0 : i32
      %dma_start3A_513 = tpu.memref_slice %arg7[%dma_start3A, %dma_start3A_512] : memref<32x16xi32, #tpu.memory_space<vmem>> -> memref<1x16xi32, #tpu.memory_space<vmem>>
      %dma_start3A_514 = tpu.memref_squeeze %dma_start3A_513 : memref<1x16xi32, #tpu.memory_space<vmem>> -> memref<16xi32, #tpu.memory_space<vmem>>
      %dma_start3A_515 = arith.constant 0 : i32
      %dma_start3A_516 = arith.constant 0 : i32
      %dma_start3A_517 = tpu.memref_slice %arg2[%dma_start3A_515, %dma_start3A_516] : memref<8192x2048xf32, #tpu.memory_space<hbm>> -> memref<8192x2048xf32, #tpu.memory_space<hbm>>
      tpu.enqueue_indirect_dma source(%dma_start3A_517 : memref<8192x2048xf32, #tpu.memory_space<hbm>>) target(%arg10 : memref<16x2048xf32, #tpu.memory_space<vmem>>) offsets(%dma_start3A_514 : memref<16xi32, #tpu.memory_space<vmem>>) semaphore(%arg12 : memref<!tpu.dma_semaphore, #tpu.memory_space<semaphore_mem>>)
      %dma_wait3A = arith.constant 2 : i32
      %dma_wait3A_518 = arith.constant 0 : i32
      %dma_wait3A_519 = tpu.memref_slice %arg7[%dma_wait3A, %dma_wait3A_518] : memref<32x16xi32, #tpu.memory_space<vmem>> -> memref<1x16xi32, #tpu.memory_space<vmem>>
      %dma_wait3A_520 = tpu.memref_squeeze %dma_wait3A_519 : memref<1x16xi32, #tpu.memory_space<vmem>> -> memref<16xi32, #tpu.memory_space<vmem>>
      %dma_wait3A_521 = arith.constant 0 : i32
      %dma_wait3A_522 = arith.constant 0 : i32
      %dma_wait3A_523 = tpu.memref_slice %arg2[%dma_wait3A_521, %dma_wait3A_522] : memref<8192x2048xf32, #tpu.memory_space<hbm>> -> memref<8192x2048xf32, #tpu.memory_space<hbm>>
      tpu.wait_indirect_dma semaphore(%arg12 : memref<!tpu.dma_semaphore, #tpu.memory_space<semaphore_mem>>) src(%dma_wait3A_523 : memref<8192x2048xf32, #tpu.memory_space<hbm>>) dst(%arg10 : memref<16x2048xf32, #tpu.memory_space<vmem>>)
      %lt3A = arith.constant 16 : i32
      %lt3A_524 = arith.cmpi slt, %squeeze3A_33, %lt3A : i32
      %convert_element_type3A_525 = arith.extui %lt3A_524 : i1 to i32
      %cond3A_526 = arith.constant 0 : i32
      %cond3A_527 = arith.cmpi ne, %convert_element_type3A_525, %cond3A_526 : i32
      scf.if %cond3A_527 {
        %sub3A = arith.constant 16 : i32
        %sub3A_532 = arith.subi %sub3A, %squeeze3A_33 : i32
        %sub3A_533 = arith.constant 1 : i32
        %sub3A_534 = arith.constant 1 : i32
        %sub3A_535 = arith.subi %sub3A_533, %sub3A_534 : i32
        %add3A_536 = arith.addi %sub3A_532, %sub3A_535 : i32
        %div3A = arith.constant 1 : i32
        %div3A_537 = arith.divsi %add3A_536, %div3A : i32
        %while3A = arith.constant 1 : i32
        %while3A_538 = arith.constant 0 : i32
        %while3A_539 = arith.subi %div3A_537, %while3A_538 : i32
        %while3A_540 = arith.addi %while3A_538, %while3A_539 : i32
        %while3A_541 = arith.constant 1 : i32
        %while3A_542 = arith.divsi %while3A_539, %while3A_541 : i32
        %while3A_543 = arith.muli %while3A_542, %while3A_541 : i32
        %while3A_544 = arith.addi %while3A_538, %while3A_543 : i32
        %while3A_545 = arith.constant 1 : i32
        scf.for %while3A_547 = %while3A_538 to %while3A_544 step %while3A_545  : i32 {
          %mul3A_548 = arith.muli %while3A_547, %while3A : i32
          %add3A_549 = arith.addi %squeeze3A_33, %mul3A_548 : i32
          %scan3A = arith.constant 0 : i32
          %scan3A_550 = arith.constant 128 : i32
          %scan3A_551 = arith.addi %scan3A, %scan3A_550 : i32
          %scan3A_552 = arith.constant 1 : i32
          scf.for %scan3A_554 = %scan3A to %scan3A_551 step %scan3A_552  : i32 {
            %mul3A_555 = arith.constant 1 : i32
            %mul3A_556 = arith.muli %scan3A_554, %mul3A_555 : i32
            %add3A_557 = arith.constant 0 : i32
            %add3A_558 = arith.addi %add3A_557, %mul3A_556 : i32
            %broadcast_in_dim3A = arith.constant 0.000000e+00 : f32
            %broadcast_in_dim3A_559 = vector.broadcast %broadcast_in_dim3A : f32 to vector<16xf32>
            %mul3A_560 = arith.constant 16 : i32
            %mul3A_561 = arith.muli %add3A_558, %mul3A_560 : i32
            %swap3A = arith.index_cast %add3A_549 : i32 to index
            %swap3A_562 = arith.index_cast %mul3A_561 : i32 to index
            %swap3A_563 = tpu.vector_load %arg10[%swap3A, %swap3A_562] {strides = array<i32>} : memref<16x2048xf32, #tpu.memory_space<vmem>>, vector<1x16xf32>,
            %swap3A_564 = vector.shape_cast %swap3A_563 : vector<1x16xf32> to vector<16xf32>
            %swap3A_565 = vector.shape_cast %broadcast_in_dim3A_559 : vector<16xf32> to vector<1x16xf32>
            tpu.vector_store %arg10[%swap3A, %swap3A_562], %swap3A_565 {strides = array<i32>} : memref<16x2048xf32, #tpu.memory_space<vmem>>, vector<1x16xf32>,
          }
          %scan3A_553 = arith.constant 128 : i32
        }
        %while3A_546 = arith.constant 1 : i32
        scf.for %while3A_547 = %while3A_544 to %while3A_540 step %while3A_546  : i32 {
          %mul3A_548 = arith.muli %while3A_547, %while3A : i32
          %add3A_549 = arith.addi %squeeze3A_33, %mul3A_548 : i32
          %scan3A = arith.constant 0 : i32
          %scan3A_550 = arith.constant 128 : i32
          %scan3A_551 = arith.addi %scan3A, %scan3A_550 : i32
          %scan3A_552 = arith.constant 1 : i32
          scf.for %scan3A_554 = %scan3A to %scan3A_551 step %scan3A_552  : i32 {
            %mul3A_555 = arith.constant 1 : i32
            %mul3A_556 = arith.muli %scan3A_554, %mul3A_555 : i32
            %add3A_557 = arith.constant 0 : i32
            %add3A_558 = arith.addi %add3A_557, %mul3A_556 : i32
            %broadcast_in_dim3A = arith.constant 0.000000e+00 : f32
            %broadcast_in_dim3A_559 = vector.broadcast %broadcast_in_dim3A : f32 to vector<16xf32>
            %mul3A_560 = arith.constant 16 : i32
            %mul3A_561 = arith.muli %add3A_558, %mul3A_560 : i32
            %swap3A = arith.index_cast %add3A_549 : i32 to index
            %swap3A_562 = arith.index_cast %mul3A_561 : i32 to index
            %swap3A_563 = tpu.vector_load %arg10[%swap3A, %swap3A_562] {strides = array<i32>} : memref<16x2048xf32, #tpu.memory_space<vmem>>, vector<1x16xf32>,
            %swap3A_564 = vector.shape_cast %swap3A_563 : vector<1x16xf32> to vector<16xf32>
            %swap3A_565 = vector.shape_cast %broadcast_in_dim3A_559 : vector<16xf32> to vector<1x16xf32>
            tpu.vector_store %arg10[%swap3A, %swap3A_562], %swap3A_565 {strides = array<i32>} : memref<16x2048xf32, #tpu.memory_space<vmem>>, vector<1x16xf32>,
          }
          %scan3A_553 = arith.constant 128 : i32
        }
      } else {
      }
      %dma_start3A_528 = arith.constant 0 : i32
      %dma_start3A_529 = tpu.memref_slice %arg6[%add3A_37, %dma_start3A_528] : memref<16384x2048xf32, #tpu.memory_space<hbm>> -> memref<16x2048xf32, #tpu.memory_space<hbm>>
      %dma_start3A_530 = arith.constant 0 : i32
      %dma_start3A_531 = tpu.memref_slice %arg6[%add3A_37, %dma_start3A_530] : memref<16384x2048xf32, #tpu.memory_space<hbm>> -> memref<16x2048xf32, #tpu.memory_space<hbm>>
      tpu.enqueue_dma source(%arg10 : memref<16x2048xf32, #tpu.memory_space<vmem>>) target(%dma_start3A_531 : memref<16x2048xf32, #tpu.memory_space<hbm>>) target_semaphore(%arg13 : memref<!tpu.dma_semaphore, #tpu.memory_space<semaphore_mem>>)
    } else {
    }
    %eq3A_43 = arith.constant 0 : i32
    %eq3A_44 = arith.cmpi eq, %squeeze3A_33, %eq3A_43 : i32
    %convert_element_type3A_45 = arith.extui %eq3A_44 : i1 to i32
    %cond3A_46 = arith.constant 0 : i32
    %cond3A_47 = arith.cmpi ne, %convert_element_type3A_45, %cond3A_46 : i32
    scf.if %cond3A_47 {
      %dma_start3A = arith.constant 0 : i32
      %dma_start3A_512 = tpu.memref_slice %arg6[%add3A_37, %dma_start3A] : memref<16384x2048xf32, #tpu.memory_space<hbm>> -> memref<16x2048xf32, #tpu.memory_space<hbm>>
      %dma_start3A_513 = arith.constant 0 : i32
      %dma_start3A_514 = tpu.memref_slice %arg6[%add3A_37, %dma_start3A_513] : memref<16384x2048xf32, #tpu.memory_space<hbm>> -> memref<16x2048xf32, #tpu.memory_space<hbm>>
      tpu.enqueue_dma source(%arg9 : memref<16x2048xf32, #tpu.memory_space<vmem>>) target(%dma_start3A_514 : memref<16x2048xf32, #tpu.memory_space<hbm>>) target_semaphore(%arg13 : memref<!tpu.dma_semaphore, #tpu.memory_space<semaphore_mem>>)
    } else {
    }
    %slice3A_48 = vector.extract_strided_slice %get3A_2 {offsets = [3], sizes = [1], strides = [1]} : vector<16xi32> to vector<1xi32>
    %squeeze3A_49 = vector.extract %slice3A_48[0] : i32 from vector<1xi32>
    %mul3A_50 = arith.constant 16 : i32
    %mul3A_51 = arith.muli %add3A, %mul3A_50 : i32
    %add3A_52 = arith.constant 1536 : i32
    %add3A_53 = arith.addi %mul3A_51, %add3A_52 : i32
    tpu.wait_dma2 semaphore(%arg14 : memref<!tpu.dma_semaphore, #tpu.memory_space<semaphore_mem>>) src(%arg5 : memref<16x2048xf32, #tpu.memory_space<hbm>>) dst(%arg11 : memref<16x2048xf32, #tpu.memory_space<vmem>>)
    %gt3A_54 = arith.constant 0 : i32
    %gt3A_55 = arith.cmpi sgt, %squeeze3A_49, %gt3A_54 : i32
    %convert_element_type3A_56 = arith.extui %gt3A_55 : i1 to i32
    %cond3A_57 = arith.constant 0 : i32
    %cond3A_58 = arith.cmpi ne, %convert_element_type3A_56, %cond3A_57 : i32
    scf.if %cond3A_58 {
      %dma_start3A = arith.constant 3 : i32
      %dma_start3A_512 = arith.constant 0 : i32
      %dma_start3A_513 = tpu.memref_slice %arg7[%dma_start3A, %dma_start3A_512] : memref<32x16xi32, #tpu.memory_space<vmem>> -> memref<1x16xi32, #tpu.memory_space<vmem>>
      %dma_start3A_514 = tpu.memref_squeeze %dma_start3A_513 : memref<1x16xi32, #tpu.memory_space<vmem>> -> memref<16xi32, #tpu.memory_space<vmem>>
      %dma_start3A_515 = arith.constant 0 : i32
      %dma_start3A_516 = arith.constant 0 : i32
      %dma_start3A_517 = tpu.memref_slice %arg2[%dma_start3A_515, %dma_start3A_516] : memref<8192x2048xf32, #tpu.memory_space<hbm>> -> memref<8192x2048xf32, #tpu.memory_space<hbm>>
      tpu.enqueue_indirect_dma source(%dma_start3A_517 : memref<8192x2048xf32, #tpu.memory_space<hbm>>) target(%arg11 : memref<16x2048xf32, #tpu.memory_space<vmem>>) offsets(%dma_start3A_514 : memref<16xi32, #tpu.memory_space<vmem>>) semaphore(%arg12 : memref<!tpu.dma_semaphore, #tpu.memory_space<semaphore_mem>>)
      %dma_wait3A = arith.constant 3 : i32
      %dma_wait3A_518 = arith.constant 0 : i32
      %dma_wait3A_519 = tpu.memref_slice %arg7[%dma_wait3A, %dma_wait3A_518] : memref<32x16xi32, #tpu.memory_space<vmem>> -> memref<1x16xi32, #tpu.memory_space<vmem>>
      %dma_wait3A_520 = tpu.memref_squeeze %dma_wait3A_519 : memref<1x16xi32, #tpu.memory_space<vmem>> -> memref<16xi32, #tpu.memory_space<vmem>>
      %dma_wait3A_521 = arith.constant 0 : i32
      %dma_wait3A_522 = arith.constant 0 : i32
      %dma_wait3A_523 = tpu.memref_slice %arg2[%dma_wait3A_521, %dma_wait3A_522] : memref<8192x2048xf32, #tpu.memory_space<hbm>> -> memref<8192x2048xf32, #tpu.memory_space<hbm>>
      tpu.wait_indirect_dma semaphore(%arg12 : memref<!tpu.dma_semaphore, #tpu.memory_space<semaphore_mem>>) src(%dma_wait3A_523 : memref<8192x2048xf32, #tpu.memory_space<hbm>>) dst(%arg11 : memref<16x2048xf32, #tpu.memory_space<vmem>>)
      %lt3A = arith.constant 16 : i32
      %lt3A_524 = arith.cmpi slt, %squeeze3A_49, %lt3A : i32
      %convert_element_type3A_525 = arith.extui %lt3A_524 : i1 to i32
      %cond3A_526 = arith.constant 0 : i32
      %cond3A_527 = arith.cmpi ne, %convert_element_type3A_525, %cond3A_526 : i32
      scf.if %cond3A_527 {
        %sub3A = arith.constant 16 : i32
        %sub3A_532 = arith.subi %sub3A, %squeeze3A_49 : i32
        %sub3A_533 = arith.constant 1 : i32
        %sub3A_534 = arith.constant 1 : i32
        %sub3A_535 = arith.subi %sub3A_533, %sub3A_534 : i32
        %add3A_536 = arith.addi %sub3A_532, %sub3A_535 : i32
        %div3A = arith.constant 1 : i32
        %div3A_537 = arith.divsi %add3A_536, %div3A : i32
        %while3A = arith.constant 1 : i32
        %while3A_538 = arith.constant 0 : i32
        %while3A_539 = arith.subi %div3A_537, %while3A_538 : i32
        %while3A_540 = arith.addi %while3A_538, %while3A_539 : i32
        %while3A_541 = arith.constant 1 : i32
        %while3A_542 = arith.divsi %while3A_539, %while3A_541 : i32
        %while3A_543 = arith.muli %while3A_542, %while3A_541 : i32
        %while3A_544 = arith.addi %while3A_538, %while3A_543 : i32
        %while3A_545 = arith.constant 1 : i32
        scf.for %while3A_547 = %while3A_538 to %while3A_544 step %while3A_545  : i32 {
          %mul3A_548 = arith.muli %while3A_547, %while3A : i32
          %add3A_549 = arith.addi %squeeze3A_49, %mul3A_548 : i32
          %scan3A = arith.constant 0 : i32
          %scan3A_550 = arith.constant 128 : i32
          %scan3A_551 = arith.addi %scan3A, %scan3A_550 : i32
          %scan3A_552 = arith.constant 1 : i32
          scf.for %scan3A_554 = %scan3A to %scan3A_551 step %scan3A_552  : i32 {
            %mul3A_555 = arith.constant 1 : i32
            %mul3A_556 = arith.muli %scan3A_554, %mul3A_555 : i32
            %add3A_557 = arith.constant 0 : i32
            %add3A_558 = arith.addi %add3A_557, %mul3A_556 : i32
            %broadcast_in_dim3A = arith.constant 0.000000e+00 : f32
            %broadcast_in_dim3A_559 = vector.broadcast %broadcast_in_dim3A : f32 to vector<16xf32>
            %mul3A_560 = arith.constant 16 : i32
            %mul3A_561 = arith.muli %add3A_558, %mul3A_560 : i32
            %swap3A = arith.index_cast %add3A_549 : i32 to index
            %swap3A_562 = arith.index_cast %mul3A_561 : i32 to index
            %swap3A_563 = tpu.vector_load %arg11[%swap3A, %swap3A_562] {strides = array<i32>} : memref<16x2048xf32, #tpu.memory_space<vmem>>, vector<1x16xf32>,
            %swap3A_564 = vector.shape_cast %swap3A_563 : vector<1x16xf32> to vector<16xf32>
            %swap3A_565 = vector.shape_cast %broadcast_in_dim3A_559 : vector<16xf32> to vector<1x16xf32>
            tpu.vector_store %arg11[%swap3A, %swap3A_562], %swap3A_565 {strides = array<i32>} : memref<16x2048xf32, #tpu.memory_space<vmem>>, vector<1x16xf32>,
          }
          %scan3A_553 = arith.constant 128 : i32
        }
        %while3A_546 = arith.constant 1 : i32
        scf.for %while3A_547 = %while3A_544 to %while3A_540 step %while3A_546  : i32 {
          %mul3A_548 = arith.muli %while3A_547, %while3A : i32
          %add3A_549 = arith.addi %squeeze3A_49, %mul3A_548 : i32
          %scan3A = arith.constant 0 : i32
          %scan3A_550 = arith.constant 128 : i32
          %scan3A_551 = arith.addi %scan3A, %scan3A_550 : i32
          %scan3A_552 = arith.constant 1 : i32
          scf.for %scan3A_554 = %scan3A to %scan3A_551 step %scan3A_552  : i32 {
            %mul3A_555 = arith.constant 1 : i32
            %mul3A_556 = arith.muli %scan3A_554, %mul3A_555 : i32
            %add3A_557 = arith.constant 0 : i32
            %add3A_558 = arith.addi %add3A_557, %mul3A_556 : i32
            %broadcast_in_dim3A = arith.constant 0.000000e+00 : f32
            %broadcast_in_dim3A_559 = vector.broadcast %broadcast_in_dim3A : f32 to vector<16xf32>
            %mul3A_560 = arith.constant 16 : i32
            %mul3A_561 = arith.muli %add3A_558, %mul3A_560 : i32
            %swap3A = arith.index_cast %add3A_549 : i32 to index
            %swap3A_562 = arith.index_cast %mul3A_561 : i32 to index
            %swap3A_563 = tpu.vector_load %arg11[%swap3A, %swap3A_562] {strides = array<i32>} : memref<16x2048xf32, #tpu.memory_space<vmem>>, vector<1x16xf32>,
            %swap3A_564 = vector.shape_cast %swap3A_563 : vector<1x16xf32> to vector<16xf32>
            %swap3A_565 = vector.shape_cast %broadcast_in_dim3A_559 : vector<16xf32> to vector<1x16xf32>
            tpu.vector_store %arg11[%swap3A, %swap3A_562], %swap3A_565 {strides = array<i32>} : memref<16x2048xf32, #tpu.memory_space<vmem>>, vector<1x16xf32>,
          }
          %scan3A_553 = arith.constant 128 : i32
        }
      } else {
      }
      %dma_start3A_528 = arith.constant 0 : i32
      %dma_start3A_529 = tpu.memref_slice %arg6[%add3A_53, %dma_start3A_528] : memref<16384x2048xf32, #tpu.memory_space<hbm>> -> memref<16x2048xf32, #tpu.memory_space<hbm>>
      %dma_start3A_530 = arith.constant 0 : i32
      %dma_start3A_531 = tpu.memref_slice %arg6[%add3A_53, %dma_start3A_530] : memref<16384x2048xf32, #tpu.memory_space<hbm>> -> memref<16x2048xf32, #tpu.memory_space<hbm>>
      tpu.enqueue_dma source(%arg11 : memref<16x2048xf32, #tpu.memory_space<vmem>>) target(%dma_start3A_531 : memref<16x2048xf32, #tpu.memory_space<hbm>>) target_semaphore(%arg14 : memref<!tpu.dma_semaphore, #tpu.memory_space<semaphore_mem>>)
    } else {
    }
    %eq3A_59 = arith.constant 0 : i32
    %eq3A_60 = arith.cmpi eq, %squeeze3A_49, %eq3A_59 : i32
    %convert_element_type3A_61 = arith.extui %eq3A_60 : i1 to i32
    %cond3A_62 = arith.constant 0 : i32
    %cond3A_63 = arith.cmpi ne, %convert_element_type3A_61, %cond3A_62 : i32
    scf.if %cond3A_63 {
      %dma_start3A = arith.constant 0 : i32
      %dma_start3A_512 = tpu.memref_slice %arg6[%add3A_53, %dma_start3A] : memref<16384x2048xf32, #tpu.memory_space<hbm>> -> memref<16x2048xf32, #tpu.memory_space<hbm>>
      %dma_start3A_513 = arith.constant 0 : i32
      %dma_start3A_514 = tpu.memref_slice %arg6[%add3A_53, %dma_start3A_513] : memref<16384x2048xf32, #tpu.memory_space<hbm>> -> memref<16x2048xf32, #tpu.memory_space<hbm>>
      tpu.enqueue_dma source(%arg9 : memref<16x2048xf32, #tpu.memory_space<vmem>>) target(%dma_start3A_514 : memref<16x2048xf32, #tpu.memory_space<hbm>>) target_semaphore(%arg14 : memref<!tpu.dma_semaphore, #tpu.memory_space<semaphore_mem>>)
    } else {
    }
    %slice3A_64 = vector.extract_strided_slice %get3A_2 {offsets = [4], sizes = [1], strides = [1]} : vector<16xi32> to vector<1xi32>
    %squeeze3A_65 = vector.extract %slice3A_64[0] : i32 from vector<1xi32>
    %mul3A_66 = arith.constant 16 : i32
    %mul3A_67 = arith.muli %add3A, %mul3A_66 : i32
    %add3A_68 = arith.constant 2048 : i32
    %add3A_69 = arith.addi %mul3A_67, %add3A_68 : i32
    tpu.wait_dma2 semaphore(%arg13 : memref<!tpu.dma_semaphore, #tpu.memory_space<semaphore_mem>>) src(%arg5 : memref<16x2048xf32, #tpu.memory_space<hbm>>) dst(%arg10 : memref<16x2048xf32, #tpu.memory_space<vmem>>)
    %gt3A_70 = arith.constant 0 : i32
    %gt3A_71 = arith.cmpi sgt, %squeeze3A_65, %gt3A_70 : i32
    %convert_element_type3A_72 = arith.extui %gt3A_71 : i1 to i32
    %cond3A_73 = arith.constant 0 : i32
    %cond3A_74 = arith.cmpi ne, %convert_element_type3A_72, %cond3A_73 : i32
    scf.if %cond3A_74 {
      %dma_start3A = arith.constant 4 : i32
      %dma_start3A_512 = arith.constant 0 : i32
      %dma_start3A_513 = tpu.memref_slice %arg7[%dma_start3A, %dma_start3A_512] : memref<32x16xi32, #tpu.memory_space<vmem>> -> memref<1x16xi32, #tpu.memory_space<vmem>>
      %dma_start3A_514 = tpu.memref_squeeze %dma_start3A_513 : memref<1x16xi32, #tpu.memory_space<vmem>> -> memref<16xi32, #tpu.memory_space<vmem>>
      %dma_start3A_515 = arith.constant 0 : i32
      %dma_start3A_516 = arith.constant 0 : i32
      %dma_start3A_517 = tpu.memref_slice %arg2[%dma_start3A_515, %dma_start3A_516] : memref<8192x2048xf32, #tpu.memory_space<hbm>> -> memref<8192x2048xf32, #tpu.memory_space<hbm>>
      tpu.enqueue_indirect_dma source(%dma_start3A_517 : memref<8192x2048xf32, #tpu.memory_space<hbm>>) target(%arg10 : memref<16x2048xf32, #tpu.memory_space<vmem>>) offsets(%dma_start3A_514 : memref<16xi32, #tpu.memory_space<vmem>>) semaphore(%arg12 : memref<!tpu.dma_semaphore, #tpu.memory_space<semaphore_mem>>)
      %dma_wait3A = arith.constant 4 : i32
      %dma_wait3A_518 = arith.constant 0 : i32
      %dma_wait3A_519 = tpu.memref_slice %arg7[%dma_wait3A, %dma_wait3A_518] : memref<32x16xi32, #tpu.memory_space<vmem>> -> memref<1x16xi32, #tpu.memory_space<vmem>>
      %dma_wait3A_520 = tpu.memref_squeeze %dma_wait3A_519 : memref<1x16xi32, #tpu.memory_space<vmem>> -> memref<16xi32, #tpu.memory_space<vmem>>
      %dma_wait3A_521 = arith.constant 0 : i32
      %dma_wait3A_522 = arith.constant 0 : i32
      %dma_wait3A_523 = tpu.memref_slice %arg2[%dma_wait3A_521, %dma_wait3A_522] : memref<8192x2048xf32, #tpu.memory_space<hbm>> -> memref<8192x2048xf32, #tpu.memory_space<hbm>>
      tpu.wait_indirect_dma semaphore(%arg12 : memref<!tpu.dma_semaphore, #tpu.memory_space<semaphore_mem>>) src(%dma_wait3A_523 : memref<8192x2048xf32, #tpu.memory_space<hbm>>) dst(%arg10 : memref<16x2048xf32, #tpu.memory_space<vmem>>)
      %lt3A = arith.constant 16 : i32
      %lt3A_524 = arith.cmpi slt, %squeeze3A_65, %lt3A : i32
      %convert_element_type3A_525 = arith.extui %lt3A_524 : i1 to i32
      %cond3A_526 = arith.constant 0 : i32
      %cond3A_527 = arith.cmpi ne, %convert_element_type3A_525, %cond3A_526 : i32
      scf.if %cond3A_527 {
        %sub3A = arith.constant 16 : i32
        %sub3A_532 = arith.subi %sub3A, %squeeze3A_65 : i32
        %sub3A_533 = arith.constant 1 : i32
        %sub3A_534 = arith.constant 1 : i32
        %sub3A_535 = arith.subi %sub3A_533, %sub3A_534 : i32
        %add3A_536 = arith.addi %sub3A_532, %sub3A_535 : i32
        %div3A = arith.constant 1 : i32
        %div3A_537 = arith.divsi %add3A_536, %div3A : i32
        %while3A = arith.constant 1 : i32
        %while3A_538 = arith.constant 0 : i32
        %while3A_539 = arith.subi %div3A_537, %while3A_538 : i32
        %while3A_540 = arith.addi %while3A_538, %while3A_539 : i32
        %while3A_541 = arith.constant 1 : i32
        %while3A_542 = arith.divsi %while3A_539, %while3A_541 : i32
        %while3A_543 = arith.muli %while3A_542, %while3A_541 : i32
        %while3A_544 = arith.addi %while3A_538, %while3A_543 : i32
        %while3A_545 = arith.constant 1 : i32
        scf.for %while3A_547 = %while3A_538 to %while3A_544 step %while3A_545  : i32 {
          %mul3A_548 = arith.muli %while3A_547, %while3A : i32
          %add3A_549 = arith.addi %squeeze3A_65, %mul3A_548 : i32
          %scan3A = arith.constant 0 : i32
          %scan3A_550 = arith.constant 128 : i32
          %scan3A_551 = arith.addi %scan3A, %scan3A_550 : i32
          %scan3A_552 = arith.constant 1 : i32
          scf.for %scan3A_554 = %scan3A to %scan3A_551 step %scan3A_552  : i32 {
            %mul3A_555 = arith.constant 1 : i32
            %mul3A_556 = arith.muli %scan3A_554, %mul3A_555 : i32
            %add3A_557 = arith.constant 0 : i32
            %add3A_558 = arith.addi %add3A_557, %mul3A_556 : i32
            %broadcast_in_dim3A = arith.constant 0.000000e+00 : f32
            %broadcast_in_dim3A_559 = vector.broadcast %broadcast_in_dim3A : f32 to vector<16xf32>
            %mul3A_560 = arith.constant 16 : i32
            %mul3A_561 = arith.muli %add3A_558, %mul3A_560 : i32
            %swap3A = arith.index_cast %add3A_549 : i32 to index
            %swap3A_562 = arith.index_cast %mul3A_561 : i32 to index
            %swap3A_563 = tpu.vector_load %arg10[%swap3A, %swap3A_562] {strides = array<i32>} : memref<16x2048xf32, #tpu.memory_space<vmem>>, vector<1x16xf32>,
            %swap3A_564 = vector.shape_cast %swap3A_563 : vector<1x16xf32> to vector<16xf32>
            %swap3A_565 = vector.shape_cast %broadcast_in_dim3A_559 : vector<16xf32> to vector<1x16xf32>
            tpu.vector_store %arg10[%swap3A, %swap3A_562], %swap3A_565 {strides = array<i32>} : memref<16x2048xf32, #tpu.memory_space<vmem>>, vector<1x16xf32>,
          }
          %scan3A_553 = arith.constant 128 : i32
        }
        %while3A_546 = arith.constant 1 : i32
        scf.for %while3A_547 = %while3A_544 to %while3A_540 step %while3A_546  : i32 {
          %mul3A_548 = arith.muli %while3A_547, %while3A : i32
          %add3A_549 = arith.addi %squeeze3A_65, %mul3A_548 : i32
          %scan3A = arith.constant 0 : i32
          %scan3A_550 = arith.constant 128 : i32
          %scan3A_551 = arith.addi %scan3A, %scan3A_550 : i32
          %scan3A_552 = arith.constant 1 : i32
          scf.for %scan3A_554 = %scan3A to %scan3A_551 step %scan3A_552  : i32 {
            %mul3A_555 = arith.constant 1 : i32
            %mul3A_556 = arith.muli %scan3A_554, %mul3A_555 : i32
            %add3A_557 = arith.constant 0 : i32
            %add3A_558 = arith.addi %add3A_557, %mul3A_556 : i32
            %broadcast_in_dim3A = arith.constant 0.000000e+00 : f32
            %broadcast_in_dim3A_559 = vector.broadcast %broadcast_in_dim3A : f32 to vector<16xf32>
            %mul3A_560 = arith.constant 16 : i32
            %mul3A_561 = arith.muli %add3A_558, %mul3A_560 : i32
            %swap3A = arith.index_cast %add3A_549 : i32 to index
            %swap3A_562 = arith.index_cast %mul3A_561 : i32 to index
            %swap3A_563 = tpu.vector_load %arg10[%swap3A, %swap3A_562] {strides = array<i32>} : memref<16x2048xf32, #tpu.memory_space<vmem>>, vector<1x16xf32>,
            %swap3A_564 = vector.shape_cast %swap3A_563 : vector<1x16xf32> to vector<16xf32>
            %swap3A_565 = vector.shape_cast %broadcast_in_dim3A_559 : vector<16xf32> to vector<1x16xf32>
            tpu.vector_store %arg10[%swap3A, %swap3A_562], %swap3A_565 {strides = array<i32>} : memref<16x2048xf32, #tpu.memory_space<vmem>>, vector<1x16xf32>,
          }
          %scan3A_553 = arith.constant 128 : i32
        }
      } else {
      }
      %dma_start3A_528 = arith.constant 0 : i32
      %dma_start3A_529 = tpu.memref_slice %arg6[%add3A_69, %dma_start3A_528] : memref<16384x2048xf32, #tpu.memory_space<hbm>> -> memref<16x2048xf32, #tpu.memory_space<hbm>>
      %dma_start3A_530 = arith.constant 0 : i32
      %dma_start3A_531 = tpu.memref_slice %arg6[%add3A_69, %dma_start3A_530] : memref<16384x2048xf32, #tpu.memory_space<hbm>> -> memref<16x2048xf32, #tpu.memory_space<hbm>>
      tpu.enqueue_dma source(%arg10 : memref<16x2048xf32, #tpu.memory_space<vmem>>) target(%dma_start3A_531 : memref<16x2048xf32, #tpu.memory_space<hbm>>) target_semaphore(%arg13 : memref<!tpu.dma_semaphore, #tpu.memory_space<semaphore_mem>>)
    } else {
    }
    %eq3A_75 = arith.constant 0 : i32
    %eq3A_76 = arith.cmpi eq, %squeeze3A_65, %eq3A_75 : i32
    %convert_element_type3A_77 = arith.extui %eq3A_76 : i1 to i32
    %cond3A_78 = arith.constant 0 : i32
    %cond3A_79 = arith.cmpi ne, %convert_element_type3A_77, %cond3A_78 : i32
    scf.if %cond3A_79 {
      %dma_start3A = arith.constant 0 : i32
      %dma_start3A_512 = tpu.memref_slice %arg6[%add3A_69, %dma_start3A] : memref<16384x2048xf32, #tpu.memory_space<hbm>> -> memref<16x2048xf32, #tpu.memory_space<hbm>>
      %dma_start3A_513 = arith.constant 0 : i32
      %dma_start3A_514 = tpu.memref_slice %arg6[%add3A_69, %dma_start3A_513] : memref<16384x2048xf32, #tpu.memory_space<hbm>> -> memref<16x2048xf32, #tpu.memory_space<hbm>>
      tpu.enqueue_dma source(%arg9 : memref<16x2048xf32, #tpu.memory_space<vmem>>) target(%dma_start3A_514 : memref<16x2048xf32, #tpu.memory_space<hbm>>) target_semaphore(%arg13 : memref<!tpu.dma_semaphore, #tpu.memory_space<semaphore_mem>>)
    } else {
    }
    %slice3A_80 = vector.extract_strided_slice %get3A_2 {offsets = [5], sizes = [1], strides = [1]} : vector<16xi32> to vector<1xi32>
    %squeeze3A_81 = vector.extract %slice3A_80[0] : i32 from vector<1xi32>
    %mul3A_82 = arith.constant 16 : i32
    %mul3A_83 = arith.muli %add3A, %mul3A_82 : i32
    %add3A_84 = arith.constant 2560 : i32
    %add3A_85 = arith.addi %mul3A_83, %add3A_84 : i32
    tpu.wait_dma2 semaphore(%arg14 : memref<!tpu.dma_semaphore, #tpu.memory_space<semaphore_mem>>) src(%arg5 : memref<16x2048xf32, #tpu.memory_space<hbm>>) dst(%arg11 : memref<16x2048xf32, #tpu.memory_space<vmem>>)
    %gt3A_86 = arith.constant 0 : i32
    %gt3A_87 = arith.cmpi sgt, %squeeze3A_81, %gt3A_86 : i32
    %convert_element_type3A_88 = arith.extui %gt3A_87 : i1 to i32
    %cond3A_89 = arith.constant 0 : i32
    %cond3A_90 = arith.cmpi ne, %convert_element_type3A_88, %cond3A_89 : i32
    scf.if %cond3A_90 {
      %dma_start3A = arith.constant 5 : i32
      %dma_start3A_512 = arith.constant 0 : i32
      %dma_start3A_513 = tpu.memref_slice %arg7[%dma_start3A, %dma_start3A_512] : memref<32x16xi32, #tpu.memory_space<vmem>> -> memref<1x16xi32, #tpu.memory_space<vmem>>
      %dma_start3A_514 = tpu.memref_squeeze %dma_start3A_513 : memref<1x16xi32, #tpu.memory_space<vmem>> -> memref<16xi32, #tpu.memory_space<vmem>>
      %dma_start3A_515 = arith.constant 0 : i32
      %dma_start3A_516 = arith.constant 0 : i32
      %dma_start3A_517 = tpu.memref_slice %arg2[%dma_start3A_515, %dma_start3A_516] : memref<8192x2048xf32, #tpu.memory_space<hbm>> -> memref<8192x2048xf32, #tpu.memory_space<hbm>>
      tpu.enqueue_indirect_dma source(%dma_start3A_517 : memref<8192x2048xf32, #tpu.memory_space<hbm>>) target(%arg11 : memref<16x2048xf32, #tpu.memory_space<vmem>>) offsets(%dma_start3A_514 : memref<16xi32, #tpu.memory_space<vmem>>) semaphore(%arg12 : memref<!tpu.dma_semaphore, #tpu.memory_space<semaphore_mem>>)
      %dma_wait3A = arith.constant 5 : i32
      %dma_wait3A_518 = arith.constant 0 : i32
      %dma_wait3A_519 = tpu.memref_slice %arg7[%dma_wait3A, %dma_wait3A_518] : memref<32x16xi32, #tpu.memory_space<vmem>> -> memref<1x16xi32, #tpu.memory_space<vmem>>
      %dma_wait3A_520 = tpu.memref_squeeze %dma_wait3A_519 : memref<1x16xi32, #tpu.memory_space<vmem>> -> memref<16xi32, #tpu.memory_space<vmem>>
      %dma_wait3A_521 = arith.constant 0 : i32
      %dma_wait3A_522 = arith.constant 0 : i32
      %dma_wait3A_523 = tpu.memref_slice %arg2[%dma_wait3A_521, %dma_wait3A_522] : memref<8192x2048xf32, #tpu.memory_space<hbm>> -> memref<8192x2048xf32, #tpu.memory_space<hbm>>
      tpu.wait_indirect_dma semaphore(%arg12 : memref<!tpu.dma_semaphore, #tpu.memory_space<semaphore_mem>>) src(%dma_wait3A_523 : memref<8192x2048xf32, #tpu.memory_space<hbm>>) dst(%arg11 : memref<16x2048xf32, #tpu.memory_space<vmem>>)
      %lt3A = arith.constant 16 : i32
      %lt3A_524 = arith.cmpi slt, %squeeze3A_81, %lt3A : i32
      %convert_element_type3A_525 = arith.extui %lt3A_524 : i1 to i32
      %cond3A_526 = arith.constant 0 : i32
      %cond3A_527 = arith.cmpi ne, %convert_element_type3A_525, %cond3A_526 : i32
      scf.if %cond3A_527 {
        %sub3A = arith.constant 16 : i32
        %sub3A_532 = arith.subi %sub3A, %squeeze3A_81 : i32
        %sub3A_533 = arith.constant 1 : i32
        %sub3A_534 = arith.constant 1 : i32
        %sub3A_535 = arith.subi %sub3A_533, %sub3A_534 : i32
        %add3A_536 = arith.addi %sub3A_532, %sub3A_535 : i32
        %div3A = arith.constant 1 : i32
        %div3A_537 = arith.divsi %add3A_536, %div3A : i32
        %while3A = arith.constant 1 : i32
        %while3A_538 = arith.constant 0 : i32
        %while3A_539 = arith.subi %div3A_537, %while3A_538 : i32
        %while3A_540 = arith.addi %while3A_538, %while3A_539 : i32
        %while3A_541 = arith.constant 1 : i32
        %while3A_542 = arith.divsi %while3A_539, %while3A_541 : i32
        %while3A_543 = arith.muli %while3A_542, %while3A_541 : i32
        %while3A_544 = arith.addi %while3A_538, %while3A_543 : i32
        %while3A_545 = arith.constant 1 : i32
        scf.for %while3A_547 = %while3A_538 to %while3A_544 step %while3A_545  : i32 {
          %mul3A_548 = arith.muli %while3A_547, %while3A : i32
          %add3A_549 = arith.addi %squeeze3A_81, %mul3A_548 : i32
          %scan3A = arith.constant 0 : i32
          %scan3A_550 = arith.constant 128 : i32
          %scan3A_551 = arith.addi %scan3A, %scan3A_550 : i32
          %scan3A_552 = arith.constant 1 : i32
          scf.for %scan3A_554 = %scan3A to %scan3A_551 step %scan3A_552  : i32 {
            %mul3A_555 = arith.constant 1 : i32
            %mul3A_556 = arith.muli %scan3A_554, %mul3A_555 : i32
            %add3A_557 = arith.constant 0 : i32
            %add3A_558 = arith.addi %add3A_557, %mul3A_556 : i32
            %broadcast_in_dim3A = arith.constant 0.000000e+00 : f32
            %broadcast_in_dim3A_559 = vector.broadcast %broadcast_in_dim3A : f32 to vector<16xf32>
            %mul3A_560 = arith.constant 16 : i32
            %mul3A_561 = arith.muli %add3A_558, %mul3A_560 : i32
            %swap3A = arith.index_cast %add3A_549 : i32 to index
            %swap3A_562 = arith.index_cast %mul3A_561 : i32 to index
            %swap3A_563 = tpu.vector_load %arg11[%swap3A, %swap3A_562] {strides = array<i32>} : memref<16x2048xf32, #tpu.memory_space<vmem>>, vector<1x16xf32>,
            %swap3A_564 = vector.shape_cast %swap3A_563 : vector<1x16xf32> to vector<16xf32>
            %swap3A_565 = vector.shape_cast %broadcast_in_dim3A_559 : vector<16xf32> to vector<1x16xf32>
            tpu.vector_store %arg11[%swap3A, %swap3A_562], %swap3A_565 {strides = array<i32>} : memref<16x2048xf32, #tpu.memory_space<vmem>>, vector<1x16xf32>,
          }
          %scan3A_553 = arith.constant 128 : i32
        }
        %while3A_546 = arith.constant 1 : i32
        scf.for %while3A_547 = %while3A_544 to %while3A_540 step %while3A_546  : i32 {
          %mul3A_548 = arith.muli %while3A_547, %while3A : i32
          %add3A_549 = arith.addi %squeeze3A_81, %mul3A_548 : i32
          %scan3A = arith.constant 0 : i32
          %scan3A_550 = arith.constant 128 : i32
          %scan3A_551 = arith.addi %scan3A, %scan3A_550 : i32
          %scan3A_552 = arith.constant 1 : i32
          scf.for %scan3A_554 = %scan3A to %scan3A_551 step %scan3A_552  : i32 {
            %mul3A_555 = arith.constant 1 : i32
            %mul3A_556 = arith.muli %scan3A_554, %mul3A_555 : i32
            %add3A_557 = arith.constant 0 : i32
            %add3A_558 = arith.addi %add3A_557, %mul3A_556 : i32
            %broadcast_in_dim3A = arith.constant 0.000000e+00 : f32
            %broadcast_in_dim3A_559 = vector.broadcast %broadcast_in_dim3A : f32 to vector<16xf32>
            %mul3A_560 = arith.constant 16 : i32
            %mul3A_561 = arith.muli %add3A_558, %mul3A_560 : i32
            %swap3A = arith.index_cast %add3A_549 : i32 to index
            %swap3A_562 = arith.index_cast %mul3A_561 : i32 to index
            %swap3A_563 = tpu.vector_load %arg11[%swap3A, %swap3A_562] {strides = array<i32>} : memref<16x2048xf32, #tpu.memory_space<vmem>>, vector<1x16xf32>,
            %swap3A_564 = vector.shape_cast %swap3A_563 : vector<1x16xf32> to vector<16xf32>
            %swap3A_565 = vector.shape_cast %broadcast_in_dim3A_559 : vector<16xf32> to vector<1x16xf32>
            tpu.vector_store %arg11[%swap3A, %swap3A_562], %swap3A_565 {strides = array<i32>} : memref<16x2048xf32, #tpu.memory_space<vmem>>, vector<1x16xf32>,
          }
          %scan3A_553 = arith.constant 128 : i32
        }
      } else {
      }
      %dma_start3A_528 = arith.constant 0 : i32
      %dma_start3A_529 = tpu.memref_slice %arg6[%add3A_85, %dma_start3A_528] : memref<16384x2048xf32, #tpu.memory_space<hbm>> -> memref<16x2048xf32, #tpu.memory_space<hbm>>
      %dma_start3A_530 = arith.constant 0 : i32
      %dma_start3A_531 = tpu.memref_slice %arg6[%add3A_85, %dma_start3A_530] : memref<16384x2048xf32, #tpu.memory_space<hbm>> -> memref<16x2048xf32, #tpu.memory_space<hbm>>
      tpu.enqueue_dma source(%arg11 : memref<16x2048xf32, #tpu.memory_space<vmem>>) target(%dma_start3A_531 : memref<16x2048xf32, #tpu.memory_space<hbm>>) target_semaphore(%arg14 : memref<!tpu.dma_semaphore, #tpu.memory_space<semaphore_mem>>)
    } else {
    }
    %eq3A_91 = arith.constant 0 : i32
    %eq3A_92 = arith.cmpi eq, %squeeze3A_81, %eq3A_91 : i32
    %convert_element_type3A_93 = arith.extui %eq3A_92 : i1 to i32
    %cond3A_94 = arith.constant 0 : i32
    %cond3A_95 = arith.cmpi ne, %convert_element_type3A_93, %cond3A_94 : i32
    scf.if %cond3A_95 {
      %dma_start3A = arith.constant 0 : i32
      %dma_start3A_512 = tpu.memref_slice %arg6[%add3A_85, %dma_start3A] : memref<16384x2048xf32, #tpu.memory_space<hbm>> -> memref<16x2048xf32, #tpu.memory_space<hbm>>
      %dma_start3A_513 = arith.constant 0 : i32
      %dma_start3A_514 = tpu.memref_slice %arg6[%add3A_85, %dma_start3A_513] : memref<16384x2048xf32, #tpu.memory_space<hbm>> -> memref<16x2048xf32, #tpu.memory_space<hbm>>
      tpu.enqueue_dma source(%arg9 : memref<16x2048xf32, #tpu.memory_space<vmem>>) target(%dma_start3A_514 : memref<16x2048xf32, #tpu.memory_space<hbm>>) target_semaphore(%arg14 : memref<!tpu.dma_semaphore, #tpu.memory_space<semaphore_mem>>)
    } else {
    }
    %slice3A_96 = vector.extract_strided_slice %get3A_2 {offsets = [6], sizes = [1], strides = [1]} : vector<16xi32> to vector<1xi32>
    %squeeze3A_97 = vector.extract %slice3A_96[0] : i32 from vector<1xi32>
    %mul3A_98 = arith.constant 16 : i32
    %mul3A_99 = arith.muli %add3A, %mul3A_98 : i32
    %add3A_100 = arith.constant 3072 : i32
    %add3A_101 = arith.addi %mul3A_99, %add3A_100 : i32
    tpu.wait_dma2 semaphore(%arg13 : memref<!tpu.dma_semaphore, #tpu.memory_space<semaphore_mem>>) src(%arg5 : memref<16x2048xf32, #tpu.memory_space<hbm>>) dst(%arg10 : memref<16x2048xf32, #tpu.memory_space<vmem>>)
    %gt3A_102 = arith.constant 0 : i32
    %gt3A_103 = arith.cmpi sgt, %squeeze3A_97, %gt3A_102 : i32
    %convert_element_type3A_104 = arith.extui %gt3A_103 : i1 to i32
    %cond3A_105 = arith.constant 0 : i32
    %cond3A_106 = arith.cmpi ne, %convert_element_type3A_104, %cond3A_105 : i32
    scf.if %cond3A_106 {
      %dma_start3A = arith.constant 6 : i32
      %dma_start3A_512 = arith.constant 0 : i32
      %dma_start3A_513 = tpu.memref_slice %arg7[%dma_start3A, %dma_start3A_512] : memref<32x16xi32, #tpu.memory_space<vmem>> -> memref<1x16xi32, #tpu.memory_space<vmem>>
      %dma_start3A_514 = tpu.memref_squeeze %dma_start3A_513 : memref<1x16xi32, #tpu.memory_space<vmem>> -> memref<16xi32, #tpu.memory_space<vmem>>
      %dma_start3A_515 = arith.constant 0 : i32
      %dma_start3A_516 = arith.constant 0 : i32
      %dma_start3A_517 = tpu.memref_slice %arg2[%dma_start3A_515, %dma_start3A_516] : memref<8192x2048xf32, #tpu.memory_space<hbm>> -> memref<8192x2048xf32, #tpu.memory_space<hbm>>
      tpu.enqueue_indirect_dma source(%dma_start3A_517 : memref<8192x2048xf32, #tpu.memory_space<hbm>>) target(%arg10 : memref<16x2048xf32, #tpu.memory_space<vmem>>) offsets(%dma_start3A_514 : memref<16xi32, #tpu.memory_space<vmem>>) semaphore(%arg12 : memref<!tpu.dma_semaphore, #tpu.memory_space<semaphore_mem>>)
      %dma_wait3A = arith.constant 6 : i32
      %dma_wait3A_518 = arith.constant 0 : i32
      %dma_wait3A_519 = tpu.memref_slice %arg7[%dma_wait3A, %dma_wait3A_518] : memref<32x16xi32, #tpu.memory_space<vmem>> -> memref<1x16xi32, #tpu.memory_space<vmem>>
      %dma_wait3A_520 = tpu.memref_squeeze %dma_wait3A_519 : memref<1x16xi32, #tpu.memory_space<vmem>> -> memref<16xi32, #tpu.memory_space<vmem>>
      %dma_wait3A_521 = arith.constant 0 : i32
      %dma_wait3A_522 = arith.constant 0 : i32
      %dma_wait3A_523 = tpu.memref_slice %arg2[%dma_wait3A_521, %dma_wait3A_522] : memref<8192x2048xf32, #tpu.memory_space<hbm>> -> memref<8192x2048xf32, #tpu.memory_space<hbm>>
      tpu.wait_indirect_dma semaphore(%arg12 : memref<!tpu.dma_semaphore, #tpu.memory_space<semaphore_mem>>) src(%dma_wait3A_523 : memref<8192x2048xf32, #tpu.memory_space<hbm>>) dst(%arg10 : memref<16x2048xf32, #tpu.memory_space<vmem>>)
      %lt3A = arith.constant 16 : i32
      %lt3A_524 = arith.cmpi slt, %squeeze3A_97, %lt3A : i32
      %convert_element_type3A_525 = arith.extui %lt3A_524 : i1 to i32
      %cond3A_526 = arith.constant 0 : i32
      %cond3A_527 = arith.cmpi ne, %convert_element_type3A_525, %cond3A_526 : i32
      scf.if %cond3A_527 {
        %sub3A = arith.constant 16 : i32
        %sub3A_532 = arith.subi %sub3A, %squeeze3A_97 : i32
        %sub3A_533 = arith.constant 1 : i32
        %sub3A_534 = arith.constant 1 : i32
        %sub3A_535 = arith.subi %sub3A_533, %sub3A_534 : i32
        %add3A_536 = arith.addi %sub3A_532, %sub3A_535 : i32
        %div3A = arith.constant 1 : i32
        %div3A_537 = arith.divsi %add3A_536, %div3A : i32
        %while3A = arith.constant 1 : i32
        %while3A_538 = arith.constant 0 : i32
        %while3A_539 = arith.subi %div3A_537, %while3A_538 : i32
        %while3A_540 = arith.addi %while3A_538, %while3A_539 : i32
        %while3A_541 = arith.constant 1 : i32
        %while3A_542 = arith.divsi %while3A_539, %while3A_541 : i32
        %while3A_543 = arith.muli %while3A_542, %while3A_541 : i32
        %while3A_544 = arith.addi %while3A_538, %while3A_543 : i32
        %while3A_545 = arith.constant 1 : i32
        scf.for %while3A_547 = %while3A_538 to %while3A_544 step %while3A_545  : i32 {
          %mul3A_548 = arith.muli %while3A_547, %while3A : i32
          %add3A_549 = arith.addi %squeeze3A_97, %mul3A_548 : i32
          %scan3A = arith.constant 0 : i32
          %scan3A_550 = arith.constant 128 : i32
          %scan3A_551 = arith.addi %scan3A, %scan3A_550 : i32
          %scan3A_552 = arith.constant 1 : i32
          scf.for %scan3A_554 = %scan3A to %scan3A_551 step %scan3A_552  : i32 {
            %mul3A_555 = arith.constant 1 : i32
            %mul3A_556 = arith.muli %scan3A_554, %mul3A_555 : i32
            %add3A_557 = arith.constant 0 : i32
            %add3A_558 = arith.addi %add3A_557, %mul3A_556 : i32
            %broadcast_in_dim3A = arith.constant 0.000000e+00 : f32
            %broadcast_in_dim3A_559 = vector.broadcast %broadcast_in_dim3A : f32 to vector<16xf32>
            %mul3A_560 = arith.constant 16 : i32
            %mul3A_561 = arith.muli %add3A_558, %mul3A_560 : i32
            %swap3A = arith.index_cast %add3A_549 : i32 to index
            %swap3A_562 = arith.index_cast %mul3A_561 : i32 to index
            %swap3A_563 = tpu.vector_load %arg10[%swap3A, %swap3A_562] {strides = array<i32>} : memref<16x2048xf32, #tpu.memory_space<vmem>>, vector<1x16xf32>,
            %swap3A_564 = vector.shape_cast %swap3A_563 : vector<1x16xf32> to vector<16xf32>
            %swap3A_565 = vector.shape_cast %broadcast_in_dim3A_559 : vector<16xf32> to vector<1x16xf32>
            tpu.vector_store %arg10[%swap3A, %swap3A_562], %swap3A_565 {strides = array<i32>} : memref<16x2048xf32, #tpu.memory_space<vmem>>, vector<1x16xf32>,
          }
          %scan3A_553 = arith.constant 128 : i32
        }
        %while3A_546 = arith.constant 1 : i32
        scf.for %while3A_547 = %while3A_544 to %while3A_540 step %while3A_546  : i32 {
          %mul3A_548 = arith.muli %while3A_547, %while3A : i32
          %add3A_549 = arith.addi %squeeze3A_97, %mul3A_548 : i32
          %scan3A = arith.constant 0 : i32
          %scan3A_550 = arith.constant 128 : i32
          %scan3A_551 = arith.addi %scan3A, %scan3A_550 : i32
          %scan3A_552 = arith.constant 1 : i32
          scf.for %scan3A_554 = %scan3A to %scan3A_551 step %scan3A_552  : i32 {
            %mul3A_555 = arith.constant 1 : i32
            %mul3A_556 = arith.muli %scan3A_554, %mul3A_555 : i32
            %add3A_557 = arith.constant 0 : i32
            %add3A_558 = arith.addi %add3A_557, %mul3A_556 : i32
            %broadcast_in_dim3A = arith.constant 0.000000e+00 : f32
            %broadcast_in_dim3A_559 = vector.broadcast %broadcast_in_dim3A : f32 to vector<16xf32>
            %mul3A_560 = arith.constant 16 : i32
            %mul3A_561 = arith.muli %add3A_558, %mul3A_560 : i32
            %swap3A = arith.index_cast %add3A_549 : i32 to index
            %swap3A_562 = arith.index_cast %mul3A_561 : i32 to index
            %swap3A_563 = tpu.vector_load %arg10[%swap3A, %swap3A_562] {strides = array<i32>} : memref<16x2048xf32, #tpu.memory_space<vmem>>, vector<1x16xf32>,
            %swap3A_564 = vector.shape_cast %swap3A_563 : vector<1x16xf32> to vector<16xf32>
            %swap3A_565 = vector.shape_cast %broadcast_in_dim3A_559 : vector<16xf32> to vector<1x16xf32>
            tpu.vector_store %arg10[%swap3A, %swap3A_562], %swap3A_565 {strides = array<i32>} : memref<16x2048xf32, #tpu.memory_space<vmem>>, vector<1x16xf32>,
          }
          %scan3A_553 = arith.constant 128 : i32
        }
      } else {
      }
      %dma_start3A_528 = arith.constant 0 : i32
      %dma_start3A_529 = tpu.memref_slice %arg6[%add3A_101, %dma_start3A_528] : memref<16384x2048xf32, #tpu.memory_space<hbm>> -> memref<16x2048xf32, #tpu.memory_space<hbm>>
      %dma_start3A_530 = arith.constant 0 : i32
      %dma_start3A_531 = tpu.memref_slice %arg6[%add3A_101, %dma_start3A_530] : memref<16384x2048xf32, #tpu.memory_space<hbm>> -> memref<16x2048xf32, #tpu.memory_space<hbm>>
      tpu.enqueue_dma source(%arg10 : memref<16x2048xf32, #tpu.memory_space<vmem>>) target(%dma_start3A_531 : memref<16x2048xf32, #tpu.memory_space<hbm>>) target_semaphore(%arg13 : memref<!tpu.dma_semaphore, #tpu.memory_space<semaphore_mem>>)
    } else {
    }
    %eq3A_107 = arith.constant 0 : i32
    %eq3A_108 = arith.cmpi eq, %squeeze3A_97, %eq3A_107 : i32
    %convert_element_type3A_109 = arith.extui %eq3A_108 : i1 to i32
    %cond3A_110 = arith.constant 0 : i32
    %cond3A_111 = arith.cmpi ne, %convert_element_type3A_109, %cond3A_110 : i32
    scf.if %cond3A_111 {
      %dma_start3A = arith.constant 0 : i32
      %dma_start3A_512 = tpu.memref_slice %arg6[%add3A_101, %dma_start3A] : memref<16384x2048xf32, #tpu.memory_space<hbm>> -> memref<16x2048xf32, #tpu.memory_space<hbm>>
      %dma_start3A_513 = arith.constant 0 : i32
      %dma_start3A_514 = tpu.memref_slice %arg6[%add3A_101, %dma_start3A_513] : memref<16384x2048xf32, #tpu.memory_space<hbm>> -> memref<16x2048xf32, #tpu.memory_space<hbm>>
      tpu.enqueue_dma source(%arg9 : memref<16x2048xf32, #tpu.memory_space<vmem>>) target(%dma_start3A_514 : memref<16x2048xf32, #tpu.memory_space<hbm>>) target_semaphore(%arg13 : memref<!tpu.dma_semaphore, #tpu.memory_space<semaphore_mem>>)
    } else {
    }
    %slice3A_112 = vector.extract_strided_slice %get3A_2 {offsets = [7], sizes = [1], strides = [1]} : vector<16xi32> to vector<1xi32>
    %squeeze3A_113 = vector.extract %slice3A_112[0] : i32 from vector<1xi32>
    %mul3A_114 = arith.constant 16 : i32
    %mul3A_115 = arith.muli %add3A, %mul3A_114 : i32
    %add3A_116 = arith.constant 3584 : i32
    %add3A_117 = arith.addi %mul3A_115, %add3A_116 : i32
    tpu.wait_dma2 semaphore(%arg14 : memref<!tpu.dma_semaphore, #tpu.memory_space<semaphore_mem>>) src(%arg5 : memref<16x2048xf32, #tpu.memory_space<hbm>>) dst(%arg11 : memref<16x2048xf32, #tpu.memory_space<vmem>>)
    %gt3A_118 = arith.constant 0 : i32
    %gt3A_119 = arith.cmpi sgt, %squeeze3A_113, %gt3A_118 : i32
    %convert_element_type3A_120 = arith.extui %gt3A_119 : i1 to i32
    %cond3A_121 = arith.constant 0 : i32
    %cond3A_122 = arith.cmpi ne, %convert_element_type3A_120, %cond3A_121 : i32
    scf.if %cond3A_122 {
      %dma_start3A = arith.constant 7 : i32
      %dma_start3A_512 = arith.constant 0 : i32
      %dma_start3A_513 = tpu.memref_slice %arg7[%dma_start3A, %dma_start3A_512] : memref<32x16xi32, #tpu.memory_space<vmem>> -> memref<1x16xi32, #tpu.memory_space<vmem>>
      %dma_start3A_514 = tpu.memref_squeeze %dma_start3A_513 : memref<1x16xi32, #tpu.memory_space<vmem>> -> memref<16xi32, #tpu.memory_space<vmem>>
      %dma_start3A_515 = arith.constant 0 : i32
      %dma_start3A_516 = arith.constant 0 : i32
      %dma_start3A_517 = tpu.memref_slice %arg2[%dma_start3A_515, %dma_start3A_516] : memref<8192x2048xf32, #tpu.memory_space<hbm>> -> memref<8192x2048xf32, #tpu.memory_space<hbm>>
      tpu.enqueue_indirect_dma source(%dma_start3A_517 : memref<8192x2048xf32, #tpu.memory_space<hbm>>) target(%arg11 : memref<16x2048xf32, #tpu.memory_space<vmem>>) offsets(%dma_start3A_514 : memref<16xi32, #tpu.memory_space<vmem>>) semaphore(%arg12 : memref<!tpu.dma_semaphore, #tpu.memory_space<semaphore_mem>>)
      %dma_wait3A = arith.constant 7 : i32
      %dma_wait3A_518 = arith.constant 0 : i32
      %dma_wait3A_519 = tpu.memref_slice %arg7[%dma_wait3A, %dma_wait3A_518] : memref<32x16xi32, #tpu.memory_space<vmem>> -> memref<1x16xi32, #tpu.memory_space<vmem>>
      %dma_wait3A_520 = tpu.memref_squeeze %dma_wait3A_519 : memref<1x16xi32, #tpu.memory_space<vmem>> -> memref<16xi32, #tpu.memory_space<vmem>>
      %dma_wait3A_521 = arith.constant 0 : i32
      %dma_wait3A_522 = arith.constant 0 : i32
      %dma_wait3A_523 = tpu.memref_slice %arg2[%dma_wait3A_521, %dma_wait3A_522] : memref<8192x2048xf32, #tpu.memory_space<hbm>> -> memref<8192x2048xf32, #tpu.memory_space<hbm>>
      tpu.wait_indirect_dma semaphore(%arg12 : memref<!tpu.dma_semaphore, #tpu.memory_space<semaphore_mem>>) src(%dma_wait3A_523 : memref<8192x2048xf32, #tpu.memory_space<hbm>>) dst(%arg11 : memref<16x2048xf32, #tpu.memory_space<vmem>>)
      %lt3A = arith.constant 16 : i32
      %lt3A_524 = arith.cmpi slt, %squeeze3A_113, %lt3A : i32
      %convert_element_type3A_525 = arith.extui %lt3A_524 : i1 to i32
      %cond3A_526 = arith.constant 0 : i32
      %cond3A_527 = arith.cmpi ne, %convert_element_type3A_525, %cond3A_526 : i32
      scf.if %cond3A_527 {
        %sub3A = arith.constant 16 : i32
        %sub3A_532 = arith.subi %sub3A, %squeeze3A_113 : i32
        %sub3A_533 = arith.constant 1 : i32
        %sub3A_534 = arith.constant 1 : i32
        %sub3A_535 = arith.subi %sub3A_533, %sub3A_534 : i32
        %add3A_536 = arith.addi %sub3A_532, %sub3A_535 : i32
        %div3A = arith.constant 1 : i32
        %div3A_537 = arith.divsi %add3A_536, %div3A : i32
        %while3A = arith.constant 1 : i32
        %while3A_538 = arith.constant 0 : i32
        %while3A_539 = arith.subi %div3A_537, %while3A_538 : i32
        %while3A_540 = arith.addi %while3A_538, %while3A_539 : i32
        %while3A_541 = arith.constant 1 : i32
        %while3A_542 = arith.divsi %while3A_539, %while3A_541 : i32
        %while3A_543 = arith.muli %while3A_542, %while3A_541 : i32
        %while3A_544 = arith.addi %while3A_538, %while3A_543 : i32
        %while3A_545 = arith.constant 1 : i32
        scf.for %while3A_547 = %while3A_538 to %while3A_544 step %while3A_545  : i32 {
          %mul3A_548 = arith.muli %while3A_547, %while3A : i32
          %add3A_549 = arith.addi %squeeze3A_113, %mul3A_548 : i32
          %scan3A = arith.constant 0 : i32
          %scan3A_550 = arith.constant 128 : i32
          %scan3A_551 = arith.addi %scan3A, %scan3A_550 : i32
          %scan3A_552 = arith.constant 1 : i32
          scf.for %scan3A_554 = %scan3A to %scan3A_551 step %scan3A_552  : i32 {
            %mul3A_555 = arith.constant 1 : i32
            %mul3A_556 = arith.muli %scan3A_554, %mul3A_555 : i32
            %add3A_557 = arith.constant 0 : i32
            %add3A_558 = arith.addi %add3A_557, %mul3A_556 : i32
            %broadcast_in_dim3A = arith.constant 0.000000e+00 : f32
            %broadcast_in_dim3A_559 = vector.broadcast %broadcast_in_dim3A : f32 to vector<16xf32>
            %mul3A_560 = arith.constant 16 : i32
            %mul3A_561 = arith.muli %add3A_558, %mul3A_560 : i32
            %swap3A = arith.index_cast %add3A_549 : i32 to index
            %swap3A_562 = arith.index_cast %mul3A_561 : i32 to index
            %swap3A_563 = tpu.vector_load %arg11[%swap3A, %swap3A_562] {strides = array<i32>} : memref<16x2048xf32, #tpu.memory_space<vmem>>, vector<1x16xf32>,
            %swap3A_564 = vector.shape_cast %swap3A_563 : vector<1x16xf32> to vector<16xf32>
            %swap3A_565 = vector.shape_cast %broadcast_in_dim3A_559 : vector<16xf32> to vector<1x16xf32>
            tpu.vector_store %arg11[%swap3A, %swap3A_562], %swap3A_565 {strides = array<i32>} : memref<16x2048xf32, #tpu.memory_space<vmem>>, vector<1x16xf32>,
          }
          %scan3A_553 = arith.constant 128 : i32
        }
        %while3A_546 = arith.constant 1 : i32
        scf.for %while3A_547 = %while3A_544 to %while3A_540 step %while3A_546  : i32 {
          %mul3A_548 = arith.muli %while3A_547, %while3A : i32
          %add3A_549 = arith.addi %squeeze3A_113, %mul3A_548 : i32
          %scan3A = arith.constant 0 : i32
          %scan3A_550 = arith.constant 128 : i32
          %scan3A_551 = arith.addi %scan3A, %scan3A_550 : i32
          %scan3A_552 = arith.constant 1 : i32
          scf.for %scan3A_554 = %scan3A to %scan3A_551 step %scan3A_552  : i32 {
            %mul3A_555 = arith.constant 1 : i32
            %mul3A_556 = arith.muli %scan3A_554, %mul3A_555 : i32
            %add3A_557 = arith.constant 0 : i32
            %add3A_558 = arith.addi %add3A_557, %mul3A_556 : i32
            %broadcast_in_dim3A = arith.constant 0.000000e+00 : f32
            %broadcast_in_dim3A_559 = vector.broadcast %broadcast_in_dim3A : f32 to vector<16xf32>
            %mul3A_560 = arith.constant 16 : i32
            %mul3A_561 = arith.muli %add3A_558, %mul3A_560 : i32
            %swap3A = arith.index_cast %add3A_549 : i32 to index
            %swap3A_562 = arith.index_cast %mul3A_561 : i32 to index
            %swap3A_563 = tpu.vector_load %arg11[%swap3A, %swap3A_562] {strides = array<i32>} : memref<16x2048xf32, #tpu.memory_space<vmem>>, vector<1x16xf32>,
            %swap3A_564 = vector.shape_cast %swap3A_563 : vector<1x16xf32> to vector<16xf32>
            %swap3A_565 = vector.shape_cast %broadcast_in_dim3A_559 : vector<16xf32> to vector<1x16xf32>
            tpu.vector_store %arg11[%swap3A, %swap3A_562], %swap3A_565 {strides = array<i32>} : memref<16x2048xf32, #tpu.memory_space<vmem>>, vector<1x16xf32>,
          }
          %scan3A_553 = arith.constant 128 : i32
        }
      } else {
      }
      %dma_start3A_528 = arith.constant 0 : i32
      %dma_start3A_529 = tpu.memref_slice %arg6[%add3A_117, %dma_start3A_528] : memref<16384x2048xf32, #tpu.memory_space<hbm>> -> memref<16x2048xf32, #tpu.memory_space<hbm>>
      %dma_start3A_530 = arith.constant 0 : i32
      %dma_start3A_531 = tpu.memref_slice %arg6[%add3A_117, %dma_start3A_530] : memref<16384x2048xf32, #tpu.memory_space<hbm>> -> memref<16x2048xf32, #tpu.memory_space<hbm>>
      tpu.enqueue_dma source(%arg11 : memref<16x2048xf32, #tpu.memory_space<vmem>>) target(%dma_start3A_531 : memref<16x2048xf32, #tpu.memory_space<hbm>>) target_semaphore(%arg14 : memref<!tpu.dma_semaphore, #tpu.memory_space<semaphore_mem>>)
    } else {
    }
    %eq3A_123 = arith.constant 0 : i32
    %eq3A_124 = arith.cmpi eq, %squeeze3A_113, %eq3A_123 : i32
    %convert_element_type3A_125 = arith.extui %eq3A_124 : i1 to i32
    %cond3A_126 = arith.constant 0 : i32
    %cond3A_127 = arith.cmpi ne, %convert_element_type3A_125, %cond3A_126 : i32
    scf.if %cond3A_127 {
      %dma_start3A = arith.constant 0 : i32
      %dma_start3A_512 = tpu.memref_slice %arg6[%add3A_117, %dma_start3A] : memref<16384x2048xf32, #tpu.memory_space<hbm>> -> memref<16x2048xf32, #tpu.memory_space<hbm>>
      %dma_start3A_513 = arith.constant 0 : i32
      %dma_start3A_514 = tpu.memref_slice %arg6[%add3A_117, %dma_start3A_513] : memref<16384x2048xf32, #tpu.memory_space<hbm>> -> memref<16x2048xf32, #tpu.memory_space<hbm>>
      tpu.enqueue_dma source(%arg9 : memref<16x2048xf32, #tpu.memory_space<vmem>>) target(%dma_start3A_514 : memref<16x2048xf32, #tpu.memory_space<hbm>>) target_semaphore(%arg14 : memref<!tpu.dma_semaphore, #tpu.memory_space<semaphore_mem>>)
    } else {
    }
    %slice3A_128 = vector.extract_strided_slice %get3A_2 {offsets = [8], sizes = [1], strides = [1]} : vector<16xi32> to vector<1xi32>
    %squeeze3A_129 = vector.extract %slice3A_128[0] : i32 from vector<1xi32>
    %mul3A_130 = arith.constant 16 : i32
    %mul3A_131 = arith.muli %add3A, %mul3A_130 : i32
    %add3A_132 = arith.constant 4096 : i32
    %add3A_133 = arith.addi %mul3A_131, %add3A_132 : i32
    tpu.wait_dma2 semaphore(%arg13 : memref<!tpu.dma_semaphore, #tpu.memory_space<semaphore_mem>>) src(%arg5 : memref<16x2048xf32, #tpu.memory_space<hbm>>) dst(%arg10 : memref<16x2048xf32, #tpu.memory_space<vmem>>)
    %gt3A_134 = arith.constant 0 : i32
    %gt3A_135 = arith.cmpi sgt, %squeeze3A_129, %gt3A_134 : i32
    %convert_element_type3A_136 = arith.extui %gt3A_135 : i1 to i32
    %cond3A_137 = arith.constant 0 : i32
    %cond3A_138 = arith.cmpi ne, %convert_element_type3A_136, %cond3A_137 : i32
    scf.if %cond3A_138 {
      %dma_start3A = arith.constant 8 : i32
      %dma_start3A_512 = arith.constant 0 : i32
      %dma_start3A_513 = tpu.memref_slice %arg7[%dma_start3A, %dma_start3A_512] : memref<32x16xi32, #tpu.memory_space<vmem>> -> memref<1x16xi32, #tpu.memory_space<vmem>>
      %dma_start3A_514 = tpu.memref_squeeze %dma_start3A_513 : memref<1x16xi32, #tpu.memory_space<vmem>> -> memref<16xi32, #tpu.memory_space<vmem>>
      %dma_start3A_515 = arith.constant 0 : i32
      %dma_start3A_516 = arith.constant 0 : i32
      %dma_start3A_517 = tpu.memref_slice %arg2[%dma_start3A_515, %dma_start3A_516] : memref<8192x2048xf32, #tpu.memory_space<hbm>> -> memref<8192x2048xf32, #tpu.memory_space<hbm>>
      tpu.enqueue_indirect_dma source(%dma_start3A_517 : memref<8192x2048xf32, #tpu.memory_space<hbm>>) target(%arg10 : memref<16x2048xf32, #tpu.memory_space<vmem>>) offsets(%dma_start3A_514 : memref<16xi32, #tpu.memory_space<vmem>>) semaphore(%arg12 : memref<!tpu.dma_semaphore, #tpu.memory_space<semaphore_mem>>)
      %dma_wait3A = arith.constant 8 : i32
      %dma_wait3A_518 = arith.constant 0 : i32
      %dma_wait3A_519 = tpu.memref_slice %arg7[%dma_wait3A, %dma_wait3A_518] : memref<32x16xi32, #tpu.memory_space<vmem>> -> memref<1x16xi32, #tpu.memory_space<vmem>>
      %dma_wait3A_520 = tpu.memref_squeeze %dma_wait3A_519 : memref<1x16xi32, #tpu.memory_space<vmem>> -> memref<16xi32, #tpu.memory_space<vmem>>
      %dma_wait3A_521 = arith.constant 0 : i32
      %dma_wait3A_522 = arith.constant 0 : i32
      %dma_wait3A_523 = tpu.memref_slice %arg2[%dma_wait3A_521, %dma_wait3A_522] : memref<8192x2048xf32, #tpu.memory_space<hbm>> -> memref<8192x2048xf32, #tpu.memory_space<hbm>>
      tpu.wait_indirect_dma semaphore(%arg12 : memref<!tpu.dma_semaphore, #tpu.memory_space<semaphore_mem>>) src(%dma_wait3A_523 : memref<8192x2048xf32, #tpu.memory_space<hbm>>) dst(%arg10 : memref<16x2048xf32, #tpu.memory_space<vmem>>)
      %lt3A = arith.constant 16 : i32
      %lt3A_524 = arith.cmpi slt, %squeeze3A_129, %lt3A : i32
      %convert_element_type3A_525 = arith.extui %lt3A_524 : i1 to i32
      %cond3A_526 = arith.constant 0 : i32
      %cond3A_527 = arith.cmpi ne, %convert_element_type3A_525, %cond3A_526 : i32
      scf.if %cond3A_527 {
        %sub3A = arith.constant 16 : i32
        %sub3A_532 = arith.subi %sub3A, %squeeze3A_129 : i32
        %sub3A_533 = arith.constant 1 : i32
        %sub3A_534 = arith.constant 1 : i32
        %sub3A_535 = arith.subi %sub3A_533, %sub3A_534 : i32
        %add3A_536 = arith.addi %sub3A_532, %sub3A_535 : i32
        %div3A = arith.constant 1 : i32
        %div3A_537 = arith.divsi %add3A_536, %div3A : i32
        %while3A = arith.constant 1 : i32
        %while3A_538 = arith.constant 0 : i32
        %while3A_539 = arith.subi %div3A_537, %while3A_538 : i32
        %while3A_540 = arith.addi %while3A_538, %while3A_539 : i32
        %while3A_541 = arith.constant 1 : i32
        %while3A_542 = arith.divsi %while3A_539, %while3A_541 : i32
        %while3A_543 = arith.muli %while3A_542, %while3A_541 : i32
        %while3A_544 = arith.addi %while3A_538, %while3A_543 : i32
        %while3A_545 = arith.constant 1 : i32
        scf.for %while3A_547 = %while3A_538 to %while3A_544 step %while3A_545  : i32 {
          %mul3A_548 = arith.muli %while3A_547, %while3A : i32
          %add3A_549 = arith.addi %squeeze3A_129, %mul3A_548 : i32
          %scan3A = arith.constant 0 : i32
          %scan3A_550 = arith.constant 128 : i32
          %scan3A_551 = arith.addi %scan3A, %scan3A_550 : i32
          %scan3A_552 = arith.constant 1 : i32
          scf.for %scan3A_554 = %scan3A to %scan3A_551 step %scan3A_552  : i32 {
            %mul3A_555 = arith.constant 1 : i32
            %mul3A_556 = arith.muli %scan3A_554, %mul3A_555 : i32
            %add3A_557 = arith.constant 0 : i32
            %add3A_558 = arith.addi %add3A_557, %mul3A_556 : i32
            %broadcast_in_dim3A = arith.constant 0.000000e+00 : f32
            %broadcast_in_dim3A_559 = vector.broadcast %broadcast_in_dim3A : f32 to vector<16xf32>
            %mul3A_560 = arith.constant 16 : i32
            %mul3A_561 = arith.muli %add3A_558, %mul3A_560 : i32
            %swap3A = arith.index_cast %add3A_549 : i32 to index
            %swap3A_562 = arith.index_cast %mul3A_561 : i32 to index
            %swap3A_563 = tpu.vector_load %arg10[%swap3A, %swap3A_562] {strides = array<i32>} : memref<16x2048xf32, #tpu.memory_space<vmem>>, vector<1x16xf32>,
            %swap3A_564 = vector.shape_cast %swap3A_563 : vector<1x16xf32> to vector<16xf32>
            %swap3A_565 = vector.shape_cast %broadcast_in_dim3A_559 : vector<16xf32> to vector<1x16xf32>
            tpu.vector_store %arg10[%swap3A, %swap3A_562], %swap3A_565 {strides = array<i32>} : memref<16x2048xf32, #tpu.memory_space<vmem>>, vector<1x16xf32>,
          }
          %scan3A_553 = arith.constant 128 : i32
        }
        %while3A_546 = arith.constant 1 : i32
        scf.for %while3A_547 = %while3A_544 to %while3A_540 step %while3A_546  : i32 {
          %mul3A_548 = arith.muli %while3A_547, %while3A : i32
          %add3A_549 = arith.addi %squeeze3A_129, %mul3A_548 : i32
          %scan3A = arith.constant 0 : i32
          %scan3A_550 = arith.constant 128 : i32
          %scan3A_551 = arith.addi %scan3A, %scan3A_550 : i32
          %scan3A_552 = arith.constant 1 : i32
          scf.for %scan3A_554 = %scan3A to %scan3A_551 step %scan3A_552  : i32 {
            %mul3A_555 = arith.constant 1 : i32
            %mul3A_556 = arith.muli %scan3A_554, %mul3A_555 : i32
            %add3A_557 = arith.constant 0 : i32
            %add3A_558 = arith.addi %add3A_557, %mul3A_556 : i32
            %broadcast_in_dim3A = arith.constant 0.000000e+00 : f32
            %broadcast_in_dim3A_559 = vector.broadcast %broadcast_in_dim3A : f32 to vector<16xf32>
            %mul3A_560 = arith.constant 16 : i32
            %mul3A_561 = arith.muli %add3A_558, %mul3A_560 : i32
            %swap3A = arith.index_cast %add3A_549 : i32 to index
            %swap3A_562 = arith.index_cast %mul3A_561 : i32 to index
            %swap3A_563 = tpu.vector_load %arg10[%swap3A, %swap3A_562] {strides = array<i32>} : memref<16x2048xf32, #tpu.memory_space<vmem>>, vector<1x16xf32>,
            %swap3A_564 = vector.shape_cast %swap3A_563 : vector<1x16xf32> to vector<16xf32>
            %swap3A_565 = vector.shape_cast %broadcast_in_dim3A_559 : vector<16xf32> to vector<1x16xf32>
            tpu.vector_store %arg10[%swap3A, %swap3A_562], %swap3A_565 {strides = array<i32>} : memref<16x2048xf32, #tpu.memory_space<vmem>>, vector<1x16xf32>,
          }
          %scan3A_553 = arith.constant 128 : i32
        }
      } else {
      }
      %dma_start3A_528 = arith.constant 0 : i32
      %dma_start3A_529 = tpu.memref_slice %arg6[%add3A_133, %dma_start3A_528] : memref<16384x2048xf32, #tpu.memory_space<hbm>> -> memref<16x2048xf32, #tpu.memory_space<hbm>>
      %dma_start3A_530 = arith.constant 0 : i32
      %dma_start3A_531 = tpu.memref_slice %arg6[%add3A_133, %dma_start3A_530] : memref<16384x2048xf32, #tpu.memory_space<hbm>> -> memref<16x2048xf32, #tpu.memory_space<hbm>>
      tpu.enqueue_dma source(%arg10 : memref<16x2048xf32, #tpu.memory_space<vmem>>) target(%dma_start3A_531 : memref<16x2048xf32, #tpu.memory_space<hbm>>) target_semaphore(%arg13 : memref<!tpu.dma_semaphore, #tpu.memory_space<semaphore_mem>>)
    } else {
    }
    %eq3A_139 = arith.constant 0 : i32
    %eq3A_140 = arith.cmpi eq, %squeeze3A_129, %eq3A_139 : i32
    %convert_element_type3A_141 = arith.extui %eq3A_140 : i1 to i32
    %cond3A_142 = arith.constant 0 : i32
    %cond3A_143 = arith.cmpi ne, %convert_element_type3A_141, %cond3A_142 : i32
    scf.if %cond3A_143 {
      %dma_start3A = arith.constant 0 : i32
      %dma_start3A_512 = tpu.memref_slice %arg6[%add3A_133, %dma_start3A] : memref<16384x2048xf32, #tpu.memory_space<hbm>> -> memref<16x2048xf32, #tpu.memory_space<hbm>>
      %dma_start3A_513 = arith.constant 0 : i32
      %dma_start3A_514 = tpu.memref_slice %arg6[%add3A_133, %dma_start3A_513] : memref<16384x2048xf32, #tpu.memory_space<hbm>> -> memref<16x2048xf32, #tpu.memory_space<hbm>>
      tpu.enqueue_dma source(%arg9 : memref<16x2048xf32, #tpu.memory_space<vmem>>) target(%dma_start3A_514 : memref<16x2048xf32, #tpu.memory_space<hbm>>) target_semaphore(%arg13 : memref<!tpu.dma_semaphore, #tpu.memory_space<semaphore_mem>>)
    } else {
    }
    %slice3A_144 = vector.extract_strided_slice %get3A_2 {offsets = [9], sizes = [1], strides = [1]} : vector<16xi32> to vector<1xi32>
    %squeeze3A_145 = vector.extract %slice3A_144[0] : i32 from vector<1xi32>
    %mul3A_146 = arith.constant 16 : i32
    %mul3A_147 = arith.muli %add3A, %mul3A_146 : i32
    %add3A_148 = arith.constant 4608 : i32
    %add3A_149 = arith.addi %mul3A_147, %add3A_148 : i32
    tpu.wait_dma2 semaphore(%arg14 : memref<!tpu.dma_semaphore, #tpu.memory_space<semaphore_mem>>) src(%arg5 : memref<16x2048xf32, #tpu.memory_space<hbm>>) dst(%arg11 : memref<16x2048xf32, #tpu.memory_space<vmem>>)
    %gt3A_150 = arith.constant 0 : i32
    %gt3A_151 = arith.cmpi sgt, %squeeze3A_145, %gt3A_150 : i32
    %convert_element_type3A_152 = arith.extui %gt3A_151 : i1 to i32
    %cond3A_153 = arith.constant 0 : i32
    %cond3A_154 = arith.cmpi ne, %convert_element_type3A_152, %cond3A_153 : i32
    scf.if %cond3A_154 {
      %dma_start3A = arith.constant 9 : i32
      %dma_start3A_512 = arith.constant 0 : i32
      %dma_start3A_513 = tpu.memref_slice %arg7[%dma_start3A, %dma_start3A_512] : memref<32x16xi32, #tpu.memory_space<vmem>> -> memref<1x16xi32, #tpu.memory_space<vmem>>
      %dma_start3A_514 = tpu.memref_squeeze %dma_start3A_513 : memref<1x16xi32, #tpu.memory_space<vmem>> -> memref<16xi32, #tpu.memory_space<vmem>>
      %dma_start3A_515 = arith.constant 0 : i32
      %dma_start3A_516 = arith.constant 0 : i32
      %dma_start3A_517 = tpu.memref_slice %arg2[%dma_start3A_515, %dma_start3A_516] : memref<8192x2048xf32, #tpu.memory_space<hbm>> -> memref<8192x2048xf32, #tpu.memory_space<hbm>>
      tpu.enqueue_indirect_dma source(%dma_start3A_517 : memref<8192x2048xf32, #tpu.memory_space<hbm>>) target(%arg11 : memref<16x2048xf32, #tpu.memory_space<vmem>>) offsets(%dma_start3A_514 : memref<16xi32, #tpu.memory_space<vmem>>) semaphore(%arg12 : memref<!tpu.dma_semaphore, #tpu.memory_space<semaphore_mem>>)
      %dma_wait3A = arith.constant 9 : i32
      %dma_wait3A_518 = arith.constant 0 : i32
      %dma_wait3A_519 = tpu.memref_slice %arg7[%dma_wait3A, %dma_wait3A_518] : memref<32x16xi32, #tpu.memory_space<vmem>> -> memref<1x16xi32, #tpu.memory_space<vmem>>
      %dma_wait3A_520 = tpu.memref_squeeze %dma_wait3A_519 : memref<1x16xi32, #tpu.memory_space<vmem>> -> memref<16xi32, #tpu.memory_space<vmem>>
      %dma_wait3A_521 = arith.constant 0 : i32
      %dma_wait3A_522 = arith.constant 0 : i32
      %dma_wait3A_523 = tpu.memref_slice %arg2[%dma_wait3A_521, %dma_wait3A_522] : memref<8192x2048xf32, #tpu.memory_space<hbm>> -> memref<8192x2048xf32, #tpu.memory_space<hbm>>
      tpu.wait_indirect_dma semaphore(%arg12 : memref<!tpu.dma_semaphore, #tpu.memory_space<semaphore_mem>>) src(%dma_wait3A_523 : memref<8192x2048xf32, #tpu.memory_space<hbm>>) dst(%arg11 : memref<16x2048xf32, #tpu.memory_space<vmem>>)
      %lt3A = arith.constant 16 : i32
      %lt3A_524 = arith.cmpi slt, %squeeze3A_145, %lt3A : i32
      %convert_element_type3A_525 = arith.extui %lt3A_524 : i1 to i32
      %cond3A_526 = arith.constant 0 : i32
      %cond3A_527 = arith.cmpi ne, %convert_element_type3A_525, %cond3A_526 : i32
      scf.if %cond3A_527 {
        %sub3A = arith.constant 16 : i32
        %sub3A_532 = arith.subi %sub3A, %squeeze3A_145 : i32
        %sub3A_533 = arith.constant 1 : i32
        %sub3A_534 = arith.constant 1 : i32
        %sub3A_535 = arith.subi %sub3A_533, %sub3A_534 : i32
        %add3A_536 = arith.addi %sub3A_532, %sub3A_535 : i32
        %div3A = arith.constant 1 : i32
        %div3A_537 = arith.divsi %add3A_536, %div3A : i32
        %while3A = arith.constant 1 : i32
        %while3A_538 = arith.constant 0 : i32
        %while3A_539 = arith.subi %div3A_537, %while3A_538 : i32
        %while3A_540 = arith.addi %while3A_538, %while3A_539 : i32
        %while3A_541 = arith.constant 1 : i32
        %while3A_542 = arith.divsi %while3A_539, %while3A_541 : i32
        %while3A_543 = arith.muli %while3A_542, %while3A_541 : i32
        %while3A_544 = arith.addi %while3A_538, %while3A_543 : i32
        %while3A_545 = arith.constant 1 : i32
        scf.for %while3A_547 = %while3A_538 to %while3A_544 step %while3A_545  : i32 {
          %mul3A_548 = arith.muli %while3A_547, %while3A : i32
          %add3A_549 = arith.addi %squeeze3A_145, %mul3A_548 : i32
          %scan3A = arith.constant 0 : i32
          %scan3A_550 = arith.constant 128 : i32
          %scan3A_551 = arith.addi %scan3A, %scan3A_550 : i32
          %scan3A_552 = arith.constant 1 : i32
          scf.for %scan3A_554 = %scan3A to %scan3A_551 step %scan3A_552  : i32 {
            %mul3A_555 = arith.constant 1 : i32
            %mul3A_556 = arith.muli %scan3A_554, %mul3A_555 : i32
            %add3A_557 = arith.constant 0 : i32
            %add3A_558 = arith.addi %add3A_557, %mul3A_556 : i32
            %broadcast_in_dim3A = arith.constant 0.000000e+00 : f32
            %broadcast_in_dim3A_559 = vector.broadcast %broadcast_in_dim3A : f32 to vector<16xf32>
            %mul3A_560 = arith.constant 16 : i32
            %mul3A_561 = arith.muli %add3A_558, %mul3A_560 : i32
            %swap3A = arith.index_cast %add3A_549 : i32 to index
            %swap3A_562 = arith.index_cast %mul3A_561 : i32 to index
            %swap3A_563 = tpu.vector_load %arg11[%swap3A, %swap3A_562] {strides = array<i32>} : memref<16x2048xf32, #tpu.memory_space<vmem>>, vector<1x16xf32>,
            %swap3A_564 = vector.shape_cast %swap3A_563 : vector<1x16xf32> to vector<16xf32>
            %swap3A_565 = vector.shape_cast %broadcast_in_dim3A_559 : vector<16xf32> to vector<1x16xf32>
            tpu.vector_store %arg11[%swap3A, %swap3A_562], %swap3A_565 {strides = array<i32>} : memref<16x2048xf32, #tpu.memory_space<vmem>>, vector<1x16xf32>,
          }
          %scan3A_553 = arith.constant 128 : i32
        }
        %while3A_546 = arith.constant 1 : i32
        scf.for %while3A_547 = %while3A_544 to %while3A_540 step %while3A_546  : i32 {
          %mul3A_548 = arith.muli %while3A_547, %while3A : i32
          %add3A_549 = arith.addi %squeeze3A_145, %mul3A_548 : i32
          %scan3A = arith.constant 0 : i32
          %scan3A_550 = arith.constant 128 : i32
          %scan3A_551 = arith.addi %scan3A, %scan3A_550 : i32
          %scan3A_552 = arith.constant 1 : i32
          scf.for %scan3A_554 = %scan3A to %scan3A_551 step %scan3A_552  : i32 {
            %mul3A_555 = arith.constant 1 : i32
            %mul3A_556 = arith.muli %scan3A_554, %mul3A_555 : i32
            %add3A_557 = arith.constant 0 : i32
            %add3A_558 = arith.addi %add3A_557, %mul3A_556 : i32
            %broadcast_in_dim3A = arith.constant 0.000000e+00 : f32
            %broadcast_in_dim3A_559 = vector.broadcast %broadcast_in_dim3A : f32 to vector<16xf32>
            %mul3A_560 = arith.constant 16 : i32
            %mul3A_561 = arith.muli %add3A_558, %mul3A_560 : i32
            %swap3A = arith.index_cast %add3A_549 : i32 to index
            %swap3A_562 = arith.index_cast %mul3A_561 : i32 to index
            %swap3A_563 = tpu.vector_load %arg11[%swap3A, %swap3A_562] {strides = array<i32>} : memref<16x2048xf32, #tpu.memory_space<vmem>>, vector<1x16xf32>,
            %swap3A_564 = vector.shape_cast %swap3A_563 : vector<1x16xf32> to vector<16xf32>
            %swap3A_565 = vector.shape_cast %broadcast_in_dim3A_559 : vector<16xf32> to vector<1x16xf32>
            tpu.vector_store %arg11[%swap3A, %swap3A_562], %swap3A_565 {strides = array<i32>} : memref<16x2048xf32, #tpu.memory_space<vmem>>, vector<1x16xf32>,
          }
          %scan3A_553 = arith.constant 128 : i32
        }
      } else {
      }
      %dma_start3A_528 = arith.constant 0 : i32
      %dma_start3A_529 = tpu.memref_slice %arg6[%add3A_149, %dma_start3A_528] : memref<16384x2048xf32, #tpu.memory_space<hbm>> -> memref<16x2048xf32, #tpu.memory_space<hbm>>
      %dma_start3A_530 = arith.constant 0 : i32
      %dma_start3A_531 = tpu.memref_slice %arg6[%add3A_149, %dma_start3A_530] : memref<16384x2048xf32, #tpu.memory_space<hbm>> -> memref<16x2048xf32, #tpu.memory_space<hbm>>
      tpu.enqueue_dma source(%arg11 : memref<16x2048xf32, #tpu.memory_space<vmem>>) target(%dma_start3A_531 : memref<16x2048xf32, #tpu.memory_space<hbm>>) target_semaphore(%arg14 : memref<!tpu.dma_semaphore, #tpu.memory_space<semaphore_mem>>)
    } else {
    }
    %eq3A_155 = arith.constant 0 : i32
    %eq3A_156 = arith.cmpi eq, %squeeze3A_145, %eq3A_155 : i32
    %convert_element_type3A_157 = arith.extui %eq3A_156 : i1 to i32
    %cond3A_158 = arith.constant 0 : i32
    %cond3A_159 = arith.cmpi ne, %convert_element_type3A_157, %cond3A_158 : i32
    scf.if %cond3A_159 {
      %dma_start3A = arith.constant 0 : i32
      %dma_start3A_512 = tpu.memref_slice %arg6[%add3A_149, %dma_start3A] : memref<16384x2048xf32, #tpu.memory_space<hbm>> -> memref<16x2048xf32, #tpu.memory_space<hbm>>
      %dma_start3A_513 = arith.constant 0 : i32
      %dma_start3A_514 = tpu.memref_slice %arg6[%add3A_149, %dma_start3A_513] : memref<16384x2048xf32, #tpu.memory_space<hbm>> -> memref<16x2048xf32, #tpu.memory_space<hbm>>
      tpu.enqueue_dma source(%arg9 : memref<16x2048xf32, #tpu.memory_space<vmem>>) target(%dma_start3A_514 : memref<16x2048xf32, #tpu.memory_space<hbm>>) target_semaphore(%arg14 : memref<!tpu.dma_semaphore, #tpu.memory_space<semaphore_mem>>)
    } else {
    }
    %slice3A_160 = vector.extract_strided_slice %get3A_2 {offsets = [10], sizes = [1], strides = [1]} : vector<16xi32> to vector<1xi32>
    %squeeze3A_161 = vector.extract %slice3A_160[0] : i32 from vector<1xi32>
    %mul3A_162 = arith.constant 16 : i32
    %mul3A_163 = arith.muli %add3A, %mul3A_162 : i32
    %add3A_164 = arith.constant 5120 : i32
    %add3A_165 = arith.addi %mul3A_163, %add3A_164 : i32
    tpu.wait_dma2 semaphore(%arg13 : memref<!tpu.dma_semaphore, #tpu.memory_space<semaphore_mem>>) src(%arg5 : memref<16x2048xf32, #tpu.memory_space<hbm>>) dst(%arg10 : memref<16x2048xf32, #tpu.memory_space<vmem>>)
    %gt3A_166 = arith.constant 0 : i32
    %gt3A_167 = arith.cmpi sgt, %squeeze3A_161, %gt3A_166 : i32
    %convert_element_type3A_168 = arith.extui %gt3A_167 : i1 to i32
    %cond3A_169 = arith.constant 0 : i32
    %cond3A_170 = arith.cmpi ne, %convert_element_type3A_168, %cond3A_169 : i32
    scf.if %cond3A_170 {
      %dma_start3A = arith.constant 10 : i32
      %dma_start3A_512 = arith.constant 0 : i32
      %dma_start3A_513 = tpu.memref_slice %arg7[%dma_start3A, %dma_start3A_512] : memref<32x16xi32, #tpu.memory_space<vmem>> -> memref<1x16xi32, #tpu.memory_space<vmem>>
      %dma_start3A_514 = tpu.memref_squeeze %dma_start3A_513 : memref<1x16xi32, #tpu.memory_space<vmem>> -> memref<16xi32, #tpu.memory_space<vmem>>
      %dma_start3A_515 = arith.constant 0 : i32
      %dma_start3A_516 = arith.constant 0 : i32
      %dma_start3A_517 = tpu.memref_slice %arg2[%dma_start3A_515, %dma_start3A_516] : memref<8192x2048xf32, #tpu.memory_space<hbm>> -> memref<8192x2048xf32, #tpu.memory_space<hbm>>
      tpu.enqueue_indirect_dma source(%dma_start3A_517 : memref<8192x2048xf32, #tpu.memory_space<hbm>>) target(%arg10 : memref<16x2048xf32, #tpu.memory_space<vmem>>) offsets(%dma_start3A_514 : memref<16xi32, #tpu.memory_space<vmem>>) semaphore(%arg12 : memref<!tpu.dma_semaphore, #tpu.memory_space<semaphore_mem>>)
      %dma_wait3A = arith.constant 10 : i32
      %dma_wait3A_518 = arith.constant 0 : i32
      %dma_wait3A_519 = tpu.memref_slice %arg7[%dma_wait3A, %dma_wait3A_518] : memref<32x16xi32, #tpu.memory_space<vmem>> -> memref<1x16xi32, #tpu.memory_space<vmem>>
      %dma_wait3A_520 = tpu.memref_squeeze %dma_wait3A_519 : memref<1x16xi32, #tpu.memory_space<vmem>> -> memref<16xi32, #tpu.memory_space<vmem>>
      %dma_wait3A_521 = arith.constant 0 : i32
      %dma_wait3A_522 = arith.constant 0 : i32
      %dma_wait3A_523 = tpu.memref_slice %arg2[%dma_wait3A_521, %dma_wait3A_522] : memref<8192x2048xf32, #tpu.memory_space<hbm>> -> memref<8192x2048xf32, #tpu.memory_space<hbm>>
      tpu.wait_indirect_dma semaphore(%arg12 : memref<!tpu.dma_semaphore, #tpu.memory_space<semaphore_mem>>) src(%dma_wait3A_523 : memref<8192x2048xf32, #tpu.memory_space<hbm>>) dst(%arg10 : memref<16x2048xf32, #tpu.memory_space<vmem>>)
      %lt3A = arith.constant 16 : i32
      %lt3A_524 = arith.cmpi slt, %squeeze3A_161, %lt3A : i32
      %convert_element_type3A_525 = arith.extui %lt3A_524 : i1 to i32
      %cond3A_526 = arith.constant 0 : i32
      %cond3A_527 = arith.cmpi ne, %convert_element_type3A_525, %cond3A_526 : i32
      scf.if %cond3A_527 {
        %sub3A = arith.constant 16 : i32
        %sub3A_532 = arith.subi %sub3A, %squeeze3A_161 : i32
        %sub3A_533 = arith.constant 1 : i32
        %sub3A_534 = arith.constant 1 : i32
        %sub3A_535 = arith.subi %sub3A_533, %sub3A_534 : i32
        %add3A_536 = arith.addi %sub3A_532, %sub3A_535 : i32
        %div3A = arith.constant 1 : i32
        %div3A_537 = arith.divsi %add3A_536, %div3A : i32
        %while3A = arith.constant 1 : i32
        %while3A_538 = arith.constant 0 : i32
        %while3A_539 = arith.subi %div3A_537, %while3A_538 : i32
        %while3A_540 = arith.addi %while3A_538, %while3A_539 : i32
        %while3A_541 = arith.constant 1 : i32
        %while3A_542 = arith.divsi %while3A_539, %while3A_541 : i32
        %while3A_543 = arith.muli %while3A_542, %while3A_541 : i32
        %while3A_544 = arith.addi %while3A_538, %while3A_543 : i32
        %while3A_545 = arith.constant 1 : i32
        scf.for %while3A_547 = %while3A_538 to %while3A_544 step %while3A_545  : i32 {
          %mul3A_548 = arith.muli %while3A_547, %while3A : i32
          %add3A_549 = arith.addi %squeeze3A_161, %mul3A_548 : i32
          %scan3A = arith.constant 0 : i32
          %scan3A_550 = arith.constant 128 : i32
          %scan3A_551 = arith.addi %scan3A, %scan3A_550 : i32
          %scan3A_552 = arith.constant 1 : i32
          scf.for %scan3A_554 = %scan3A to %scan3A_551 step %scan3A_552  : i32 {
            %mul3A_555 = arith.constant 1 : i32
            %mul3A_556 = arith.muli %scan3A_554, %mul3A_555 : i32
            %add3A_557 = arith.constant 0 : i32
            %add3A_558 = arith.addi %add3A_557, %mul3A_556 : i32
            %broadcast_in_dim3A = arith.constant 0.000000e+00 : f32
            %broadcast_in_dim3A_559 = vector.broadcast %broadcast_in_dim3A : f32 to vector<16xf32>
            %mul3A_560 = arith.constant 16 : i32
            %mul3A_561 = arith.muli %add3A_558, %mul3A_560 : i32
            %swap3A = arith.index_cast %add3A_549 : i32 to index
            %swap3A_562 = arith.index_cast %mul3A_561 : i32 to index
            %swap3A_563 = tpu.vector_load %arg10[%swap3A, %swap3A_562] {strides = array<i32>} : memref<16x2048xf32, #tpu.memory_space<vmem>>, vector<1x16xf32>,
            %swap3A_564 = vector.shape_cast %swap3A_563 : vector<1x16xf32> to vector<16xf32>
            %swap3A_565 = vector.shape_cast %broadcast_in_dim3A_559 : vector<16xf32> to vector<1x16xf32>
            tpu.vector_store %arg10[%swap3A, %swap3A_562], %swap3A_565 {strides = array<i32>} : memref<16x2048xf32, #tpu.memory_space<vmem>>, vector<1x16xf32>,
          }
          %scan3A_553 = arith.constant 128 : i32
        }
        %while3A_546 = arith.constant 1 : i32
        scf.for %while3A_547 = %while3A_544 to %while3A_540 step %while3A_546  : i32 {
          %mul3A_548 = arith.muli %while3A_547, %while3A : i32
          %add3A_549 = arith.addi %squeeze3A_161, %mul3A_548 : i32
          %scan3A = arith.constant 0 : i32
          %scan3A_550 = arith.constant 128 : i32
          %scan3A_551 = arith.addi %scan3A, %scan3A_550 : i32
          %scan3A_552 = arith.constant 1 : i32
          scf.for %scan3A_554 = %scan3A to %scan3A_551 step %scan3A_552  : i32 {
            %mul3A_555 = arith.constant 1 : i32
            %mul3A_556 = arith.muli %scan3A_554, %mul3A_555 : i32
            %add3A_557 = arith.constant 0 : i32
            %add3A_558 = arith.addi %add3A_557, %mul3A_556 : i32
            %broadcast_in_dim3A = arith.constant 0.000000e+00 : f32
            %broadcast_in_dim3A_559 = vector.broadcast %broadcast_in_dim3A : f32 to vector<16xf32>
            %mul3A_560 = arith.constant 16 : i32
            %mul3A_561 = arith.muli %add3A_558, %mul3A_560 : i32
            %swap3A = arith.index_cast %add3A_549 : i32 to index
            %swap3A_562 = arith.index_cast %mul3A_561 : i32 to index
            %swap3A_563 = tpu.vector_load %arg10[%swap3A, %swap3A_562] {strides = array<i32>} : memref<16x2048xf32, #tpu.memory_space<vmem>>, vector<1x16xf32>,
            %swap3A_564 = vector.shape_cast %swap3A_563 : vector<1x16xf32> to vector<16xf32>
            %swap3A_565 = vector.shape_cast %broadcast_in_dim3A_559 : vector<16xf32> to vector<1x16xf32>
            tpu.vector_store %arg10[%swap3A, %swap3A_562], %swap3A_565 {strides = array<i32>} : memref<16x2048xf32, #tpu.memory_space<vmem>>, vector<1x16xf32>,
          }
          %scan3A_553 = arith.constant 128 : i32
        }
      } else {
      }
      %dma_start3A_528 = arith.constant 0 : i32
      %dma_start3A_529 = tpu.memref_slice %arg6[%add3A_165, %dma_start3A_528] : memref<16384x2048xf32, #tpu.memory_space<hbm>> -> memref<16x2048xf32, #tpu.memory_space<hbm>>
      %dma_start3A_530 = arith.constant 0 : i32
      %dma_start3A_531 = tpu.memref_slice %arg6[%add3A_165, %dma_start3A_530] : memref<16384x2048xf32, #tpu.memory_space<hbm>> -> memref<16x2048xf32, #tpu.memory_space<hbm>>
      tpu.enqueue_dma source(%arg10 : memref<16x2048xf32, #tpu.memory_space<vmem>>) target(%dma_start3A_531 : memref<16x2048xf32, #tpu.memory_space<hbm>>) target_semaphore(%arg13 : memref<!tpu.dma_semaphore, #tpu.memory_space<semaphore_mem>>)
    } else {
    }
    %eq3A_171 = arith.constant 0 : i32
    %eq3A_172 = arith.cmpi eq, %squeeze3A_161, %eq3A_171 : i32
    %convert_element_type3A_173 = arith.extui %eq3A_172 : i1 to i32
    %cond3A_174 = arith.constant 0 : i32
    %cond3A_175 = arith.cmpi ne, %convert_element_type3A_173, %cond3A_174 : i32
    scf.if %cond3A_175 {
      %dma_start3A = arith.constant 0 : i32
      %dma_start3A_512 = tpu.memref_slice %arg6[%add3A_165, %dma_start3A] : memref<16384x2048xf32, #tpu.memory_space<hbm>> -> memref<16x2048xf32, #tpu.memory_space<hbm>>
      %dma_start3A_513 = arith.constant 0 : i32
      %dma_start3A_514 = tpu.memref_slice %arg6[%add3A_165, %dma_start3A_513] : memref<16384x2048xf32, #tpu.memory_space<hbm>> -> memref<16x2048xf32, #tpu.memory_space<hbm>>
      tpu.enqueue_dma source(%arg9 : memref<16x2048xf32, #tpu.memory_space<vmem>>) target(%dma_start3A_514 : memref<16x2048xf32, #tpu.memory_space<hbm>>) target_semaphore(%arg13 : memref<!tpu.dma_semaphore, #tpu.memory_space<semaphore_mem>>)
    } else {
    }
    %slice3A_176 = vector.extract_strided_slice %get3A_2 {offsets = [11], sizes = [1], strides = [1]} : vector<16xi32> to vector<1xi32>
    %squeeze3A_177 = vector.extract %slice3A_176[0] : i32 from vector<1xi32>
    %mul3A_178 = arith.constant 16 : i32
    %mul3A_179 = arith.muli %add3A, %mul3A_178 : i32
    %add3A_180 = arith.constant 5632 : i32
    %add3A_181 = arith.addi %mul3A_179, %add3A_180 : i32
    tpu.wait_dma2 semaphore(%arg14 : memref<!tpu.dma_semaphore, #tpu.memory_space<semaphore_mem>>) src(%arg5 : memref<16x2048xf32, #tpu.memory_space<hbm>>) dst(%arg11 : memref<16x2048xf32, #tpu.memory_space<vmem>>)
    %gt3A_182 = arith.constant 0 : i32
    %gt3A_183 = arith.cmpi sgt, %squeeze3A_177, %gt3A_182 : i32
    %convert_element_type3A_184 = arith.extui %gt3A_183 : i1 to i32
    %cond3A_185 = arith.constant 0 : i32
    %cond3A_186 = arith.cmpi ne, %convert_element_type3A_184, %cond3A_185 : i32
    scf.if %cond3A_186 {
      %dma_start3A = arith.constant 11 : i32
      %dma_start3A_512 = arith.constant 0 : i32
      %dma_start3A_513 = tpu.memref_slice %arg7[%dma_start3A, %dma_start3A_512] : memref<32x16xi32, #tpu.memory_space<vmem>> -> memref<1x16xi32, #tpu.memory_space<vmem>>
      %dma_start3A_514 = tpu.memref_squeeze %dma_start3A_513 : memref<1x16xi32, #tpu.memory_space<vmem>> -> memref<16xi32, #tpu.memory_space<vmem>>
      %dma_start3A_515 = arith.constant 0 : i32
      %dma_start3A_516 = arith.constant 0 : i32
      %dma_start3A_517 = tpu.memref_slice %arg2[%dma_start3A_515, %dma_start3A_516] : memref<8192x2048xf32, #tpu.memory_space<hbm>> -> memref<8192x2048xf32, #tpu.memory_space<hbm>>
      tpu.enqueue_indirect_dma source(%dma_start3A_517 : memref<8192x2048xf32, #tpu.memory_space<hbm>>) target(%arg11 : memref<16x2048xf32, #tpu.memory_space<vmem>>) offsets(%dma_start3A_514 : memref<16xi32, #tpu.memory_space<vmem>>) semaphore(%arg12 : memref<!tpu.dma_semaphore, #tpu.memory_space<semaphore_mem>>)
      %dma_wait3A = arith.constant 11 : i32
      %dma_wait3A_518 = arith.constant 0 : i32
      %dma_wait3A_519 = tpu.memref_slice %arg7[%dma_wait3A, %dma_wait3A_518] : memref<32x16xi32, #tpu.memory_space<vmem>> -> memref<1x16xi32, #tpu.memory_space<vmem>>
      %dma_wait3A_520 = tpu.memref_squeeze %dma_wait3A_519 : memref<1x16xi32, #tpu.memory_space<vmem>> -> memref<16xi32, #tpu.memory_space<vmem>>
      %dma_wait3A_521 = arith.constant 0 : i32
      %dma_wait3A_522 = arith.constant 0 : i32
      %dma_wait3A_523 = tpu.memref_slice %arg2[%dma_wait3A_521, %dma_wait3A_522] : memref<8192x2048xf32, #tpu.memory_space<hbm>> -> memref<8192x2048xf32, #tpu.memory_space<hbm>>
      tpu.wait_indirect_dma semaphore(%arg12 : memref<!tpu.dma_semaphore, #tpu.memory_space<semaphore_mem>>) src(%dma_wait3A_523 : memref<8192x2048xf32, #tpu.memory_space<hbm>>) dst(%arg11 : memref<16x2048xf32, #tpu.memory_space<vmem>>)
      %lt3A = arith.constant 16 : i32
      %lt3A_524 = arith.cmpi slt, %squeeze3A_177, %lt3A : i32
      %convert_element_type3A_525 = arith.extui %lt3A_524 : i1 to i32
      %cond3A_526 = arith.constant 0 : i32
      %cond3A_527 = arith.cmpi ne, %convert_element_type3A_525, %cond3A_526 : i32
      scf.if %cond3A_527 {
        %sub3A = arith.constant 16 : i32
        %sub3A_532 = arith.subi %sub3A, %squeeze3A_177 : i32
        %sub3A_533 = arith.constant 1 : i32
        %sub3A_534 = arith.constant 1 : i32
        %sub3A_535 = arith.subi %sub3A_533, %sub3A_534 : i32
        %add3A_536 = arith.addi %sub3A_532, %sub3A_535 : i32
        %div3A = arith.constant 1 : i32
        %div3A_537 = arith.divsi %add3A_536, %div3A : i32
        %while3A = arith.constant 1 : i32
        %while3A_538 = arith.constant 0 : i32
        %while3A_539 = arith.subi %div3A_537, %while3A_538 : i32
        %while3A_540 = arith.addi %while3A_538, %while3A_539 : i32
        %while3A_541 = arith.constant 1 : i32
        %while3A_542 = arith.divsi %while3A_539, %while3A_541 : i32
        %while3A_543 = arith.muli %while3A_542, %while3A_541 : i32
        %while3A_544 = arith.addi %while3A_538, %while3A_543 : i32
        %while3A_545 = arith.constant 1 : i32
        scf.for %while3A_547 = %while3A_538 to %while3A_544 step %while3A_545  : i32 {
          %mul3A_548 = arith.muli %while3A_547, %while3A : i32
          %add3A_549 = arith.addi %squeeze3A_177, %mul3A_548 : i32
          %scan3A = arith.constant 0 : i32
          %scan3A_550 = arith.constant 128 : i32
          %scan3A_551 = arith.addi %scan3A, %scan3A_550 : i32
          %scan3A_552 = arith.constant 1 : i32
          scf.for %scan3A_554 = %scan3A to %scan3A_551 step %scan3A_552  : i32 {
            %mul3A_555 = arith.constant 1 : i32
            %mul3A_556 = arith.muli %scan3A_554, %mul3A_555 : i32
            %add3A_557 = arith.constant 0 : i32
            %add3A_558 = arith.addi %add3A_557, %mul3A_556 : i32
            %broadcast_in_dim3A = arith.constant 0.000000e+00 : f32
            %broadcast_in_dim3A_559 = vector.broadcast %broadcast_in_dim3A : f32 to vector<16xf32>
            %mul3A_560 = arith.constant 16 : i32
            %mul3A_561 = arith.muli %add3A_558, %mul3A_560 : i32
            %swap3A = arith.index_cast %add3A_549 : i32 to index
            %swap3A_562 = arith.index_cast %mul3A_561 : i32 to index
            %swap3A_563 = tpu.vector_load %arg11[%swap3A, %swap3A_562] {strides = array<i32>} : memref<16x2048xf32, #tpu.memory_space<vmem>>, vector<1x16xf32>,
            %swap3A_564 = vector.shape_cast %swap3A_563 : vector<1x16xf32> to vector<16xf32>
            %swap3A_565 = vector.shape_cast %broadcast_in_dim3A_559 : vector<16xf32> to vector<1x16xf32>
            tpu.vector_store %arg11[%swap3A, %swap3A_562], %swap3A_565 {strides = array<i32>} : memref<16x2048xf32, #tpu.memory_space<vmem>>, vector<1x16xf32>,
          }
          %scan3A_553 = arith.constant 128 : i32
        }
        %while3A_546 = arith.constant 1 : i32
        scf.for %while3A_547 = %while3A_544 to %while3A_540 step %while3A_546  : i32 {
          %mul3A_548 = arith.muli %while3A_547, %while3A : i32
          %add3A_549 = arith.addi %squeeze3A_177, %mul3A_548 : i32
          %scan3A = arith.constant 0 : i32
          %scan3A_550 = arith.constant 128 : i32
          %scan3A_551 = arith.addi %scan3A, %scan3A_550 : i32
          %scan3A_552 = arith.constant 1 : i32
          scf.for %scan3A_554 = %scan3A to %scan3A_551 step %scan3A_552  : i32 {
            %mul3A_555 = arith.constant 1 : i32
            %mul3A_556 = arith.muli %scan3A_554, %mul3A_555 : i32
            %add3A_557 = arith.constant 0 : i32
            %add3A_558 = arith.addi %add3A_557, %mul3A_556 : i32
            %broadcast_in_dim3A = arith.constant 0.000000e+00 : f32
            %broadcast_in_dim3A_559 = vector.broadcast %broadcast_in_dim3A : f32 to vector<16xf32>
            %mul3A_560 = arith.constant 16 : i32
            %mul3A_561 = arith.muli %add3A_558, %mul3A_560 : i32
            %swap3A = arith.index_cast %add3A_549 : i32 to index
            %swap3A_562 = arith.index_cast %mul3A_561 : i32 to index
            %swap3A_563 = tpu.vector_load %arg11[%swap3A, %swap3A_562] {strides = array<i32>} : memref<16x2048xf32, #tpu.memory_space<vmem>>, vector<1x16xf32>,
            %swap3A_564 = vector.shape_cast %swap3A_563 : vector<1x16xf32> to vector<16xf32>
            %swap3A_565 = vector.shape_cast %broadcast_in_dim3A_559 : vector<16xf32> to vector<1x16xf32>
            tpu.vector_store %arg11[%swap3A, %swap3A_562], %swap3A_565 {strides = array<i32>} : memref<16x2048xf32, #tpu.memory_space<vmem>>, vector<1x16xf32>,
          }
          %scan3A_553 = arith.constant 128 : i32
        }
      } else {
      }
      %dma_start3A_528 = arith.constant 0 : i32
      %dma_start3A_529 = tpu.memref_slice %arg6[%add3A_181, %dma_start3A_528] : memref<16384x2048xf32, #tpu.memory_space<hbm>> -> memref<16x2048xf32, #tpu.memory_space<hbm>>
      %dma_start3A_530 = arith.constant 0 : i32
      %dma_start3A_531 = tpu.memref_slice %arg6[%add3A_181, %dma_start3A_530] : memref<16384x2048xf32, #tpu.memory_space<hbm>> -> memref<16x2048xf32, #tpu.memory_space<hbm>>
      tpu.enqueue_dma source(%arg11 : memref<16x2048xf32, #tpu.memory_space<vmem>>) target(%dma_start3A_531 : memref<16x2048xf32, #tpu.memory_space<hbm>>) target_semaphore(%arg14 : memref<!tpu.dma_semaphore, #tpu.memory_space<semaphore_mem>>)
    } else {
    }
    %eq3A_187 = arith.constant 0 : i32
    %eq3A_188 = arith.cmpi eq, %squeeze3A_177, %eq3A_187 : i32
    %convert_element_type3A_189 = arith.extui %eq3A_188 : i1 to i32
    %cond3A_190 = arith.constant 0 : i32
    %cond3A_191 = arith.cmpi ne, %convert_element_type3A_189, %cond3A_190 : i32
    scf.if %cond3A_191 {
      %dma_start3A = arith.constant 0 : i32
      %dma_start3A_512 = tpu.memref_slice %arg6[%add3A_181, %dma_start3A] : memref<16384x2048xf32, #tpu.memory_space<hbm>> -> memref<16x2048xf32, #tpu.memory_space<hbm>>
      %dma_start3A_513 = arith.constant 0 : i32
      %dma_start3A_514 = tpu.memref_slice %arg6[%add3A_181, %dma_start3A_513] : memref<16384x2048xf32, #tpu.memory_space<hbm>> -> memref<16x2048xf32, #tpu.memory_space<hbm>>
      tpu.enqueue_dma source(%arg9 : memref<16x2048xf32, #tpu.memory_space<vmem>>) target(%dma_start3A_514 : memref<16x2048xf32, #tpu.memory_space<hbm>>) target_semaphore(%arg14 : memref<!tpu.dma_semaphore, #tpu.memory_space<semaphore_mem>>)
    } else {
    }
    %slice3A_192 = vector.extract_strided_slice %get3A_2 {offsets = [12], sizes = [1], strides = [1]} : vector<16xi32> to vector<1xi32>
    %squeeze3A_193 = vector.extract %slice3A_192[0] : i32 from vector<1xi32>
    %mul3A_194 = arith.constant 16 : i32
    %mul3A_195 = arith.muli %add3A, %mul3A_194 : i32
    %add3A_196 = arith.constant 6144 : i32
    %add3A_197 = arith.addi %mul3A_195, %add3A_196 : i32
    tpu.wait_dma2 semaphore(%arg13 : memref<!tpu.dma_semaphore, #tpu.memory_space<semaphore_mem>>) src(%arg5 : memref<16x2048xf32, #tpu.memory_space<hbm>>) dst(%arg10 : memref<16x2048xf32, #tpu.memory_space<vmem>>)
    %gt3A_198 = arith.constant 0 : i32
    %gt3A_199 = arith.cmpi sgt, %squeeze3A_193, %gt3A_198 : i32
    %convert_element_type3A_200 = arith.extui %gt3A_199 : i1 to i32
    %cond3A_201 = arith.constant 0 : i32
    %cond3A_202 = arith.cmpi ne, %convert_element_type3A_200, %cond3A_201 : i32
    scf.if %cond3A_202 {
      %dma_start3A = arith.constant 12 : i32
      %dma_start3A_512 = arith.constant 0 : i32
      %dma_start3A_513 = tpu.memref_slice %arg7[%dma_start3A, %dma_start3A_512] : memref<32x16xi32, #tpu.memory_space<vmem>> -> memref<1x16xi32, #tpu.memory_space<vmem>>
      %dma_start3A_514 = tpu.memref_squeeze %dma_start3A_513 : memref<1x16xi32, #tpu.memory_space<vmem>> -> memref<16xi32, #tpu.memory_space<vmem>>
      %dma_start3A_515 = arith.constant 0 : i32
      %dma_start3A_516 = arith.constant 0 : i32
      %dma_start3A_517 = tpu.memref_slice %arg2[%dma_start3A_515, %dma_start3A_516] : memref<8192x2048xf32, #tpu.memory_space<hbm>> -> memref<8192x2048xf32, #tpu.memory_space<hbm>>
      tpu.enqueue_indirect_dma source(%dma_start3A_517 : memref<8192x2048xf32, #tpu.memory_space<hbm>>) target(%arg10 : memref<16x2048xf32, #tpu.memory_space<vmem>>) offsets(%dma_start3A_514 : memref<16xi32, #tpu.memory_space<vmem>>) semaphore(%arg12 : memref<!tpu.dma_semaphore, #tpu.memory_space<semaphore_mem>>)
      %dma_wait3A = arith.constant 12 : i32
      %dma_wait3A_518 = arith.constant 0 : i32
      %dma_wait3A_519 = tpu.memref_slice %arg7[%dma_wait3A, %dma_wait3A_518] : memref<32x16xi32, #tpu.memory_space<vmem>> -> memref<1x16xi32, #tpu.memory_space<vmem>>
      %dma_wait3A_520 = tpu.memref_squeeze %dma_wait3A_519 : memref<1x16xi32, #tpu.memory_space<vmem>> -> memref<16xi32, #tpu.memory_space<vmem>>
      %dma_wait3A_521 = arith.constant 0 : i32
      %dma_wait3A_522 = arith.constant 0 : i32
      %dma_wait3A_523 = tpu.memref_slice %arg2[%dma_wait3A_521, %dma_wait3A_522] : memref<8192x2048xf32, #tpu.memory_space<hbm>> -> memref<8192x2048xf32, #tpu.memory_space<hbm>>
      tpu.wait_indirect_dma semaphore(%arg12 : memref<!tpu.dma_semaphore, #tpu.memory_space<semaphore_mem>>) src(%dma_wait3A_523 : memref<8192x2048xf32, #tpu.memory_space<hbm>>) dst(%arg10 : memref<16x2048xf32, #tpu.memory_space<vmem>>)
      %lt3A = arith.constant 16 : i32
      %lt3A_524 = arith.cmpi slt, %squeeze3A_193, %lt3A : i32
      %convert_element_type3A_525 = arith.extui %lt3A_524 : i1 to i32
      %cond3A_526 = arith.constant 0 : i32
      %cond3A_527 = arith.cmpi ne, %convert_element_type3A_525, %cond3A_526 : i32
      scf.if %cond3A_527 {
        %sub3A = arith.constant 16 : i32
        %sub3A_532 = arith.subi %sub3A, %squeeze3A_193 : i32
        %sub3A_533 = arith.constant 1 : i32
        %sub3A_534 = arith.constant 1 : i32
        %sub3A_535 = arith.subi %sub3A_533, %sub3A_534 : i32
        %add3A_536 = arith.addi %sub3A_532, %sub3A_535 : i32
        %div3A = arith.constant 1 : i32
        %div3A_537 = arith.divsi %add3A_536, %div3A : i32
        %while3A = arith.constant 1 : i32
        %while3A_538 = arith.constant 0 : i32
        %while3A_539 = arith.subi %div3A_537, %while3A_538 : i32
        %while3A_540 = arith.addi %while3A_538, %while3A_539 : i32
        %while3A_541 = arith.constant 1 : i32
        %while3A_542 = arith.divsi %while3A_539, %while3A_541 : i32
        %while3A_543 = arith.muli %while3A_542, %while3A_541 : i32
        %while3A_544 = arith.addi %while3A_538, %while3A_543 : i32
        %while3A_545 = arith.constant 1 : i32
        scf.for %while3A_547 = %while3A_538 to %while3A_544 step %while3A_545  : i32 {
          %mul3A_548 = arith.muli %while3A_547, %while3A : i32
          %add3A_549 = arith.addi %squeeze3A_193, %mul3A_548 : i32
          %scan3A = arith.constant 0 : i32
          %scan3A_550 = arith.constant 128 : i32
          %scan3A_551 = arith.addi %scan3A, %scan3A_550 : i32
          %scan3A_552 = arith.constant 1 : i32
          scf.for %scan3A_554 = %scan3A to %scan3A_551 step %scan3A_552  : i32 {
            %mul3A_555 = arith.constant 1 : i32
            %mul3A_556 = arith.muli %scan3A_554, %mul3A_555 : i32
            %add3A_557 = arith.constant 0 : i32
            %add3A_558 = arith.addi %add3A_557, %mul3A_556 : i32
            %broadcast_in_dim3A = arith.constant 0.000000e+00 : f32
            %broadcast_in_dim3A_559 = vector.broadcast %broadcast_in_dim3A : f32 to vector<16xf32>
            %mul3A_560 = arith.constant 16 : i32
            %mul3A_561 = arith.muli %add3A_558, %mul3A_560 : i32
            %swap3A = arith.index_cast %add3A_549 : i32 to index
            %swap3A_562 = arith.index_cast %mul3A_561 : i32 to index
            %swap3A_563 = tpu.vector_load %arg10[%swap3A, %swap3A_562] {strides = array<i32>} : memref<16x2048xf32, #tpu.memory_space<vmem>>, vector<1x16xf32>,
            %swap3A_564 = vector.shape_cast %swap3A_563 : vector<1x16xf32> to vector<16xf32>
            %swap3A_565 = vector.shape_cast %broadcast_in_dim3A_559 : vector<16xf32> to vector<1x16xf32>
            tpu.vector_store %arg10[%swap3A, %swap3A_562], %swap3A_565 {strides = array<i32>} : memref<16x2048xf32, #tpu.memory_space<vmem>>, vector<1x16xf32>,
          }
          %scan3A_553 = arith.constant 128 : i32
        }
        %while3A_546 = arith.constant 1 : i32
        scf.for %while3A_547 = %while3A_544 to %while3A_540 step %while3A_546  : i32 {
          %mul3A_548 = arith.muli %while3A_547, %while3A : i32
          %add3A_549 = arith.addi %squeeze3A_193, %mul3A_548 : i32
          %scan3A = arith.constant 0 : i32
          %scan3A_550 = arith.constant 128 : i32
          %scan3A_551 = arith.addi %scan3A, %scan3A_550 : i32
          %scan3A_552 = arith.constant 1 : i32
          scf.for %scan3A_554 = %scan3A to %scan3A_551 step %scan3A_552  : i32 {
            %mul3A_555 = arith.constant 1 : i32
            %mul3A_556 = arith.muli %scan3A_554, %mul3A_555 : i32
            %add3A_557 = arith.constant 0 : i32
            %add3A_558 = arith.addi %add3A_557, %mul3A_556 : i32
            %broadcast_in_dim3A = arith.constant 0.000000e+00 : f32
            %broadcast_in_dim3A_559 = vector.broadcast %broadcast_in_dim3A : f32 to vector<16xf32>
            %mul3A_560 = arith.constant 16 : i32
            %mul3A_561 = arith.muli %add3A_558, %mul3A_560 : i32
            %swap3A = arith.index_cast %add3A_549 : i32 to index
            %swap3A_562 = arith.index_cast %mul3A_561 : i32 to index
            %swap3A_563 = tpu.vector_load %arg10[%swap3A, %swap3A_562] {strides = array<i32>} : memref<16x2048xf32, #tpu.memory_space<vmem>>, vector<1x16xf32>,
            %swap3A_564 = vector.shape_cast %swap3A_563 : vector<1x16xf32> to vector<16xf32>
            %swap3A_565 = vector.shape_cast %broadcast_in_dim3A_559 : vector<16xf32> to vector<1x16xf32>
            tpu.vector_store %arg10[%swap3A, %swap3A_562], %swap3A_565 {strides = array<i32>} : memref<16x2048xf32, #tpu.memory_space<vmem>>, vector<1x16xf32>,
          }
          %scan3A_553 = arith.constant 128 : i32
        }
      } else {
      }
      %dma_start3A_528 = arith.constant 0 : i32
      %dma_start3A_529 = tpu.memref_slice %arg6[%add3A_197, %dma_start3A_528] : memref<16384x2048xf32, #tpu.memory_space<hbm>> -> memref<16x2048xf32, #tpu.memory_space<hbm>>
      %dma_start3A_530 = arith.constant 0 : i32
      %dma_start3A_531 = tpu.memref_slice %arg6[%add3A_197, %dma_start3A_530] : memref<16384x2048xf32, #tpu.memory_space<hbm>> -> memref<16x2048xf32, #tpu.memory_space<hbm>>
      tpu.enqueue_dma source(%arg10 : memref<16x2048xf32, #tpu.memory_space<vmem>>) target(%dma_start3A_531 : memref<16x2048xf32, #tpu.memory_space<hbm>>) target_semaphore(%arg13 : memref<!tpu.dma_semaphore, #tpu.memory_space<semaphore_mem>>)
    } else {
    }
    %eq3A_203 = arith.constant 0 : i32
    %eq3A_204 = arith.cmpi eq, %squeeze3A_193, %eq3A_203 : i32
    %convert_element_type3A_205 = arith.extui %eq3A_204 : i1 to i32
    %cond3A_206 = arith.constant 0 : i32
    %cond3A_207 = arith.cmpi ne, %convert_element_type3A_205, %cond3A_206 : i32
    scf.if %cond3A_207 {
      %dma_start3A = arith.constant 0 : i32
      %dma_start3A_512 = tpu.memref_slice %arg6[%add3A_197, %dma_start3A] : memref<16384x2048xf32, #tpu.memory_space<hbm>> -> memref<16x2048xf32, #tpu.memory_space<hbm>>
      %dma_start3A_513 = arith.constant 0 : i32
      %dma_start3A_514 = tpu.memref_slice %arg6[%add3A_197, %dma_start3A_513] : memref<16384x2048xf32, #tpu.memory_space<hbm>> -> memref<16x2048xf32, #tpu.memory_space<hbm>>
      tpu.enqueue_dma source(%arg9 : memref<16x2048xf32, #tpu.memory_space<vmem>>) target(%dma_start3A_514 : memref<16x2048xf32, #tpu.memory_space<hbm>>) target_semaphore(%arg13 : memref<!tpu.dma_semaphore, #tpu.memory_space<semaphore_mem>>)
    } else {
    }
    %slice3A_208 = vector.extract_strided_slice %get3A_2 {offsets = [13], sizes = [1], strides = [1]} : vector<16xi32> to vector<1xi32>
    %squeeze3A_209 = vector.extract %slice3A_208[0] : i32 from vector<1xi32>
    %mul3A_210 = arith.constant 16 : i32
    %mul3A_211 = arith.muli %add3A, %mul3A_210 : i32
    %add3A_212 = arith.constant 6656 : i32
    %add3A_213 = arith.addi %mul3A_211, %add3A_212 : i32
    tpu.wait_dma2 semaphore(%arg14 : memref<!tpu.dma_semaphore, #tpu.memory_space<semaphore_mem>>) src(%arg5 : memref<16x2048xf32, #tpu.memory_space<hbm>>) dst(%arg11 : memref<16x2048xf32, #tpu.memory_space<vmem>>)
    %gt3A_214 = arith.constant 0 : i32
    %gt3A_215 = arith.cmpi sgt, %squeeze3A_209, %gt3A_214 : i32
    %convert_element_type3A_216 = arith.extui %gt3A_215 : i1 to i32
    %cond3A_217 = arith.constant 0 : i32
    %cond3A_218 = arith.cmpi ne, %convert_element_type3A_216, %cond3A_217 : i32
    scf.if %cond3A_218 {
      %dma_start3A = arith.constant 13 : i32
      %dma_start3A_512 = arith.constant 0 : i32
      %dma_start3A_513 = tpu.memref_slice %arg7[%dma_start3A, %dma_start3A_512] : memref<32x16xi32, #tpu.memory_space<vmem>> -> memref<1x16xi32, #tpu.memory_space<vmem>>
      %dma_start3A_514 = tpu.memref_squeeze %dma_start3A_513 : memref<1x16xi32, #tpu.memory_space<vmem>> -> memref<16xi32, #tpu.memory_space<vmem>>
      %dma_start3A_515 = arith.constant 0 : i32
      %dma_start3A_516 = arith.constant 0 : i32
      %dma_start3A_517 = tpu.memref_slice %arg2[%dma_start3A_515, %dma_start3A_516] : memref<8192x2048xf32, #tpu.memory_space<hbm>> -> memref<8192x2048xf32, #tpu.memory_space<hbm>>
      tpu.enqueue_indirect_dma source(%dma_start3A_517 : memref<8192x2048xf32, #tpu.memory_space<hbm>>) target(%arg11 : memref<16x2048xf32, #tpu.memory_space<vmem>>) offsets(%dma_start3A_514 : memref<16xi32, #tpu.memory_space<vmem>>) semaphore(%arg12 : memref<!tpu.dma_semaphore, #tpu.memory_space<semaphore_mem>>)
      %dma_wait3A = arith.constant 13 : i32
      %dma_wait3A_518 = arith.constant 0 : i32
      %dma_wait3A_519 = tpu.memref_slice %arg7[%dma_wait3A, %dma_wait3A_518] : memref<32x16xi32, #tpu.memory_space<vmem>> -> memref<1x16xi32, #tpu.memory_space<vmem>>
      %dma_wait3A_520 = tpu.memref_squeeze %dma_wait3A_519 : memref<1x16xi32, #tpu.memory_space<vmem>> -> memref<16xi32, #tpu.memory_space<vmem>>
      %dma_wait3A_521 = arith.constant 0 : i32
      %dma_wait3A_522 = arith.constant 0 : i32
      %dma_wait3A_523 = tpu.memref_slice %arg2[%dma_wait3A_521, %dma_wait3A_522] : memref<8192x2048xf32, #tpu.memory_space<hbm>> -> memref<8192x2048xf32, #tpu.memory_space<hbm>>
      tpu.wait_indirect_dma semaphore(%arg12 : memref<!tpu.dma_semaphore, #tpu.memory_space<semaphore_mem>>) src(%dma_wait3A_523 : memref<8192x2048xf32, #tpu.memory_space<hbm>>) dst(%arg11 : memref<16x2048xf32, #tpu.memory_space<vmem>>)
      %lt3A = arith.constant 16 : i32
      %lt3A_524 = arith.cmpi slt, %squeeze3A_209, %lt3A : i32
      %convert_element_type3A_525 = arith.extui %lt3A_524 : i1 to i32
      %cond3A_526 = arith.constant 0 : i32
      %cond3A_527 = arith.cmpi ne, %convert_element_type3A_525, %cond3A_526 : i32
      scf.if %cond3A_527 {
        %sub3A = arith.constant 16 : i32
        %sub3A_532 = arith.subi %sub3A, %squeeze3A_209 : i32
        %sub3A_533 = arith.constant 1 : i32
        %sub3A_534 = arith.constant 1 : i32
        %sub3A_535 = arith.subi %sub3A_533, %sub3A_534 : i32
        %add3A_536 = arith.addi %sub3A_532, %sub3A_535 : i32
        %div3A = arith.constant 1 : i32
        %div3A_537 = arith.divsi %add3A_536, %div3A : i32
        %while3A = arith.constant 1 : i32
        %while3A_538 = arith.constant 0 : i32
        %while3A_539 = arith.subi %div3A_537, %while3A_538 : i32
        %while3A_540 = arith.addi %while3A_538, %while3A_539 : i32
        %while3A_541 = arith.constant 1 : i32
        %while3A_542 = arith.divsi %while3A_539, %while3A_541 : i32
        %while3A_543 = arith.muli %while3A_542, %while3A_541 : i32
        %while3A_544 = arith.addi %while3A_538, %while3A_543 : i32
        %while3A_545 = arith.constant 1 : i32
        scf.for %while3A_547 = %while3A_538 to %while3A_544 step %while3A_545  : i32 {
          %mul3A_548 = arith.muli %while3A_547, %while3A : i32
          %add3A_549 = arith.addi %squeeze3A_209, %mul3A_548 : i32
          %scan3A = arith.constant 0 : i32
          %scan3A_550 = arith.constant 128 : i32
          %scan3A_551 = arith.addi %scan3A, %scan3A_550 : i32
          %scan3A_552 = arith.constant 1 : i32
          scf.for %scan3A_554 = %scan3A to %scan3A_551 step %scan3A_552  : i32 {
            %mul3A_555 = arith.constant 1 : i32
            %mul3A_556 = arith.muli %scan3A_554, %mul3A_555 : i32
            %add3A_557 = arith.constant 0 : i32
            %add3A_558 = arith.addi %add3A_557, %mul3A_556 : i32
            %broadcast_in_dim3A = arith.constant 0.000000e+00 : f32
            %broadcast_in_dim3A_559 = vector.broadcast %broadcast_in_dim3A : f32 to vector<16xf32>
            %mul3A_560 = arith.constant 16 : i32
            %mul3A_561 = arith.muli %add3A_558, %mul3A_560 : i32
            %swap3A = arith.index_cast %add3A_549 : i32 to index
            %swap3A_562 = arith.index_cast %mul3A_561 : i32 to index
            %swap3A_563 = tpu.vector_load %arg11[%swap3A, %swap3A_562] {strides = array<i32>} : memref<16x2048xf32, #tpu.memory_space<vmem>>, vector<1x16xf32>,
            %swap3A_564 = vector.shape_cast %swap3A_563 : vector<1x16xf32> to vector<16xf32>
            %swap3A_565 = vector.shape_cast %broadcast_in_dim3A_559 : vector<16xf32> to vector<1x16xf32>
            tpu.vector_store %arg11[%swap3A, %swap3A_562], %swap3A_565 {strides = array<i32>} : memref<16x2048xf32, #tpu.memory_space<vmem>>, vector<1x16xf32>,
          }
          %scan3A_553 = arith.constant 128 : i32
        }
        %while3A_546 = arith.constant 1 : i32
        scf.for %while3A_547 = %while3A_544 to %while3A_540 step %while3A_546  : i32 {
          %mul3A_548 = arith.muli %while3A_547, %while3A : i32
          %add3A_549 = arith.addi %squeeze3A_209, %mul3A_548 : i32
          %scan3A = arith.constant 0 : i32
          %scan3A_550 = arith.constant 128 : i32
          %scan3A_551 = arith.addi %scan3A, %scan3A_550 : i32
          %scan3A_552 = arith.constant 1 : i32
          scf.for %scan3A_554 = %scan3A to %scan3A_551 step %scan3A_552  : i32 {
            %mul3A_555 = arith.constant 1 : i32
            %mul3A_556 = arith.muli %scan3A_554, %mul3A_555 : i32
            %add3A_557 = arith.constant 0 : i32
            %add3A_558 = arith.addi %add3A_557, %mul3A_556 : i32
            %broadcast_in_dim3A = arith.constant 0.000000e+00 : f32
            %broadcast_in_dim3A_559 = vector.broadcast %broadcast_in_dim3A : f32 to vector<16xf32>
            %mul3A_560 = arith.constant 16 : i32
            %mul3A_561 = arith.muli %add3A_558, %mul3A_560 : i32
            %swap3A = arith.index_cast %add3A_549 : i32 to index
            %swap3A_562 = arith.index_cast %mul3A_561 : i32 to index
            %swap3A_563 = tpu.vector_load %arg11[%swap3A, %swap3A_562] {strides = array<i32>} : memref<16x2048xf32, #tpu.memory_space<vmem>>, vector<1x16xf32>,
            %swap3A_564 = vector.shape_cast %swap3A_563 : vector<1x16xf32> to vector<16xf32>
            %swap3A_565 = vector.shape_cast %broadcast_in_dim3A_559 : vector<16xf32> to vector<1x16xf32>
            tpu.vector_store %arg11[%swap3A, %swap3A_562], %swap3A_565 {strides = array<i32>} : memref<16x2048xf32, #tpu.memory_space<vmem>>, vector<1x16xf32>,
          }
          %scan3A_553 = arith.constant 128 : i32
        }
      } else {
      }
      %dma_start3A_528 = arith.constant 0 : i32
      %dma_start3A_529 = tpu.memref_slice %arg6[%add3A_213, %dma_start3A_528] : memref<16384x2048xf32, #tpu.memory_space<hbm>> -> memref<16x2048xf32, #tpu.memory_space<hbm>>
      %dma_start3A_530 = arith.constant 0 : i32
      %dma_start3A_531 = tpu.memref_slice %arg6[%add3A_213, %dma_start3A_530] : memref<16384x2048xf32, #tpu.memory_space<hbm>> -> memref<16x2048xf32, #tpu.memory_space<hbm>>
      tpu.enqueue_dma source(%arg11 : memref<16x2048xf32, #tpu.memory_space<vmem>>) target(%dma_start3A_531 : memref<16x2048xf32, #tpu.memory_space<hbm>>) target_semaphore(%arg14 : memref<!tpu.dma_semaphore, #tpu.memory_space<semaphore_mem>>)
    } else {
    }
    %eq3A_219 = arith.constant 0 : i32
    %eq3A_220 = arith.cmpi eq, %squeeze3A_209, %eq3A_219 : i32
    %convert_element_type3A_221 = arith.extui %eq3A_220 : i1 to i32
    %cond3A_222 = arith.constant 0 : i32
    %cond3A_223 = arith.cmpi ne, %convert_element_type3A_221, %cond3A_222 : i32
    scf.if %cond3A_223 {
      %dma_start3A = arith.constant 0 : i32
      %dma_start3A_512 = tpu.memref_slice %arg6[%add3A_213, %dma_start3A] : memref<16384x2048xf32, #tpu.memory_space<hbm>> -> memref<16x2048xf32, #tpu.memory_space<hbm>>
      %dma_start3A_513 = arith.constant 0 : i32
      %dma_start3A_514 = tpu.memref_slice %arg6[%add3A_213, %dma_start3A_513] : memref<16384x2048xf32, #tpu.memory_space<hbm>> -> memref<16x2048xf32, #tpu.memory_space<hbm>>
      tpu.enqueue_dma source(%arg9 : memref<16x2048xf32, #tpu.memory_space<vmem>>) target(%dma_start3A_514 : memref<16x2048xf32, #tpu.memory_space<hbm>>) target_semaphore(%arg14 : memref<!tpu.dma_semaphore, #tpu.memory_space<semaphore_mem>>)
    } else {
    }
    %slice3A_224 = vector.extract_strided_slice %get3A_2 {offsets = [14], sizes = [1], strides = [1]} : vector<16xi32> to vector<1xi32>
    %squeeze3A_225 = vector.extract %slice3A_224[0] : i32 from vector<1xi32>
    %mul3A_226 = arith.constant 16 : i32
    %mul3A_227 = arith.muli %add3A, %mul3A_226 : i32
    %add3A_228 = arith.constant 7168 : i32
    %add3A_229 = arith.addi %mul3A_227, %add3A_228 : i32
    tpu.wait_dma2 semaphore(%arg13 : memref<!tpu.dma_semaphore, #tpu.memory_space<semaphore_mem>>) src(%arg5 : memref<16x2048xf32, #tpu.memory_space<hbm>>) dst(%arg10 : memref<16x2048xf32, #tpu.memory_space<vmem>>)
    %gt3A_230 = arith.constant 0 : i32
    %gt3A_231 = arith.cmpi sgt, %squeeze3A_225, %gt3A_230 : i32
    %convert_element_type3A_232 = arith.extui %gt3A_231 : i1 to i32
    %cond3A_233 = arith.constant 0 : i32
    %cond3A_234 = arith.cmpi ne, %convert_element_type3A_232, %cond3A_233 : i32
    scf.if %cond3A_234 {
      %dma_start3A = arith.constant 14 : i32
      %dma_start3A_512 = arith.constant 0 : i32
      %dma_start3A_513 = tpu.memref_slice %arg7[%dma_start3A, %dma_start3A_512] : memref<32x16xi32, #tpu.memory_space<vmem>> -> memref<1x16xi32, #tpu.memory_space<vmem>>
      %dma_start3A_514 = tpu.memref_squeeze %dma_start3A_513 : memref<1x16xi32, #tpu.memory_space<vmem>> -> memref<16xi32, #tpu.memory_space<vmem>>
      %dma_start3A_515 = arith.constant 0 : i32
      %dma_start3A_516 = arith.constant 0 : i32
      %dma_start3A_517 = tpu.memref_slice %arg2[%dma_start3A_515, %dma_start3A_516] : memref<8192x2048xf32, #tpu.memory_space<hbm>> -> memref<8192x2048xf32, #tpu.memory_space<hbm>>
      tpu.enqueue_indirect_dma source(%dma_start3A_517 : memref<8192x2048xf32, #tpu.memory_space<hbm>>) target(%arg10 : memref<16x2048xf32, #tpu.memory_space<vmem>>) offsets(%dma_start3A_514 : memref<16xi32, #tpu.memory_space<vmem>>) semaphore(%arg12 : memref<!tpu.dma_semaphore, #tpu.memory_space<semaphore_mem>>)
      %dma_wait3A = arith.constant 14 : i32
      %dma_wait3A_518 = arith.constant 0 : i32
      %dma_wait3A_519 = tpu.memref_slice %arg7[%dma_wait3A, %dma_wait3A_518] : memref<32x16xi32, #tpu.memory_space<vmem>> -> memref<1x16xi32, #tpu.memory_space<vmem>>
      %dma_wait3A_520 = tpu.memref_squeeze %dma_wait3A_519 : memref<1x16xi32, #tpu.memory_space<vmem>> -> memref<16xi32, #tpu.memory_space<vmem>>
      %dma_wait3A_521 = arith.constant 0 : i32
      %dma_wait3A_522 = arith.constant 0 : i32
      %dma_wait3A_523 = tpu.memref_slice %arg2[%dma_wait3A_521, %dma_wait3A_522] : memref<8192x2048xf32, #tpu.memory_space<hbm>> -> memref<8192x2048xf32, #tpu.memory_space<hbm>>
      tpu.wait_indirect_dma semaphore(%arg12 : memref<!tpu.dma_semaphore, #tpu.memory_space<semaphore_mem>>) src(%dma_wait3A_523 : memref<8192x2048xf32, #tpu.memory_space<hbm>>) dst(%arg10 : memref<16x2048xf32, #tpu.memory_space<vmem>>)
      %lt3A = arith.constant 16 : i32
      %lt3A_524 = arith.cmpi slt, %squeeze3A_225, %lt3A : i32
      %convert_element_type3A_525 = arith.extui %lt3A_524 : i1 to i32
      %cond3A_526 = arith.constant 0 : i32
      %cond3A_527 = arith.cmpi ne, %convert_element_type3A_525, %cond3A_526 : i32
      scf.if %cond3A_527 {
        %sub3A = arith.constant 16 : i32
        %sub3A_532 = arith.subi %sub3A, %squeeze3A_225 : i32
        %sub3A_533 = arith.constant 1 : i32
        %sub3A_534 = arith.constant 1 : i32
        %sub3A_535 = arith.subi %sub3A_533, %sub3A_534 : i32
        %add3A_536 = arith.addi %sub3A_532, %sub3A_535 : i32
        %div3A = arith.constant 1 : i32
        %div3A_537 = arith.divsi %add3A_536, %div3A : i32
        %while3A = arith.constant 1 : i32
        %while3A_538 = arith.constant 0 : i32
        %while3A_539 = arith.subi %div3A_537, %while3A_538 : i32
        %while3A_540 = arith.addi %while3A_538, %while3A_539 : i32
        %while3A_541 = arith.constant 1 : i32
        %while3A_542 = arith.divsi %while3A_539, %while3A_541 : i32
        %while3A_543 = arith.muli %while3A_542, %while3A_541 : i32
        %while3A_544 = arith.addi %while3A_538, %while3A_543 : i32
        %while3A_545 = arith.constant 1 : i32
        scf.for %while3A_547 = %while3A_538 to %while3A_544 step %while3A_545  : i32 {
          %mul3A_548 = arith.muli %while3A_547, %while3A : i32
          %add3A_549 = arith.addi %squeeze3A_225, %mul3A_548 : i32
          %scan3A = arith.constant 0 : i32
          %scan3A_550 = arith.constant 128 : i32
          %scan3A_551 = arith.addi %scan3A, %scan3A_550 : i32
          %scan3A_552 = arith.constant 1 : i32
          scf.for %scan3A_554 = %scan3A to %scan3A_551 step %scan3A_552  : i32 {
            %mul3A_555 = arith.constant 1 : i32
            %mul3A_556 = arith.muli %scan3A_554, %mul3A_555 : i32
            %add3A_557 = arith.constant 0 : i32
            %add3A_558 = arith.addi %add3A_557, %mul3A_556 : i32
            %broadcast_in_dim3A = arith.constant 0.000000e+00 : f32
            %broadcast_in_dim3A_559 = vector.broadcast %broadcast_in_dim3A : f32 to vector<16xf32>
            %mul3A_560 = arith.constant 16 : i32
            %mul3A_561 = arith.muli %add3A_558, %mul3A_560 : i32
            %swap3A = arith.index_cast %add3A_549 : i32 to index
            %swap3A_562 = arith.index_cast %mul3A_561 : i32 to index
            %swap3A_563 = tpu.vector_load %arg10[%swap3A, %swap3A_562] {strides = array<i32>} : memref<16x2048xf32, #tpu.memory_space<vmem>>, vector<1x16xf32>,
            %swap3A_564 = vector.shape_cast %swap3A_563 : vector<1x16xf32> to vector<16xf32>
            %swap3A_565 = vector.shape_cast %broadcast_in_dim3A_559 : vector<16xf32> to vector<1x16xf32>
            tpu.vector_store %arg10[%swap3A, %swap3A_562], %swap3A_565 {strides = array<i32>} : memref<16x2048xf32, #tpu.memory_space<vmem>>, vector<1x16xf32>,
          }
          %scan3A_553 = arith.constant 128 : i32
        }
        %while3A_546 = arith.constant 1 : i32
        scf.for %while3A_547 = %while3A_544 to %while3A_540 step %while3A_546  : i32 {
          %mul3A_548 = arith.muli %while3A_547, %while3A : i32
          %add3A_549 = arith.addi %squeeze3A_225, %mul3A_548 : i32
          %scan3A = arith.constant 0 : i32
          %scan3A_550 = arith.constant 128 : i32
          %scan3A_551 = arith.addi %scan3A, %scan3A_550 : i32
          %scan3A_552 = arith.constant 1 : i32
          scf.for %scan3A_554 = %scan3A to %scan3A_551 step %scan3A_552  : i32 {
            %mul3A_555 = arith.constant 1 : i32
            %mul3A_556 = arith.muli %scan3A_554, %mul3A_555 : i32
            %add3A_557 = arith.constant 0 : i32
            %add3A_558 = arith.addi %add3A_557, %mul3A_556 : i32
            %broadcast_in_dim3A = arith.constant 0.000000e+00 : f32
            %broadcast_in_dim3A_559 = vector.broadcast %broadcast_in_dim3A : f32 to vector<16xf32>
            %mul3A_560 = arith.constant 16 : i32
            %mul3A_561 = arith.muli %add3A_558, %mul3A_560 : i32
            %swap3A = arith.index_cast %add3A_549 : i32 to index
            %swap3A_562 = arith.index_cast %mul3A_561 : i32 to index
            %swap3A_563 = tpu.vector_load %arg10[%swap3A, %swap3A_562] {strides = array<i32>} : memref<16x2048xf32, #tpu.memory_space<vmem>>, vector<1x16xf32>,
            %swap3A_564 = vector.shape_cast %swap3A_563 : vector<1x16xf32> to vector<16xf32>
            %swap3A_565 = vector.shape_cast %broadcast_in_dim3A_559 : vector<16xf32> to vector<1x16xf32>
            tpu.vector_store %arg10[%swap3A, %swap3A_562], %swap3A_565 {strides = array<i32>} : memref<16x2048xf32, #tpu.memory_space<vmem>>, vector<1x16xf32>,
          }
          %scan3A_553 = arith.constant 128 : i32
        }
      } else {
      }
      %dma_start3A_528 = arith.constant 0 : i32
      %dma_start3A_529 = tpu.memref_slice %arg6[%add3A_229, %dma_start3A_528] : memref<16384x2048xf32, #tpu.memory_space<hbm>> -> memref<16x2048xf32, #tpu.memory_space<hbm>>
      %dma_start3A_530 = arith.constant 0 : i32
      %dma_start3A_531 = tpu.memref_slice %arg6[%add3A_229, %dma_start3A_530] : memref<16384x2048xf32, #tpu.memory_space<hbm>> -> memref<16x2048xf32, #tpu.memory_space<hbm>>
      tpu.enqueue_dma source(%arg10 : memref<16x2048xf32, #tpu.memory_space<vmem>>) target(%dma_start3A_531 : memref<16x2048xf32, #tpu.memory_space<hbm>>) target_semaphore(%arg13 : memref<!tpu.dma_semaphore, #tpu.memory_space<semaphore_mem>>)
    } else {
    }
    %eq3A_235 = arith.constant 0 : i32
    %eq3A_236 = arith.cmpi eq, %squeeze3A_225, %eq3A_235 : i32
    %convert_element_type3A_237 = arith.extui %eq3A_236 : i1 to i32
    %cond3A_238 = arith.constant 0 : i32
    %cond3A_239 = arith.cmpi ne, %convert_element_type3A_237, %cond3A_238 : i32
    scf.if %cond3A_239 {
      %dma_start3A = arith.constant 0 : i32
      %dma_start3A_512 = tpu.memref_slice %arg6[%add3A_229, %dma_start3A] : memref<16384x2048xf32, #tpu.memory_space<hbm>> -> memref<16x2048xf32, #tpu.memory_space<hbm>>
      %dma_start3A_513 = arith.constant 0 : i32
      %dma_start3A_514 = tpu.memref_slice %arg6[%add3A_229, %dma_start3A_513] : memref<16384x2048xf32, #tpu.memory_space<hbm>> -> memref<16x2048xf32, #tpu.memory_space<hbm>>
      tpu.enqueue_dma source(%arg9 : memref<16x2048xf32, #tpu.memory_space<vmem>>) target(%dma_start3A_514 : memref<16x2048xf32, #tpu.memory_space<hbm>>) target_semaphore(%arg13 : memref<!tpu.dma_semaphore, #tpu.memory_space<semaphore_mem>>)
    } else {
    }
    %slice3A_240 = vector.extract_strided_slice %get3A_2 {offsets = [15], sizes = [1], strides = [1]} : vector<16xi32> to vector<1xi32>
    %squeeze3A_241 = vector.extract %slice3A_240[0] : i32 from vector<1xi32>
    %mul3A_242 = arith.constant 16 : i32
    %mul3A_243 = arith.muli %add3A, %mul3A_242 : i32
    %add3A_244 = arith.constant 7680 : i32
    %add3A_245 = arith.addi %mul3A_243, %add3A_244 : i32
    tpu.wait_dma2 semaphore(%arg14 : memref<!tpu.dma_semaphore, #tpu.memory_space<semaphore_mem>>) src(%arg5 : memref<16x2048xf32, #tpu.memory_space<hbm>>) dst(%arg11 : memref<16x2048xf32, #tpu.memory_space<vmem>>)
    %gt3A_246 = arith.constant 0 : i32
    %gt3A_247 = arith.cmpi sgt, %squeeze3A_241, %gt3A_246 : i32
    %convert_element_type3A_248 = arith.extui %gt3A_247 : i1 to i32
    %cond3A_249 = arith.constant 0 : i32
    %cond3A_250 = arith.cmpi ne, %convert_element_type3A_248, %cond3A_249 : i32
    scf.if %cond3A_250 {
      %dma_start3A = arith.constant 15 : i32
      %dma_start3A_512 = arith.constant 0 : i32
      %dma_start3A_513 = tpu.memref_slice %arg7[%dma_start3A, %dma_start3A_512] : memref<32x16xi32, #tpu.memory_space<vmem>> -> memref<1x16xi32, #tpu.memory_space<vmem>>
      %dma_start3A_514 = tpu.memref_squeeze %dma_start3A_513 : memref<1x16xi32, #tpu.memory_space<vmem>> -> memref<16xi32, #tpu.memory_space<vmem>>
      %dma_start3A_515 = arith.constant 0 : i32
      %dma_start3A_516 = arith.constant 0 : i32
      %dma_start3A_517 = tpu.memref_slice %arg2[%dma_start3A_515, %dma_start3A_516] : memref<8192x2048xf32, #tpu.memory_space<hbm>> -> memref<8192x2048xf32, #tpu.memory_space<hbm>>
      tpu.enqueue_indirect_dma source(%dma_start3A_517 : memref<8192x2048xf32, #tpu.memory_space<hbm>>) target(%arg11 : memref<16x2048xf32, #tpu.memory_space<vmem>>) offsets(%dma_start3A_514 : memref<16xi32, #tpu.memory_space<vmem>>) semaphore(%arg12 : memref<!tpu.dma_semaphore, #tpu.memory_space<semaphore_mem>>)
      %dma_wait3A = arith.constant 15 : i32
      %dma_wait3A_518 = arith.constant 0 : i32
      %dma_wait3A_519 = tpu.memref_slice %arg7[%dma_wait3A, %dma_wait3A_518] : memref<32x16xi32, #tpu.memory_space<vmem>> -> memref<1x16xi32, #tpu.memory_space<vmem>>
      %dma_wait3A_520 = tpu.memref_squeeze %dma_wait3A_519 : memref<1x16xi32, #tpu.memory_space<vmem>> -> memref<16xi32, #tpu.memory_space<vmem>>
      %dma_wait3A_521 = arith.constant 0 : i32
      %dma_wait3A_522 = arith.constant 0 : i32
      %dma_wait3A_523 = tpu.memref_slice %arg2[%dma_wait3A_521, %dma_wait3A_522] : memref<8192x2048xf32, #tpu.memory_space<hbm>> -> memref<8192x2048xf32, #tpu.memory_space<hbm>>
      tpu.wait_indirect_dma semaphore(%arg12 : memref<!tpu.dma_semaphore, #tpu.memory_space<semaphore_mem>>) src(%dma_wait3A_523 : memref<8192x2048xf32, #tpu.memory_space<hbm>>) dst(%arg11 : memref<16x2048xf32, #tpu.memory_space<vmem>>)
      %lt3A = arith.constant 16 : i32
      %lt3A_524 = arith.cmpi slt, %squeeze3A_241, %lt3A : i32
      %convert_element_type3A_525 = arith.extui %lt3A_524 : i1 to i32
      %cond3A_526 = arith.constant 0 : i32
      %cond3A_527 = arith.cmpi ne, %convert_element_type3A_525, %cond3A_526 : i32
      scf.if %cond3A_527 {
        %sub3A = arith.constant 16 : i32
        %sub3A_532 = arith.subi %sub3A, %squeeze3A_241 : i32
        %sub3A_533 = arith.constant 1 : i32
        %sub3A_534 = arith.constant 1 : i32
        %sub3A_535 = arith.subi %sub3A_533, %sub3A_534 : i32
        %add3A_536 = arith.addi %sub3A_532, %sub3A_535 : i32
        %div3A = arith.constant 1 : i32
        %div3A_537 = arith.divsi %add3A_536, %div3A : i32
        %while3A = arith.constant 1 : i32
        %while3A_538 = arith.constant 0 : i32
        %while3A_539 = arith.subi %div3A_537, %while3A_538 : i32
        %while3A_540 = arith.addi %while3A_538, %while3A_539 : i32
        %while3A_541 = arith.constant 1 : i32
        %while3A_542 = arith.divsi %while3A_539, %while3A_541 : i32
        %while3A_543 = arith.muli %while3A_542, %while3A_541 : i32
        %while3A_544 = arith.addi %while3A_538, %while3A_543 : i32
        %while3A_545 = arith.constant 1 : i32
        scf.for %while3A_547 = %while3A_538 to %while3A_544 step %while3A_545  : i32 {
          %mul3A_548 = arith.muli %while3A_547, %while3A : i32
          %add3A_549 = arith.addi %squeeze3A_241, %mul3A_548 : i32
          %scan3A = arith.constant 0 : i32
          %scan3A_550 = arith.constant 128 : i32
          %scan3A_551 = arith.addi %scan3A, %scan3A_550 : i32
          %scan3A_552 = arith.constant 1 : i32
          scf.for %scan3A_554 = %scan3A to %scan3A_551 step %scan3A_552  : i32 {
            %mul3A_555 = arith.constant 1 : i32
            %mul3A_556 = arith.muli %scan3A_554, %mul3A_555 : i32
            %add3A_557 = arith.constant 0 : i32
            %add3A_558 = arith.addi %add3A_557, %mul3A_556 : i32
            %broadcast_in_dim3A = arith.constant 0.000000e+00 : f32
            %broadcast_in_dim3A_559 = vector.broadcast %broadcast_in_dim3A : f32 to vector<16xf32>
            %mul3A_560 = arith.constant 16 : i32
            %mul3A_561 = arith.muli %add3A_558, %mul3A_560 : i32
            %swap3A = arith.index_cast %add3A_549 : i32 to index
            %swap3A_562 = arith.index_cast %mul3A_561 : i32 to index
            %swap3A_563 = tpu.vector_load %arg11[%swap3A, %swap3A_562] {strides = array<i32>} : memref<16x2048xf32, #tpu.memory_space<vmem>>, vector<1x16xf32>,
            %swap3A_564 = vector.shape_cast %swap3A_563 : vector<1x16xf32> to vector<16xf32>
            %swap3A_565 = vector.shape_cast %broadcast_in_dim3A_559 : vector<16xf32> to vector<1x16xf32>
            tpu.vector_store %arg11[%swap3A, %swap3A_562], %swap3A_565 {strides = array<i32>} : memref<16x2048xf32, #tpu.memory_space<vmem>>, vector<1x16xf32>,
          }
          %scan3A_553 = arith.constant 128 : i32
        }
        %while3A_546 = arith.constant 1 : i32
        scf.for %while3A_547 = %while3A_544 to %while3A_540 step %while3A_546  : i32 {
          %mul3A_548 = arith.muli %while3A_547, %while3A : i32
          %add3A_549 = arith.addi %squeeze3A_241, %mul3A_548 : i32
          %scan3A = arith.constant 0 : i32
          %scan3A_550 = arith.constant 128 : i32
          %scan3A_551 = arith.addi %scan3A, %scan3A_550 : i32
          %scan3A_552 = arith.constant 1 : i32
          scf.for %scan3A_554 = %scan3A to %scan3A_551 step %scan3A_552  : i32 {
            %mul3A_555 = arith.constant 1 : i32
            %mul3A_556 = arith.muli %scan3A_554, %mul3A_555 : i32
            %add3A_557 = arith.constant 0 : i32
            %add3A_558 = arith.addi %add3A_557, %mul3A_556 : i32
            %broadcast_in_dim3A = arith.constant 0.000000e+00 : f32
            %broadcast_in_dim3A_559 = vector.broadcast %broadcast_in_dim3A : f32 to vector<16xf32>
            %mul3A_560 = arith.constant 16 : i32
            %mul3A_561 = arith.muli %add3A_558, %mul3A_560 : i32
            %swap3A = arith.index_cast %add3A_549 : i32 to index
            %swap3A_562 = arith.index_cast %mul3A_561 : i32 to index
            %swap3A_563 = tpu.vector_load %arg11[%swap3A, %swap3A_562] {strides = array<i32>} : memref<16x2048xf32, #tpu.memory_space<vmem>>, vector<1x16xf32>,
            %swap3A_564 = vector.shape_cast %swap3A_563 : vector<1x16xf32> to vector<16xf32>
            %swap3A_565 = vector.shape_cast %broadcast_in_dim3A_559 : vector<16xf32> to vector<1x16xf32>
            tpu.vector_store %arg11[%swap3A, %swap3A_562], %swap3A_565 {strides = array<i32>} : memref<16x2048xf32, #tpu.memory_space<vmem>>, vector<1x16xf32>,
          }
          %scan3A_553 = arith.constant 128 : i32
        }
      } else {
      }
      %dma_start3A_528 = arith.constant 0 : i32
      %dma_start3A_529 = tpu.memref_slice %arg6[%add3A_245, %dma_start3A_528] : memref<16384x2048xf32, #tpu.memory_space<hbm>> -> memref<16x2048xf32, #tpu.memory_space<hbm>>
      %dma_start3A_530 = arith.constant 0 : i32
      %dma_start3A_531 = tpu.memref_slice %arg6[%add3A_245, %dma_start3A_530] : memref<16384x2048xf32, #tpu.memory_space<hbm>> -> memref<16x2048xf32, #tpu.memory_space<hbm>>
      tpu.enqueue_dma source(%arg11 : memref<16x2048xf32, #tpu.memory_space<vmem>>) target(%dma_start3A_531 : memref<16x2048xf32, #tpu.memory_space<hbm>>) target_semaphore(%arg14 : memref<!tpu.dma_semaphore, #tpu.memory_space<semaphore_mem>>)
    } else {
    }
    %eq3A_251 = arith.constant 0 : i32
    %eq3A_252 = arith.cmpi eq, %squeeze3A_241, %eq3A_251 : i32
    %convert_element_type3A_253 = arith.extui %eq3A_252 : i1 to i32
    %cond3A_254 = arith.constant 0 : i32
    %cond3A_255 = arith.cmpi ne, %convert_element_type3A_253, %cond3A_254 : i32
    scf.if %cond3A_255 {
      %dma_start3A = arith.constant 0 : i32
      %dma_start3A_512 = tpu.memref_slice %arg6[%add3A_245, %dma_start3A] : memref<16384x2048xf32, #tpu.memory_space<hbm>> -> memref<16x2048xf32, #tpu.memory_space<hbm>>
      %dma_start3A_513 = arith.constant 0 : i32
      %dma_start3A_514 = tpu.memref_slice %arg6[%add3A_245, %dma_start3A_513] : memref<16384x2048xf32, #tpu.memory_space<hbm>> -> memref<16x2048xf32, #tpu.memory_space<hbm>>
      tpu.enqueue_dma source(%arg9 : memref<16x2048xf32, #tpu.memory_space<vmem>>) target(%dma_start3A_514 : memref<16x2048xf32, #tpu.memory_space<hbm>>) target_semaphore(%arg14 : memref<!tpu.dma_semaphore, #tpu.memory_space<semaphore_mem>>)
    } else {
    }
    %slice3A_256 = vector.extract_strided_slice %get3A_5 {offsets = [0], sizes = [1], strides = [1]} : vector<16xi32> to vector<1xi32>
    %squeeze3A_257 = vector.extract %slice3A_256[0] : i32 from vector<1xi32>
    %mul3A_258 = arith.constant 16 : i32
    %mul3A_259 = arith.muli %add3A, %mul3A_258 : i32
    %add3A_260 = arith.constant 8192 : i32
    %add3A_261 = arith.addi %mul3A_259, %add3A_260 : i32
    tpu.wait_dma2 semaphore(%arg13 : memref<!tpu.dma_semaphore, #tpu.memory_space<semaphore_mem>>) src(%arg5 : memref<16x2048xf32, #tpu.memory_space<hbm>>) dst(%arg10 : memref<16x2048xf32, #tpu.memory_space<vmem>>)
    %gt3A_262 = arith.constant 0 : i32
    %gt3A_263 = arith.cmpi sgt, %squeeze3A_257, %gt3A_262 : i32
    %convert_element_type3A_264 = arith.extui %gt3A_263 : i1 to i32
    %cond3A_265 = arith.constant 0 : i32
    %cond3A_266 = arith.cmpi ne, %convert_element_type3A_264, %cond3A_265 : i32
    scf.if %cond3A_266 {
      %dma_start3A = arith.constant 16 : i32
      %dma_start3A_512 = arith.constant 0 : i32
      %dma_start3A_513 = tpu.memref_slice %arg7[%dma_start3A, %dma_start3A_512] : memref<32x16xi32, #tpu.memory_space<vmem>> -> memref<1x16xi32, #tpu.memory_space<vmem>>
      %dma_start3A_514 = tpu.memref_squeeze %dma_start3A_513 : memref<1x16xi32, #tpu.memory_space<vmem>> -> memref<16xi32, #tpu.memory_space<vmem>>
      %dma_start3A_515 = arith.constant 0 : i32
      %dma_start3A_516 = arith.constant 0 : i32
      %dma_start3A_517 = tpu.memref_slice %arg2[%dma_start3A_515, %dma_start3A_516] : memref<8192x2048xf32, #tpu.memory_space<hbm>> -> memref<8192x2048xf32, #tpu.memory_space<hbm>>
      tpu.enqueue_indirect_dma source(%dma_start3A_517 : memref<8192x2048xf32, #tpu.memory_space<hbm>>) target(%arg10 : memref<16x2048xf32, #tpu.memory_space<vmem>>) offsets(%dma_start3A_514 : memref<16xi32, #tpu.memory_space<vmem>>) semaphore(%arg12 : memref<!tpu.dma_semaphore, #tpu.memory_space<semaphore_mem>>)
      %dma_wait3A = arith.constant 16 : i32
      %dma_wait3A_518 = arith.constant 0 : i32
      %dma_wait3A_519 = tpu.memref_slice %arg7[%dma_wait3A, %dma_wait3A_518] : memref<32x16xi32, #tpu.memory_space<vmem>> -> memref<1x16xi32, #tpu.memory_space<vmem>>
      %dma_wait3A_520 = tpu.memref_squeeze %dma_wait3A_519 : memref<1x16xi32, #tpu.memory_space<vmem>> -> memref<16xi32, #tpu.memory_space<vmem>>
      %dma_wait3A_521 = arith.constant 0 : i32
      %dma_wait3A_522 = arith.constant 0 : i32
      %dma_wait3A_523 = tpu.memref_slice %arg2[%dma_wait3A_521, %dma_wait3A_522] : memref<8192x2048xf32, #tpu.memory_space<hbm>> -> memref<8192x2048xf32, #tpu.memory_space<hbm>>
      tpu.wait_indirect_dma semaphore(%arg12 : memref<!tpu.dma_semaphore, #tpu.memory_space<semaphore_mem>>) src(%dma_wait3A_523 : memref<8192x2048xf32, #tpu.memory_space<hbm>>) dst(%arg10 : memref<16x2048xf32, #tpu.memory_space<vmem>>)
      %lt3A = arith.constant 16 : i32
      %lt3A_524 = arith.cmpi slt, %squeeze3A_257, %lt3A : i32
      %convert_element_type3A_525 = arith.extui %lt3A_524 : i1 to i32
      %cond3A_526 = arith.constant 0 : i32
      %cond3A_527 = arith.cmpi ne, %convert_element_type3A_525, %cond3A_526 : i32
      scf.if %cond3A_527 {
        %sub3A = arith.constant 16 : i32
        %sub3A_532 = arith.subi %sub3A, %squeeze3A_257 : i32
        %sub3A_533 = arith.constant 1 : i32
        %sub3A_534 = arith.constant 1 : i32
        %sub3A_535 = arith.subi %sub3A_533, %sub3A_534 : i32
        %add3A_536 = arith.addi %sub3A_532, %sub3A_535 : i32
        %div3A = arith.constant 1 : i32
        %div3A_537 = arith.divsi %add3A_536, %div3A : i32
        %while3A = arith.constant 1 : i32
        %while3A_538 = arith.constant 0 : i32
        %while3A_539 = arith.subi %div3A_537, %while3A_538 : i32
        %while3A_540 = arith.addi %while3A_538, %while3A_539 : i32
        %while3A_541 = arith.constant 1 : i32
        %while3A_542 = arith.divsi %while3A_539, %while3A_541 : i32
        %while3A_543 = arith.muli %while3A_542, %while3A_541 : i32
        %while3A_544 = arith.addi %while3A_538, %while3A_543 : i32
        %while3A_545 = arith.constant 1 : i32
        scf.for %while3A_547 = %while3A_538 to %while3A_544 step %while3A_545  : i32 {
          %mul3A_548 = arith.muli %while3A_547, %while3A : i32
          %add3A_549 = arith.addi %squeeze3A_257, %mul3A_548 : i32
          %scan3A = arith.constant 0 : i32
          %scan3A_550 = arith.constant 128 : i32
          %scan3A_551 = arith.addi %scan3A, %scan3A_550 : i32
          %scan3A_552 = arith.constant 1 : i32
          scf.for %scan3A_554 = %scan3A to %scan3A_551 step %scan3A_552  : i32 {
            %mul3A_555 = arith.constant 1 : i32
            %mul3A_556 = arith.muli %scan3A_554, %mul3A_555 : i32
            %add3A_557 = arith.constant 0 : i32
            %add3A_558 = arith.addi %add3A_557, %mul3A_556 : i32
            %broadcast_in_dim3A = arith.constant 0.000000e+00 : f32
            %broadcast_in_dim3A_559 = vector.broadcast %broadcast_in_dim3A : f32 to vector<16xf32>
            %mul3A_560 = arith.constant 16 : i32
            %mul3A_561 = arith.muli %add3A_558, %mul3A_560 : i32
            %swap3A = arith.index_cast %add3A_549 : i32 to index
            %swap3A_562 = arith.index_cast %mul3A_561 : i32 to index
            %swap3A_563 = tpu.vector_load %arg10[%swap3A, %swap3A_562] {strides = array<i32>} : memref<16x2048xf32, #tpu.memory_space<vmem>>, vector<1x16xf32>,
            %swap3A_564 = vector.shape_cast %swap3A_563 : vector<1x16xf32> to vector<16xf32>
            %swap3A_565 = vector.shape_cast %broadcast_in_dim3A_559 : vector<16xf32> to vector<1x16xf32>
            tpu.vector_store %arg10[%swap3A, %swap3A_562], %swap3A_565 {strides = array<i32>} : memref<16x2048xf32, #tpu.memory_space<vmem>>, vector<1x16xf32>,
          }
          %scan3A_553 = arith.constant 128 : i32
        }
        %while3A_546 = arith.constant 1 : i32
        scf.for %while3A_547 = %while3A_544 to %while3A_540 step %while3A_546  : i32 {
          %mul3A_548 = arith.muli %while3A_547, %while3A : i32
          %add3A_549 = arith.addi %squeeze3A_257, %mul3A_548 : i32
          %scan3A = arith.constant 0 : i32
          %scan3A_550 = arith.constant 128 : i32
          %scan3A_551 = arith.addi %scan3A, %scan3A_550 : i32
          %scan3A_552 = arith.constant 1 : i32
          scf.for %scan3A_554 = %scan3A to %scan3A_551 step %scan3A_552  : i32 {
            %mul3A_555 = arith.constant 1 : i32
            %mul3A_556 = arith.muli %scan3A_554, %mul3A_555 : i32
            %add3A_557 = arith.constant 0 : i32
            %add3A_558 = arith.addi %add3A_557, %mul3A_556 : i32
            %broadcast_in_dim3A = arith.constant 0.000000e+00 : f32
            %broadcast_in_dim3A_559 = vector.broadcast %broadcast_in_dim3A : f32 to vector<16xf32>
            %mul3A_560 = arith.constant 16 : i32
            %mul3A_561 = arith.muli %add3A_558, %mul3A_560 : i32
            %swap3A = arith.index_cast %add3A_549 : i32 to index
            %swap3A_562 = arith.index_cast %mul3A_561 : i32 to index
            %swap3A_563 = tpu.vector_load %arg10[%swap3A, %swap3A_562] {strides = array<i32>} : memref<16x2048xf32, #tpu.memory_space<vmem>>, vector<1x16xf32>,
            %swap3A_564 = vector.shape_cast %swap3A_563 : vector<1x16xf32> to vector<16xf32>
            %swap3A_565 = vector.shape_cast %broadcast_in_dim3A_559 : vector<16xf32> to vector<1x16xf32>
            tpu.vector_store %arg10[%swap3A, %swap3A_562], %swap3A_565 {strides = array<i32>} : memref<16x2048xf32, #tpu.memory_space<vmem>>, vector<1x16xf32>,
          }
          %scan3A_553 = arith.constant 128 : i32
        }
      } else {
      }
      %dma_start3A_528 = arith.constant 0 : i32
      %dma_start3A_529 = tpu.memref_slice %arg6[%add3A_261, %dma_start3A_528] : memref<16384x2048xf32, #tpu.memory_space<hbm>> -> memref<16x2048xf32, #tpu.memory_space<hbm>>
      %dma_start3A_530 = arith.constant 0 : i32
      %dma_start3A_531 = tpu.memref_slice %arg6[%add3A_261, %dma_start3A_530] : memref<16384x2048xf32, #tpu.memory_space<hbm>> -> memref<16x2048xf32, #tpu.memory_space<hbm>>
      tpu.enqueue_dma source(%arg10 : memref<16x2048xf32, #tpu.memory_space<vmem>>) target(%dma_start3A_531 : memref<16x2048xf32, #tpu.memory_space<hbm>>) target_semaphore(%arg13 : memref<!tpu.dma_semaphore, #tpu.memory_space<semaphore_mem>>)
    } else {
    }
    %eq3A_267 = arith.constant 0 : i32
    %eq3A_268 = arith.cmpi eq, %squeeze3A_257, %eq3A_267 : i32
    %convert_element_type3A_269 = arith.extui %eq3A_268 : i1 to i32
    %cond3A_270 = arith.constant 0 : i32
    %cond3A_271 = arith.cmpi ne, %convert_element_type3A_269, %cond3A_270 : i32
    scf.if %cond3A_271 {
      %dma_start3A = arith.constant 0 : i32
      %dma_start3A_512 = tpu.memref_slice %arg6[%add3A_261, %dma_start3A] : memref<16384x2048xf32, #tpu.memory_space<hbm>> -> memref<16x2048xf32, #tpu.memory_space<hbm>>
      %dma_start3A_513 = arith.constant 0 : i32
      %dma_start3A_514 = tpu.memref_slice %arg6[%add3A_261, %dma_start3A_513] : memref<16384x2048xf32, #tpu.memory_space<hbm>> -> memref<16x2048xf32, #tpu.memory_space<hbm>>
      tpu.enqueue_dma source(%arg9 : memref<16x2048xf32, #tpu.memory_space<vmem>>) target(%dma_start3A_514 : memref<16x2048xf32, #tpu.memory_space<hbm>>) target_semaphore(%arg13 : memref<!tpu.dma_semaphore, #tpu.memory_space<semaphore_mem>>)
    } else {
    }
    %slice3A_272 = vector.extract_strided_slice %get3A_5 {offsets = [1], sizes = [1], strides = [1]} : vector<16xi32> to vector<1xi32>
    %squeeze3A_273 = vector.extract %slice3A_272[0] : i32 from vector<1xi32>
    %mul3A_274 = arith.constant 16 : i32
    %mul3A_275 = arith.muli %add3A, %mul3A_274 : i32
    %add3A_276 = arith.constant 8704 : i32
    %add3A_277 = arith.addi %mul3A_275, %add3A_276 : i32
    tpu.wait_dma2 semaphore(%arg14 : memref<!tpu.dma_semaphore, #tpu.memory_space<semaphore_mem>>) src(%arg5 : memref<16x2048xf32, #tpu.memory_space<hbm>>) dst(%arg11 : memref<16x2048xf32, #tpu.memory_space<vmem>>)
    %gt3A_278 = arith.constant 0 : i32
    %gt3A_279 = arith.cmpi sgt, %squeeze3A_273, %gt3A_278 : i32
    %convert_element_type3A_280 = arith.extui %gt3A_279 : i1 to i32
    %cond3A_281 = arith.constant 0 : i32
    %cond3A_282 = arith.cmpi ne, %convert_element_type3A_280, %cond3A_281 : i32
    scf.if %cond3A_282 {
      %dma_start3A = arith.constant 17 : i32
      %dma_start3A_512 = arith.constant 0 : i32
      %dma_start3A_513 = tpu.memref_slice %arg7[%dma_start3A, %dma_start3A_512] : memref<32x16xi32, #tpu.memory_space<vmem>> -> memref<1x16xi32, #tpu.memory_space<vmem>>
      %dma_start3A_514 = tpu.memref_squeeze %dma_start3A_513 : memref<1x16xi32, #tpu.memory_space<vmem>> -> memref<16xi32, #tpu.memory_space<vmem>>
      %dma_start3A_515 = arith.constant 0 : i32
      %dma_start3A_516 = arith.constant 0 : i32
      %dma_start3A_517 = tpu.memref_slice %arg2[%dma_start3A_515, %dma_start3A_516] : memref<8192x2048xf32, #tpu.memory_space<hbm>> -> memref<8192x2048xf32, #tpu.memory_space<hbm>>
      tpu.enqueue_indirect_dma source(%dma_start3A_517 : memref<8192x2048xf32, #tpu.memory_space<hbm>>) target(%arg11 : memref<16x2048xf32, #tpu.memory_space<vmem>>) offsets(%dma_start3A_514 : memref<16xi32, #tpu.memory_space<vmem>>) semaphore(%arg12 : memref<!tpu.dma_semaphore, #tpu.memory_space<semaphore_mem>>)
      %dma_wait3A = arith.constant 17 : i32
      %dma_wait3A_518 = arith.constant 0 : i32
      %dma_wait3A_519 = tpu.memref_slice %arg7[%dma_wait3A, %dma_wait3A_518] : memref<32x16xi32, #tpu.memory_space<vmem>> -> memref<1x16xi32, #tpu.memory_space<vmem>>
      %dma_wait3A_520 = tpu.memref_squeeze %dma_wait3A_519 : memref<1x16xi32, #tpu.memory_space<vmem>> -> memref<16xi32, #tpu.memory_space<vmem>>
      %dma_wait3A_521 = arith.constant 0 : i32
      %dma_wait3A_522 = arith.constant 0 : i32
      %dma_wait3A_523 = tpu.memref_slice %arg2[%dma_wait3A_521, %dma_wait3A_522] : memref<8192x2048xf32, #tpu.memory_space<hbm>> -> memref<8192x2048xf32, #tpu.memory_space<hbm>>
      tpu.wait_indirect_dma semaphore(%arg12 : memref<!tpu.dma_semaphore, #tpu.memory_space<semaphore_mem>>) src(%dma_wait3A_523 : memref<8192x2048xf32, #tpu.memory_space<hbm>>) dst(%arg11 : memref<16x2048xf32, #tpu.memory_space<vmem>>)
      %lt3A = arith.constant 16 : i32
      %lt3A_524 = arith.cmpi slt, %squeeze3A_273, %lt3A : i32
      %convert_element_type3A_525 = arith.extui %lt3A_524 : i1 to i32
      %cond3A_526 = arith.constant 0 : i32
      %cond3A_527 = arith.cmpi ne, %convert_element_type3A_525, %cond3A_526 : i32
      scf.if %cond3A_527 {
        %sub3A = arith.constant 16 : i32
        %sub3A_532 = arith.subi %sub3A, %squeeze3A_273 : i32
        %sub3A_533 = arith.constant 1 : i32
        %sub3A_534 = arith.constant 1 : i32
        %sub3A_535 = arith.subi %sub3A_533, %sub3A_534 : i32
        %add3A_536 = arith.addi %sub3A_532, %sub3A_535 : i32
        %div3A = arith.constant 1 : i32
        %div3A_537 = arith.divsi %add3A_536, %div3A : i32
        %while3A = arith.constant 1 : i32
        %while3A_538 = arith.constant 0 : i32
        %while3A_539 = arith.subi %div3A_537, %while3A_538 : i32
        %while3A_540 = arith.addi %while3A_538, %while3A_539 : i32
        %while3A_541 = arith.constant 1 : i32
        %while3A_542 = arith.divsi %while3A_539, %while3A_541 : i32
        %while3A_543 = arith.muli %while3A_542, %while3A_541 : i32
        %while3A_544 = arith.addi %while3A_538, %while3A_543 : i32
        %while3A_545 = arith.constant 1 : i32
        scf.for %while3A_547 = %while3A_538 to %while3A_544 step %while3A_545  : i32 {
          %mul3A_548 = arith.muli %while3A_547, %while3A : i32
          %add3A_549 = arith.addi %squeeze3A_273, %mul3A_548 : i32
          %scan3A = arith.constant 0 : i32
          %scan3A_550 = arith.constant 128 : i32
          %scan3A_551 = arith.addi %scan3A, %scan3A_550 : i32
          %scan3A_552 = arith.constant 1 : i32
          scf.for %scan3A_554 = %scan3A to %scan3A_551 step %scan3A_552  : i32 {
            %mul3A_555 = arith.constant 1 : i32
            %mul3A_556 = arith.muli %scan3A_554, %mul3A_555 : i32
            %add3A_557 = arith.constant 0 : i32
            %add3A_558 = arith.addi %add3A_557, %mul3A_556 : i32
            %broadcast_in_dim3A = arith.constant 0.000000e+00 : f32
            %broadcast_in_dim3A_559 = vector.broadcast %broadcast_in_dim3A : f32 to vector<16xf32>
            %mul3A_560 = arith.constant 16 : i32
            %mul3A_561 = arith.muli %add3A_558, %mul3A_560 : i32
            %swap3A = arith.index_cast %add3A_549 : i32 to index
            %swap3A_562 = arith.index_cast %mul3A_561 : i32 to index
            %swap3A_563 = tpu.vector_load %arg11[%swap3A, %swap3A_562] {strides = array<i32>} : memref<16x2048xf32, #tpu.memory_space<vmem>>, vector<1x16xf32>,
            %swap3A_564 = vector.shape_cast %swap3A_563 : vector<1x16xf32> to vector<16xf32>
            %swap3A_565 = vector.shape_cast %broadcast_in_dim3A_559 : vector<16xf32> to vector<1x16xf32>
            tpu.vector_store %arg11[%swap3A, %swap3A_562], %swap3A_565 {strides = array<i32>} : memref<16x2048xf32, #tpu.memory_space<vmem>>, vector<1x16xf32>,
          }
          %scan3A_553 = arith.constant 128 : i32
        }
        %while3A_546 = arith.constant 1 : i32
        scf.for %while3A_547 = %while3A_544 to %while3A_540 step %while3A_546  : i32 {
          %mul3A_548 = arith.muli %while3A_547, %while3A : i32
          %add3A_549 = arith.addi %squeeze3A_273, %mul3A_548 : i32
          %scan3A = arith.constant 0 : i32
          %scan3A_550 = arith.constant 128 : i32
          %scan3A_551 = arith.addi %scan3A, %scan3A_550 : i32
          %scan3A_552 = arith.constant 1 : i32
          scf.for %scan3A_554 = %scan3A to %scan3A_551 step %scan3A_552  : i32 {
            %mul3A_555 = arith.constant 1 : i32
            %mul3A_556 = arith.muli %scan3A_554, %mul3A_555 : i32
            %add3A_557 = arith.constant 0 : i32
            %add3A_558 = arith.addi %add3A_557, %mul3A_556 : i32
            %broadcast_in_dim3A = arith.constant 0.000000e+00 : f32
            %broadcast_in_dim3A_559 = vector.broadcast %broadcast_in_dim3A : f32 to vector<16xf32>
            %mul3A_560 = arith.constant 16 : i32
            %mul3A_561 = arith.muli %add3A_558, %mul3A_560 : i32
            %swap3A = arith.index_cast %add3A_549 : i32 to index
            %swap3A_562 = arith.index_cast %mul3A_561 : i32 to index
            %swap3A_563 = tpu.vector_load %arg11[%swap3A, %swap3A_562] {strides = array<i32>} : memref<16x2048xf32, #tpu.memory_space<vmem>>, vector<1x16xf32>,
            %swap3A_564 = vector.shape_cast %swap3A_563 : vector<1x16xf32> to vector<16xf32>
            %swap3A_565 = vector.shape_cast %broadcast_in_dim3A_559 : vector<16xf32> to vector<1x16xf32>
            tpu.vector_store %arg11[%swap3A, %swap3A_562], %swap3A_565 {strides = array<i32>} : memref<16x2048xf32, #tpu.memory_space<vmem>>, vector<1x16xf32>,
          }
          %scan3A_553 = arith.constant 128 : i32
        }
      } else {
      }
      %dma_start3A_528 = arith.constant 0 : i32
      %dma_start3A_529 = tpu.memref_slice %arg6[%add3A_277, %dma_start3A_528] : memref<16384x2048xf32, #tpu.memory_space<hbm>> -> memref<16x2048xf32, #tpu.memory_space<hbm>>
      %dma_start3A_530 = arith.constant 0 : i32
      %dma_start3A_531 = tpu.memref_slice %arg6[%add3A_277, %dma_start3A_530] : memref<16384x2048xf32, #tpu.memory_space<hbm>> -> memref<16x2048xf32, #tpu.memory_space<hbm>>
      tpu.enqueue_dma source(%arg11 : memref<16x2048xf32, #tpu.memory_space<vmem>>) target(%dma_start3A_531 : memref<16x2048xf32, #tpu.memory_space<hbm>>) target_semaphore(%arg14 : memref<!tpu.dma_semaphore, #tpu.memory_space<semaphore_mem>>)
    } else {
    }
    %eq3A_283 = arith.constant 0 : i32
    %eq3A_284 = arith.cmpi eq, %squeeze3A_273, %eq3A_283 : i32
    %convert_element_type3A_285 = arith.extui %eq3A_284 : i1 to i32
    %cond3A_286 = arith.constant 0 : i32
    %cond3A_287 = arith.cmpi ne, %convert_element_type3A_285, %cond3A_286 : i32
    scf.if %cond3A_287 {
      %dma_start3A = arith.constant 0 : i32
      %dma_start3A_512 = tpu.memref_slice %arg6[%add3A_277, %dma_start3A] : memref<16384x2048xf32, #tpu.memory_space<hbm>> -> memref<16x2048xf32, #tpu.memory_space<hbm>>
      %dma_start3A_513 = arith.constant 0 : i32
      %dma_start3A_514 = tpu.memref_slice %arg6[%add3A_277, %dma_start3A_513] : memref<16384x2048xf32, #tpu.memory_space<hbm>> -> memref<16x2048xf32, #tpu.memory_space<hbm>>
      tpu.enqueue_dma source(%arg9 : memref<16x2048xf32, #tpu.memory_space<vmem>>) target(%dma_start3A_514 : memref<16x2048xf32, #tpu.memory_space<hbm>>) target_semaphore(%arg14 : memref<!tpu.dma_semaphore, #tpu.memory_space<semaphore_mem>>)
    } else {
    }
    %slice3A_288 = vector.extract_strided_slice %get3A_5 {offsets = [2], sizes = [1], strides = [1]} : vector<16xi32> to vector<1xi32>
    %squeeze3A_289 = vector.extract %slice3A_288[0] : i32 from vector<1xi32>
    %mul3A_290 = arith.constant 16 : i32
    %mul3A_291 = arith.muli %add3A, %mul3A_290 : i32
    %add3A_292 = arith.constant 9216 : i32
    %add3A_293 = arith.addi %mul3A_291, %add3A_292 : i32
    tpu.wait_dma2 semaphore(%arg13 : memref<!tpu.dma_semaphore, #tpu.memory_space<semaphore_mem>>) src(%arg5 : memref<16x2048xf32, #tpu.memory_space<hbm>>) dst(%arg10 : memref<16x2048xf32, #tpu.memory_space<vmem>>)
    %gt3A_294 = arith.constant 0 : i32
    %gt3A_295 = arith.cmpi sgt, %squeeze3A_289, %gt3A_294 : i32
    %convert_element_type3A_296 = arith.extui %gt3A_295 : i1 to i32
    %cond3A_297 = arith.constant 0 : i32
    %cond3A_298 = arith.cmpi ne, %convert_element_type3A_296, %cond3A_297 : i32
    scf.if %cond3A_298 {
      %dma_start3A = arith.constant 18 : i32
      %dma_start3A_512 = arith.constant 0 : i32
      %dma_start3A_513 = tpu.memref_slice %arg7[%dma_start3A, %dma_start3A_512] : memref<32x16xi32, #tpu.memory_space<vmem>> -> memref<1x16xi32, #tpu.memory_space<vmem>>
      %dma_start3A_514 = tpu.memref_squeeze %dma_start3A_513 : memref<1x16xi32, #tpu.memory_space<vmem>> -> memref<16xi32, #tpu.memory_space<vmem>>
      %dma_start3A_515 = arith.constant 0 : i32
      %dma_start3A_516 = arith.constant 0 : i32
      %dma_start3A_517 = tpu.memref_slice %arg2[%dma_start3A_515, %dma_start3A_516] : memref<8192x2048xf32, #tpu.memory_space<hbm>> -> memref<8192x2048xf32, #tpu.memory_space<hbm>>
      tpu.enqueue_indirect_dma source(%dma_start3A_517 : memref<8192x2048xf32, #tpu.memory_space<hbm>>) target(%arg10 : memref<16x2048xf32, #tpu.memory_space<vmem>>) offsets(%dma_start3A_514 : memref<16xi32, #tpu.memory_space<vmem>>) semaphore(%arg12 : memref<!tpu.dma_semaphore, #tpu.memory_space<semaphore_mem>>)
      %dma_wait3A = arith.constant 18 : i32
      %dma_wait3A_518 = arith.constant 0 : i32
      %dma_wait3A_519 = tpu.memref_slice %arg7[%dma_wait3A, %dma_wait3A_518] : memref<32x16xi32, #tpu.memory_space<vmem>> -> memref<1x16xi32, #tpu.memory_space<vmem>>
      %dma_wait3A_520 = tpu.memref_squeeze %dma_wait3A_519 : memref<1x16xi32, #tpu.memory_space<vmem>> -> memref<16xi32, #tpu.memory_space<vmem>>
      %dma_wait3A_521 = arith.constant 0 : i32
      %dma_wait3A_522 = arith.constant 0 : i32
      %dma_wait3A_523 = tpu.memref_slice %arg2[%dma_wait3A_521, %dma_wait3A_522] : memref<8192x2048xf32, #tpu.memory_space<hbm>> -> memref<8192x2048xf32, #tpu.memory_space<hbm>>
      tpu.wait_indirect_dma semaphore(%arg12 : memref<!tpu.dma_semaphore, #tpu.memory_space<semaphore_mem>>) src(%dma_wait3A_523 : memref<8192x2048xf32, #tpu.memory_space<hbm>>) dst(%arg10 : memref<16x2048xf32, #tpu.memory_space<vmem>>)
      %lt3A = arith.constant 16 : i32
      %lt3A_524 = arith.cmpi slt, %squeeze3A_289, %lt3A : i32
      %convert_element_type3A_525 = arith.extui %lt3A_524 : i1 to i32
      %cond3A_526 = arith.constant 0 : i32
      %cond3A_527 = arith.cmpi ne, %convert_element_type3A_525, %cond3A_526 : i32
      scf.if %cond3A_527 {
        %sub3A = arith.constant 16 : i32
        %sub3A_532 = arith.subi %sub3A, %squeeze3A_289 : i32
        %sub3A_533 = arith.constant 1 : i32
        %sub3A_534 = arith.constant 1 : i32
        %sub3A_535 = arith.subi %sub3A_533, %sub3A_534 : i32
        %add3A_536 = arith.addi %sub3A_532, %sub3A_535 : i32
        %div3A = arith.constant 1 : i32
        %div3A_537 = arith.divsi %add3A_536, %div3A : i32
        %while3A = arith.constant 1 : i32
        %while3A_538 = arith.constant 0 : i32
        %while3A_539 = arith.subi %div3A_537, %while3A_538 : i32
        %while3A_540 = arith.addi %while3A_538, %while3A_539 : i32
        %while3A_541 = arith.constant 1 : i32
        %while3A_542 = arith.divsi %while3A_539, %while3A_541 : i32
        %while3A_543 = arith.muli %while3A_542, %while3A_541 : i32
        %while3A_544 = arith.addi %while3A_538, %while3A_543 : i32
        %while3A_545 = arith.constant 1 : i32
        scf.for %while3A_547 = %while3A_538 to %while3A_544 step %while3A_545  : i32 {
          %mul3A_548 = arith.muli %while3A_547, %while3A : i32
          %add3A_549 = arith.addi %squeeze3A_289, %mul3A_548 : i32
          %scan3A = arith.constant 0 : i32
          %scan3A_550 = arith.constant 128 : i32
          %scan3A_551 = arith.addi %scan3A, %scan3A_550 : i32
          %scan3A_552 = arith.constant 1 : i32
          scf.for %scan3A_554 = %scan3A to %scan3A_551 step %scan3A_552  : i32 {
            %mul3A_555 = arith.constant 1 : i32
            %mul3A_556 = arith.muli %scan3A_554, %mul3A_555 : i32
            %add3A_557 = arith.constant 0 : i32
            %add3A_558 = arith.addi %add3A_557, %mul3A_556 : i32
            %broadcast_in_dim3A = arith.constant 0.000000e+00 : f32
            %broadcast_in_dim3A_559 = vector.broadcast %broadcast_in_dim3A : f32 to vector<16xf32>
            %mul3A_560 = arith.constant 16 : i32
            %mul3A_561 = arith.muli %add3A_558, %mul3A_560 : i32
            %swap3A = arith.index_cast %add3A_549 : i32 to index
            %swap3A_562 = arith.index_cast %mul3A_561 : i32 to index
            %swap3A_563 = tpu.vector_load %arg10[%swap3A, %swap3A_562] {strides = array<i32>} : memref<16x2048xf32, #tpu.memory_space<vmem>>, vector<1x16xf32>,
            %swap3A_564 = vector.shape_cast %swap3A_563 : vector<1x16xf32> to vector<16xf32>
            %swap3A_565 = vector.shape_cast %broadcast_in_dim3A_559 : vector<16xf32> to vector<1x16xf32>
            tpu.vector_store %arg10[%swap3A, %swap3A_562], %swap3A_565 {strides = array<i32>} : memref<16x2048xf32, #tpu.memory_space<vmem>>, vector<1x16xf32>,
          }
          %scan3A_553 = arith.constant 128 : i32
        }
        %while3A_546 = arith.constant 1 : i32
        scf.for %while3A_547 = %while3A_544 to %while3A_540 step %while3A_546  : i32 {
          %mul3A_548 = arith.muli %while3A_547, %while3A : i32
          %add3A_549 = arith.addi %squeeze3A_289, %mul3A_548 : i32
          %scan3A = arith.constant 0 : i32
          %scan3A_550 = arith.constant 128 : i32
          %scan3A_551 = arith.addi %scan3A, %scan3A_550 : i32
          %scan3A_552 = arith.constant 1 : i32
          scf.for %scan3A_554 = %scan3A to %scan3A_551 step %scan3A_552  : i32 {
            %mul3A_555 = arith.constant 1 : i32
            %mul3A_556 = arith.muli %scan3A_554, %mul3A_555 : i32
            %add3A_557 = arith.constant 0 : i32
            %add3A_558 = arith.addi %add3A_557, %mul3A_556 : i32
            %broadcast_in_dim3A = arith.constant 0.000000e+00 : f32
            %broadcast_in_dim3A_559 = vector.broadcast %broadcast_in_dim3A : f32 to vector<16xf32>
            %mul3A_560 = arith.constant 16 : i32
            %mul3A_561 = arith.muli %add3A_558, %mul3A_560 : i32
            %swap3A = arith.index_cast %add3A_549 : i32 to index
            %swap3A_562 = arith.index_cast %mul3A_561 : i32 to index
            %swap3A_563 = tpu.vector_load %arg10[%swap3A, %swap3A_562] {strides = array<i32>} : memref<16x2048xf32, #tpu.memory_space<vmem>>, vector<1x16xf32>,
            %swap3A_564 = vector.shape_cast %swap3A_563 : vector<1x16xf32> to vector<16xf32>
            %swap3A_565 = vector.shape_cast %broadcast_in_dim3A_559 : vector<16xf32> to vector<1x16xf32>
            tpu.vector_store %arg10[%swap3A, %swap3A_562], %swap3A_565 {strides = array<i32>} : memref<16x2048xf32, #tpu.memory_space<vmem>>, vector<1x16xf32>,
          }
          %scan3A_553 = arith.constant 128 : i32
        }
      } else {
      }
      %dma_start3A_528 = arith.constant 0 : i32
      %dma_start3A_529 = tpu.memref_slice %arg6[%add3A_293, %dma_start3A_528] : memref<16384x2048xf32, #tpu.memory_space<hbm>> -> memref<16x2048xf32, #tpu.memory_space<hbm>>
      %dma_start3A_530 = arith.constant 0 : i32
      %dma_start3A_531 = tpu.memref_slice %arg6[%add3A_293, %dma_start3A_530] : memref<16384x2048xf32, #tpu.memory_space<hbm>> -> memref<16x2048xf32, #tpu.memory_space<hbm>>
      tpu.enqueue_dma source(%arg10 : memref<16x2048xf32, #tpu.memory_space<vmem>>) target(%dma_start3A_531 : memref<16x2048xf32, #tpu.memory_space<hbm>>) target_semaphore(%arg13 : memref<!tpu.dma_semaphore, #tpu.memory_space<semaphore_mem>>)
    } else {
    }
    %eq3A_299 = arith.constant 0 : i32
    %eq3A_300 = arith.cmpi eq, %squeeze3A_289, %eq3A_299 : i32
    %convert_element_type3A_301 = arith.extui %eq3A_300 : i1 to i32
    %cond3A_302 = arith.constant 0 : i32
    %cond3A_303 = arith.cmpi ne, %convert_element_type3A_301, %cond3A_302 : i32
    scf.if %cond3A_303 {
      %dma_start3A = arith.constant 0 : i32
      %dma_start3A_512 = tpu.memref_slice %arg6[%add3A_293, %dma_start3A] : memref<16384x2048xf32, #tpu.memory_space<hbm>> -> memref<16x2048xf32, #tpu.memory_space<hbm>>
      %dma_start3A_513 = arith.constant 0 : i32
      %dma_start3A_514 = tpu.memref_slice %arg6[%add3A_293, %dma_start3A_513] : memref<16384x2048xf32, #tpu.memory_space<hbm>> -> memref<16x2048xf32, #tpu.memory_space<hbm>>
      tpu.enqueue_dma source(%arg9 : memref<16x2048xf32, #tpu.memory_space<vmem>>) target(%dma_start3A_514 : memref<16x2048xf32, #tpu.memory_space<hbm>>) target_semaphore(%arg13 : memref<!tpu.dma_semaphore, #tpu.memory_space<semaphore_mem>>)
    } else {
    }
    %slice3A_304 = vector.extract_strided_slice %get3A_5 {offsets = [3], sizes = [1], strides = [1]} : vector<16xi32> to vector<1xi32>
    %squeeze3A_305 = vector.extract %slice3A_304[0] : i32 from vector<1xi32>
    %mul3A_306 = arith.constant 16 : i32
    %mul3A_307 = arith.muli %add3A, %mul3A_306 : i32
    %add3A_308 = arith.constant 9728 : i32
    %add3A_309 = arith.addi %mul3A_307, %add3A_308 : i32
    tpu.wait_dma2 semaphore(%arg14 : memref<!tpu.dma_semaphore, #tpu.memory_space<semaphore_mem>>) src(%arg5 : memref<16x2048xf32, #tpu.memory_space<hbm>>) dst(%arg11 : memref<16x2048xf32, #tpu.memory_space<vmem>>)
    %gt3A_310 = arith.constant 0 : i32
    %gt3A_311 = arith.cmpi sgt, %squeeze3A_305, %gt3A_310 : i32
    %convert_element_type3A_312 = arith.extui %gt3A_311 : i1 to i32
    %cond3A_313 = arith.constant 0 : i32
    %cond3A_314 = arith.cmpi ne, %convert_element_type3A_312, %cond3A_313 : i32
    scf.if %cond3A_314 {
      %dma_start3A = arith.constant 19 : i32
      %dma_start3A_512 = arith.constant 0 : i32
      %dma_start3A_513 = tpu.memref_slice %arg7[%dma_start3A, %dma_start3A_512] : memref<32x16xi32, #tpu.memory_space<vmem>> -> memref<1x16xi32, #tpu.memory_space<vmem>>
      %dma_start3A_514 = tpu.memref_squeeze %dma_start3A_513 : memref<1x16xi32, #tpu.memory_space<vmem>> -> memref<16xi32, #tpu.memory_space<vmem>>
      %dma_start3A_515 = arith.constant 0 : i32
      %dma_start3A_516 = arith.constant 0 : i32
      %dma_start3A_517 = tpu.memref_slice %arg2[%dma_start3A_515, %dma_start3A_516] : memref<8192x2048xf32, #tpu.memory_space<hbm>> -> memref<8192x2048xf32, #tpu.memory_space<hbm>>
      tpu.enqueue_indirect_dma source(%dma_start3A_517 : memref<8192x2048xf32, #tpu.memory_space<hbm>>) target(%arg11 : memref<16x2048xf32, #tpu.memory_space<vmem>>) offsets(%dma_start3A_514 : memref<16xi32, #tpu.memory_space<vmem>>) semaphore(%arg12 : memref<!tpu.dma_semaphore, #tpu.memory_space<semaphore_mem>>)
      %dma_wait3A = arith.constant 19 : i32
      %dma_wait3A_518 = arith.constant 0 : i32
      %dma_wait3A_519 = tpu.memref_slice %arg7[%dma_wait3A, %dma_wait3A_518] : memref<32x16xi32, #tpu.memory_space<vmem>> -> memref<1x16xi32, #tpu.memory_space<vmem>>
      %dma_wait3A_520 = tpu.memref_squeeze %dma_wait3A_519 : memref<1x16xi32, #tpu.memory_space<vmem>> -> memref<16xi32, #tpu.memory_space<vmem>>
      %dma_wait3A_521 = arith.constant 0 : i32
      %dma_wait3A_522 = arith.constant 0 : i32
      %dma_wait3A_523 = tpu.memref_slice %arg2[%dma_wait3A_521, %dma_wait3A_522] : memref<8192x2048xf32, #tpu.memory_space<hbm>> -> memref<8192x2048xf32, #tpu.memory_space<hbm>>
      tpu.wait_indirect_dma semaphore(%arg12 : memref<!tpu.dma_semaphore, #tpu.memory_space<semaphore_mem>>) src(%dma_wait3A_523 : memref<8192x2048xf32, #tpu.memory_space<hbm>>) dst(%arg11 : memref<16x2048xf32, #tpu.memory_space<vmem>>)
      %lt3A = arith.constant 16 : i32
      %lt3A_524 = arith.cmpi slt, %squeeze3A_305, %lt3A : i32
      %convert_element_type3A_525 = arith.extui %lt3A_524 : i1 to i32
      %cond3A_526 = arith.constant 0 : i32
      %cond3A_527 = arith.cmpi ne, %convert_element_type3A_525, %cond3A_526 : i32
      scf.if %cond3A_527 {
        %sub3A = arith.constant 16 : i32
        %sub3A_532 = arith.subi %sub3A, %squeeze3A_305 : i32
        %sub3A_533 = arith.constant 1 : i32
        %sub3A_534 = arith.constant 1 : i32
        %sub3A_535 = arith.subi %sub3A_533, %sub3A_534 : i32
        %add3A_536 = arith.addi %sub3A_532, %sub3A_535 : i32
        %div3A = arith.constant 1 : i32
        %div3A_537 = arith.divsi %add3A_536, %div3A : i32
        %while3A = arith.constant 1 : i32
        %while3A_538 = arith.constant 0 : i32
        %while3A_539 = arith.subi %div3A_537, %while3A_538 : i32
        %while3A_540 = arith.addi %while3A_538, %while3A_539 : i32
        %while3A_541 = arith.constant 1 : i32
        %while3A_542 = arith.divsi %while3A_539, %while3A_541 : i32
        %while3A_543 = arith.muli %while3A_542, %while3A_541 : i32
        %while3A_544 = arith.addi %while3A_538, %while3A_543 : i32
        %while3A_545 = arith.constant 1 : i32
        scf.for %while3A_547 = %while3A_538 to %while3A_544 step %while3A_545  : i32 {
          %mul3A_548 = arith.muli %while3A_547, %while3A : i32
          %add3A_549 = arith.addi %squeeze3A_305, %mul3A_548 : i32
          %scan3A = arith.constant 0 : i32
          %scan3A_550 = arith.constant 128 : i32
          %scan3A_551 = arith.addi %scan3A, %scan3A_550 : i32
          %scan3A_552 = arith.constant 1 : i32
          scf.for %scan3A_554 = %scan3A to %scan3A_551 step %scan3A_552  : i32 {
            %mul3A_555 = arith.constant 1 : i32
            %mul3A_556 = arith.muli %scan3A_554, %mul3A_555 : i32
            %add3A_557 = arith.constant 0 : i32
            %add3A_558 = arith.addi %add3A_557, %mul3A_556 : i32
            %broadcast_in_dim3A = arith.constant 0.000000e+00 : f32
            %broadcast_in_dim3A_559 = vector.broadcast %broadcast_in_dim3A : f32 to vector<16xf32>
            %mul3A_560 = arith.constant 16 : i32
            %mul3A_561 = arith.muli %add3A_558, %mul3A_560 : i32
            %swap3A = arith.index_cast %add3A_549 : i32 to index
            %swap3A_562 = arith.index_cast %mul3A_561 : i32 to index
            %swap3A_563 = tpu.vector_load %arg11[%swap3A, %swap3A_562] {strides = array<i32>} : memref<16x2048xf32, #tpu.memory_space<vmem>>, vector<1x16xf32>,
            %swap3A_564 = vector.shape_cast %swap3A_563 : vector<1x16xf32> to vector<16xf32>
            %swap3A_565 = vector.shape_cast %broadcast_in_dim3A_559 : vector<16xf32> to vector<1x16xf32>
            tpu.vector_store %arg11[%swap3A, %swap3A_562], %swap3A_565 {strides = array<i32>} : memref<16x2048xf32, #tpu.memory_space<vmem>>, vector<1x16xf32>,
          }
          %scan3A_553 = arith.constant 128 : i32
        }
        %while3A_546 = arith.constant 1 : i32
        scf.for %while3A_547 = %while3A_544 to %while3A_540 step %while3A_546  : i32 {
          %mul3A_548 = arith.muli %while3A_547, %while3A : i32
          %add3A_549 = arith.addi %squeeze3A_305, %mul3A_548 : i32
          %scan3A = arith.constant 0 : i32
          %scan3A_550 = arith.constant 128 : i32
          %scan3A_551 = arith.addi %scan3A, %scan3A_550 : i32
          %scan3A_552 = arith.constant 1 : i32
          scf.for %scan3A_554 = %scan3A to %scan3A_551 step %scan3A_552  : i32 {
            %mul3A_555 = arith.constant 1 : i32
            %mul3A_556 = arith.muli %scan3A_554, %mul3A_555 : i32
            %add3A_557 = arith.constant 0 : i32
            %add3A_558 = arith.addi %add3A_557, %mul3A_556 : i32
            %broadcast_in_dim3A = arith.constant 0.000000e+00 : f32
            %broadcast_in_dim3A_559 = vector.broadcast %broadcast_in_dim3A : f32 to vector<16xf32>
            %mul3A_560 = arith.constant 16 : i32
            %mul3A_561 = arith.muli %add3A_558, %mul3A_560 : i32
            %swap3A = arith.index_cast %add3A_549 : i32 to index
            %swap3A_562 = arith.index_cast %mul3A_561 : i32 to index
            %swap3A_563 = tpu.vector_load %arg11[%swap3A, %swap3A_562] {strides = array<i32>} : memref<16x2048xf32, #tpu.memory_space<vmem>>, vector<1x16xf32>,
            %swap3A_564 = vector.shape_cast %swap3A_563 : vector<1x16xf32> to vector<16xf32>
            %swap3A_565 = vector.shape_cast %broadcast_in_dim3A_559 : vector<16xf32> to vector<1x16xf32>
            tpu.vector_store %arg11[%swap3A, %swap3A_562], %swap3A_565 {strides = array<i32>} : memref<16x2048xf32, #tpu.memory_space<vmem>>, vector<1x16xf32>,
          }
          %scan3A_553 = arith.constant 128 : i32
        }
      } else {
      }
      %dma_start3A_528 = arith.constant 0 : i32
      %dma_start3A_529 = tpu.memref_slice %arg6[%add3A_309, %dma_start3A_528] : memref<16384x2048xf32, #tpu.memory_space<hbm>> -> memref<16x2048xf32, #tpu.memory_space<hbm>>
      %dma_start3A_530 = arith.constant 0 : i32
      %dma_start3A_531 = tpu.memref_slice %arg6[%add3A_309, %dma_start3A_530] : memref<16384x2048xf32, #tpu.memory_space<hbm>> -> memref<16x2048xf32, #tpu.memory_space<hbm>>
      tpu.enqueue_dma source(%arg11 : memref<16x2048xf32, #tpu.memory_space<vmem>>) target(%dma_start3A_531 : memref<16x2048xf32, #tpu.memory_space<hbm>>) target_semaphore(%arg14 : memref<!tpu.dma_semaphore, #tpu.memory_space<semaphore_mem>>)
    } else {
    }
    %eq3A_315 = arith.constant 0 : i32
    %eq3A_316 = arith.cmpi eq, %squeeze3A_305, %eq3A_315 : i32
    %convert_element_type3A_317 = arith.extui %eq3A_316 : i1 to i32
    %cond3A_318 = arith.constant 0 : i32
    %cond3A_319 = arith.cmpi ne, %convert_element_type3A_317, %cond3A_318 : i32
    scf.if %cond3A_319 {
      %dma_start3A = arith.constant 0 : i32
      %dma_start3A_512 = tpu.memref_slice %arg6[%add3A_309, %dma_start3A] : memref<16384x2048xf32, #tpu.memory_space<hbm>> -> memref<16x2048xf32, #tpu.memory_space<hbm>>
      %dma_start3A_513 = arith.constant 0 : i32
      %dma_start3A_514 = tpu.memref_slice %arg6[%add3A_309, %dma_start3A_513] : memref<16384x2048xf32, #tpu.memory_space<hbm>> -> memref<16x2048xf32, #tpu.memory_space<hbm>>
      tpu.enqueue_dma source(%arg9 : memref<16x2048xf32, #tpu.memory_space<vmem>>) target(%dma_start3A_514 : memref<16x2048xf32, #tpu.memory_space<hbm>>) target_semaphore(%arg14 : memref<!tpu.dma_semaphore, #tpu.memory_space<semaphore_mem>>)
    } else {
    }
    %slice3A_320 = vector.extract_strided_slice %get3A_5 {offsets = [4], sizes = [1], strides = [1]} : vector<16xi32> to vector<1xi32>
    %squeeze3A_321 = vector.extract %slice3A_320[0] : i32 from vector<1xi32>
    %mul3A_322 = arith.constant 16 : i32
    %mul3A_323 = arith.muli %add3A, %mul3A_322 : i32
    %add3A_324 = arith.constant 10240 : i32
    %add3A_325 = arith.addi %mul3A_323, %add3A_324 : i32
    tpu.wait_dma2 semaphore(%arg13 : memref<!tpu.dma_semaphore, #tpu.memory_space<semaphore_mem>>) src(%arg5 : memref<16x2048xf32, #tpu.memory_space<hbm>>) dst(%arg10 : memref<16x2048xf32, #tpu.memory_space<vmem>>)
    %gt3A_326 = arith.constant 0 : i32
    %gt3A_327 = arith.cmpi sgt, %squeeze3A_321, %gt3A_326 : i32
    %convert_element_type3A_328 = arith.extui %gt3A_327 : i1 to i32
    %cond3A_329 = arith.constant 0 : i32
    %cond3A_330 = arith.cmpi ne, %convert_element_type3A_328, %cond3A_329 : i32
    scf.if %cond3A_330 {
      %dma_start3A = arith.constant 20 : i32
      %dma_start3A_512 = arith.constant 0 : i32
      %dma_start3A_513 = tpu.memref_slice %arg7[%dma_start3A, %dma_start3A_512] : memref<32x16xi32, #tpu.memory_space<vmem>> -> memref<1x16xi32, #tpu.memory_space<vmem>>
      %dma_start3A_514 = tpu.memref_squeeze %dma_start3A_513 : memref<1x16xi32, #tpu.memory_space<vmem>> -> memref<16xi32, #tpu.memory_space<vmem>>
      %dma_start3A_515 = arith.constant 0 : i32
      %dma_start3A_516 = arith.constant 0 : i32
      %dma_start3A_517 = tpu.memref_slice %arg2[%dma_start3A_515, %dma_start3A_516] : memref<8192x2048xf32, #tpu.memory_space<hbm>> -> memref<8192x2048xf32, #tpu.memory_space<hbm>>
      tpu.enqueue_indirect_dma source(%dma_start3A_517 : memref<8192x2048xf32, #tpu.memory_space<hbm>>) target(%arg10 : memref<16x2048xf32, #tpu.memory_space<vmem>>) offsets(%dma_start3A_514 : memref<16xi32, #tpu.memory_space<vmem>>) semaphore(%arg12 : memref<!tpu.dma_semaphore, #tpu.memory_space<semaphore_mem>>)
      %dma_wait3A = arith.constant 20 : i32
      %dma_wait3A_518 = arith.constant 0 : i32
      %dma_wait3A_519 = tpu.memref_slice %arg7[%dma_wait3A, %dma_wait3A_518] : memref<32x16xi32, #tpu.memory_space<vmem>> -> memref<1x16xi32, #tpu.memory_space<vmem>>
      %dma_wait3A_520 = tpu.memref_squeeze %dma_wait3A_519 : memref<1x16xi32, #tpu.memory_space<vmem>> -> memref<16xi32, #tpu.memory_space<vmem>>
      %dma_wait3A_521 = arith.constant 0 : i32
      %dma_wait3A_522 = arith.constant 0 : i32
      %dma_wait3A_523 = tpu.memref_slice %arg2[%dma_wait3A_521, %dma_wait3A_522] : memref<8192x2048xf32, #tpu.memory_space<hbm>> -> memref<8192x2048xf32, #tpu.memory_space<hbm>>
      tpu.wait_indirect_dma semaphore(%arg12 : memref<!tpu.dma_semaphore, #tpu.memory_space<semaphore_mem>>) src(%dma_wait3A_523 : memref<8192x2048xf32, #tpu.memory_space<hbm>>) dst(%arg10 : memref<16x2048xf32, #tpu.memory_space<vmem>>)
      %lt3A = arith.constant 16 : i32
      %lt3A_524 = arith.cmpi slt, %squeeze3A_321, %lt3A : i32
      %convert_element_type3A_525 = arith.extui %lt3A_524 : i1 to i32
      %cond3A_526 = arith.constant 0 : i32
      %cond3A_527 = arith.cmpi ne, %convert_element_type3A_525, %cond3A_526 : i32
      scf.if %cond3A_527 {
        %sub3A = arith.constant 16 : i32
        %sub3A_532 = arith.subi %sub3A, %squeeze3A_321 : i32
        %sub3A_533 = arith.constant 1 : i32
        %sub3A_534 = arith.constant 1 : i32
        %sub3A_535 = arith.subi %sub3A_533, %sub3A_534 : i32
        %add3A_536 = arith.addi %sub3A_532, %sub3A_535 : i32
        %div3A = arith.constant 1 : i32
        %div3A_537 = arith.divsi %add3A_536, %div3A : i32
        %while3A = arith.constant 1 : i32
        %while3A_538 = arith.constant 0 : i32
        %while3A_539 = arith.subi %div3A_537, %while3A_538 : i32
        %while3A_540 = arith.addi %while3A_538, %while3A_539 : i32
        %while3A_541 = arith.constant 1 : i32
        %while3A_542 = arith.divsi %while3A_539, %while3A_541 : i32
        %while3A_543 = arith.muli %while3A_542, %while3A_541 : i32
        %while3A_544 = arith.addi %while3A_538, %while3A_543 : i32
        %while3A_545 = arith.constant 1 : i32
        scf.for %while3A_547 = %while3A_538 to %while3A_544 step %while3A_545  : i32 {
          %mul3A_548 = arith.muli %while3A_547, %while3A : i32
          %add3A_549 = arith.addi %squeeze3A_321, %mul3A_548 : i32
          %scan3A = arith.constant 0 : i32
          %scan3A_550 = arith.constant 128 : i32
          %scan3A_551 = arith.addi %scan3A, %scan3A_550 : i32
          %scan3A_552 = arith.constant 1 : i32
          scf.for %scan3A_554 = %scan3A to %scan3A_551 step %scan3A_552  : i32 {
            %mul3A_555 = arith.constant 1 : i32
            %mul3A_556 = arith.muli %scan3A_554, %mul3A_555 : i32
            %add3A_557 = arith.constant 0 : i32
            %add3A_558 = arith.addi %add3A_557, %mul3A_556 : i32
            %broadcast_in_dim3A = arith.constant 0.000000e+00 : f32
            %broadcast_in_dim3A_559 = vector.broadcast %broadcast_in_dim3A : f32 to vector<16xf32>
            %mul3A_560 = arith.constant 16 : i32
            %mul3A_561 = arith.muli %add3A_558, %mul3A_560 : i32
            %swap3A = arith.index_cast %add3A_549 : i32 to index
            %swap3A_562 = arith.index_cast %mul3A_561 : i32 to index
            %swap3A_563 = tpu.vector_load %arg10[%swap3A, %swap3A_562] {strides = array<i32>} : memref<16x2048xf32, #tpu.memory_space<vmem>>, vector<1x16xf32>,
            %swap3A_564 = vector.shape_cast %swap3A_563 : vector<1x16xf32> to vector<16xf32>
            %swap3A_565 = vector.shape_cast %broadcast_in_dim3A_559 : vector<16xf32> to vector<1x16xf32>
            tpu.vector_store %arg10[%swap3A, %swap3A_562], %swap3A_565 {strides = array<i32>} : memref<16x2048xf32, #tpu.memory_space<vmem>>, vector<1x16xf32>,
          }
          %scan3A_553 = arith.constant 128 : i32
        }
        %while3A_546 = arith.constant 1 : i32
        scf.for %while3A_547 = %while3A_544 to %while3A_540 step %while3A_546  : i32 {
          %mul3A_548 = arith.muli %while3A_547, %while3A : i32
          %add3A_549 = arith.addi %squeeze3A_321, %mul3A_548 : i32
          %scan3A = arith.constant 0 : i32
          %scan3A_550 = arith.constant 128 : i32
          %scan3A_551 = arith.addi %scan3A, %scan3A_550 : i32
          %scan3A_552 = arith.constant 1 : i32
          scf.for %scan3A_554 = %scan3A to %scan3A_551 step %scan3A_552  : i32 {
            %mul3A_555 = arith.constant 1 : i32
            %mul3A_556 = arith.muli %scan3A_554, %mul3A_555 : i32
            %add3A_557 = arith.constant 0 : i32
            %add3A_558 = arith.addi %add3A_557, %mul3A_556 : i32
            %broadcast_in_dim3A = arith.constant 0.000000e+00 : f32
            %broadcast_in_dim3A_559 = vector.broadcast %broadcast_in_dim3A : f32 to vector<16xf32>
            %mul3A_560 = arith.constant 16 : i32
            %mul3A_561 = arith.muli %add3A_558, %mul3A_560 : i32
            %swap3A = arith.index_cast %add3A_549 : i32 to index
            %swap3A_562 = arith.index_cast %mul3A_561 : i32 to index
            %swap3A_563 = tpu.vector_load %arg10[%swap3A, %swap3A_562] {strides = array<i32>} : memref<16x2048xf32, #tpu.memory_space<vmem>>, vector<1x16xf32>,
            %swap3A_564 = vector.shape_cast %swap3A_563 : vector<1x16xf32> to vector<16xf32>
            %swap3A_565 = vector.shape_cast %broadcast_in_dim3A_559 : vector<16xf32> to vector<1x16xf32>
            tpu.vector_store %arg10[%swap3A, %swap3A_562], %swap3A_565 {strides = array<i32>} : memref<16x2048xf32, #tpu.memory_space<vmem>>, vector<1x16xf32>,
          }
          %scan3A_553 = arith.constant 128 : i32
        }
      } else {
      }
      %dma_start3A_528 = arith.constant 0 : i32
      %dma_start3A_529 = tpu.memref_slice %arg6[%add3A_325, %dma_start3A_528] : memref<16384x2048xf32, #tpu.memory_space<hbm>> -> memref<16x2048xf32, #tpu.memory_space<hbm>>
      %dma_start3A_530 = arith.constant 0 : i32
      %dma_start3A_531 = tpu.memref_slice %arg6[%add3A_325, %dma_start3A_530] : memref<16384x2048xf32, #tpu.memory_space<hbm>> -> memref<16x2048xf32, #tpu.memory_space<hbm>>
      tpu.enqueue_dma source(%arg10 : memref<16x2048xf32, #tpu.memory_space<vmem>>) target(%dma_start3A_531 : memref<16x2048xf32, #tpu.memory_space<hbm>>) target_semaphore(%arg13 : memref<!tpu.dma_semaphore, #tpu.memory_space<semaphore_mem>>)
    } else {
    }
    %eq3A_331 = arith.constant 0 : i32
    %eq3A_332 = arith.cmpi eq, %squeeze3A_321, %eq3A_331 : i32
    %convert_element_type3A_333 = arith.extui %eq3A_332 : i1 to i32
    %cond3A_334 = arith.constant 0 : i32
    %cond3A_335 = arith.cmpi ne, %convert_element_type3A_333, %cond3A_334 : i32
    scf.if %cond3A_335 {
      %dma_start3A = arith.constant 0 : i32
      %dma_start3A_512 = tpu.memref_slice %arg6[%add3A_325, %dma_start3A] : memref<16384x2048xf32, #tpu.memory_space<hbm>> -> memref<16x2048xf32, #tpu.memory_space<hbm>>
      %dma_start3A_513 = arith.constant 0 : i32
      %dma_start3A_514 = tpu.memref_slice %arg6[%add3A_325, %dma_start3A_513] : memref<16384x2048xf32, #tpu.memory_space<hbm>> -> memref<16x2048xf32, #tpu.memory_space<hbm>>
      tpu.enqueue_dma source(%arg9 : memref<16x2048xf32, #tpu.memory_space<vmem>>) target(%dma_start3A_514 : memref<16x2048xf32, #tpu.memory_space<hbm>>) target_semaphore(%arg13 : memref<!tpu.dma_semaphore, #tpu.memory_space<semaphore_mem>>)
    } else {
    }
    %slice3A_336 = vector.extract_strided_slice %get3A_5 {offsets = [5], sizes = [1], strides = [1]} : vector<16xi32> to vector<1xi32>
    %squeeze3A_337 = vector.extract %slice3A_336[0] : i32 from vector<1xi32>
    %mul3A_338 = arith.constant 16 : i32
    %mul3A_339 = arith.muli %add3A, %mul3A_338 : i32
    %add3A_340 = arith.constant 10752 : i32
    %add3A_341 = arith.addi %mul3A_339, %add3A_340 : i32
    tpu.wait_dma2 semaphore(%arg14 : memref<!tpu.dma_semaphore, #tpu.memory_space<semaphore_mem>>) src(%arg5 : memref<16x2048xf32, #tpu.memory_space<hbm>>) dst(%arg11 : memref<16x2048xf32, #tpu.memory_space<vmem>>)
    %gt3A_342 = arith.constant 0 : i32
    %gt3A_343 = arith.cmpi sgt, %squeeze3A_337, %gt3A_342 : i32
    %convert_element_type3A_344 = arith.extui %gt3A_343 : i1 to i32
    %cond3A_345 = arith.constant 0 : i32
    %cond3A_346 = arith.cmpi ne, %convert_element_type3A_344, %cond3A_345 : i32
    scf.if %cond3A_346 {
      %dma_start3A = arith.constant 21 : i32
      %dma_start3A_512 = arith.constant 0 : i32
      %dma_start3A_513 = tpu.memref_slice %arg7[%dma_start3A, %dma_start3A_512] : memref<32x16xi32, #tpu.memory_space<vmem>> -> memref<1x16xi32, #tpu.memory_space<vmem>>
      %dma_start3A_514 = tpu.memref_squeeze %dma_start3A_513 : memref<1x16xi32, #tpu.memory_space<vmem>> -> memref<16xi32, #tpu.memory_space<vmem>>
      %dma_start3A_515 = arith.constant 0 : i32
      %dma_start3A_516 = arith.constant 0 : i32
      %dma_start3A_517 = tpu.memref_slice %arg2[%dma_start3A_515, %dma_start3A_516] : memref<8192x2048xf32, #tpu.memory_space<hbm>> -> memref<8192x2048xf32, #tpu.memory_space<hbm>>
      tpu.enqueue_indirect_dma source(%dma_start3A_517 : memref<8192x2048xf32, #tpu.memory_space<hbm>>) target(%arg11 : memref<16x2048xf32, #tpu.memory_space<vmem>>) offsets(%dma_start3A_514 : memref<16xi32, #tpu.memory_space<vmem>>) semaphore(%arg12 : memref<!tpu.dma_semaphore, #tpu.memory_space<semaphore_mem>>)
      %dma_wait3A = arith.constant 21 : i32
      %dma_wait3A_518 = arith.constant 0 : i32
      %dma_wait3A_519 = tpu.memref_slice %arg7[%dma_wait3A, %dma_wait3A_518] : memref<32x16xi32, #tpu.memory_space<vmem>> -> memref<1x16xi32, #tpu.memory_space<vmem>>
      %dma_wait3A_520 = tpu.memref_squeeze %dma_wait3A_519 : memref<1x16xi32, #tpu.memory_space<vmem>> -> memref<16xi32, #tpu.memory_space<vmem>>
      %dma_wait3A_521 = arith.constant 0 : i32
      %dma_wait3A_522 = arith.constant 0 : i32
      %dma_wait3A_523 = tpu.memref_slice %arg2[%dma_wait3A_521, %dma_wait3A_522] : memref<8192x2048xf32, #tpu.memory_space<hbm>> -> memref<8192x2048xf32, #tpu.memory_space<hbm>>
      tpu.wait_indirect_dma semaphore(%arg12 : memref<!tpu.dma_semaphore, #tpu.memory_space<semaphore_mem>>) src(%dma_wait3A_523 : memref<8192x2048xf32, #tpu.memory_space<hbm>>) dst(%arg11 : memref<16x2048xf32, #tpu.memory_space<vmem>>)
      %lt3A = arith.constant 16 : i32
      %lt3A_524 = arith.cmpi slt, %squeeze3A_337, %lt3A : i32
      %convert_element_type3A_525 = arith.extui %lt3A_524 : i1 to i32
      %cond3A_526 = arith.constant 0 : i32
      %cond3A_527 = arith.cmpi ne, %convert_element_type3A_525, %cond3A_526 : i32
      scf.if %cond3A_527 {
        %sub3A = arith.constant 16 : i32
        %sub3A_532 = arith.subi %sub3A, %squeeze3A_337 : i32
        %sub3A_533 = arith.constant 1 : i32
        %sub3A_534 = arith.constant 1 : i32
        %sub3A_535 = arith.subi %sub3A_533, %sub3A_534 : i32
        %add3A_536 = arith.addi %sub3A_532, %sub3A_535 : i32
        %div3A = arith.constant 1 : i32
        %div3A_537 = arith.divsi %add3A_536, %div3A : i32
        %while3A = arith.constant 1 : i32
        %while3A_538 = arith.constant 0 : i32
        %while3A_539 = arith.subi %div3A_537, %while3A_538 : i32
        %while3A_540 = arith.addi %while3A_538, %while3A_539 : i32
        %while3A_541 = arith.constant 1 : i32
        %while3A_542 = arith.divsi %while3A_539, %while3A_541 : i32
        %while3A_543 = arith.muli %while3A_542, %while3A_541 : i32
        %while3A_544 = arith.addi %while3A_538, %while3A_543 : i32
        %while3A_545 = arith.constant 1 : i32
        scf.for %while3A_547 = %while3A_538 to %while3A_544 step %while3A_545  : i32 {
          %mul3A_548 = arith.muli %while3A_547, %while3A : i32
          %add3A_549 = arith.addi %squeeze3A_337, %mul3A_548 : i32
          %scan3A = arith.constant 0 : i32
          %scan3A_550 = arith.constant 128 : i32
          %scan3A_551 = arith.addi %scan3A, %scan3A_550 : i32
          %scan3A_552 = arith.constant 1 : i32
          scf.for %scan3A_554 = %scan3A to %scan3A_551 step %scan3A_552  : i32 {
            %mul3A_555 = arith.constant 1 : i32
            %mul3A_556 = arith.muli %scan3A_554, %mul3A_555 : i32
            %add3A_557 = arith.constant 0 : i32
            %add3A_558 = arith.addi %add3A_557, %mul3A_556 : i32
            %broadcast_in_dim3A = arith.constant 0.000000e+00 : f32
            %broadcast_in_dim3A_559 = vector.broadcast %broadcast_in_dim3A : f32 to vector<16xf32>
            %mul3A_560 = arith.constant 16 : i32
            %mul3A_561 = arith.muli %add3A_558, %mul3A_560 : i32
            %swap3A = arith.index_cast %add3A_549 : i32 to index
            %swap3A_562 = arith.index_cast %mul3A_561 : i32 to index
            %swap3A_563 = tpu.vector_load %arg11[%swap3A, %swap3A_562] {strides = array<i32>} : memref<16x2048xf32, #tpu.memory_space<vmem>>, vector<1x16xf32>,
            %swap3A_564 = vector.shape_cast %swap3A_563 : vector<1x16xf32> to vector<16xf32>
            %swap3A_565 = vector.shape_cast %broadcast_in_dim3A_559 : vector<16xf32> to vector<1x16xf32>
            tpu.vector_store %arg11[%swap3A, %swap3A_562], %swap3A_565 {strides = array<i32>} : memref<16x2048xf32, #tpu.memory_space<vmem>>, vector<1x16xf32>,
          }
          %scan3A_553 = arith.constant 128 : i32
        }
        %while3A_546 = arith.constant 1 : i32
        scf.for %while3A_547 = %while3A_544 to %while3A_540 step %while3A_546  : i32 {
          %mul3A_548 = arith.muli %while3A_547, %while3A : i32
          %add3A_549 = arith.addi %squeeze3A_337, %mul3A_548 : i32
          %scan3A = arith.constant 0 : i32
          %scan3A_550 = arith.constant 128 : i32
          %scan3A_551 = arith.addi %scan3A, %scan3A_550 : i32
          %scan3A_552 = arith.constant 1 : i32
          scf.for %scan3A_554 = %scan3A to %scan3A_551 step %scan3A_552  : i32 {
            %mul3A_555 = arith.constant 1 : i32
            %mul3A_556 = arith.muli %scan3A_554, %mul3A_555 : i32
            %add3A_557 = arith.constant 0 : i32
            %add3A_558 = arith.addi %add3A_557, %mul3A_556 : i32
            %broadcast_in_dim3A = arith.constant 0.000000e+00 : f32
            %broadcast_in_dim3A_559 = vector.broadcast %broadcast_in_dim3A : f32 to vector<16xf32>
            %mul3A_560 = arith.constant 16 : i32
            %mul3A_561 = arith.muli %add3A_558, %mul3A_560 : i32
            %swap3A = arith.index_cast %add3A_549 : i32 to index
            %swap3A_562 = arith.index_cast %mul3A_561 : i32 to index
            %swap3A_563 = tpu.vector_load %arg11[%swap3A, %swap3A_562] {strides = array<i32>} : memref<16x2048xf32, #tpu.memory_space<vmem>>, vector<1x16xf32>,
            %swap3A_564 = vector.shape_cast %swap3A_563 : vector<1x16xf32> to vector<16xf32>
            %swap3A_565 = vector.shape_cast %broadcast_in_dim3A_559 : vector<16xf32> to vector<1x16xf32>
            tpu.vector_store %arg11[%swap3A, %swap3A_562], %swap3A_565 {strides = array<i32>} : memref<16x2048xf32, #tpu.memory_space<vmem>>, vector<1x16xf32>,
          }
          %scan3A_553 = arith.constant 128 : i32
        }
      } else {
      }
      %dma_start3A_528 = arith.constant 0 : i32
      %dma_start3A_529 = tpu.memref_slice %arg6[%add3A_341, %dma_start3A_528] : memref<16384x2048xf32, #tpu.memory_space<hbm>> -> memref<16x2048xf32, #tpu.memory_space<hbm>>
      %dma_start3A_530 = arith.constant 0 : i32
      %dma_start3A_531 = tpu.memref_slice %arg6[%add3A_341, %dma_start3A_530] : memref<16384x2048xf32, #tpu.memory_space<hbm>> -> memref<16x2048xf32, #tpu.memory_space<hbm>>
      tpu.enqueue_dma source(%arg11 : memref<16x2048xf32, #tpu.memory_space<vmem>>) target(%dma_start3A_531 : memref<16x2048xf32, #tpu.memory_space<hbm>>) target_semaphore(%arg14 : memref<!tpu.dma_semaphore, #tpu.memory_space<semaphore_mem>>)
    } else {
    }
    %eq3A_347 = arith.constant 0 : i32
    %eq3A_348 = arith.cmpi eq, %squeeze3A_337, %eq3A_347 : i32
    %convert_element_type3A_349 = arith.extui %eq3A_348 : i1 to i32
    %cond3A_350 = arith.constant 0 : i32
    %cond3A_351 = arith.cmpi ne, %convert_element_type3A_349, %cond3A_350 : i32
    scf.if %cond3A_351 {
      %dma_start3A = arith.constant 0 : i32
      %dma_start3A_512 = tpu.memref_slice %arg6[%add3A_341, %dma_start3A] : memref<16384x2048xf32, #tpu.memory_space<hbm>> -> memref<16x2048xf32, #tpu.memory_space<hbm>>
      %dma_start3A_513 = arith.constant 0 : i32
      %dma_start3A_514 = tpu.memref_slice %arg6[%add3A_341, %dma_start3A_513] : memref<16384x2048xf32, #tpu.memory_space<hbm>> -> memref<16x2048xf32, #tpu.memory_space<hbm>>
      tpu.enqueue_dma source(%arg9 : memref<16x2048xf32, #tpu.memory_space<vmem>>) target(%dma_start3A_514 : memref<16x2048xf32, #tpu.memory_space<hbm>>) target_semaphore(%arg14 : memref<!tpu.dma_semaphore, #tpu.memory_space<semaphore_mem>>)
    } else {
    }
    %slice3A_352 = vector.extract_strided_slice %get3A_5 {offsets = [6], sizes = [1], strides = [1]} : vector<16xi32> to vector<1xi32>
    %squeeze3A_353 = vector.extract %slice3A_352[0] : i32 from vector<1xi32>
    %mul3A_354 = arith.constant 16 : i32
    %mul3A_355 = arith.muli %add3A, %mul3A_354 : i32
    %add3A_356 = arith.constant 11264 : i32
    %add3A_357 = arith.addi %mul3A_355, %add3A_356 : i32
    tpu.wait_dma2 semaphore(%arg13 : memref<!tpu.dma_semaphore, #tpu.memory_space<semaphore_mem>>) src(%arg5 : memref<16x2048xf32, #tpu.memory_space<hbm>>) dst(%arg10 : memref<16x2048xf32, #tpu.memory_space<vmem>>)
    %gt3A_358 = arith.constant 0 : i32
    %gt3A_359 = arith.cmpi sgt, %squeeze3A_353, %gt3A_358 : i32
    %convert_element_type3A_360 = arith.extui %gt3A_359 : i1 to i32
    %cond3A_361 = arith.constant 0 : i32
    %cond3A_362 = arith.cmpi ne, %convert_element_type3A_360, %cond3A_361 : i32
    scf.if %cond3A_362 {
      %dma_start3A = arith.constant 22 : i32
      %dma_start3A_512 = arith.constant 0 : i32
      %dma_start3A_513 = tpu.memref_slice %arg7[%dma_start3A, %dma_start3A_512] : memref<32x16xi32, #tpu.memory_space<vmem>> -> memref<1x16xi32, #tpu.memory_space<vmem>>
      %dma_start3A_514 = tpu.memref_squeeze %dma_start3A_513 : memref<1x16xi32, #tpu.memory_space<vmem>> -> memref<16xi32, #tpu.memory_space<vmem>>
      %dma_start3A_515 = arith.constant 0 : i32
      %dma_start3A_516 = arith.constant 0 : i32
      %dma_start3A_517 = tpu.memref_slice %arg2[%dma_start3A_515, %dma_start3A_516] : memref<8192x2048xf32, #tpu.memory_space<hbm>> -> memref<8192x2048xf32, #tpu.memory_space<hbm>>
      tpu.enqueue_indirect_dma source(%dma_start3A_517 : memref<8192x2048xf32, #tpu.memory_space<hbm>>) target(%arg10 : memref<16x2048xf32, #tpu.memory_space<vmem>>) offsets(%dma_start3A_514 : memref<16xi32, #tpu.memory_space<vmem>>) semaphore(%arg12 : memref<!tpu.dma_semaphore, #tpu.memory_space<semaphore_mem>>)
      %dma_wait3A = arith.constant 22 : i32
      %dma_wait3A_518 = arith.constant 0 : i32
      %dma_wait3A_519 = tpu.memref_slice %arg7[%dma_wait3A, %dma_wait3A_518] : memref<32x16xi32, #tpu.memory_space<vmem>> -> memref<1x16xi32, #tpu.memory_space<vmem>>
      %dma_wait3A_520 = tpu.memref_squeeze %dma_wait3A_519 : memref<1x16xi32, #tpu.memory_space<vmem>> -> memref<16xi32, #tpu.memory_space<vmem>>
      %dma_wait3A_521 = arith.constant 0 : i32
      %dma_wait3A_522 = arith.constant 0 : i32
      %dma_wait3A_523 = tpu.memref_slice %arg2[%dma_wait3A_521, %dma_wait3A_522] : memref<8192x2048xf32, #tpu.memory_space<hbm>> -> memref<8192x2048xf32, #tpu.memory_space<hbm>>
      tpu.wait_indirect_dma semaphore(%arg12 : memref<!tpu.dma_semaphore, #tpu.memory_space<semaphore_mem>>) src(%dma_wait3A_523 : memref<8192x2048xf32, #tpu.memory_space<hbm>>) dst(%arg10 : memref<16x2048xf32, #tpu.memory_space<vmem>>)
      %lt3A = arith.constant 16 : i32
      %lt3A_524 = arith.cmpi slt, %squeeze3A_353, %lt3A : i32
      %convert_element_type3A_525 = arith.extui %lt3A_524 : i1 to i32
      %cond3A_526 = arith.constant 0 : i32
      %cond3A_527 = arith.cmpi ne, %convert_element_type3A_525, %cond3A_526 : i32
      scf.if %cond3A_527 {
        %sub3A = arith.constant 16 : i32
        %sub3A_532 = arith.subi %sub3A, %squeeze3A_353 : i32
        %sub3A_533 = arith.constant 1 : i32
        %sub3A_534 = arith.constant 1 : i32
        %sub3A_535 = arith.subi %sub3A_533, %sub3A_534 : i32
        %add3A_536 = arith.addi %sub3A_532, %sub3A_535 : i32
        %div3A = arith.constant 1 : i32
        %div3A_537 = arith.divsi %add3A_536, %div3A : i32
        %while3A = arith.constant 1 : i32
        %while3A_538 = arith.constant 0 : i32
        %while3A_539 = arith.subi %div3A_537, %while3A_538 : i32
        %while3A_540 = arith.addi %while3A_538, %while3A_539 : i32
        %while3A_541 = arith.constant 1 : i32
        %while3A_542 = arith.divsi %while3A_539, %while3A_541 : i32
        %while3A_543 = arith.muli %while3A_542, %while3A_541 : i32
        %while3A_544 = arith.addi %while3A_538, %while3A_543 : i32
        %while3A_545 = arith.constant 1 : i32
        scf.for %while3A_547 = %while3A_538 to %while3A_544 step %while3A_545  : i32 {
          %mul3A_548 = arith.muli %while3A_547, %while3A : i32
          %add3A_549 = arith.addi %squeeze3A_353, %mul3A_548 : i32
          %scan3A = arith.constant 0 : i32
          %scan3A_550 = arith.constant 128 : i32
          %scan3A_551 = arith.addi %scan3A, %scan3A_550 : i32
          %scan3A_552 = arith.constant 1 : i32
          scf.for %scan3A_554 = %scan3A to %scan3A_551 step %scan3A_552  : i32 {
            %mul3A_555 = arith.constant 1 : i32
            %mul3A_556 = arith.muli %scan3A_554, %mul3A_555 : i32
            %add3A_557 = arith.constant 0 : i32
            %add3A_558 = arith.addi %add3A_557, %mul3A_556 : i32
            %broadcast_in_dim3A = arith.constant 0.000000e+00 : f32
            %broadcast_in_dim3A_559 = vector.broadcast %broadcast_in_dim3A : f32 to vector<16xf32>
            %mul3A_560 = arith.constant 16 : i32
            %mul3A_561 = arith.muli %add3A_558, %mul3A_560 : i32
            %swap3A = arith.index_cast %add3A_549 : i32 to index
            %swap3A_562 = arith.index_cast %mul3A_561 : i32 to index
            %swap3A_563 = tpu.vector_load %arg10[%swap3A, %swap3A_562] {strides = array<i32>} : memref<16x2048xf32, #tpu.memory_space<vmem>>, vector<1x16xf32>,
            %swap3A_564 = vector.shape_cast %swap3A_563 : vector<1x16xf32> to vector<16xf32>
            %swap3A_565 = vector.shape_cast %broadcast_in_dim3A_559 : vector<16xf32> to vector<1x16xf32>
            tpu.vector_store %arg10[%swap3A, %swap3A_562], %swap3A_565 {strides = array<i32>} : memref<16x2048xf32, #tpu.memory_space<vmem>>, vector<1x16xf32>,
          }
          %scan3A_553 = arith.constant 128 : i32
        }
        %while3A_546 = arith.constant 1 : i32
        scf.for %while3A_547 = %while3A_544 to %while3A_540 step %while3A_546  : i32 {
          %mul3A_548 = arith.muli %while3A_547, %while3A : i32
          %add3A_549 = arith.addi %squeeze3A_353, %mul3A_548 : i32
          %scan3A = arith.constant 0 : i32
          %scan3A_550 = arith.constant 128 : i32
          %scan3A_551 = arith.addi %scan3A, %scan3A_550 : i32
          %scan3A_552 = arith.constant 1 : i32
          scf.for %scan3A_554 = %scan3A to %scan3A_551 step %scan3A_552  : i32 {
            %mul3A_555 = arith.constant 1 : i32
            %mul3A_556 = arith.muli %scan3A_554, %mul3A_555 : i32
            %add3A_557 = arith.constant 0 : i32
            %add3A_558 = arith.addi %add3A_557, %mul3A_556 : i32
            %broadcast_in_dim3A = arith.constant 0.000000e+00 : f32
            %broadcast_in_dim3A_559 = vector.broadcast %broadcast_in_dim3A : f32 to vector<16xf32>
            %mul3A_560 = arith.constant 16 : i32
            %mul3A_561 = arith.muli %add3A_558, %mul3A_560 : i32
            %swap3A = arith.index_cast %add3A_549 : i32 to index
            %swap3A_562 = arith.index_cast %mul3A_561 : i32 to index
            %swap3A_563 = tpu.vector_load %arg10[%swap3A, %swap3A_562] {strides = array<i32>} : memref<16x2048xf32, #tpu.memory_space<vmem>>, vector<1x16xf32>,
            %swap3A_564 = vector.shape_cast %swap3A_563 : vector<1x16xf32> to vector<16xf32>
            %swap3A_565 = vector.shape_cast %broadcast_in_dim3A_559 : vector<16xf32> to vector<1x16xf32>
            tpu.vector_store %arg10[%swap3A, %swap3A_562], %swap3A_565 {strides = array<i32>} : memref<16x2048xf32, #tpu.memory_space<vmem>>, vector<1x16xf32>,
          }
          %scan3A_553 = arith.constant 128 : i32
        }
      } else {
      }
      %dma_start3A_528 = arith.constant 0 : i32
      %dma_start3A_529 = tpu.memref_slice %arg6[%add3A_357, %dma_start3A_528] : memref<16384x2048xf32, #tpu.memory_space<hbm>> -> memref<16x2048xf32, #tpu.memory_space<hbm>>
      %dma_start3A_530 = arith.constant 0 : i32
      %dma_start3A_531 = tpu.memref_slice %arg6[%add3A_357, %dma_start3A_530] : memref<16384x2048xf32, #tpu.memory_space<hbm>> -> memref<16x2048xf32, #tpu.memory_space<hbm>>
      tpu.enqueue_dma source(%arg10 : memref<16x2048xf32, #tpu.memory_space<vmem>>) target(%dma_start3A_531 : memref<16x2048xf32, #tpu.memory_space<hbm>>) target_semaphore(%arg13 : memref<!tpu.dma_semaphore, #tpu.memory_space<semaphore_mem>>)
    } else {
    }
    %eq3A_363 = arith.constant 0 : i32
    %eq3A_364 = arith.cmpi eq, %squeeze3A_353, %eq3A_363 : i32
    %convert_element_type3A_365 = arith.extui %eq3A_364 : i1 to i32
    %cond3A_366 = arith.constant 0 : i32
    %cond3A_367 = arith.cmpi ne, %convert_element_type3A_365, %cond3A_366 : i32
    scf.if %cond3A_367 {
      %dma_start3A = arith.constant 0 : i32
      %dma_start3A_512 = tpu.memref_slice %arg6[%add3A_357, %dma_start3A] : memref<16384x2048xf32, #tpu.memory_space<hbm>> -> memref<16x2048xf32, #tpu.memory_space<hbm>>
      %dma_start3A_513 = arith.constant 0 : i32
      %dma_start3A_514 = tpu.memref_slice %arg6[%add3A_357, %dma_start3A_513] : memref<16384x2048xf32, #tpu.memory_space<hbm>> -> memref<16x2048xf32, #tpu.memory_space<hbm>>
      tpu.enqueue_dma source(%arg9 : memref<16x2048xf32, #tpu.memory_space<vmem>>) target(%dma_start3A_514 : memref<16x2048xf32, #tpu.memory_space<hbm>>) target_semaphore(%arg13 : memref<!tpu.dma_semaphore, #tpu.memory_space<semaphore_mem>>)
    } else {
    }
    %slice3A_368 = vector.extract_strided_slice %get3A_5 {offsets = [7], sizes = [1], strides = [1]} : vector<16xi32> to vector<1xi32>
    %squeeze3A_369 = vector.extract %slice3A_368[0] : i32 from vector<1xi32>
    %mul3A_370 = arith.constant 16 : i32
    %mul3A_371 = arith.muli %add3A, %mul3A_370 : i32
    %add3A_372 = arith.constant 11776 : i32
    %add3A_373 = arith.addi %mul3A_371, %add3A_372 : i32
    tpu.wait_dma2 semaphore(%arg14 : memref<!tpu.dma_semaphore, #tpu.memory_space<semaphore_mem>>) src(%arg5 : memref<16x2048xf32, #tpu.memory_space<hbm>>) dst(%arg11 : memref<16x2048xf32, #tpu.memory_space<vmem>>)
    %gt3A_374 = arith.constant 0 : i32
    %gt3A_375 = arith.cmpi sgt, %squeeze3A_369, %gt3A_374 : i32
    %convert_element_type3A_376 = arith.extui %gt3A_375 : i1 to i32
    %cond3A_377 = arith.constant 0 : i32
    %cond3A_378 = arith.cmpi ne, %convert_element_type3A_376, %cond3A_377 : i32
    scf.if %cond3A_378 {
      %dma_start3A = arith.constant 23 : i32
      %dma_start3A_512 = arith.constant 0 : i32
      %dma_start3A_513 = tpu.memref_slice %arg7[%dma_start3A, %dma_start3A_512] : memref<32x16xi32, #tpu.memory_space<vmem>> -> memref<1x16xi32, #tpu.memory_space<vmem>>
      %dma_start3A_514 = tpu.memref_squeeze %dma_start3A_513 : memref<1x16xi32, #tpu.memory_space<vmem>> -> memref<16xi32, #tpu.memory_space<vmem>>
      %dma_start3A_515 = arith.constant 0 : i32
      %dma_start3A_516 = arith.constant 0 : i32
      %dma_start3A_517 = tpu.memref_slice %arg2[%dma_start3A_515, %dma_start3A_516] : memref<8192x2048xf32, #tpu.memory_space<hbm>> -> memref<8192x2048xf32, #tpu.memory_space<hbm>>
      tpu.enqueue_indirect_dma source(%dma_start3A_517 : memref<8192x2048xf32, #tpu.memory_space<hbm>>) target(%arg11 : memref<16x2048xf32, #tpu.memory_space<vmem>>) offsets(%dma_start3A_514 : memref<16xi32, #tpu.memory_space<vmem>>) semaphore(%arg12 : memref<!tpu.dma_semaphore, #tpu.memory_space<semaphore_mem>>)
      %dma_wait3A = arith.constant 23 : i32
      %dma_wait3A_518 = arith.constant 0 : i32
      %dma_wait3A_519 = tpu.memref_slice %arg7[%dma_wait3A, %dma_wait3A_518] : memref<32x16xi32, #tpu.memory_space<vmem>> -> memref<1x16xi32, #tpu.memory_space<vmem>>
      %dma_wait3A_520 = tpu.memref_squeeze %dma_wait3A_519 : memref<1x16xi32, #tpu.memory_space<vmem>> -> memref<16xi32, #tpu.memory_space<vmem>>
      %dma_wait3A_521 = arith.constant 0 : i32
      %dma_wait3A_522 = arith.constant 0 : i32
      %dma_wait3A_523 = tpu.memref_slice %arg2[%dma_wait3A_521, %dma_wait3A_522] : memref<8192x2048xf32, #tpu.memory_space<hbm>> -> memref<8192x2048xf32, #tpu.memory_space<hbm>>
      tpu.wait_indirect_dma semaphore(%arg12 : memref<!tpu.dma_semaphore, #tpu.memory_space<semaphore_mem>>) src(%dma_wait3A_523 : memref<8192x2048xf32, #tpu.memory_space<hbm>>) dst(%arg11 : memref<16x2048xf32, #tpu.memory_space<vmem>>)
      %lt3A = arith.constant 16 : i32
      %lt3A_524 = arith.cmpi slt, %squeeze3A_369, %lt3A : i32
      %convert_element_type3A_525 = arith.extui %lt3A_524 : i1 to i32
      %cond3A_526 = arith.constant 0 : i32
      %cond3A_527 = arith.cmpi ne, %convert_element_type3A_525, %cond3A_526 : i32
      scf.if %cond3A_527 {
        %sub3A = arith.constant 16 : i32
        %sub3A_532 = arith.subi %sub3A, %squeeze3A_369 : i32
        %sub3A_533 = arith.constant 1 : i32
        %sub3A_534 = arith.constant 1 : i32
        %sub3A_535 = arith.subi %sub3A_533, %sub3A_534 : i32
        %add3A_536 = arith.addi %sub3A_532, %sub3A_535 : i32
        %div3A = arith.constant 1 : i32
        %div3A_537 = arith.divsi %add3A_536, %div3A : i32
        %while3A = arith.constant 1 : i32
        %while3A_538 = arith.constant 0 : i32
        %while3A_539 = arith.subi %div3A_537, %while3A_538 : i32
        %while3A_540 = arith.addi %while3A_538, %while3A_539 : i32
        %while3A_541 = arith.constant 1 : i32
        %while3A_542 = arith.divsi %while3A_539, %while3A_541 : i32
        %while3A_543 = arith.muli %while3A_542, %while3A_541 : i32
        %while3A_544 = arith.addi %while3A_538, %while3A_543 : i32
        %while3A_545 = arith.constant 1 : i32
        scf.for %while3A_547 = %while3A_538 to %while3A_544 step %while3A_545  : i32 {
          %mul3A_548 = arith.muli %while3A_547, %while3A : i32
          %add3A_549 = arith.addi %squeeze3A_369, %mul3A_548 : i32
          %scan3A = arith.constant 0 : i32
          %scan3A_550 = arith.constant 128 : i32
          %scan3A_551 = arith.addi %scan3A, %scan3A_550 : i32
          %scan3A_552 = arith.constant 1 : i32
          scf.for %scan3A_554 = %scan3A to %scan3A_551 step %scan3A_552  : i32 {
            %mul3A_555 = arith.constant 1 : i32
            %mul3A_556 = arith.muli %scan3A_554, %mul3A_555 : i32
            %add3A_557 = arith.constant 0 : i32
            %add3A_558 = arith.addi %add3A_557, %mul3A_556 : i32
            %broadcast_in_dim3A = arith.constant 0.000000e+00 : f32
            %broadcast_in_dim3A_559 = vector.broadcast %broadcast_in_dim3A : f32 to vector<16xf32>
            %mul3A_560 = arith.constant 16 : i32
            %mul3A_561 = arith.muli %add3A_558, %mul3A_560 : i32
            %swap3A = arith.index_cast %add3A_549 : i32 to index
            %swap3A_562 = arith.index_cast %mul3A_561 : i32 to index
            %swap3A_563 = tpu.vector_load %arg11[%swap3A, %swap3A_562] {strides = array<i32>} : memref<16x2048xf32, #tpu.memory_space<vmem>>, vector<1x16xf32>,
            %swap3A_564 = vector.shape_cast %swap3A_563 : vector<1x16xf32> to vector<16xf32>
            %swap3A_565 = vector.shape_cast %broadcast_in_dim3A_559 : vector<16xf32> to vector<1x16xf32>
            tpu.vector_store %arg11[%swap3A, %swap3A_562], %swap3A_565 {strides = array<i32>} : memref<16x2048xf32, #tpu.memory_space<vmem>>, vector<1x16xf32>,
          }
          %scan3A_553 = arith.constant 128 : i32
        }
        %while3A_546 = arith.constant 1 : i32
        scf.for %while3A_547 = %while3A_544 to %while3A_540 step %while3A_546  : i32 {
          %mul3A_548 = arith.muli %while3A_547, %while3A : i32
          %add3A_549 = arith.addi %squeeze3A_369, %mul3A_548 : i32
          %scan3A = arith.constant 0 : i32
          %scan3A_550 = arith.constant 128 : i32
          %scan3A_551 = arith.addi %scan3A, %scan3A_550 : i32
          %scan3A_552 = arith.constant 1 : i32
          scf.for %scan3A_554 = %scan3A to %scan3A_551 step %scan3A_552  : i32 {
            %mul3A_555 = arith.constant 1 : i32
            %mul3A_556 = arith.muli %scan3A_554, %mul3A_555 : i32
            %add3A_557 = arith.constant 0 : i32
            %add3A_558 = arith.addi %add3A_557, %mul3A_556 : i32
            %broadcast_in_dim3A = arith.constant 0.000000e+00 : f32
            %broadcast_in_dim3A_559 = vector.broadcast %broadcast_in_dim3A : f32 to vector<16xf32>
            %mul3A_560 = arith.constant 16 : i32
            %mul3A_561 = arith.muli %add3A_558, %mul3A_560 : i32
            %swap3A = arith.index_cast %add3A_549 : i32 to index
            %swap3A_562 = arith.index_cast %mul3A_561 : i32 to index
            %swap3A_563 = tpu.vector_load %arg11[%swap3A, %swap3A_562] {strides = array<i32>} : memref<16x2048xf32, #tpu.memory_space<vmem>>, vector<1x16xf32>,
            %swap3A_564 = vector.shape_cast %swap3A_563 : vector<1x16xf32> to vector<16xf32>
            %swap3A_565 = vector.shape_cast %broadcast_in_dim3A_559 : vector<16xf32> to vector<1x16xf32>
            tpu.vector_store %arg11[%swap3A, %swap3A_562], %swap3A_565 {strides = array<i32>} : memref<16x2048xf32, #tpu.memory_space<vmem>>, vector<1x16xf32>,
          }
          %scan3A_553 = arith.constant 128 : i32
        }
      } else {
      }
      %dma_start3A_528 = arith.constant 0 : i32
      %dma_start3A_529 = tpu.memref_slice %arg6[%add3A_373, %dma_start3A_528] : memref<16384x2048xf32, #tpu.memory_space<hbm>> -> memref<16x2048xf32, #tpu.memory_space<hbm>>
      %dma_start3A_530 = arith.constant 0 : i32
      %dma_start3A_531 = tpu.memref_slice %arg6[%add3A_373, %dma_start3A_530] : memref<16384x2048xf32, #tpu.memory_space<hbm>> -> memref<16x2048xf32, #tpu.memory_space<hbm>>
      tpu.enqueue_dma source(%arg11 : memref<16x2048xf32, #tpu.memory_space<vmem>>) target(%dma_start3A_531 : memref<16x2048xf32, #tpu.memory_space<hbm>>) target_semaphore(%arg14 : memref<!tpu.dma_semaphore, #tpu.memory_space<semaphore_mem>>)
    } else {
    }
    %eq3A_379 = arith.constant 0 : i32
    %eq3A_380 = arith.cmpi eq, %squeeze3A_369, %eq3A_379 : i32
    %convert_element_type3A_381 = arith.extui %eq3A_380 : i1 to i32
    %cond3A_382 = arith.constant 0 : i32
    %cond3A_383 = arith.cmpi ne, %convert_element_type3A_381, %cond3A_382 : i32
    scf.if %cond3A_383 {
      %dma_start3A = arith.constant 0 : i32
      %dma_start3A_512 = tpu.memref_slice %arg6[%add3A_373, %dma_start3A] : memref<16384x2048xf32, #tpu.memory_space<hbm>> -> memref<16x2048xf32, #tpu.memory_space<hbm>>
      %dma_start3A_513 = arith.constant 0 : i32
      %dma_start3A_514 = tpu.memref_slice %arg6[%add3A_373, %dma_start3A_513] : memref<16384x2048xf32, #tpu.memory_space<hbm>> -> memref<16x2048xf32, #tpu.memory_space<hbm>>
      tpu.enqueue_dma source(%arg9 : memref<16x2048xf32, #tpu.memory_space<vmem>>) target(%dma_start3A_514 : memref<16x2048xf32, #tpu.memory_space<hbm>>) target_semaphore(%arg14 : memref<!tpu.dma_semaphore, #tpu.memory_space<semaphore_mem>>)
    } else {
    }
    %slice3A_384 = vector.extract_strided_slice %get3A_5 {offsets = [8], sizes = [1], strides = [1]} : vector<16xi32> to vector<1xi32>
    %squeeze3A_385 = vector.extract %slice3A_384[0] : i32 from vector<1xi32>
    %mul3A_386 = arith.constant 16 : i32
    %mul3A_387 = arith.muli %add3A, %mul3A_386 : i32
    %add3A_388 = arith.constant 12288 : i32
    %add3A_389 = arith.addi %mul3A_387, %add3A_388 : i32
    tpu.wait_dma2 semaphore(%arg13 : memref<!tpu.dma_semaphore, #tpu.memory_space<semaphore_mem>>) src(%arg5 : memref<16x2048xf32, #tpu.memory_space<hbm>>) dst(%arg10 : memref<16x2048xf32, #tpu.memory_space<vmem>>)
    %gt3A_390 = arith.constant 0 : i32
    %gt3A_391 = arith.cmpi sgt, %squeeze3A_385, %gt3A_390 : i32
    %convert_element_type3A_392 = arith.extui %gt3A_391 : i1 to i32
    %cond3A_393 = arith.constant 0 : i32
    %cond3A_394 = arith.cmpi ne, %convert_element_type3A_392, %cond3A_393 : i32
    scf.if %cond3A_394 {
      %dma_start3A = arith.constant 24 : i32
      %dma_start3A_512 = arith.constant 0 : i32
      %dma_start3A_513 = tpu.memref_slice %arg7[%dma_start3A, %dma_start3A_512] : memref<32x16xi32, #tpu.memory_space<vmem>> -> memref<1x16xi32, #tpu.memory_space<vmem>>
      %dma_start3A_514 = tpu.memref_squeeze %dma_start3A_513 : memref<1x16xi32, #tpu.memory_space<vmem>> -> memref<16xi32, #tpu.memory_space<vmem>>
      %dma_start3A_515 = arith.constant 0 : i32
      %dma_start3A_516 = arith.constant 0 : i32
      %dma_start3A_517 = tpu.memref_slice %arg2[%dma_start3A_515, %dma_start3A_516] : memref<8192x2048xf32, #tpu.memory_space<hbm>> -> memref<8192x2048xf32, #tpu.memory_space<hbm>>
      tpu.enqueue_indirect_dma source(%dma_start3A_517 : memref<8192x2048xf32, #tpu.memory_space<hbm>>) target(%arg10 : memref<16x2048xf32, #tpu.memory_space<vmem>>) offsets(%dma_start3A_514 : memref<16xi32, #tpu.memory_space<vmem>>) semaphore(%arg12 : memref<!tpu.dma_semaphore, #tpu.memory_space<semaphore_mem>>)
      %dma_wait3A = arith.constant 24 : i32
      %dma_wait3A_518 = arith.constant 0 : i32
      %dma_wait3A_519 = tpu.memref_slice %arg7[%dma_wait3A, %dma_wait3A_518] : memref<32x16xi32, #tpu.memory_space<vmem>> -> memref<1x16xi32, #tpu.memory_space<vmem>>
      %dma_wait3A_520 = tpu.memref_squeeze %dma_wait3A_519 : memref<1x16xi32, #tpu.memory_space<vmem>> -> memref<16xi32, #tpu.memory_space<vmem>>
      %dma_wait3A_521 = arith.constant 0 : i32
      %dma_wait3A_522 = arith.constant 0 : i32
      %dma_wait3A_523 = tpu.memref_slice %arg2[%dma_wait3A_521, %dma_wait3A_522] : memref<8192x2048xf32, #tpu.memory_space<hbm>> -> memref<8192x2048xf32, #tpu.memory_space<hbm>>
      tpu.wait_indirect_dma semaphore(%arg12 : memref<!tpu.dma_semaphore, #tpu.memory_space<semaphore_mem>>) src(%dma_wait3A_523 : memref<8192x2048xf32, #tpu.memory_space<hbm>>) dst(%arg10 : memref<16x2048xf32, #tpu.memory_space<vmem>>)
      %lt3A = arith.constant 16 : i32
      %lt3A_524 = arith.cmpi slt, %squeeze3A_385, %lt3A : i32
      %convert_element_type3A_525 = arith.extui %lt3A_524 : i1 to i32
      %cond3A_526 = arith.constant 0 : i32
      %cond3A_527 = arith.cmpi ne, %convert_element_type3A_525, %cond3A_526 : i32
      scf.if %cond3A_527 {
        %sub3A = arith.constant 16 : i32
        %sub3A_532 = arith.subi %sub3A, %squeeze3A_385 : i32
        %sub3A_533 = arith.constant 1 : i32
        %sub3A_534 = arith.constant 1 : i32
        %sub3A_535 = arith.subi %sub3A_533, %sub3A_534 : i32
        %add3A_536 = arith.addi %sub3A_532, %sub3A_535 : i32
        %div3A = arith.constant 1 : i32
        %div3A_537 = arith.divsi %add3A_536, %div3A : i32
        %while3A = arith.constant 1 : i32
        %while3A_538 = arith.constant 0 : i32
        %while3A_539 = arith.subi %div3A_537, %while3A_538 : i32
        %while3A_540 = arith.addi %while3A_538, %while3A_539 : i32
        %while3A_541 = arith.constant 1 : i32
        %while3A_542 = arith.divsi %while3A_539, %while3A_541 : i32
        %while3A_543 = arith.muli %while3A_542, %while3A_541 : i32
        %while3A_544 = arith.addi %while3A_538, %while3A_543 : i32
        %while3A_545 = arith.constant 1 : i32
        scf.for %while3A_547 = %while3A_538 to %while3A_544 step %while3A_545  : i32 {
          %mul3A_548 = arith.muli %while3A_547, %while3A : i32
          %add3A_549 = arith.addi %squeeze3A_385, %mul3A_548 : i32
          %scan3A = arith.constant 0 : i32
          %scan3A_550 = arith.constant 128 : i32
          %scan3A_551 = arith.addi %scan3A, %scan3A_550 : i32
          %scan3A_552 = arith.constant 1 : i32
          scf.for %scan3A_554 = %scan3A to %scan3A_551 step %scan3A_552  : i32 {
            %mul3A_555 = arith.constant 1 : i32
            %mul3A_556 = arith.muli %scan3A_554, %mul3A_555 : i32
            %add3A_557 = arith.constant 0 : i32
            %add3A_558 = arith.addi %add3A_557, %mul3A_556 : i32
            %broadcast_in_dim3A = arith.constant 0.000000e+00 : f32
            %broadcast_in_dim3A_559 = vector.broadcast %broadcast_in_dim3A : f32 to vector<16xf32>
            %mul3A_560 = arith.constant 16 : i32
            %mul3A_561 = arith.muli %add3A_558, %mul3A_560 : i32
            %swap3A = arith.index_cast %add3A_549 : i32 to index
            %swap3A_562 = arith.index_cast %mul3A_561 : i32 to index
            %swap3A_563 = tpu.vector_load %arg10[%swap3A, %swap3A_562] {strides = array<i32>} : memref<16x2048xf32, #tpu.memory_space<vmem>>, vector<1x16xf32>,
            %swap3A_564 = vector.shape_cast %swap3A_563 : vector<1x16xf32> to vector<16xf32>
            %swap3A_565 = vector.shape_cast %broadcast_in_dim3A_559 : vector<16xf32> to vector<1x16xf32>
            tpu.vector_store %arg10[%swap3A, %swap3A_562], %swap3A_565 {strides = array<i32>} : memref<16x2048xf32, #tpu.memory_space<vmem>>, vector<1x16xf32>,
          }
          %scan3A_553 = arith.constant 128 : i32
        }
        %while3A_546 = arith.constant 1 : i32
        scf.for %while3A_547 = %while3A_544 to %while3A_540 step %while3A_546  : i32 {
          %mul3A_548 = arith.muli %while3A_547, %while3A : i32
          %add3A_549 = arith.addi %squeeze3A_385, %mul3A_548 : i32
          %scan3A = arith.constant 0 : i32
          %scan3A_550 = arith.constant 128 : i32
          %scan3A_551 = arith.addi %scan3A, %scan3A_550 : i32
          %scan3A_552 = arith.constant 1 : i32
          scf.for %scan3A_554 = %scan3A to %scan3A_551 step %scan3A_552  : i32 {
            %mul3A_555 = arith.constant 1 : i32
            %mul3A_556 = arith.muli %scan3A_554, %mul3A_555 : i32
            %add3A_557 = arith.constant 0 : i32
            %add3A_558 = arith.addi %add3A_557, %mul3A_556 : i32
            %broadcast_in_dim3A = arith.constant 0.000000e+00 : f32
            %broadcast_in_dim3A_559 = vector.broadcast %broadcast_in_dim3A : f32 to vector<16xf32>
            %mul3A_560 = arith.constant 16 : i32
            %mul3A_561 = arith.muli %add3A_558, %mul3A_560 : i32
            %swap3A = arith.index_cast %add3A_549 : i32 to index
            %swap3A_562 = arith.index_cast %mul3A_561 : i32 to index
            %swap3A_563 = tpu.vector_load %arg10[%swap3A, %swap3A_562] {strides = array<i32>} : memref<16x2048xf32, #tpu.memory_space<vmem>>, vector<1x16xf32>,
            %swap3A_564 = vector.shape_cast %swap3A_563 : vector<1x16xf32> to vector<16xf32>
            %swap3A_565 = vector.shape_cast %broadcast_in_dim3A_559 : vector<16xf32> to vector<1x16xf32>
            tpu.vector_store %arg10[%swap3A, %swap3A_562], %swap3A_565 {strides = array<i32>} : memref<16x2048xf32, #tpu.memory_space<vmem>>, vector<1x16xf32>,
          }
          %scan3A_553 = arith.constant 128 : i32
        }
      } else {
      }
      %dma_start3A_528 = arith.constant 0 : i32
      %dma_start3A_529 = tpu.memref_slice %arg6[%add3A_389, %dma_start3A_528] : memref<16384x2048xf32, #tpu.memory_space<hbm>> -> memref<16x2048xf32, #tpu.memory_space<hbm>>
      %dma_start3A_530 = arith.constant 0 : i32
      %dma_start3A_531 = tpu.memref_slice %arg6[%add3A_389, %dma_start3A_530] : memref<16384x2048xf32, #tpu.memory_space<hbm>> -> memref<16x2048xf32, #tpu.memory_space<hbm>>
      tpu.enqueue_dma source(%arg10 : memref<16x2048xf32, #tpu.memory_space<vmem>>) target(%dma_start3A_531 : memref<16x2048xf32, #tpu.memory_space<hbm>>) target_semaphore(%arg13 : memref<!tpu.dma_semaphore, #tpu.memory_space<semaphore_mem>>)
    } else {
    }
    %eq3A_395 = arith.constant 0 : i32
    %eq3A_396 = arith.cmpi eq, %squeeze3A_385, %eq3A_395 : i32
    %convert_element_type3A_397 = arith.extui %eq3A_396 : i1 to i32
    %cond3A_398 = arith.constant 0 : i32
    %cond3A_399 = arith.cmpi ne, %convert_element_type3A_397, %cond3A_398 : i32
    scf.if %cond3A_399 {
      %dma_start3A = arith.constant 0 : i32
      %dma_start3A_512 = tpu.memref_slice %arg6[%add3A_389, %dma_start3A] : memref<16384x2048xf32, #tpu.memory_space<hbm>> -> memref<16x2048xf32, #tpu.memory_space<hbm>>
      %dma_start3A_513 = arith.constant 0 : i32
      %dma_start3A_514 = tpu.memref_slice %arg6[%add3A_389, %dma_start3A_513] : memref<16384x2048xf32, #tpu.memory_space<hbm>> -> memref<16x2048xf32, #tpu.memory_space<hbm>>
      tpu.enqueue_dma source(%arg9 : memref<16x2048xf32, #tpu.memory_space<vmem>>) target(%dma_start3A_514 : memref<16x2048xf32, #tpu.memory_space<hbm>>) target_semaphore(%arg13 : memref<!tpu.dma_semaphore, #tpu.memory_space<semaphore_mem>>)
    } else {
    }
    %slice3A_400 = vector.extract_strided_slice %get3A_5 {offsets = [9], sizes = [1], strides = [1]} : vector<16xi32> to vector<1xi32>
    %squeeze3A_401 = vector.extract %slice3A_400[0] : i32 from vector<1xi32>
    %mul3A_402 = arith.constant 16 : i32
    %mul3A_403 = arith.muli %add3A, %mul3A_402 : i32
    %add3A_404 = arith.constant 12800 : i32
    %add3A_405 = arith.addi %mul3A_403, %add3A_404 : i32
    tpu.wait_dma2 semaphore(%arg14 : memref<!tpu.dma_semaphore, #tpu.memory_space<semaphore_mem>>) src(%arg5 : memref<16x2048xf32, #tpu.memory_space<hbm>>) dst(%arg11 : memref<16x2048xf32, #tpu.memory_space<vmem>>)
    %gt3A_406 = arith.constant 0 : i32
    %gt3A_407 = arith.cmpi sgt, %squeeze3A_401, %gt3A_406 : i32
    %convert_element_type3A_408 = arith.extui %gt3A_407 : i1 to i32
    %cond3A_409 = arith.constant 0 : i32
    %cond3A_410 = arith.cmpi ne, %convert_element_type3A_408, %cond3A_409 : i32
    scf.if %cond3A_410 {
      %dma_start3A = arith.constant 25 : i32
      %dma_start3A_512 = arith.constant 0 : i32
      %dma_start3A_513 = tpu.memref_slice %arg7[%dma_start3A, %dma_start3A_512] : memref<32x16xi32, #tpu.memory_space<vmem>> -> memref<1x16xi32, #tpu.memory_space<vmem>>
      %dma_start3A_514 = tpu.memref_squeeze %dma_start3A_513 : memref<1x16xi32, #tpu.memory_space<vmem>> -> memref<16xi32, #tpu.memory_space<vmem>>
      %dma_start3A_515 = arith.constant 0 : i32
      %dma_start3A_516 = arith.constant 0 : i32
      %dma_start3A_517 = tpu.memref_slice %arg2[%dma_start3A_515, %dma_start3A_516] : memref<8192x2048xf32, #tpu.memory_space<hbm>> -> memref<8192x2048xf32, #tpu.memory_space<hbm>>
      tpu.enqueue_indirect_dma source(%dma_start3A_517 : memref<8192x2048xf32, #tpu.memory_space<hbm>>) target(%arg11 : memref<16x2048xf32, #tpu.memory_space<vmem>>) offsets(%dma_start3A_514 : memref<16xi32, #tpu.memory_space<vmem>>) semaphore(%arg12 : memref<!tpu.dma_semaphore, #tpu.memory_space<semaphore_mem>>)
      %dma_wait3A = arith.constant 25 : i32
      %dma_wait3A_518 = arith.constant 0 : i32
      %dma_wait3A_519 = tpu.memref_slice %arg7[%dma_wait3A, %dma_wait3A_518] : memref<32x16xi32, #tpu.memory_space<vmem>> -> memref<1x16xi32, #tpu.memory_space<vmem>>
      %dma_wait3A_520 = tpu.memref_squeeze %dma_wait3A_519 : memref<1x16xi32, #tpu.memory_space<vmem>> -> memref<16xi32, #tpu.memory_space<vmem>>
      %dma_wait3A_521 = arith.constant 0 : i32
      %dma_wait3A_522 = arith.constant 0 : i32
      %dma_wait3A_523 = tpu.memref_slice %arg2[%dma_wait3A_521, %dma_wait3A_522] : memref<8192x2048xf32, #tpu.memory_space<hbm>> -> memref<8192x2048xf32, #tpu.memory_space<hbm>>
      tpu.wait_indirect_dma semaphore(%arg12 : memref<!tpu.dma_semaphore, #tpu.memory_space<semaphore_mem>>) src(%dma_wait3A_523 : memref<8192x2048xf32, #tpu.memory_space<hbm>>) dst(%arg11 : memref<16x2048xf32, #tpu.memory_space<vmem>>)
      %lt3A = arith.constant 16 : i32
      %lt3A_524 = arith.cmpi slt, %squeeze3A_401, %lt3A : i32
      %convert_element_type3A_525 = arith.extui %lt3A_524 : i1 to i32
      %cond3A_526 = arith.constant 0 : i32
      %cond3A_527 = arith.cmpi ne, %convert_element_type3A_525, %cond3A_526 : i32
      scf.if %cond3A_527 {
        %sub3A = arith.constant 16 : i32
        %sub3A_532 = arith.subi %sub3A, %squeeze3A_401 : i32
        %sub3A_533 = arith.constant 1 : i32
        %sub3A_534 = arith.constant 1 : i32
        %sub3A_535 = arith.subi %sub3A_533, %sub3A_534 : i32
        %add3A_536 = arith.addi %sub3A_532, %sub3A_535 : i32
        %div3A = arith.constant 1 : i32
        %div3A_537 = arith.divsi %add3A_536, %div3A : i32
        %while3A = arith.constant 1 : i32
        %while3A_538 = arith.constant 0 : i32
        %while3A_539 = arith.subi %div3A_537, %while3A_538 : i32
        %while3A_540 = arith.addi %while3A_538, %while3A_539 : i32
        %while3A_541 = arith.constant 1 : i32
        %while3A_542 = arith.divsi %while3A_539, %while3A_541 : i32
        %while3A_543 = arith.muli %while3A_542, %while3A_541 : i32
        %while3A_544 = arith.addi %while3A_538, %while3A_543 : i32
        %while3A_545 = arith.constant 1 : i32
        scf.for %while3A_547 = %while3A_538 to %while3A_544 step %while3A_545  : i32 {
          %mul3A_548 = arith.muli %while3A_547, %while3A : i32
          %add3A_549 = arith.addi %squeeze3A_401, %mul3A_548 : i32
          %scan3A = arith.constant 0 : i32
          %scan3A_550 = arith.constant 128 : i32
          %scan3A_551 = arith.addi %scan3A, %scan3A_550 : i32
          %scan3A_552 = arith.constant 1 : i32
          scf.for %scan3A_554 = %scan3A to %scan3A_551 step %scan3A_552  : i32 {
            %mul3A_555 = arith.constant 1 : i32
            %mul3A_556 = arith.muli %scan3A_554, %mul3A_555 : i32
            %add3A_557 = arith.constant 0 : i32
            %add3A_558 = arith.addi %add3A_557, %mul3A_556 : i32
            %broadcast_in_dim3A = arith.constant 0.000000e+00 : f32
            %broadcast_in_dim3A_559 = vector.broadcast %broadcast_in_dim3A : f32 to vector<16xf32>
            %mul3A_560 = arith.constant 16 : i32
            %mul3A_561 = arith.muli %add3A_558, %mul3A_560 : i32
            %swap3A = arith.index_cast %add3A_549 : i32 to index
            %swap3A_562 = arith.index_cast %mul3A_561 : i32 to index
            %swap3A_563 = tpu.vector_load %arg11[%swap3A, %swap3A_562] {strides = array<i32>} : memref<16x2048xf32, #tpu.memory_space<vmem>>, vector<1x16xf32>,
            %swap3A_564 = vector.shape_cast %swap3A_563 : vector<1x16xf32> to vector<16xf32>
            %swap3A_565 = vector.shape_cast %broadcast_in_dim3A_559 : vector<16xf32> to vector<1x16xf32>
            tpu.vector_store %arg11[%swap3A, %swap3A_562], %swap3A_565 {strides = array<i32>} : memref<16x2048xf32, #tpu.memory_space<vmem>>, vector<1x16xf32>,
          }
          %scan3A_553 = arith.constant 128 : i32
        }
        %while3A_546 = arith.constant 1 : i32
        scf.for %while3A_547 = %while3A_544 to %while3A_540 step %while3A_546  : i32 {
          %mul3A_548 = arith.muli %while3A_547, %while3A : i32
          %add3A_549 = arith.addi %squeeze3A_401, %mul3A_548 : i32
          %scan3A = arith.constant 0 : i32
          %scan3A_550 = arith.constant 128 : i32
          %scan3A_551 = arith.addi %scan3A, %scan3A_550 : i32
          %scan3A_552 = arith.constant 1 : i32
          scf.for %scan3A_554 = %scan3A to %scan3A_551 step %scan3A_552  : i32 {
            %mul3A_555 = arith.constant 1 : i32
            %mul3A_556 = arith.muli %scan3A_554, %mul3A_555 : i32
            %add3A_557 = arith.constant 0 : i32
            %add3A_558 = arith.addi %add3A_557, %mul3A_556 : i32
            %broadcast_in_dim3A = arith.constant 0.000000e+00 : f32
            %broadcast_in_dim3A_559 = vector.broadcast %broadcast_in_dim3A : f32 to vector<16xf32>
            %mul3A_560 = arith.constant 16 : i32
            %mul3A_561 = arith.muli %add3A_558, %mul3A_560 : i32
            %swap3A = arith.index_cast %add3A_549 : i32 to index
            %swap3A_562 = arith.index_cast %mul3A_561 : i32 to index
            %swap3A_563 = tpu.vector_load %arg11[%swap3A, %swap3A_562] {strides = array<i32>} : memref<16x2048xf32, #tpu.memory_space<vmem>>, vector<1x16xf32>,
            %swap3A_564 = vector.shape_cast %swap3A_563 : vector<1x16xf32> to vector<16xf32>
            %swap3A_565 = vector.shape_cast %broadcast_in_dim3A_559 : vector<16xf32> to vector<1x16xf32>
            tpu.vector_store %arg11[%swap3A, %swap3A_562], %swap3A_565 {strides = array<i32>} : memref<16x2048xf32, #tpu.memory_space<vmem>>, vector<1x16xf32>,
          }
          %scan3A_553 = arith.constant 128 : i32
        }
      } else {
      }
      %dma_start3A_528 = arith.constant 0 : i32
      %dma_start3A_529 = tpu.memref_slice %arg6[%add3A_405, %dma_start3A_528] : memref<16384x2048xf32, #tpu.memory_space<hbm>> -> memref<16x2048xf32, #tpu.memory_space<hbm>>
      %dma_start3A_530 = arith.constant 0 : i32
      %dma_start3A_531 = tpu.memref_slice %arg6[%add3A_405, %dma_start3A_530] : memref<16384x2048xf32, #tpu.memory_space<hbm>> -> memref<16x2048xf32, #tpu.memory_space<hbm>>
      tpu.enqueue_dma source(%arg11 : memref<16x2048xf32, #tpu.memory_space<vmem>>) target(%dma_start3A_531 : memref<16x2048xf32, #tpu.memory_space<hbm>>) target_semaphore(%arg14 : memref<!tpu.dma_semaphore, #tpu.memory_space<semaphore_mem>>)
    } else {
    }
    %eq3A_411 = arith.constant 0 : i32
    %eq3A_412 = arith.cmpi eq, %squeeze3A_401, %eq3A_411 : i32
    %convert_element_type3A_413 = arith.extui %eq3A_412 : i1 to i32
    %cond3A_414 = arith.constant 0 : i32
    %cond3A_415 = arith.cmpi ne, %convert_element_type3A_413, %cond3A_414 : i32
    scf.if %cond3A_415 {
      %dma_start3A = arith.constant 0 : i32
      %dma_start3A_512 = tpu.memref_slice %arg6[%add3A_405, %dma_start3A] : memref<16384x2048xf32, #tpu.memory_space<hbm>> -> memref<16x2048xf32, #tpu.memory_space<hbm>>
      %dma_start3A_513 = arith.constant 0 : i32
      %dma_start3A_514 = tpu.memref_slice %arg6[%add3A_405, %dma_start3A_513] : memref<16384x2048xf32, #tpu.memory_space<hbm>> -> memref<16x2048xf32, #tpu.memory_space<hbm>>
      tpu.enqueue_dma source(%arg9 : memref<16x2048xf32, #tpu.memory_space<vmem>>) target(%dma_start3A_514 : memref<16x2048xf32, #tpu.memory_space<hbm>>) target_semaphore(%arg14 : memref<!tpu.dma_semaphore, #tpu.memory_space<semaphore_mem>>)
    } else {
    }
    %slice3A_416 = vector.extract_strided_slice %get3A_5 {offsets = [10], sizes = [1], strides = [1]} : vector<16xi32> to vector<1xi32>
    %squeeze3A_417 = vector.extract %slice3A_416[0] : i32 from vector<1xi32>
    %mul3A_418 = arith.constant 16 : i32
    %mul3A_419 = arith.muli %add3A, %mul3A_418 : i32
    %add3A_420 = arith.constant 13312 : i32
    %add3A_421 = arith.addi %mul3A_419, %add3A_420 : i32
    tpu.wait_dma2 semaphore(%arg13 : memref<!tpu.dma_semaphore, #tpu.memory_space<semaphore_mem>>) src(%arg5 : memref<16x2048xf32, #tpu.memory_space<hbm>>) dst(%arg10 : memref<16x2048xf32, #tpu.memory_space<vmem>>)
    %gt3A_422 = arith.constant 0 : i32
    %gt3A_423 = arith.cmpi sgt, %squeeze3A_417, %gt3A_422 : i32
    %convert_element_type3A_424 = arith.extui %gt3A_423 : i1 to i32
    %cond3A_425 = arith.constant 0 : i32
    %cond3A_426 = arith.cmpi ne, %convert_element_type3A_424, %cond3A_425 : i32
    scf.if %cond3A_426 {
      %dma_start3A = arith.constant 26 : i32
      %dma_start3A_512 = arith.constant 0 : i32
      %dma_start3A_513 = tpu.memref_slice %arg7[%dma_start3A, %dma_start3A_512] : memref<32x16xi32, #tpu.memory_space<vmem>> -> memref<1x16xi32, #tpu.memory_space<vmem>>
      %dma_start3A_514 = tpu.memref_squeeze %dma_start3A_513 : memref<1x16xi32, #tpu.memory_space<vmem>> -> memref<16xi32, #tpu.memory_space<vmem>>
      %dma_start3A_515 = arith.constant 0 : i32
      %dma_start3A_516 = arith.constant 0 : i32
      %dma_start3A_517 = tpu.memref_slice %arg2[%dma_start3A_515, %dma_start3A_516] : memref<8192x2048xf32, #tpu.memory_space<hbm>> -> memref<8192x2048xf32, #tpu.memory_space<hbm>>
      tpu.enqueue_indirect_dma source(%dma_start3A_517 : memref<8192x2048xf32, #tpu.memory_space<hbm>>) target(%arg10 : memref<16x2048xf32, #tpu.memory_space<vmem>>) offsets(%dma_start3A_514 : memref<16xi32, #tpu.memory_space<vmem>>) semaphore(%arg12 : memref<!tpu.dma_semaphore, #tpu.memory_space<semaphore_mem>>)
      %dma_wait3A = arith.constant 26 : i32
      %dma_wait3A_518 = arith.constant 0 : i32
      %dma_wait3A_519 = tpu.memref_slice %arg7[%dma_wait3A, %dma_wait3A_518] : memref<32x16xi32, #tpu.memory_space<vmem>> -> memref<1x16xi32, #tpu.memory_space<vmem>>
      %dma_wait3A_520 = tpu.memref_squeeze %dma_wait3A_519 : memref<1x16xi32, #tpu.memory_space<vmem>> -> memref<16xi32, #tpu.memory_space<vmem>>
      %dma_wait3A_521 = arith.constant 0 : i32
      %dma_wait3A_522 = arith.constant 0 : i32
      %dma_wait3A_523 = tpu.memref_slice %arg2[%dma_wait3A_521, %dma_wait3A_522] : memref<8192x2048xf32, #tpu.memory_space<hbm>> -> memref<8192x2048xf32, #tpu.memory_space<hbm>>
      tpu.wait_indirect_dma semaphore(%arg12 : memref<!tpu.dma_semaphore, #tpu.memory_space<semaphore_mem>>) src(%dma_wait3A_523 : memref<8192x2048xf32, #tpu.memory_space<hbm>>) dst(%arg10 : memref<16x2048xf32, #tpu.memory_space<vmem>>)
      %lt3A = arith.constant 16 : i32
      %lt3A_524 = arith.cmpi slt, %squeeze3A_417, %lt3A : i32
      %convert_element_type3A_525 = arith.extui %lt3A_524 : i1 to i32
      %cond3A_526 = arith.constant 0 : i32
      %cond3A_527 = arith.cmpi ne, %convert_element_type3A_525, %cond3A_526 : i32
      scf.if %cond3A_527 {
        %sub3A = arith.constant 16 : i32
        %sub3A_532 = arith.subi %sub3A, %squeeze3A_417 : i32
        %sub3A_533 = arith.constant 1 : i32
        %sub3A_534 = arith.constant 1 : i32
        %sub3A_535 = arith.subi %sub3A_533, %sub3A_534 : i32
        %add3A_536 = arith.addi %sub3A_532, %sub3A_535 : i32
        %div3A = arith.constant 1 : i32
        %div3A_537 = arith.divsi %add3A_536, %div3A : i32
        %while3A = arith.constant 1 : i32
        %while3A_538 = arith.constant 0 : i32
        %while3A_539 = arith.subi %div3A_537, %while3A_538 : i32
        %while3A_540 = arith.addi %while3A_538, %while3A_539 : i32
        %while3A_541 = arith.constant 1 : i32
        %while3A_542 = arith.divsi %while3A_539, %while3A_541 : i32
        %while3A_543 = arith.muli %while3A_542, %while3A_541 : i32
        %while3A_544 = arith.addi %while3A_538, %while3A_543 : i32
        %while3A_545 = arith.constant 1 : i32
        scf.for %while3A_547 = %while3A_538 to %while3A_544 step %while3A_545  : i32 {
          %mul3A_548 = arith.muli %while3A_547, %while3A : i32
          %add3A_549 = arith.addi %squeeze3A_417, %mul3A_548 : i32
          %scan3A = arith.constant 0 : i32
          %scan3A_550 = arith.constant 128 : i32
          %scan3A_551 = arith.addi %scan3A, %scan3A_550 : i32
          %scan3A_552 = arith.constant 1 : i32
          scf.for %scan3A_554 = %scan3A to %scan3A_551 step %scan3A_552  : i32 {
            %mul3A_555 = arith.constant 1 : i32
            %mul3A_556 = arith.muli %scan3A_554, %mul3A_555 : i32
            %add3A_557 = arith.constant 0 : i32
            %add3A_558 = arith.addi %add3A_557, %mul3A_556 : i32
            %broadcast_in_dim3A = arith.constant 0.000000e+00 : f32
            %broadcast_in_dim3A_559 = vector.broadcast %broadcast_in_dim3A : f32 to vector<16xf32>
            %mul3A_560 = arith.constant 16 : i32
            %mul3A_561 = arith.muli %add3A_558, %mul3A_560 : i32
            %swap3A = arith.index_cast %add3A_549 : i32 to index
            %swap3A_562 = arith.index_cast %mul3A_561 : i32 to index
            %swap3A_563 = tpu.vector_load %arg10[%swap3A, %swap3A_562] {strides = array<i32>} : memref<16x2048xf32, #tpu.memory_space<vmem>>, vector<1x16xf32>,
            %swap3A_564 = vector.shape_cast %swap3A_563 : vector<1x16xf32> to vector<16xf32>
            %swap3A_565 = vector.shape_cast %broadcast_in_dim3A_559 : vector<16xf32> to vector<1x16xf32>
            tpu.vector_store %arg10[%swap3A, %swap3A_562], %swap3A_565 {strides = array<i32>} : memref<16x2048xf32, #tpu.memory_space<vmem>>, vector<1x16xf32>,
          }
          %scan3A_553 = arith.constant 128 : i32
        }
        %while3A_546 = arith.constant 1 : i32
        scf.for %while3A_547 = %while3A_544 to %while3A_540 step %while3A_546  : i32 {
          %mul3A_548 = arith.muli %while3A_547, %while3A : i32
          %add3A_549 = arith.addi %squeeze3A_417, %mul3A_548 : i32
          %scan3A = arith.constant 0 : i32
          %scan3A_550 = arith.constant 128 : i32
          %scan3A_551 = arith.addi %scan3A, %scan3A_550 : i32
          %scan3A_552 = arith.constant 1 : i32
          scf.for %scan3A_554 = %scan3A to %scan3A_551 step %scan3A_552  : i32 {
            %mul3A_555 = arith.constant 1 : i32
            %mul3A_556 = arith.muli %scan3A_554, %mul3A_555 : i32
            %add3A_557 = arith.constant 0 : i32
            %add3A_558 = arith.addi %add3A_557, %mul3A_556 : i32
            %broadcast_in_dim3A = arith.constant 0.000000e+00 : f32
            %broadcast_in_dim3A_559 = vector.broadcast %broadcast_in_dim3A : f32 to vector<16xf32>
            %mul3A_560 = arith.constant 16 : i32
            %mul3A_561 = arith.muli %add3A_558, %mul3A_560 : i32
            %swap3A = arith.index_cast %add3A_549 : i32 to index
            %swap3A_562 = arith.index_cast %mul3A_561 : i32 to index
            %swap3A_563 = tpu.vector_load %arg10[%swap3A, %swap3A_562] {strides = array<i32>} : memref<16x2048xf32, #tpu.memory_space<vmem>>, vector<1x16xf32>,
            %swap3A_564 = vector.shape_cast %swap3A_563 : vector<1x16xf32> to vector<16xf32>
            %swap3A_565 = vector.shape_cast %broadcast_in_dim3A_559 : vector<16xf32> to vector<1x16xf32>
            tpu.vector_store %arg10[%swap3A, %swap3A_562], %swap3A_565 {strides = array<i32>} : memref<16x2048xf32, #tpu.memory_space<vmem>>, vector<1x16xf32>,
          }
          %scan3A_553 = arith.constant 128 : i32
        }
      } else {
      }
      %dma_start3A_528 = arith.constant 0 : i32
      %dma_start3A_529 = tpu.memref_slice %arg6[%add3A_421, %dma_start3A_528] : memref<16384x2048xf32, #tpu.memory_space<hbm>> -> memref<16x2048xf32, #tpu.memory_space<hbm>>
      %dma_start3A_530 = arith.constant 0 : i32
      %dma_start3A_531 = tpu.memref_slice %arg6[%add3A_421, %dma_start3A_530] : memref<16384x2048xf32, #tpu.memory_space<hbm>> -> memref<16x2048xf32, #tpu.memory_space<hbm>>
      tpu.enqueue_dma source(%arg10 : memref<16x2048xf32, #tpu.memory_space<vmem>>) target(%dma_start3A_531 : memref<16x2048xf32, #tpu.memory_space<hbm>>) target_semaphore(%arg13 : memref<!tpu.dma_semaphore, #tpu.memory_space<semaphore_mem>>)
    } else {
    }
    %eq3A_427 = arith.constant 0 : i32
    %eq3A_428 = arith.cmpi eq, %squeeze3A_417, %eq3A_427 : i32
    %convert_element_type3A_429 = arith.extui %eq3A_428 : i1 to i32
    %cond3A_430 = arith.constant 0 : i32
    %cond3A_431 = arith.cmpi ne, %convert_element_type3A_429, %cond3A_430 : i32
    scf.if %cond3A_431 {
      %dma_start3A = arith.constant 0 : i32
      %dma_start3A_512 = tpu.memref_slice %arg6[%add3A_421, %dma_start3A] : memref<16384x2048xf32, #tpu.memory_space<hbm>> -> memref<16x2048xf32, #tpu.memory_space<hbm>>
      %dma_start3A_513 = arith.constant 0 : i32
      %dma_start3A_514 = tpu.memref_slice %arg6[%add3A_421, %dma_start3A_513] : memref<16384x2048xf32, #tpu.memory_space<hbm>> -> memref<16x2048xf32, #tpu.memory_space<hbm>>
      tpu.enqueue_dma source(%arg9 : memref<16x2048xf32, #tpu.memory_space<vmem>>) target(%dma_start3A_514 : memref<16x2048xf32, #tpu.memory_space<hbm>>) target_semaphore(%arg13 : memref<!tpu.dma_semaphore, #tpu.memory_space<semaphore_mem>>)
    } else {
    }
    %slice3A_432 = vector.extract_strided_slice %get3A_5 {offsets = [11], sizes = [1], strides = [1]} : vector<16xi32> to vector<1xi32>
    %squeeze3A_433 = vector.extract %slice3A_432[0] : i32 from vector<1xi32>
    %mul3A_434 = arith.constant 16 : i32
    %mul3A_435 = arith.muli %add3A, %mul3A_434 : i32
    %add3A_436 = arith.constant 13824 : i32
    %add3A_437 = arith.addi %mul3A_435, %add3A_436 : i32
    tpu.wait_dma2 semaphore(%arg14 : memref<!tpu.dma_semaphore, #tpu.memory_space<semaphore_mem>>) src(%arg5 : memref<16x2048xf32, #tpu.memory_space<hbm>>) dst(%arg11 : memref<16x2048xf32, #tpu.memory_space<vmem>>)
    %gt3A_438 = arith.constant 0 : i32
    %gt3A_439 = arith.cmpi sgt, %squeeze3A_433, %gt3A_438 : i32
    %convert_element_type3A_440 = arith.extui %gt3A_439 : i1 to i32
    %cond3A_441 = arith.constant 0 : i32
    %cond3A_442 = arith.cmpi ne, %convert_element_type3A_440, %cond3A_441 : i32
    scf.if %cond3A_442 {
      %dma_start3A = arith.constant 27 : i32
      %dma_start3A_512 = arith.constant 0 : i32
      %dma_start3A_513 = tpu.memref_slice %arg7[%dma_start3A, %dma_start3A_512] : memref<32x16xi32, #tpu.memory_space<vmem>> -> memref<1x16xi32, #tpu.memory_space<vmem>>
      %dma_start3A_514 = tpu.memref_squeeze %dma_start3A_513 : memref<1x16xi32, #tpu.memory_space<vmem>> -> memref<16xi32, #tpu.memory_space<vmem>>
      %dma_start3A_515 = arith.constant 0 : i32
      %dma_start3A_516 = arith.constant 0 : i32
      %dma_start3A_517 = tpu.memref_slice %arg2[%dma_start3A_515, %dma_start3A_516] : memref<8192x2048xf32, #tpu.memory_space<hbm>> -> memref<8192x2048xf32, #tpu.memory_space<hbm>>
      tpu.enqueue_indirect_dma source(%dma_start3A_517 : memref<8192x2048xf32, #tpu.memory_space<hbm>>) target(%arg11 : memref<16x2048xf32, #tpu.memory_space<vmem>>) offsets(%dma_start3A_514 : memref<16xi32, #tpu.memory_space<vmem>>) semaphore(%arg12 : memref<!tpu.dma_semaphore, #tpu.memory_space<semaphore_mem>>)
      %dma_wait3A = arith.constant 27 : i32
      %dma_wait3A_518 = arith.constant 0 : i32
      %dma_wait3A_519 = tpu.memref_slice %arg7[%dma_wait3A, %dma_wait3A_518] : memref<32x16xi32, #tpu.memory_space<vmem>> -> memref<1x16xi32, #tpu.memory_space<vmem>>
      %dma_wait3A_520 = tpu.memref_squeeze %dma_wait3A_519 : memref<1x16xi32, #tpu.memory_space<vmem>> -> memref<16xi32, #tpu.memory_space<vmem>>
      %dma_wait3A_521 = arith.constant 0 : i32
      %dma_wait3A_522 = arith.constant 0 : i32
      %dma_wait3A_523 = tpu.memref_slice %arg2[%dma_wait3A_521, %dma_wait3A_522] : memref<8192x2048xf32, #tpu.memory_space<hbm>> -> memref<8192x2048xf32, #tpu.memory_space<hbm>>
      tpu.wait_indirect_dma semaphore(%arg12 : memref<!tpu.dma_semaphore, #tpu.memory_space<semaphore_mem>>) src(%dma_wait3A_523 : memref<8192x2048xf32, #tpu.memory_space<hbm>>) dst(%arg11 : memref<16x2048xf32, #tpu.memory_space<vmem>>)
      %lt3A = arith.constant 16 : i32
      %lt3A_524 = arith.cmpi slt, %squeeze3A_433, %lt3A : i32
      %convert_element_type3A_525 = arith.extui %lt3A_524 : i1 to i32
      %cond3A_526 = arith.constant 0 : i32
      %cond3A_527 = arith.cmpi ne, %convert_element_type3A_525, %cond3A_526 : i32
      scf.if %cond3A_527 {
        %sub3A = arith.constant 16 : i32
        %sub3A_532 = arith.subi %sub3A, %squeeze3A_433 : i32
        %sub3A_533 = arith.constant 1 : i32
        %sub3A_534 = arith.constant 1 : i32
        %sub3A_535 = arith.subi %sub3A_533, %sub3A_534 : i32
        %add3A_536 = arith.addi %sub3A_532, %sub3A_535 : i32
        %div3A = arith.constant 1 : i32
        %div3A_537 = arith.divsi %add3A_536, %div3A : i32
        %while3A = arith.constant 1 : i32
        %while3A_538 = arith.constant 0 : i32
        %while3A_539 = arith.subi %div3A_537, %while3A_538 : i32
        %while3A_540 = arith.addi %while3A_538, %while3A_539 : i32
        %while3A_541 = arith.constant 1 : i32
        %while3A_542 = arith.divsi %while3A_539, %while3A_541 : i32
        %while3A_543 = arith.muli %while3A_542, %while3A_541 : i32
        %while3A_544 = arith.addi %while3A_538, %while3A_543 : i32
        %while3A_545 = arith.constant 1 : i32
        scf.for %while3A_547 = %while3A_538 to %while3A_544 step %while3A_545  : i32 {
          %mul3A_548 = arith.muli %while3A_547, %while3A : i32
          %add3A_549 = arith.addi %squeeze3A_433, %mul3A_548 : i32
          %scan3A = arith.constant 0 : i32
          %scan3A_550 = arith.constant 128 : i32
          %scan3A_551 = arith.addi %scan3A, %scan3A_550 : i32
          %scan3A_552 = arith.constant 1 : i32
          scf.for %scan3A_554 = %scan3A to %scan3A_551 step %scan3A_552  : i32 {
            %mul3A_555 = arith.constant 1 : i32
            %mul3A_556 = arith.muli %scan3A_554, %mul3A_555 : i32
            %add3A_557 = arith.constant 0 : i32
            %add3A_558 = arith.addi %add3A_557, %mul3A_556 : i32
            %broadcast_in_dim3A = arith.constant 0.000000e+00 : f32
            %broadcast_in_dim3A_559 = vector.broadcast %broadcast_in_dim3A : f32 to vector<16xf32>
            %mul3A_560 = arith.constant 16 : i32
            %mul3A_561 = arith.muli %add3A_558, %mul3A_560 : i32
            %swap3A = arith.index_cast %add3A_549 : i32 to index
            %swap3A_562 = arith.index_cast %mul3A_561 : i32 to index
            %swap3A_563 = tpu.vector_load %arg11[%swap3A, %swap3A_562] {strides = array<i32>} : memref<16x2048xf32, #tpu.memory_space<vmem>>, vector<1x16xf32>,
            %swap3A_564 = vector.shape_cast %swap3A_563 : vector<1x16xf32> to vector<16xf32>
            %swap3A_565 = vector.shape_cast %broadcast_in_dim3A_559 : vector<16xf32> to vector<1x16xf32>
            tpu.vector_store %arg11[%swap3A, %swap3A_562], %swap3A_565 {strides = array<i32>} : memref<16x2048xf32, #tpu.memory_space<vmem>>, vector<1x16xf32>,
          }
          %scan3A_553 = arith.constant 128 : i32
        }
        %while3A_546 = arith.constant 1 : i32
        scf.for %while3A_547 = %while3A_544 to %while3A_540 step %while3A_546  : i32 {
          %mul3A_548 = arith.muli %while3A_547, %while3A : i32
          %add3A_549 = arith.addi %squeeze3A_433, %mul3A_548 : i32
          %scan3A = arith.constant 0 : i32
          %scan3A_550 = arith.constant 128 : i32
          %scan3A_551 = arith.addi %scan3A, %scan3A_550 : i32
          %scan3A_552 = arith.constant 1 : i32
          scf.for %scan3A_554 = %scan3A to %scan3A_551 step %scan3A_552  : i32 {
            %mul3A_555 = arith.constant 1 : i32
            %mul3A_556 = arith.muli %scan3A_554, %mul3A_555 : i32
            %add3A_557 = arith.constant 0 : i32
            %add3A_558 = arith.addi %add3A_557, %mul3A_556 : i32
            %broadcast_in_dim3A = arith.constant 0.000000e+00 : f32
            %broadcast_in_dim3A_559 = vector.broadcast %broadcast_in_dim3A : f32 to vector<16xf32>
            %mul3A_560 = arith.constant 16 : i32
            %mul3A_561 = arith.muli %add3A_558, %mul3A_560 : i32
            %swap3A = arith.index_cast %add3A_549 : i32 to index
            %swap3A_562 = arith.index_cast %mul3A_561 : i32 to index
            %swap3A_563 = tpu.vector_load %arg11[%swap3A, %swap3A_562] {strides = array<i32>} : memref<16x2048xf32, #tpu.memory_space<vmem>>, vector<1x16xf32>,
            %swap3A_564 = vector.shape_cast %swap3A_563 : vector<1x16xf32> to vector<16xf32>
            %swap3A_565 = vector.shape_cast %broadcast_in_dim3A_559 : vector<16xf32> to vector<1x16xf32>
            tpu.vector_store %arg11[%swap3A, %swap3A_562], %swap3A_565 {strides = array<i32>} : memref<16x2048xf32, #tpu.memory_space<vmem>>, vector<1x16xf32>,
          }
          %scan3A_553 = arith.constant 128 : i32
        }
      } else {
      }
      %dma_start3A_528 = arith.constant 0 : i32
      %dma_start3A_529 = tpu.memref_slice %arg6[%add3A_437, %dma_start3A_528] : memref<16384x2048xf32, #tpu.memory_space<hbm>> -> memref<16x2048xf32, #tpu.memory_space<hbm>>
      %dma_start3A_530 = arith.constant 0 : i32
      %dma_start3A_531 = tpu.memref_slice %arg6[%add3A_437, %dma_start3A_530] : memref<16384x2048xf32, #tpu.memory_space<hbm>> -> memref<16x2048xf32, #tpu.memory_space<hbm>>
      tpu.enqueue_dma source(%arg11 : memref<16x2048xf32, #tpu.memory_space<vmem>>) target(%dma_start3A_531 : memref<16x2048xf32, #tpu.memory_space<hbm>>) target_semaphore(%arg14 : memref<!tpu.dma_semaphore, #tpu.memory_space<semaphore_mem>>)
    } else {
    }
    %eq3A_443 = arith.constant 0 : i32
    %eq3A_444 = arith.cmpi eq, %squeeze3A_433, %eq3A_443 : i32
    %convert_element_type3A_445 = arith.extui %eq3A_444 : i1 to i32
    %cond3A_446 = arith.constant 0 : i32
    %cond3A_447 = arith.cmpi ne, %convert_element_type3A_445, %cond3A_446 : i32
    scf.if %cond3A_447 {
      %dma_start3A = arith.constant 0 : i32
      %dma_start3A_512 = tpu.memref_slice %arg6[%add3A_437, %dma_start3A] : memref<16384x2048xf32, #tpu.memory_space<hbm>> -> memref<16x2048xf32, #tpu.memory_space<hbm>>
      %dma_start3A_513 = arith.constant 0 : i32
      %dma_start3A_514 = tpu.memref_slice %arg6[%add3A_437, %dma_start3A_513] : memref<16384x2048xf32, #tpu.memory_space<hbm>> -> memref<16x2048xf32, #tpu.memory_space<hbm>>
      tpu.enqueue_dma source(%arg9 : memref<16x2048xf32, #tpu.memory_space<vmem>>) target(%dma_start3A_514 : memref<16x2048xf32, #tpu.memory_space<hbm>>) target_semaphore(%arg14 : memref<!tpu.dma_semaphore, #tpu.memory_space<semaphore_mem>>)
    } else {
    }
    %slice3A_448 = vector.extract_strided_slice %get3A_5 {offsets = [12], sizes = [1], strides = [1]} : vector<16xi32> to vector<1xi32>
    %squeeze3A_449 = vector.extract %slice3A_448[0] : i32 from vector<1xi32>
    %mul3A_450 = arith.constant 16 : i32
    %mul3A_451 = arith.muli %add3A, %mul3A_450 : i32
    %add3A_452 = arith.constant 14336 : i32
    %add3A_453 = arith.addi %mul3A_451, %add3A_452 : i32
    tpu.wait_dma2 semaphore(%arg13 : memref<!tpu.dma_semaphore, #tpu.memory_space<semaphore_mem>>) src(%arg5 : memref<16x2048xf32, #tpu.memory_space<hbm>>) dst(%arg10 : memref<16x2048xf32, #tpu.memory_space<vmem>>)
    %gt3A_454 = arith.constant 0 : i32
    %gt3A_455 = arith.cmpi sgt, %squeeze3A_449, %gt3A_454 : i32
    %convert_element_type3A_456 = arith.extui %gt3A_455 : i1 to i32
    %cond3A_457 = arith.constant 0 : i32
    %cond3A_458 = arith.cmpi ne, %convert_element_type3A_456, %cond3A_457 : i32
    scf.if %cond3A_458 {
      %dma_start3A = arith.constant 28 : i32
      %dma_start3A_512 = arith.constant 0 : i32
      %dma_start3A_513 = tpu.memref_slice %arg7[%dma_start3A, %dma_start3A_512] : memref<32x16xi32, #tpu.memory_space<vmem>> -> memref<1x16xi32, #tpu.memory_space<vmem>>
      %dma_start3A_514 = tpu.memref_squeeze %dma_start3A_513 : memref<1x16xi32, #tpu.memory_space<vmem>> -> memref<16xi32, #tpu.memory_space<vmem>>
      %dma_start3A_515 = arith.constant 0 : i32
      %dma_start3A_516 = arith.constant 0 : i32
      %dma_start3A_517 = tpu.memref_slice %arg2[%dma_start3A_515, %dma_start3A_516] : memref<8192x2048xf32, #tpu.memory_space<hbm>> -> memref<8192x2048xf32, #tpu.memory_space<hbm>>
      tpu.enqueue_indirect_dma source(%dma_start3A_517 : memref<8192x2048xf32, #tpu.memory_space<hbm>>) target(%arg10 : memref<16x2048xf32, #tpu.memory_space<vmem>>) offsets(%dma_start3A_514 : memref<16xi32, #tpu.memory_space<vmem>>) semaphore(%arg12 : memref<!tpu.dma_semaphore, #tpu.memory_space<semaphore_mem>>)
      %dma_wait3A = arith.constant 28 : i32
      %dma_wait3A_518 = arith.constant 0 : i32
      %dma_wait3A_519 = tpu.memref_slice %arg7[%dma_wait3A, %dma_wait3A_518] : memref<32x16xi32, #tpu.memory_space<vmem>> -> memref<1x16xi32, #tpu.memory_space<vmem>>
      %dma_wait3A_520 = tpu.memref_squeeze %dma_wait3A_519 : memref<1x16xi32, #tpu.memory_space<vmem>> -> memref<16xi32, #tpu.memory_space<vmem>>
      %dma_wait3A_521 = arith.constant 0 : i32
      %dma_wait3A_522 = arith.constant 0 : i32
      %dma_wait3A_523 = tpu.memref_slice %arg2[%dma_wait3A_521, %dma_wait3A_522] : memref<8192x2048xf32, #tpu.memory_space<hbm>> -> memref<8192x2048xf32, #tpu.memory_space<hbm>>
      tpu.wait_indirect_dma semaphore(%arg12 : memref<!tpu.dma_semaphore, #tpu.memory_space<semaphore_mem>>) src(%dma_wait3A_523 : memref<8192x2048xf32, #tpu.memory_space<hbm>>) dst(%arg10 : memref<16x2048xf32, #tpu.memory_space<vmem>>)
      %lt3A = arith.constant 16 : i32
      %lt3A_524 = arith.cmpi slt, %squeeze3A_449, %lt3A : i32
      %convert_element_type3A_525 = arith.extui %lt3A_524 : i1 to i32
      %cond3A_526 = arith.constant 0 : i32
      %cond3A_527 = arith.cmpi ne, %convert_element_type3A_525, %cond3A_526 : i32
      scf.if %cond3A_527 {
        %sub3A = arith.constant 16 : i32
        %sub3A_532 = arith.subi %sub3A, %squeeze3A_449 : i32
        %sub3A_533 = arith.constant 1 : i32
        %sub3A_534 = arith.constant 1 : i32
        %sub3A_535 = arith.subi %sub3A_533, %sub3A_534 : i32
        %add3A_536 = arith.addi %sub3A_532, %sub3A_535 : i32
        %div3A = arith.constant 1 : i32
        %div3A_537 = arith.divsi %add3A_536, %div3A : i32
        %while3A = arith.constant 1 : i32
        %while3A_538 = arith.constant 0 : i32
        %while3A_539 = arith.subi %div3A_537, %while3A_538 : i32
        %while3A_540 = arith.addi %while3A_538, %while3A_539 : i32
        %while3A_541 = arith.constant 1 : i32
        %while3A_542 = arith.divsi %while3A_539, %while3A_541 : i32
        %while3A_543 = arith.muli %while3A_542, %while3A_541 : i32
        %while3A_544 = arith.addi %while3A_538, %while3A_543 : i32
        %while3A_545 = arith.constant 1 : i32
        scf.for %while3A_547 = %while3A_538 to %while3A_544 step %while3A_545  : i32 {
          %mul3A_548 = arith.muli %while3A_547, %while3A : i32
          %add3A_549 = arith.addi %squeeze3A_449, %mul3A_548 : i32
          %scan3A = arith.constant 0 : i32
          %scan3A_550 = arith.constant 128 : i32
          %scan3A_551 = arith.addi %scan3A, %scan3A_550 : i32
          %scan3A_552 = arith.constant 1 : i32
          scf.for %scan3A_554 = %scan3A to %scan3A_551 step %scan3A_552  : i32 {
            %mul3A_555 = arith.constant 1 : i32
            %mul3A_556 = arith.muli %scan3A_554, %mul3A_555 : i32
            %add3A_557 = arith.constant 0 : i32
            %add3A_558 = arith.addi %add3A_557, %mul3A_556 : i32
            %broadcast_in_dim3A = arith.constant 0.000000e+00 : f32
            %broadcast_in_dim3A_559 = vector.broadcast %broadcast_in_dim3A : f32 to vector<16xf32>
            %mul3A_560 = arith.constant 16 : i32
            %mul3A_561 = arith.muli %add3A_558, %mul3A_560 : i32
            %swap3A = arith.index_cast %add3A_549 : i32 to index
            %swap3A_562 = arith.index_cast %mul3A_561 : i32 to index
            %swap3A_563 = tpu.vector_load %arg10[%swap3A, %swap3A_562] {strides = array<i32>} : memref<16x2048xf32, #tpu.memory_space<vmem>>, vector<1x16xf32>,
            %swap3A_564 = vector.shape_cast %swap3A_563 : vector<1x16xf32> to vector<16xf32>
            %swap3A_565 = vector.shape_cast %broadcast_in_dim3A_559 : vector<16xf32> to vector<1x16xf32>
            tpu.vector_store %arg10[%swap3A, %swap3A_562], %swap3A_565 {strides = array<i32>} : memref<16x2048xf32, #tpu.memory_space<vmem>>, vector<1x16xf32>,
          }
          %scan3A_553 = arith.constant 128 : i32
        }
        %while3A_546 = arith.constant 1 : i32
        scf.for %while3A_547 = %while3A_544 to %while3A_540 step %while3A_546  : i32 {
          %mul3A_548 = arith.muli %while3A_547, %while3A : i32
          %add3A_549 = arith.addi %squeeze3A_449, %mul3A_548 : i32
          %scan3A = arith.constant 0 : i32
          %scan3A_550 = arith.constant 128 : i32
          %scan3A_551 = arith.addi %scan3A, %scan3A_550 : i32
          %scan3A_552 = arith.constant 1 : i32
          scf.for %scan3A_554 = %scan3A to %scan3A_551 step %scan3A_552  : i32 {
            %mul3A_555 = arith.constant 1 : i32
            %mul3A_556 = arith.muli %scan3A_554, %mul3A_555 : i32
            %add3A_557 = arith.constant 0 : i32
            %add3A_558 = arith.addi %add3A_557, %mul3A_556 : i32
            %broadcast_in_dim3A = arith.constant 0.000000e+00 : f32
            %broadcast_in_dim3A_559 = vector.broadcast %broadcast_in_dim3A : f32 to vector<16xf32>
            %mul3A_560 = arith.constant 16 : i32
            %mul3A_561 = arith.muli %add3A_558, %mul3A_560 : i32
            %swap3A = arith.index_cast %add3A_549 : i32 to index
            %swap3A_562 = arith.index_cast %mul3A_561 : i32 to index
            %swap3A_563 = tpu.vector_load %arg10[%swap3A, %swap3A_562] {strides = array<i32>} : memref<16x2048xf32, #tpu.memory_space<vmem>>, vector<1x16xf32>,
            %swap3A_564 = vector.shape_cast %swap3A_563 : vector<1x16xf32> to vector<16xf32>
            %swap3A_565 = vector.shape_cast %broadcast_in_dim3A_559 : vector<16xf32> to vector<1x16xf32>
            tpu.vector_store %arg10[%swap3A, %swap3A_562], %swap3A_565 {strides = array<i32>} : memref<16x2048xf32, #tpu.memory_space<vmem>>, vector<1x16xf32>,
          }
          %scan3A_553 = arith.constant 128 : i32
        }
      } else {
      }
      %dma_start3A_528 = arith.constant 0 : i32
      %dma_start3A_529 = tpu.memref_slice %arg6[%add3A_453, %dma_start3A_528] : memref<16384x2048xf32, #tpu.memory_space<hbm>> -> memref<16x2048xf32, #tpu.memory_space<hbm>>
      %dma_start3A_530 = arith.constant 0 : i32
      %dma_start3A_531 = tpu.memref_slice %arg6[%add3A_453, %dma_start3A_530] : memref<16384x2048xf32, #tpu.memory_space<hbm>> -> memref<16x2048xf32, #tpu.memory_space<hbm>>
      tpu.enqueue_dma source(%arg10 : memref<16x2048xf32, #tpu.memory_space<vmem>>) target(%dma_start3A_531 : memref<16x2048xf32, #tpu.memory_space<hbm>>) target_semaphore(%arg13 : memref<!tpu.dma_semaphore, #tpu.memory_space<semaphore_mem>>)
    } else {
    }
    %eq3A_459 = arith.constant 0 : i32
    %eq3A_460 = arith.cmpi eq, %squeeze3A_449, %eq3A_459 : i32
    %convert_element_type3A_461 = arith.extui %eq3A_460 : i1 to i32
    %cond3A_462 = arith.constant 0 : i32
    %cond3A_463 = arith.cmpi ne, %convert_element_type3A_461, %cond3A_462 : i32
    scf.if %cond3A_463 {
      %dma_start3A = arith.constant 0 : i32
      %dma_start3A_512 = tpu.memref_slice %arg6[%add3A_453, %dma_start3A] : memref<16384x2048xf32, #tpu.memory_space<hbm>> -> memref<16x2048xf32, #tpu.memory_space<hbm>>
      %dma_start3A_513 = arith.constant 0 : i32
      %dma_start3A_514 = tpu.memref_slice %arg6[%add3A_453, %dma_start3A_513] : memref<16384x2048xf32, #tpu.memory_space<hbm>> -> memref<16x2048xf32, #tpu.memory_space<hbm>>
      tpu.enqueue_dma source(%arg9 : memref<16x2048xf32, #tpu.memory_space<vmem>>) target(%dma_start3A_514 : memref<16x2048xf32, #tpu.memory_space<hbm>>) target_semaphore(%arg13 : memref<!tpu.dma_semaphore, #tpu.memory_space<semaphore_mem>>)
    } else {
    }
    %slice3A_464 = vector.extract_strided_slice %get3A_5 {offsets = [13], sizes = [1], strides = [1]} : vector<16xi32> to vector<1xi32>
    %squeeze3A_465 = vector.extract %slice3A_464[0] : i32 from vector<1xi32>
    %mul3A_466 = arith.constant 16 : i32
    %mul3A_467 = arith.muli %add3A, %mul3A_466 : i32
    %add3A_468 = arith.constant 14848 : i32
    %add3A_469 = arith.addi %mul3A_467, %add3A_468 : i32
    tpu.wait_dma2 semaphore(%arg14 : memref<!tpu.dma_semaphore, #tpu.memory_space<semaphore_mem>>) src(%arg5 : memref<16x2048xf32, #tpu.memory_space<hbm>>) dst(%arg11 : memref<16x2048xf32, #tpu.memory_space<vmem>>)
    %gt3A_470 = arith.constant 0 : i32
    %gt3A_471 = arith.cmpi sgt, %squeeze3A_465, %gt3A_470 : i32
    %convert_element_type3A_472 = arith.extui %gt3A_471 : i1 to i32
    %cond3A_473 = arith.constant 0 : i32
    %cond3A_474 = arith.cmpi ne, %convert_element_type3A_472, %cond3A_473 : i32
    scf.if %cond3A_474 {
      %dma_start3A = arith.constant 29 : i32
      %dma_start3A_512 = arith.constant 0 : i32
      %dma_start3A_513 = tpu.memref_slice %arg7[%dma_start3A, %dma_start3A_512] : memref<32x16xi32, #tpu.memory_space<vmem>> -> memref<1x16xi32, #tpu.memory_space<vmem>>
      %dma_start3A_514 = tpu.memref_squeeze %dma_start3A_513 : memref<1x16xi32, #tpu.memory_space<vmem>> -> memref<16xi32, #tpu.memory_space<vmem>>
      %dma_start3A_515 = arith.constant 0 : i32
      %dma_start3A_516 = arith.constant 0 : i32
      %dma_start3A_517 = tpu.memref_slice %arg2[%dma_start3A_515, %dma_start3A_516] : memref<8192x2048xf32, #tpu.memory_space<hbm>> -> memref<8192x2048xf32, #tpu.memory_space<hbm>>
      tpu.enqueue_indirect_dma source(%dma_start3A_517 : memref<8192x2048xf32, #tpu.memory_space<hbm>>) target(%arg11 : memref<16x2048xf32, #tpu.memory_space<vmem>>) offsets(%dma_start3A_514 : memref<16xi32, #tpu.memory_space<vmem>>) semaphore(%arg12 : memref<!tpu.dma_semaphore, #tpu.memory_space<semaphore_mem>>)
      %dma_wait3A = arith.constant 29 : i32
      %dma_wait3A_518 = arith.constant 0 : i32
      %dma_wait3A_519 = tpu.memref_slice %arg7[%dma_wait3A, %dma_wait3A_518] : memref<32x16xi32, #tpu.memory_space<vmem>> -> memref<1x16xi32, #tpu.memory_space<vmem>>
      %dma_wait3A_520 = tpu.memref_squeeze %dma_wait3A_519 : memref<1x16xi32, #tpu.memory_space<vmem>> -> memref<16xi32, #tpu.memory_space<vmem>>
      %dma_wait3A_521 = arith.constant 0 : i32
      %dma_wait3A_522 = arith.constant 0 : i32
      %dma_wait3A_523 = tpu.memref_slice %arg2[%dma_wait3A_521, %dma_wait3A_522] : memref<8192x2048xf32, #tpu.memory_space<hbm>> -> memref<8192x2048xf32, #tpu.memory_space<hbm>>
      tpu.wait_indirect_dma semaphore(%arg12 : memref<!tpu.dma_semaphore, #tpu.memory_space<semaphore_mem>>) src(%dma_wait3A_523 : memref<8192x2048xf32, #tpu.memory_space<hbm>>) dst(%arg11 : memref<16x2048xf32, #tpu.memory_space<vmem>>)
      %lt3A = arith.constant 16 : i32
      %lt3A_524 = arith.cmpi slt, %squeeze3A_465, %lt3A : i32
      %convert_element_type3A_525 = arith.extui %lt3A_524 : i1 to i32
      %cond3A_526 = arith.constant 0 : i32
      %cond3A_527 = arith.cmpi ne, %convert_element_type3A_525, %cond3A_526 : i32
      scf.if %cond3A_527 {
        %sub3A = arith.constant 16 : i32
        %sub3A_532 = arith.subi %sub3A, %squeeze3A_465 : i32
        %sub3A_533 = arith.constant 1 : i32
        %sub3A_534 = arith.constant 1 : i32
        %sub3A_535 = arith.subi %sub3A_533, %sub3A_534 : i32
        %add3A_536 = arith.addi %sub3A_532, %sub3A_535 : i32
        %div3A = arith.constant 1 : i32
        %div3A_537 = arith.divsi %add3A_536, %div3A : i32
        %while3A = arith.constant 1 : i32
        %while3A_538 = arith.constant 0 : i32
        %while3A_539 = arith.subi %div3A_537, %while3A_538 : i32
        %while3A_540 = arith.addi %while3A_538, %while3A_539 : i32
        %while3A_541 = arith.constant 1 : i32
        %while3A_542 = arith.divsi %while3A_539, %while3A_541 : i32
        %while3A_543 = arith.muli %while3A_542, %while3A_541 : i32
        %while3A_544 = arith.addi %while3A_538, %while3A_543 : i32
        %while3A_545 = arith.constant 1 : i32
        scf.for %while3A_547 = %while3A_538 to %while3A_544 step %while3A_545  : i32 {
          %mul3A_548 = arith.muli %while3A_547, %while3A : i32
          %add3A_549 = arith.addi %squeeze3A_465, %mul3A_548 : i32
          %scan3A = arith.constant 0 : i32
          %scan3A_550 = arith.constant 128 : i32
          %scan3A_551 = arith.addi %scan3A, %scan3A_550 : i32
          %scan3A_552 = arith.constant 1 : i32
          scf.for %scan3A_554 = %scan3A to %scan3A_551 step %scan3A_552  : i32 {
            %mul3A_555 = arith.constant 1 : i32
            %mul3A_556 = arith.muli %scan3A_554, %mul3A_555 : i32
            %add3A_557 = arith.constant 0 : i32
            %add3A_558 = arith.addi %add3A_557, %mul3A_556 : i32
            %broadcast_in_dim3A = arith.constant 0.000000e+00 : f32
            %broadcast_in_dim3A_559 = vector.broadcast %broadcast_in_dim3A : f32 to vector<16xf32>
            %mul3A_560 = arith.constant 16 : i32
            %mul3A_561 = arith.muli %add3A_558, %mul3A_560 : i32
            %swap3A = arith.index_cast %add3A_549 : i32 to index
            %swap3A_562 = arith.index_cast %mul3A_561 : i32 to index
            %swap3A_563 = tpu.vector_load %arg11[%swap3A, %swap3A_562] {strides = array<i32>} : memref<16x2048xf32, #tpu.memory_space<vmem>>, vector<1x16xf32>,
            %swap3A_564 = vector.shape_cast %swap3A_563 : vector<1x16xf32> to vector<16xf32>
            %swap3A_565 = vector.shape_cast %broadcast_in_dim3A_559 : vector<16xf32> to vector<1x16xf32>
            tpu.vector_store %arg11[%swap3A, %swap3A_562], %swap3A_565 {strides = array<i32>} : memref<16x2048xf32, #tpu.memory_space<vmem>>, vector<1x16xf32>,
          }
          %scan3A_553 = arith.constant 128 : i32
        }
        %while3A_546 = arith.constant 1 : i32
        scf.for %while3A_547 = %while3A_544 to %while3A_540 step %while3A_546  : i32 {
          %mul3A_548 = arith.muli %while3A_547, %while3A : i32
          %add3A_549 = arith.addi %squeeze3A_465, %mul3A_548 : i32
          %scan3A = arith.constant 0 : i32
          %scan3A_550 = arith.constant 128 : i32
          %scan3A_551 = arith.addi %scan3A, %scan3A_550 : i32
          %scan3A_552 = arith.constant 1 : i32
          scf.for %scan3A_554 = %scan3A to %scan3A_551 step %scan3A_552  : i32 {
            %mul3A_555 = arith.constant 1 : i32
            %mul3A_556 = arith.muli %scan3A_554, %mul3A_555 : i32
            %add3A_557 = arith.constant 0 : i32
            %add3A_558 = arith.addi %add3A_557, %mul3A_556 : i32
            %broadcast_in_dim3A = arith.constant 0.000000e+00 : f32
            %broadcast_in_dim3A_559 = vector.broadcast %broadcast_in_dim3A : f32 to vector<16xf32>
            %mul3A_560 = arith.constant 16 : i32
            %mul3A_561 = arith.muli %add3A_558, %mul3A_560 : i32
            %swap3A = arith.index_cast %add3A_549 : i32 to index
            %swap3A_562 = arith.index_cast %mul3A_561 : i32 to index
            %swap3A_563 = tpu.vector_load %arg11[%swap3A, %swap3A_562] {strides = array<i32>} : memref<16x2048xf32, #tpu.memory_space<vmem>>, vector<1x16xf32>,
            %swap3A_564 = vector.shape_cast %swap3A_563 : vector<1x16xf32> to vector<16xf32>
            %swap3A_565 = vector.shape_cast %broadcast_in_dim3A_559 : vector<16xf32> to vector<1x16xf32>
            tpu.vector_store %arg11[%swap3A, %swap3A_562], %swap3A_565 {strides = array<i32>} : memref<16x2048xf32, #tpu.memory_space<vmem>>, vector<1x16xf32>,
          }
          %scan3A_553 = arith.constant 128 : i32
        }
      } else {
      }
      %dma_start3A_528 = arith.constant 0 : i32
      %dma_start3A_529 = tpu.memref_slice %arg6[%add3A_469, %dma_start3A_528] : memref<16384x2048xf32, #tpu.memory_space<hbm>> -> memref<16x2048xf32, #tpu.memory_space<hbm>>
      %dma_start3A_530 = arith.constant 0 : i32
      %dma_start3A_531 = tpu.memref_slice %arg6[%add3A_469, %dma_start3A_530] : memref<16384x2048xf32, #tpu.memory_space<hbm>> -> memref<16x2048xf32, #tpu.memory_space<hbm>>
      tpu.enqueue_dma source(%arg11 : memref<16x2048xf32, #tpu.memory_space<vmem>>) target(%dma_start3A_531 : memref<16x2048xf32, #tpu.memory_space<hbm>>) target_semaphore(%arg14 : memref<!tpu.dma_semaphore, #tpu.memory_space<semaphore_mem>>)
    } else {
    }
    %eq3A_475 = arith.constant 0 : i32
    %eq3A_476 = arith.cmpi eq, %squeeze3A_465, %eq3A_475 : i32
    %convert_element_type3A_477 = arith.extui %eq3A_476 : i1 to i32
    %cond3A_478 = arith.constant 0 : i32
    %cond3A_479 = arith.cmpi ne, %convert_element_type3A_477, %cond3A_478 : i32
    scf.if %cond3A_479 {
      %dma_start3A = arith.constant 0 : i32
      %dma_start3A_512 = tpu.memref_slice %arg6[%add3A_469, %dma_start3A] : memref<16384x2048xf32, #tpu.memory_space<hbm>> -> memref<16x2048xf32, #tpu.memory_space<hbm>>
      %dma_start3A_513 = arith.constant 0 : i32
      %dma_start3A_514 = tpu.memref_slice %arg6[%add3A_469, %dma_start3A_513] : memref<16384x2048xf32, #tpu.memory_space<hbm>> -> memref<16x2048xf32, #tpu.memory_space<hbm>>
      tpu.enqueue_dma source(%arg9 : memref<16x2048xf32, #tpu.memory_space<vmem>>) target(%dma_start3A_514 : memref<16x2048xf32, #tpu.memory_space<hbm>>) target_semaphore(%arg14 : memref<!tpu.dma_semaphore, #tpu.memory_space<semaphore_mem>>)
    } else {
    }
    %slice3A_480 = vector.extract_strided_slice %get3A_5 {offsets = [14], sizes = [1], strides = [1]} : vector<16xi32> to vector<1xi32>
    %squeeze3A_481 = vector.extract %slice3A_480[0] : i32 from vector<1xi32>
    %mul3A_482 = arith.constant 16 : i32
    %mul3A_483 = arith.muli %add3A, %mul3A_482 : i32
    %add3A_484 = arith.constant 15360 : i32
    %add3A_485 = arith.addi %mul3A_483, %add3A_484 : i32
    tpu.wait_dma2 semaphore(%arg13 : memref<!tpu.dma_semaphore, #tpu.memory_space<semaphore_mem>>) src(%arg5 : memref<16x2048xf32, #tpu.memory_space<hbm>>) dst(%arg10 : memref<16x2048xf32, #tpu.memory_space<vmem>>)
    %gt3A_486 = arith.constant 0 : i32
    %gt3A_487 = arith.cmpi sgt, %squeeze3A_481, %gt3A_486 : i32
    %convert_element_type3A_488 = arith.extui %gt3A_487 : i1 to i32
    %cond3A_489 = arith.constant 0 : i32
    %cond3A_490 = arith.cmpi ne, %convert_element_type3A_488, %cond3A_489 : i32
    scf.if %cond3A_490 {
      %dma_start3A = arith.constant 30 : i32
      %dma_start3A_512 = arith.constant 0 : i32
      %dma_start3A_513 = tpu.memref_slice %arg7[%dma_start3A, %dma_start3A_512] : memref<32x16xi32, #tpu.memory_space<vmem>> -> memref<1x16xi32, #tpu.memory_space<vmem>>
      %dma_start3A_514 = tpu.memref_squeeze %dma_start3A_513 : memref<1x16xi32, #tpu.memory_space<vmem>> -> memref<16xi32, #tpu.memory_space<vmem>>
      %dma_start3A_515 = arith.constant 0 : i32
      %dma_start3A_516 = arith.constant 0 : i32
      %dma_start3A_517 = tpu.memref_slice %arg2[%dma_start3A_515, %dma_start3A_516] : memref<8192x2048xf32, #tpu.memory_space<hbm>> -> memref<8192x2048xf32, #tpu.memory_space<hbm>>
      tpu.enqueue_indirect_dma source(%dma_start3A_517 : memref<8192x2048xf32, #tpu.memory_space<hbm>>) target(%arg10 : memref<16x2048xf32, #tpu.memory_space<vmem>>) offsets(%dma_start3A_514 : memref<16xi32, #tpu.memory_space<vmem>>) semaphore(%arg12 : memref<!tpu.dma_semaphore, #tpu.memory_space<semaphore_mem>>)
      %dma_wait3A = arith.constant 30 : i32
      %dma_wait3A_518 = arith.constant 0 : i32
      %dma_wait3A_519 = tpu.memref_slice %arg7[%dma_wait3A, %dma_wait3A_518] : memref<32x16xi32, #tpu.memory_space<vmem>> -> memref<1x16xi32, #tpu.memory_space<vmem>>
      %dma_wait3A_520 = tpu.memref_squeeze %dma_wait3A_519 : memref<1x16xi32, #tpu.memory_space<vmem>> -> memref<16xi32, #tpu.memory_space<vmem>>
      %dma_wait3A_521 = arith.constant 0 : i32
      %dma_wait3A_522 = arith.constant 0 : i32
      %dma_wait3A_523 = tpu.memref_slice %arg2[%dma_wait3A_521, %dma_wait3A_522] : memref<8192x2048xf32, #tpu.memory_space<hbm>> -> memref<8192x2048xf32, #tpu.memory_space<hbm>>
      tpu.wait_indirect_dma semaphore(%arg12 : memref<!tpu.dma_semaphore, #tpu.memory_space<semaphore_mem>>) src(%dma_wait3A_523 : memref<8192x2048xf32, #tpu.memory_space<hbm>>) dst(%arg10 : memref<16x2048xf32, #tpu.memory_space<vmem>>)
      %lt3A = arith.constant 16 : i32
      %lt3A_524 = arith.cmpi slt, %squeeze3A_481, %lt3A : i32
      %convert_element_type3A_525 = arith.extui %lt3A_524 : i1 to i32
      %cond3A_526 = arith.constant 0 : i32
      %cond3A_527 = arith.cmpi ne, %convert_element_type3A_525, %cond3A_526 : i32
      scf.if %cond3A_527 {
        %sub3A = arith.constant 16 : i32
        %sub3A_532 = arith.subi %sub3A, %squeeze3A_481 : i32
        %sub3A_533 = arith.constant 1 : i32
        %sub3A_534 = arith.constant 1 : i32
        %sub3A_535 = arith.subi %sub3A_533, %sub3A_534 : i32
        %add3A_536 = arith.addi %sub3A_532, %sub3A_535 : i32
        %div3A = arith.constant 1 : i32
        %div3A_537 = arith.divsi %add3A_536, %div3A : i32
        %while3A = arith.constant 1 : i32
        %while3A_538 = arith.constant 0 : i32
        %while3A_539 = arith.subi %div3A_537, %while3A_538 : i32
        %while3A_540 = arith.addi %while3A_538, %while3A_539 : i32
        %while3A_541 = arith.constant 1 : i32
        %while3A_542 = arith.divsi %while3A_539, %while3A_541 : i32
        %while3A_543 = arith.muli %while3A_542, %while3A_541 : i32
        %while3A_544 = arith.addi %while3A_538, %while3A_543 : i32
        %while3A_545 = arith.constant 1 : i32
        scf.for %while3A_547 = %while3A_538 to %while3A_544 step %while3A_545  : i32 {
          %mul3A_548 = arith.muli %while3A_547, %while3A : i32
          %add3A_549 = arith.addi %squeeze3A_481, %mul3A_548 : i32
          %scan3A = arith.constant 0 : i32
          %scan3A_550 = arith.constant 128 : i32
          %scan3A_551 = arith.addi %scan3A, %scan3A_550 : i32
          %scan3A_552 = arith.constant 1 : i32
          scf.for %scan3A_554 = %scan3A to %scan3A_551 step %scan3A_552  : i32 {
            %mul3A_555 = arith.constant 1 : i32
            %mul3A_556 = arith.muli %scan3A_554, %mul3A_555 : i32
            %add3A_557 = arith.constant 0 : i32
            %add3A_558 = arith.addi %add3A_557, %mul3A_556 : i32
            %broadcast_in_dim3A = arith.constant 0.000000e+00 : f32
            %broadcast_in_dim3A_559 = vector.broadcast %broadcast_in_dim3A : f32 to vector<16xf32>
            %mul3A_560 = arith.constant 16 : i32
            %mul3A_561 = arith.muli %add3A_558, %mul3A_560 : i32
            %swap3A = arith.index_cast %add3A_549 : i32 to index
            %swap3A_562 = arith.index_cast %mul3A_561 : i32 to index
            %swap3A_563 = tpu.vector_load %arg10[%swap3A, %swap3A_562] {strides = array<i32>} : memref<16x2048xf32, #tpu.memory_space<vmem>>, vector<1x16xf32>,
            %swap3A_564 = vector.shape_cast %swap3A_563 : vector<1x16xf32> to vector<16xf32>
            %swap3A_565 = vector.shape_cast %broadcast_in_dim3A_559 : vector<16xf32> to vector<1x16xf32>
            tpu.vector_store %arg10[%swap3A, %swap3A_562], %swap3A_565 {strides = array<i32>} : memref<16x2048xf32, #tpu.memory_space<vmem>>, vector<1x16xf32>,
          }
          %scan3A_553 = arith.constant 128 : i32
        }
        %while3A_546 = arith.constant 1 : i32
        scf.for %while3A_547 = %while3A_544 to %while3A_540 step %while3A_546  : i32 {
          %mul3A_548 = arith.muli %while3A_547, %while3A : i32
          %add3A_549 = arith.addi %squeeze3A_481, %mul3A_548 : i32
          %scan3A = arith.constant 0 : i32
          %scan3A_550 = arith.constant 128 : i32
          %scan3A_551 = arith.addi %scan3A, %scan3A_550 : i32
          %scan3A_552 = arith.constant 1 : i32
          scf.for %scan3A_554 = %scan3A to %scan3A_551 step %scan3A_552  : i32 {
            %mul3A_555 = arith.constant 1 : i32
            %mul3A_556 = arith.muli %scan3A_554, %mul3A_555 : i32
            %add3A_557 = arith.constant 0 : i32
            %add3A_558 = arith.addi %add3A_557, %mul3A_556 : i32
            %broadcast_in_dim3A = arith.constant 0.000000e+00 : f32
            %broadcast_in_dim3A_559 = vector.broadcast %broadcast_in_dim3A : f32 to vector<16xf32>
            %mul3A_560 = arith.constant 16 : i32
            %mul3A_561 = arith.muli %add3A_558, %mul3A_560 : i32
            %swap3A = arith.index_cast %add3A_549 : i32 to index
            %swap3A_562 = arith.index_cast %mul3A_561 : i32 to index
            %swap3A_563 = tpu.vector_load %arg10[%swap3A, %swap3A_562] {strides = array<i32>} : memref<16x2048xf32, #tpu.memory_space<vmem>>, vector<1x16xf32>,
            %swap3A_564 = vector.shape_cast %swap3A_563 : vector<1x16xf32> to vector<16xf32>
            %swap3A_565 = vector.shape_cast %broadcast_in_dim3A_559 : vector<16xf32> to vector<1x16xf32>
            tpu.vector_store %arg10[%swap3A, %swap3A_562], %swap3A_565 {strides = array<i32>} : memref<16x2048xf32, #tpu.memory_space<vmem>>, vector<1x16xf32>,
          }
          %scan3A_553 = arith.constant 128 : i32
        }
      } else {
      }
      %dma_start3A_528 = arith.constant 0 : i32
      %dma_start3A_529 = tpu.memref_slice %arg6[%add3A_485, %dma_start3A_528] : memref<16384x2048xf32, #tpu.memory_space<hbm>> -> memref<16x2048xf32, #tpu.memory_space<hbm>>
      %dma_start3A_530 = arith.constant 0 : i32
      %dma_start3A_531 = tpu.memref_slice %arg6[%add3A_485, %dma_start3A_530] : memref<16384x2048xf32, #tpu.memory_space<hbm>> -> memref<16x2048xf32, #tpu.memory_space<hbm>>
      tpu.enqueue_dma source(%arg10 : memref<16x2048xf32, #tpu.memory_space<vmem>>) target(%dma_start3A_531 : memref<16x2048xf32, #tpu.memory_space<hbm>>) target_semaphore(%arg13 : memref<!tpu.dma_semaphore, #tpu.memory_space<semaphore_mem>>)
    } else {
    }
    %eq3A_491 = arith.constant 0 : i32
    %eq3A_492 = arith.cmpi eq, %squeeze3A_481, %eq3A_491 : i32
    %convert_element_type3A_493 = arith.extui %eq3A_492 : i1 to i32
    %cond3A_494 = arith.constant 0 : i32
    %cond3A_495 = arith.cmpi ne, %convert_element_type3A_493, %cond3A_494 : i32
    scf.if %cond3A_495 {
      %dma_start3A = arith.constant 0 : i32
      %dma_start3A_512 = tpu.memref_slice %arg6[%add3A_485, %dma_start3A] : memref<16384x2048xf32, #tpu.memory_space<hbm>> -> memref<16x2048xf32, #tpu.memory_space<hbm>>
      %dma_start3A_513 = arith.constant 0 : i32
      %dma_start3A_514 = tpu.memref_slice %arg6[%add3A_485, %dma_start3A_513] : memref<16384x2048xf32, #tpu.memory_space<hbm>> -> memref<16x2048xf32, #tpu.memory_space<hbm>>
      tpu.enqueue_dma source(%arg9 : memref<16x2048xf32, #tpu.memory_space<vmem>>) target(%dma_start3A_514 : memref<16x2048xf32, #tpu.memory_space<hbm>>) target_semaphore(%arg13 : memref<!tpu.dma_semaphore, #tpu.memory_space<semaphore_mem>>)
    } else {
    }
    %slice3A_496 = vector.extract_strided_slice %get3A_5 {offsets = [15], sizes = [1], strides = [1]} : vector<16xi32> to vector<1xi32>
    %squeeze3A_497 = vector.extract %slice3A_496[0] : i32 from vector<1xi32>
    %mul3A_498 = arith.constant 16 : i32
    %mul3A_499 = arith.muli %add3A, %mul3A_498 : i32
    %add3A_500 = arith.constant 15872 : i32
    %add3A_501 = arith.addi %mul3A_499, %add3A_500 : i32
    tpu.wait_dma2 semaphore(%arg14 : memref<!tpu.dma_semaphore, #tpu.memory_space<semaphore_mem>>) src(%arg5 : memref<16x2048xf32, #tpu.memory_space<hbm>>) dst(%arg11 : memref<16x2048xf32, #tpu.memory_space<vmem>>)
    %gt3A_502 = arith.constant 0 : i32
    %gt3A_503 = arith.cmpi sgt, %squeeze3A_497, %gt3A_502 : i32
    %convert_element_type3A_504 = arith.extui %gt3A_503 : i1 to i32
    %cond3A_505 = arith.constant 0 : i32
    %cond3A_506 = arith.cmpi ne, %convert_element_type3A_504, %cond3A_505 : i32
    scf.if %cond3A_506 {
      %dma_start3A = arith.constant 31 : i32
      %dma_start3A_512 = arith.constant 0 : i32
      %dma_start3A_513 = tpu.memref_slice %arg7[%dma_start3A, %dma_start3A_512] : memref<32x16xi32, #tpu.memory_space<vmem>> -> memref<1x16xi32, #tpu.memory_space<vmem>>
      %dma_start3A_514 = tpu.memref_squeeze %dma_start3A_513 : memref<1x16xi32, #tpu.memory_space<vmem>> -> memref<16xi32, #tpu.memory_space<vmem>>
      %dma_start3A_515 = arith.constant 0 : i32
      %dma_start3A_516 = arith.constant 0 : i32
      %dma_start3A_517 = tpu.memref_slice %arg2[%dma_start3A_515, %dma_start3A_516] : memref<8192x2048xf32, #tpu.memory_space<hbm>> -> memref<8192x2048xf32, #tpu.memory_space<hbm>>
      tpu.enqueue_indirect_dma source(%dma_start3A_517 : memref<8192x2048xf32, #tpu.memory_space<hbm>>) target(%arg11 : memref<16x2048xf32, #tpu.memory_space<vmem>>) offsets(%dma_start3A_514 : memref<16xi32, #tpu.memory_space<vmem>>) semaphore(%arg12 : memref<!tpu.dma_semaphore, #tpu.memory_space<semaphore_mem>>)
      %dma_wait3A = arith.constant 31 : i32
      %dma_wait3A_518 = arith.constant 0 : i32
      %dma_wait3A_519 = tpu.memref_slice %arg7[%dma_wait3A, %dma_wait3A_518] : memref<32x16xi32, #tpu.memory_space<vmem>> -> memref<1x16xi32, #tpu.memory_space<vmem>>
      %dma_wait3A_520 = tpu.memref_squeeze %dma_wait3A_519 : memref<1x16xi32, #tpu.memory_space<vmem>> -> memref<16xi32, #tpu.memory_space<vmem>>
      %dma_wait3A_521 = arith.constant 0 : i32
      %dma_wait3A_522 = arith.constant 0 : i32
      %dma_wait3A_523 = tpu.memref_slice %arg2[%dma_wait3A_521, %dma_wait3A_522] : memref<8192x2048xf32, #tpu.memory_space<hbm>> -> memref<8192x2048xf32, #tpu.memory_space<hbm>>
      tpu.wait_indirect_dma semaphore(%arg12 : memref<!tpu.dma_semaphore, #tpu.memory_space<semaphore_mem>>) src(%dma_wait3A_523 : memref<8192x2048xf32, #tpu.memory_space<hbm>>) dst(%arg11 : memref<16x2048xf32, #tpu.memory_space<vmem>>)
      %lt3A = arith.constant 16 : i32
      %lt3A_524 = arith.cmpi slt, %squeeze3A_497, %lt3A : i32
      %convert_element_type3A_525 = arith.extui %lt3A_524 : i1 to i32
      %cond3A_526 = arith.constant 0 : i32
      %cond3A_527 = arith.cmpi ne, %convert_element_type3A_525, %cond3A_526 : i32
      scf.if %cond3A_527 {
        %sub3A = arith.constant 16 : i32
        %sub3A_532 = arith.subi %sub3A, %squeeze3A_497 : i32
        %sub3A_533 = arith.constant 1 : i32
        %sub3A_534 = arith.constant 1 : i32
        %sub3A_535 = arith.subi %sub3A_533, %sub3A_534 : i32
        %add3A_536 = arith.addi %sub3A_532, %sub3A_535 : i32
        %div3A = arith.constant 1 : i32
        %div3A_537 = arith.divsi %add3A_536, %div3A : i32
        %while3A = arith.constant 1 : i32
        %while3A_538 = arith.constant 0 : i32
        %while3A_539 = arith.subi %div3A_537, %while3A_538 : i32
        %while3A_540 = arith.addi %while3A_538, %while3A_539 : i32
        %while3A_541 = arith.constant 1 : i32
        %while3A_542 = arith.divsi %while3A_539, %while3A_541 : i32
        %while3A_543 = arith.muli %while3A_542, %while3A_541 : i32
        %while3A_544 = arith.addi %while3A_538, %while3A_543 : i32
        %while3A_545 = arith.constant 1 : i32
        scf.for %while3A_547 = %while3A_538 to %while3A_544 step %while3A_545  : i32 {
          %mul3A_548 = arith.muli %while3A_547, %while3A : i32
          %add3A_549 = arith.addi %squeeze3A_497, %mul3A_548 : i32
          %scan3A = arith.constant 0 : i32
          %scan3A_550 = arith.constant 128 : i32
          %scan3A_551 = arith.addi %scan3A, %scan3A_550 : i32
          %scan3A_552 = arith.constant 1 : i32
          scf.for %scan3A_554 = %scan3A to %scan3A_551 step %scan3A_552  : i32 {
            %mul3A_555 = arith.constant 1 : i32
            %mul3A_556 = arith.muli %scan3A_554, %mul3A_555 : i32
            %add3A_557 = arith.constant 0 : i32
            %add3A_558 = arith.addi %add3A_557, %mul3A_556 : i32
            %broadcast_in_dim3A = arith.constant 0.000000e+00 : f32
            %broadcast_in_dim3A_559 = vector.broadcast %broadcast_in_dim3A : f32 to vector<16xf32>
            %mul3A_560 = arith.constant 16 : i32
            %mul3A_561 = arith.muli %add3A_558, %mul3A_560 : i32
            %swap3A = arith.index_cast %add3A_549 : i32 to index
            %swap3A_562 = arith.index_cast %mul3A_561 : i32 to index
            %swap3A_563 = tpu.vector_load %arg11[%swap3A, %swap3A_562] {strides = array<i32>} : memref<16x2048xf32, #tpu.memory_space<vmem>>, vector<1x16xf32>,
            %swap3A_564 = vector.shape_cast %swap3A_563 : vector<1x16xf32> to vector<16xf32>
            %swap3A_565 = vector.shape_cast %broadcast_in_dim3A_559 : vector<16xf32> to vector<1x16xf32>
            tpu.vector_store %arg11[%swap3A, %swap3A_562], %swap3A_565 {strides = array<i32>} : memref<16x2048xf32, #tpu.memory_space<vmem>>, vector<1x16xf32>,
          }
          %scan3A_553 = arith.constant 128 : i32
        }
        %while3A_546 = arith.constant 1 : i32
        scf.for %while3A_547 = %while3A_544 to %while3A_540 step %while3A_546  : i32 {
          %mul3A_548 = arith.muli %while3A_547, %while3A : i32
          %add3A_549 = arith.addi %squeeze3A_497, %mul3A_548 : i32
          %scan3A = arith.constant 0 : i32
          %scan3A_550 = arith.constant 128 : i32
          %scan3A_551 = arith.addi %scan3A, %scan3A_550 : i32
          %scan3A_552 = arith.constant 1 : i32
          scf.for %scan3A_554 = %scan3A to %scan3A_551 step %scan3A_552  : i32 {
            %mul3A_555 = arith.constant 1 : i32
            %mul3A_556 = arith.muli %scan3A_554, %mul3A_555 : i32
            %add3A_557 = arith.constant 0 : i32
            %add3A_558 = arith.addi %add3A_557, %mul3A_556 : i32
            %broadcast_in_dim3A = arith.constant 0.000000e+00 : f32
            %broadcast_in_dim3A_559 = vector.broadcast %broadcast_in_dim3A : f32 to vector<16xf32>
            %mul3A_560 = arith.constant 16 : i32
            %mul3A_561 = arith.muli %add3A_558, %mul3A_560 : i32
            %swap3A = arith.index_cast %add3A_549 : i32 to index
            %swap3A_562 = arith.index_cast %mul3A_561 : i32 to index
            %swap3A_563 = tpu.vector_load %arg11[%swap3A, %swap3A_562] {strides = array<i32>} : memref<16x2048xf32, #tpu.memory_space<vmem>>, vector<1x16xf32>,
            %swap3A_564 = vector.shape_cast %swap3A_563 : vector<1x16xf32> to vector<16xf32>
            %swap3A_565 = vector.shape_cast %broadcast_in_dim3A_559 : vector<16xf32> to vector<1x16xf32>
            tpu.vector_store %arg11[%swap3A, %swap3A_562], %swap3A_565 {strides = array<i32>} : memref<16x2048xf32, #tpu.memory_space<vmem>>, vector<1x16xf32>,
          }
          %scan3A_553 = arith.constant 128 : i32
        }
      } else {
      }
      %dma_start3A_528 = arith.constant 0 : i32
      %dma_start3A_529 = tpu.memref_slice %arg6[%add3A_501, %dma_start3A_528] : memref<16384x2048xf32, #tpu.memory_space<hbm>> -> memref<16x2048xf32, #tpu.memory_space<hbm>>
      %dma_start3A_530 = arith.constant 0 : i32
      %dma_start3A_531 = tpu.memref_slice %arg6[%add3A_501, %dma_start3A_530] : memref<16384x2048xf32, #tpu.memory_space<hbm>> -> memref<16x2048xf32, #tpu.memory_space<hbm>>
      tpu.enqueue_dma source(%arg11 : memref<16x2048xf32, #tpu.memory_space<vmem>>) target(%dma_start3A_531 : memref<16x2048xf32, #tpu.memory_space<hbm>>) target_semaphore(%arg14 : memref<!tpu.dma_semaphore, #tpu.memory_space<semaphore_mem>>)
    } else {
    }
    %eq3A_507 = arith.constant 0 : i32
    %eq3A_508 = arith.cmpi eq, %squeeze3A_497, %eq3A_507 : i32
    %convert_element_type3A_509 = arith.extui %eq3A_508 : i1 to i32
    %cond3A_510 = arith.constant 0 : i32
    %cond3A_511 = arith.cmpi ne, %convert_element_type3A_509, %cond3A_510 : i32
    scf.if %cond3A_511 {
      %dma_start3A = arith.constant 0 : i32
      %dma_start3A_512 = tpu.memref_slice %arg6[%add3A_501, %dma_start3A] : memref<16384x2048xf32, #tpu.memory_space<hbm>> -> memref<16x2048xf32, #tpu.memory_space<hbm>>
      %dma_start3A_513 = arith.constant 0 : i32
      %dma_start3A_514 = tpu.memref_slice %arg6[%add3A_501, %dma_start3A_513] : memref<16384x2048xf32, #tpu.memory_space<hbm>> -> memref<16x2048xf32, #tpu.memory_space<hbm>>
      tpu.enqueue_dma source(%arg9 : memref<16x2048xf32, #tpu.memory_space<vmem>>) target(%dma_start3A_514 : memref<16x2048xf32, #tpu.memory_space<hbm>>) target_semaphore(%arg14 : memref<!tpu.dma_semaphore, #tpu.memory_space<semaphore_mem>>)
    } else {
    }
    tpu.wait_dma2 semaphore(%arg13 : memref<!tpu.dma_semaphore, #tpu.memory_space<semaphore_mem>>) src(%arg5 : memref<16x2048xf32, #tpu.memory_space<hbm>>) dst(%arg10 : memref<16x2048xf32, #tpu.memory_space<vmem>>)
    tpu.wait_dma2 semaphore(%arg14 : memref<!tpu.dma_semaphore, #tpu.memory_space<semaphore_mem>>) src(%arg5 : memref<16x2048xf32, #tpu.memory_space<hbm>>) dst(%arg11 : memref<16x2048xf32, #tpu.memory_space<vmem>>)
    return
  }
}

</mosaic_0001>

<sc_bundles>
// kernel: _route_gather.3.cloned.1.call-start
scs
__scs_entry_jumppad:
0x0: {  	(pc) =	sbr.rel $0x88, $3  }
0x1: {  	(tag) =	ssettag $0x0;
	lr =	simm.s32 $0x1  }
0x2: {  	[smem:$0x3F9D] =	sst lr;
	_ =	strace $0xD0000000  }
0x3: {  	_ = 	snop  }
0x4: {  	_ = 	snop  }
0x5: {  	_ = 	snop  }
0x6: {  	_ = 	snop  }
0x7: {  	_ = 	snop  }
__scs_overlays_trampoline_lowered:
0x8: {  	[smem:$0x3FAC] =	sst s0  }
0x9: {  	[smem:$0x3FAD] =	sst s1  }
0xa: {  	[smem:$0x3FAE] =	sst s2  }
0xb: {  	[smem:$0x3FAF] =	sst s3  }
0xc: {  	[smem:$0x3FB0] =	sst s4  }
0xd: {  	[smem:$0x3FB1] =	sst s5  }
0xe: {  	[smem:$0x3FB2] =	sst s6  }
0xf: {  	[smem:$0x3FB3] =	sst s7  }
0x10: {  	[smem:$0x3FB4] =	sst s8  }
0x11: {  	[smem:$0x3FB5] =	sst s9;
	s0 =	simm.s32 @!p0 $0x0  }
0x12: {  	s1 =	sld [smem:$0x3F9B];
	s0 =	simm.s32 @p0 $0x1  }
0x13: {  	[smem:$0x3FB6] =	sst s0;
	s0 =	simm.s32 @!p1 $0x0  }
0x14: {  	s2 =	sld [smem:$0x3F9A];
	s0 =	simm.s32 @p1 $0x1  }
0x15: {  	[smem:$0x3FB7] =	sst s0;
	s0 =	simm.s32 @!p2 $0x0  }
0x16: {  	s3 =	sld [smem:$0x3FDB];
	s0 =	simm.s32 @p2 $0x1  }
0x17: {  	s4 =	simm.s32 $0x1BF5;
	[smem:$0x3FB9] =	sst s0  }
0x18: {  	s0 =	sld [smem:$0x3F9C];
	_ =	swait.ge [sflag:s4], $0x0  }
0x19: {  	s7 =	sld [smem:$0x3F9D]  }
0x1a: {  	s8 =	sadd.s32 $0xFFFFE003, lr  }
0x1b: {  	s9 =	sadd.s32 $0xFFFFFEF7, lr;
	s5 =	simm.s32 $0xFFFFFFFF;
	p2 =	slt.u32 s8, $0xFFFFF086  }
0x1c: {  	p1 =	slt.u32 s9, $0xF7A;
	s5 =	simm.s32 @!p2 $0x0  }
0x1d: {  	s5 =	simm.s32 @p1 $0x1;
	p0 =	seq.s32 s7, s2  }
0x1e: {  	s7 =	smul.u32 @!p0 $0xF7A, s2;
	p2 =	seq.s32 @!p0 s5, $0x0  }
0x1f: {  	s9 =	smul.u32 $0xF7A, s1;
	s8 =	simm.s32 @!p0 $0x1BF5;
	p2 =	por !p2, p0  }
0x20: {  	[sflag:s8] =	ssyncset.s32 @!p0 $0xFFFFF086;
	s6 =	sadd.s32 @!p0 s3, s7;
	s7 =	simm.s32 @!p0 $0x108  }
0x21: {  	s3 =	sadd.s32 s3, s9;
	s6 =	sadd.s32 @!p0 $0x88, s6;
	s7 =	simm.s32 @p2 $0x1082  }
0x22: {  	[simem:s7], [sflag:s8] =	dma.local @!p0 [hbm:s6], $0xF7A  }
0x23: {  	s9 =	sor.u32 $0xD0000000, s2;
	s6 =	simm.s32 $0x108;
	_ =	swait.ge @!p0 [sflag:s8], $0x0  }
0x24: {  	s3 =	sadd.s32 $0x88, s3;
	s6 =	simm.s32 @!p1 $0x1082;
	[sflag:s4] =	ssyncset.s32 $0xFFFFF086  }
0x25: {  	[simem:s6], [sflag:s4] =	dma.local [hbm:s3], $0xF7A  }
0x26: {  	[smem:$0x3F9D] =	sst s1;
	(tag) =	ssettag s2;
	_ =	strace s9  }
0x27: {  	s1 =	sld [smem:$0x3FAD]  }
0x28: {  	s2 =	sld [smem:$0x3FAE]  }
0x29: {  	s4 =	sld [smem:$0x3FB0]  }
0x2a: {  	p0 =	seq.s32 s5, $0x0;
	s5 =	sld [smem:$0x3FB1]  }
0x2b: {  	s6 =	sld [smem:$0x3FB2]  }
0x2c: {  	s7 =	sld [smem:$0x3FB3]  }
0x2d: {  	s3 =	simm.s32 $0x108;
	s8 =	sld [smem:$0x3FB4]  }
0x2e: {  	s3 =	simm.s32 @!p0 $0x1082;
	s9 =	sld [smem:$0x3FB5]  }
0x2f: {  	lr =	sadd.s32 s0, s3;
	s0 =	sld [smem:$0x3FAC]  }
0x30: {  	s3 =	sld [smem:$0x3FAF]  }
0x31: {  	[smem:$0x3FB8] =	sst s10  }
0x32: {  	s10 =	sld [smem:$0x3FB6];
	_ =	sdelay $0x3  }
0x33: {  	p0 =	seq.s32 s10, $0x1;
	s10 =	sld [smem:$0x3FB8];
	_ =	sdelay $0x3  }
0x34: {  	[smem:$0x3FB8] =	sst s10  }
0x35: {  	s10 =	sld [smem:$0x3FB7];
	_ =	sdelay $0x3  }
0x36: {  	p1 =	seq.s32 s10, $0x1;
	s10 =	sld [smem:$0x3FB8];
	_ =	sdelay $0x3  }
0x37: {  	[smem:$0x3FB8] =	sst s10  }
0x38: {  	s10 =	sld [smem:$0x3FB9]  }
0x39: {  	_ = 	snop;
	(pc) =	sbr.ind lr, $3  }
0x3a: {  	_ = 	snop  }
0x3b: {  	_ = 	snop  }
0x3c: {  	p2 =	seq.s32 s10, $0x1;
	s10 =	sld [smem:$0x3FB8]  }
0x3d: {  	_ =	shalt  }
0x3e: {  	_ =	shalt  }
0x3f: {  	_ =	shalt  }
0x40: {  	_ =	shalt  }
0x41: {  	_ =	shalt  }
0x42: {  	_ =	shalt  }
0x43: {  	_ =	shalt  }
0x44: {  	_ =	shalt  }
0x45: {  	_ =	shalt  }
0x46: {  	_ =	shalt  }
0x47: {  	_ =	shalt  }
0x48: {  	_ =	shalt  }
0x49: {  	_ =	shalt  }
0x4a: {  	_ =	shalt  }
0x4b: {  	_ =	shalt  }
0x4c: {  	_ =	shalt  }
0x4d: {  	_ =	shalt  }
0x4e: {  	_ =	shalt  }
0x4f: {  	_ =	shalt  }
0x50: {  	_ =	shalt  }
0x51: {  	_ =	shalt  }
0x52: {  	_ =	shalt  }
0x53: {  	_ =	shalt  }
0x54: {  	_ =	shalt  }
0x55: {  	_ =	shalt  }
0x56: {  	_ =	shalt  }
0x57: {  	_ =	shalt  }
0x58: {  	_ =	shalt  }
0x59: {  	_ =	shalt  }
0x5a: {  	_ =	shalt  }
0x5b: {  	_ =	shalt  }
0x5c: {  	_ =	shalt  }
0x5d: {  	_ =	shalt  }
0x5e: {  	_ =	shalt  }
0x5f: {  	_ =	shalt  }
0x60: {  	_ =	shalt  }
0x61: {  	_ =	shalt  }
0x62: {  	_ =	shalt  }
0x63: {  	_ =	shalt  }
0x64: {  	_ =	shalt  }
0x65: {  	_ =	shalt  }
0x66: {  	_ =	shalt  }
0x67: {  	_ =	shalt  }
0x68: {  	_ =	shalt  }
0x69: {  	_ =	shalt  }
0x6a: {  	_ =	shalt  }
0x6b: {  	_ =	shalt  }
0x6c: {  	_ =	shalt  }
0x6d: {  	_ =	shalt  }
0x6e: {  	_ =	shalt  }
0x6f: {  	_ =	shalt  }
0x70: {  	_ =	shalt  }
0x71: {  	_ =	shalt  }
0x72: {  	_ =	shalt  }
0x73: {  	_ =	shalt  }
0x74: {  	_ =	shalt  }
0x75: {  	_ =	shalt  }
0x76: {  	_ =	shalt  }
0x77: {  	_ =	shalt  }
0x78: {  	_ =	shalt  }
0x79: {  	_ =	shalt  }
0x7a: {  	_ =	shalt  }
0x7b: {  	_ =	shalt  }
0x7c: {  	_ =	shalt  }
0x7d: {  	_ =	shalt  }
0x7e: {  	_ =	shalt  }
0x7f: {  	_ =	shalt  }
0x80: {  	_ =	shalt  }
0x81: {  	_ =	shalt  }
0x82: {  	_ =	shalt  }
0x83: {  	_ =	shalt  }
0x84: {  	_ =	shalt  }
0x85: {  	_ =	shalt  }
0x86: {  	_ =	shalt  }
0x87: {  	_ =	shalt  }
.Lfunc_end0:
.L_simem_size_0:
called_computation_lowered:
.L_overlay_start_0:
0x88: {  	s2 =	sld [smem:$0x3FD9]  }
0x89: {  	s3 =	sld [smem:$0x3FFE];
	_ =	sdelay $0x1  }
0x8a: {  	s1 =	srdreg.scid  }
0x8b: {  	s0 =	sand.u32 $0x1, s1  }
0x8c: {  	s17 =	sshll.u32 s0, $0xA;
	s2 =	sadd.s32 s3, s2  }
0x8d: {  	s2 =	sadd.s32 s2, s17  }
0x8e: {  	[smem:$0x3FC4] =	sst s2  }
0x8f: {  	_ = 	snop  }
0x90: {  	s2 =	sld [smem:$0x3FC9]  }
0x91: {  	s18 =	sld [smem:$0x3FC7]  }
0x92: {  	s4 =	sld [smem:$0x3FC6]  }
0x93: {  	s5 =	sld [smem:$0x3FD0];
	(tm) =	ssettm $0x1  }
0x94: {  	s6 =	sld [smem:$0x3FFB];
	_ =	sdelay $0x3  }
0x95: {  	_ =	strace s6  }
0x96: {  	s6 =	sld [smem:$0x3FFC];
	_ =	sdelay $0x3  }
0x97: {  	_ =	strace s6  }
0x98: {  	s6 =	sld [smem:$0x3FFD];
	_ =	sdelay $0x3  }
0x99: {  	_ =	strace s6  }
0x9a: {  	_ =	strace $0x8FFFFFFF  }
0x9b: {  	s19 =	sld [smem:$0x3FDB];
	_ =	sdelay $0x1  }
0x9c: {  	s7 =	simm.s32 $_scs_section_size  }
0x9d: {  	s8 =	simm.s32 $_size__tile_overlayer_lowered;
	s9 =	simm.s32 $_tile_overlayer_lowered  }
0x9e: {  	s22 =	simm.s32 $0x1BFF;
	s21 =	sshll.u32 s9, $0x1;
	s6 =	sadd.s32 s7, s19  }
0x9f: {  	s10 =	simm.s32 $0x0;
	s20 =	sshll.u32 s8, $0x1;
	s8 =	sadd.s32 s21, s6  }
0xa0: {  	[timem:s10], [sflag:s22] =	dma.local [hbm:s8], s20  }
0xa1: {  	_ =	swait.ge [sflag:s22], s20  }
0xa2: {  	s7 =	ssub.s32 $0x0, s20;
	[sflag:s22] =	ssyncset.done $0x0  }
0xa3: {  	[sflag:s22] =	ssyncadd.s32 s7;
	_ =	sdelay $0x1  }
0xa4: {  	s23 =	simm.s32 $0x1B8B  }
0xa5: {  	_ =	swait.ge [sflag:s23], $0x1  }
0xa6: {  	[sflag:s23] =	ssyncset.done $0x0  }
0xa7: {  	s25 =	simm.s32 $0x1B8E;
	s24 =	sld [smem:$0x3FFE];
	[sflag:s23] =	ssyncadd.s32 $0xFFFFFFFF  }
0xa8: {  	s26 =	simm.s32 $execute0_lowered;
	[smem:$0x3FD2] =	sst s25  }
0xa9: {  	s8 =	sshll.u32 s26, $0x1;
	_ =	strace $0x80000046;
	[dreg:$0x1] =	wrdreg $0xFFFFFFFF  }
0xaa: {  	s28 =	simm.s32 $_size_execute0_lowered;
	s6 =	sadd.s32 s6, s8;
	[dreg:$0x0] =	wrdreg $0x0  }
0xab: {  	s8 =	sshll.u32 s28, $0x1;
	[dreg:$0x2] =	wrdreg s6  }
0xac: {  	[dreg:$0x3] =	wrdreg s8  }
0xad: {  	[dreg:$0x4] =	wrdreg $0xC0  }
0xae: {  	_ =	task [dreg:s10], $0x5FFFF  }
0xaf: {  	[dreg:$0x1] =	wrdreg $0xFFFFFFFF  }
0xb0: {  	[dreg:$0x0] =	wrdreg $0x60  }
0xb1: {  	[dreg:$0x2] =	wrdreg s2  }
0xb2: {  	[dreg:$0x3] =	wrdreg s24  }
0xb3: {  	[dreg:$0x4] =	wrdreg s18  }
0xb4: {  	[dreg:$0x5] =	wrdreg s4  }
0xb5: {  	[dreg:$0x6] =	wrdreg s5  }
0xb6: {  	[dreg:$0x7] =	wrdreg $0x9  }
0xb7: {  	_ =	task.clear_ibuf [dreg:s10], $0x8FFFF;
	_ =	strace $0x90000046  }
0xb8: {  	s29 =	simm.s32 $0x9;
	_ =	strace $0x80000048  }
0xb9: {  	_ =	swait.ge [sflag:s29], $0x1  }
0xba: {  	[sflag:s29] =	ssyncadd.s32 $0xFFFFFFFF  }
0xbb: {  	_ =	strace $0x90000048  }
0xbc: {  	_ =	sfence  }
0xbd: {  	s30 =	sld [smem:$0x0];
	_ =	sdelay $0x2  }
0xbe: {  	s31 =	sshll.u32 s1, $0xD;
	s1 =	sshrl.u32 s1, $0x2  }
0xbf: {  	s3 =	sand.u32 $0x4000, s31;
	s1 =	sadd.s32 s1, s30  }
0xc0: {  	s0 =	sor.u32 s3, s0;
	s1 =	sshll.u32 s1, $0x11  }
0xc1: {  	s0 =	sor.u32 s1, s0  }
0xc2: {  	s0 =	sadd.s32 $0x8F2B, s0  }
0xc3: {  	[sflag:s0] =	ssyncadd.remote.s32 $0x1  }
0xc4: {  	_ =	sfence.sel $0xFFFF  }
0xc5: {  	[dreg:$0x0] =	wrdreg $0xFFFFFFFF;
	(pc) =	sbr.abs _section_cstart, $3  }
0xc6: {  	[dreg:$0x1] =	wrdreg $0xFFFFFFFF  }
0xc7: {  	_ =	task.clear_ibuf [dreg:s10], $0x2FFFF;
	_ =	strace $0x9FFFFFFF  }
0xc8: {  	(tm) =	ssettm $0x7FFFFFFF  }
0xc9: {  	_ =	shalt  }
tec
execute0_lowered:
.L_overlay_start_1:
0x0: {  	(tag) =	ssettag $0x1  }
0x1: {  	s0 =	rddreg [dreg:$0x0]  }
0x2: {  	s1 =	rddreg [dreg:$0x1]  }
0x3: {  	s3 =	srdreg.scid;
	s4 =	stileid.u32  }
0x4: {  	s2 =	rddreg [dreg:$0x2];
	s3 =	sand.u32 $0x1, s3;
	s6 =	sshll.u32 s4, $0x1  }
0x5: {  	s5 =	rddreg [dreg:$0x4];
	s6 =	sor.u32 s3, s6  }
0x6: {  	s4 =	simm.s32 $0x0;
	s3 =	ssub.s32 $0x2, s3;
	s7 =	sshll.u32 s6, $0x9  }
0x7: {  	[smem:$0x7FF] =	sst s4;
	s15 =	sshrl.u32 s3, $0x1;
	s1 =	sadd.s32 s7, s1  }
0x8: {  	_ =	strace $0x80000047;
	s3 =	ssub.s32 s3, s15;
	s1 =	sadd.s32 $0x400, s1  }
0x9: {  	s16 =	sshll.u32 s6, $0x4;
	s30 =	smax.u32 s3, $0x1;
	[dreg:$0x6] =	wrdreg s1  }
0xa: {  	s17 =	sshll.u32 s6, $0xC;
	s1 =	sadd.s32 s2, s16;
	[dreg:$0x13] =	wrdreg s30  }
0xb: {  	[dreg:$0x7] =	wrdreg s1;
	s1 =	sadd.s32 s5, s17  }
0xc: {  	s18 =	sadd.s32 $0x20000, s1;
	[dreg:$0x8] =	wrdreg s1  }
0xd: {  	s19 =	sadd.s32 $0x40000, s1;
	[dreg:$0x9] =	wrdreg s18  }
0xe: {  	s20 =	sadd.s32 $0x60000, s1;
	[dreg:$0xa] =	wrdreg s19  }
0xf: {  	s21 =	sadd.s32 $0x80000, s1;
	[dreg:$0xb] =	wrdreg s20  }
0x10: {  	s22 =	sadd.s32 $0xA0000, s1;
	[dreg:$0xc] =	wrdreg s21  }
0x11: {  	s23 =	sadd.s32 $0xC0000, s1;
	[dreg:$0xd] =	wrdreg s22  }
0x12: {  	s24 =	sadd.s32 $0xE0000, s1;
	[dreg:$0xe] =	wrdreg s23  }
0x13: {  	s25 =	sadd.s32 $0x100000, s1;
	[dreg:$0xf] =	wrdreg s24  }
0x14: {  	s26 =	sadd.s32 $0x120000, s1;
	[dreg:$0x10] =	wrdreg s25  }
0x15: {  	s29 =	sadd.s32 $0x140000, s1;
	[dreg:$0x11] =	wrdreg s26  }
0x16: {  	s31 =	sadd.s32 $0x160000, s1;
	[dreg:$0x12] =	wrdreg s29  }
0x17: {  	s3 =	sadd.s32 $0x180000, s1;
	[dreg:$0x14] =	wrdreg s31  }
0x18: {  	s5 =	sadd.s32 $0x1A0000, s1;
	[dreg:$0x15] =	wrdreg s3  }
0x19: {  	s6 =	sadd.s32 $0x1C0000, s1;
	[dreg:$0x16] =	wrdreg s5  }
0x1a: {  	s13 =	sadd.s32 $0x1E0000, s1;
	[dreg:$0x17] =	wrdreg s6  }
0x1b: {  	s15 =	sadd.s32 $0x200000, s1;
	[dreg:$0x18] =	wrdreg s13  }
0x1c: {  	s16 =	sadd.s32 $0x220000, s1;
	[dreg:$0x19] =	wrdreg s15  }
0x1d: {  	s17 =	sadd.s32 $0x240000, s1;
	[dreg:$0x1a] =	wrdreg s16  }
0x1e: {  	s28 =	simm.s32 $0x9080;
	s30 =	sadd.s32 $0x3A0000, s1;
	[dreg:$0x1b] =	wrdreg s17  }
0x1f: {  	s8 =	sadd.s32 $0x200, s0;
	s18 =	sadd.s32 $0x260000, s1;
	[smem:$0x7FB] =	sst s30  }
0x20: {  	s9 =	sadd.s32 $0x300, s0;
	s19 =	sadd.s32 $0x280000, s1;
	[dreg:$0x1c] =	wrdreg s18  }
0x21: {  	s10 =	sadd.s32 $0x400, s0;
	s20 =	sadd.s32 $0x2A0000, s1;
	[dreg:$0x1d] =	wrdreg s19  }
0x22: {  	s11 =	sadd.s32 $0x500, s0;
	s21 =	sadd.s32 $0x2C0000, s1;
	[dreg:$0x1e] =	wrdreg s20  }
0x23: {  	s12 =	sadd.s32 $0x600, s0;
	s22 =	sadd.s32 $0x2E0000, s1;
	[dreg:$0x1f] =	wrdreg s21  }
0x24: {  	s14 =	sadd.s32 $0x700, s0;
	s23 =	sadd.s32 $0x300000, s1;
	[smem:$0x7F5] =	sst s22  }
0x25: {  	s7 =	sadd.s32 $0x100, s0;
	s24 =	sadd.s32 $0x320000, s1;
	[smem:$0x7F6] =	sst s23  }
0x26: {  	s25 =	sadd.s32 $0x340000, s1;
	s26 =	sadd.s32 $0x360000, s1;
	[smem:$0x7F7] =	sst s24  }
0x27: {  	s29 =	sadd.s32 $0x380000, s1;
	s31 =	sadd.s32 $0x3C0000, s1;
	[smem:$0x7F8] =	sst s25  }
0x28: {  	s1 =	sadd.s32 $0x3E0000, s1;
	s3 =	simm.s32 $0x16080;
	[smem:$0x7F9] =	sst s26  }
.Ltmp0:
0x29: {  	s5 =	simm.s32 $0x16880;
	[smem:$0x7FA] =	sst s29;
	(pc) =	sbr.rel .LBB2_1-.Ltmp0, $4  }
0x2a: {  	s6 =	simm.s32 $0x17080;
	s15 =	simm.s32 $0x18080;
	[smem:$0x7FC] =	sst s31  }
0x2b: {  	v2 =	vlaneseq.u32;
	s16 =	simm.s32 $0x18880;
	s17 =	simm.s32 $0x2;
	[smem:$0x7FD] =	sst s1  }
0x2c: {  	vm0 =	vmmov $0xffff;
	v3 =	vimm.f32 $0.0e+00;
	v1 =	vshrl.u32 v2, $0x3;
	s21 =	simm.s32 $0x1;
	s22 =	simm.s32 $0x11080;
	s1 =	simm.s32 $0x15880  }
0x2d: {  	v0 =	vand.u32 $0x7, v2;
	v2 =	vor.u32 $0x8, v2;
	v1 =	vmul.u32 $0x8, v1;
	s25 =	simm.s32 $0x17880;
	s18 =	simm.s32 $0x3;
	s19 =	simm.s32 $0x0  }
.LBB2_224:
0x2e: {  	s2 =	sld [smem:$0x7FD];
	_ =	sdelay $0x2  }
0x2f: {  	[hbm4b:s2+s4] =	stream.linear.scatter [tilespmem:s22], [sflag:$0x3], $0x8000, $0x38;
	[tilespmem:$0x19080] =	vst v63  }
.LBB2_225:
0x30: {  	p0 =	sne.s32 s20, $0x0;
	s20 =	sld [smem:$0x7FD];
	_ =	sdelay $0x1  }
0x31: {  	s2 =	simm.s32 @!p0 $0x0;
	s13 =	simm.s32 @!p0 $0x1080  }
0x32: {  	[hbm4b:s20+s2] =	stream.linear.scatter @!p0 [tilespmem:s13], [sflag:$0x3], $0x8000, $0x38;
	[tilespmem:$0x19080] =	vst v63  }
0x33: {  	_ =	swait.ge [sflag:s17], $0x8000  }
0x34: {  	[sflag:s17] =	ssyncset.done $0x0  }
0x35: {  	[sflag:s17] =	ssyncadd.s32 $0xFFFF8000  }
0x36: {  	_ =	swait.ge [sflag:s18], $0x8000  }
0x37: {  	s19 =	sadd.s32 $0x1, s19;
	s31 =	rddreg [dreg:$0x13]  }
0x38: {  	p0 =	sne.s32 s19, s31  }
.Ltmp1:
0x39: {  	_ = 	snop;
	(pc) =	sbr.rel @!p0 .LBB2_226-.Ltmp1, $3  }
0x3a: {  	_ =	sdelay $0x1  }
0x3b: {  	[sflag:s18] =	ssyncset.done $0x0  }
0x3c: {  	[sflag:s18] =	ssyncadd.s32 $0xFFFF8000  }
.LBB2_1:
0x3d: {  	s2 =	rddreg [dreg:$0x6];
	s13 =	simm.s32 $0x4  }
0x3e: {  	[tilespmem:s4], [sflag:$0x4] =	stream.linear.gather [hbm4b:s2+s4], $0x1000, $0x38;
	[tilespmem:$0x19080] =	vst v63  }
0x3f: {  	_ =	swait.ge [sflag:s13], $0x1000  }
0x40: {  	[sflag:s13] =	ssyncset.done $0x0  }
0x41: {  	s20 =	simm.s32 $0x1000;
	s29 =	rddreg [dreg:$0x7];
	[sflag:s13] =	ssyncadd.s32 $0xFFFFF000  }
0x42: {  	[tilespmem:s20], [sflag:$0x4] =	stream.linear.gather [hbm4b:s29+s4], $0x80, $0x38;
	[tilespmem:$0x19080] =	vst v63  }
0x43: {  	_ =	swait.ge [sflag:s13], $0x80  }
0x44: {  	[sflag:s13] =	ssyncset.done $0x0  }
0x45: {  	[sflag:s13] =	ssyncadd.s32 $0xFFFFFF80  }
0x46: {  	s31 =	simm.s32 $0x1080;
	s30 =	rddreg [dreg:$0x3]  }
0x47: {  	[tilespmem:s31], [sflag:$0x4] =	stream.linear.gather [hbm4b:s30+s4], $0x8000, $0x38;
	[tilespmem:$0x19080] =	vst v63  }
0x48: {  	_ =	swait.ge [sflag:s13], $0x8000  }
0x49: {  	[sflag:s13] =	ssyncset.done $0x0  }
0x4a: {  	[sflag:s13] =	ssyncadd.s32 $0xFFFF8000  }
0x4b: {  	v5 =	vld [tilespmem:$0x1000];
	_ =	sdelay $0x4  }
0x4c: {  	(v2sf) =	vpush v5, $0x0;
	_ =	sdelay $0xe  }
0x4d: {  	s20 =	spop (v2sf)  }
0x4e: {  	p0 =	slt.s32 s20, $0x1  }
.Ltmp2:
0x4f: {  	_ = 	snop;
	(pc) =	sbr.rel @p0 .LBB2_8-.Ltmp2, $2  }
0x50: {  	_ =	sdelay $0x2  }
0x51: {  	v4 =	vld [tilespmem:$0x1010]  }
0x52: {  	v6 =	vld [tilespmem:$0x0];
	_ =	sdelay $0x4  }
0x53: {  	v7 =	vshll.u32 v6, $0x4  }
0x54: {  	v6 =	vand.u32 $0x7, v6;
	v7 =	vand.u32 $0xFFFFFF80, v7  }
0x55: {  	v6 =	vor.u32 v6, v7  }
0x56: {  	v7 =	vperm.xlane v6, v0;
	_ =	sdelay $0x1  }
0x57: {  	v7 =	vadd.s32 v1, v7;
	_ =	sdelay $0x4  }
0x58: {  	[tilespmem:s28], [sflag:$0x1] =	stream.indirect_vreg.gather [hbm4b:s0+s4], $0x80, v7, vm0, $0xb8;
	[tilespmem:$0x19080] =	vst v63  }
0x59: {  	s2 =	simm.s32 $0x9880  }
0x5a: {  	[tilespmem:s2], [sflag:$0x1] =	stream.indirect_vreg.gather [hbm4b:s7+s4], $0x80, v7, vm0, $0xb8;
	[tilespmem:$0x19080] =	vst v63  }
0x5b: {  	s13 =	simm.s32 $0xA080  }
0x5c: {  	[tilespmem:s13], [sflag:$0x1] =	stream.indirect_vreg.gather [hbm4b:s8+s4], $0x80, v7, vm0, $0xb8;
	[tilespmem:$0x19080] =	vst v63  }
0x5d: {  	s23 =	simm.s32 $0xA880  }
0x5e: {  	[tilespmem:s23], [sflag:$0x1] =	stream.indirect_vreg.gather [hbm4b:s9+s4], $0x80, v7, vm0, $0xb8;
	[tilespmem:$0x19080] =	vst v63  }
0x5f: {  	s24 =	simm.s32 $0xB080  }
0x60: {  	[tilespmem:s24], [sflag:$0x1] =	stream.indirect_vreg.gather [hbm4b:s10+s4], $0x80, v7, vm0, $0xb8;
	[tilespmem:$0x19080] =	vst v63  }
0x61: {  	s26 =	simm.s32 $0xB880;
	v6 =	vperm.xlane v6, v2  }
0x62: {  	[tilespmem:s26], [sflag:$0x1] =	stream.indirect_vreg.gather [hbm4b:s11+s4], $0x80, v7, vm0, $0xb8;
	[tilespmem:$0x19080] =	vst v63  }
0x63: {  	s29 =	simm.s32 $0xC080;
	v6 =	vadd.s32 v1, v6  }
0x64: {  	[tilespmem:s29], [sflag:$0x1] =	stream.indirect_vreg.gather [hbm4b:s12+s4], $0x80, v7, vm0, $0xb8;
	[tilespmem:$0x19080] =	vst v63  }
0x65: {  	s30 =	simm.s32 $0xC880  }
0x66: {  	[tilespmem:s30], [sflag:$0x1] =	stream.indirect_vreg.gather [hbm4b:s14+s4], $0x80, v7, vm0, $0xb8;
	[tilespmem:$0x19080] =	vst v63  }
0x67: {  	s31 =	simm.s32 $0xD080  }
0x68: {  	[tilespmem:s31], [sflag:$0x1] =	stream.indirect_vreg.gather [hbm4b:s0+s4], $0x80, v6, vm0, $0xb8;
	[tilespmem:$0x19080] =	vst v63  }
0x69: {  	s13 =	simm.s32 $0xD880  }
0x6a: {  	[tilespmem:s13], [sflag:$0x1] =	stream.indirect_vreg.gather [hbm4b:s7+s4], $0x80, v6, vm0, $0xb8;
	[tilespmem:$0x19080] =	vst v63  }
0x6b: {  	s23 =	simm.s32 $0xE080  }
0x6c: {  	[tilespmem:s23], [sflag:$0x1] =	stream.indirect_vreg.gather [hbm4b:s8+s4], $0x80, v6, vm0, $0xb8;
	[tilespmem:$0x19080] =	vst v63  }
0x6d: {  	s24 =	simm.s32 $0xE880  }
0x6e: {  	[tilespmem:s24], [sflag:$0x1] =	stream.indirect_vreg.gather [hbm4b:s9+s4], $0x80, v6, vm0, $0xb8;
	[tilespmem:$0x19080] =	vst v63  }
0x6f: {  	s26 =	simm.s32 $0xF080  }
0x70: {  	[tilespmem:s26], [sflag:$0x1] =	stream.indirect_vreg.gather [hbm4b:s10+s4], $0x80, v6, vm0, $0xb8;
	[tilespmem:$0x19080] =	vst v63  }
0x71: {  	s29 =	simm.s32 $0xF880  }
0x72: {  	[tilespmem:s29], [sflag:$0x1] =	stream.indirect_vreg.gather [hbm4b:s11+s4], $0x80, v6, vm0, $0xb8;
	[tilespmem:$0x19080] =	vst v63  }
0x73: {  	p0 =	sgt.u32 s20, $0xF;
	s30 =	simm.s32 $0x10080  }
0x74: {  	[tilespmem:s30], [sflag:$0x1] =	stream.indirect_vreg.gather [hbm4b:s12+s4], $0x80, v6, vm0, $0xb8;
	[tilespmem:$0x19080] =	vst v63  }
.Ltmp3:
0x75: {  	s31 =	simm.s32 $0x10880;
	(pc) =	sbr.rel @p0 .LBB2_7-.Ltmp3, $4  }
0x76: {  	[tilespmem:s31], [sflag:$0x1] =	stream.indirect_vreg.gather [hbm4b:s14+s4], $0x80, v6, vm0, $0xb8;
	[tilespmem:$0x19080] =	vst v63  }
0x77: {  	_ =	swait.ge [sflag:s21], $0x8000  }
0x78: {  	[sflag:s21] =	ssyncset.done $0x0  }
0x79: {  	[sflag:s21] =	ssyncadd.s32 $0xFFFF8000  }
0x7a: {  	s23 =	ssub.s32 $0x10, s20;
	s24 =	simm.s32 $0x0;
	s13 =	simm.s32 $0x0  }
.LBB2_4:
0x7b: {  	s26 =	sadd.s32 s20, s13  }
0x7c: {  	s29 =	sshll.u32 s26, $0xB;
	s26 =	sshll.u32 s26, $0x7  }
0x7d: {  	s29 =	sand.u32 $0xFFFFC000, s29;
	s26 =	sand.u32 $0x380, s26  }
0x7e: {  	s26 =	sor.u32 s26, s29  }
0x7f: {  	s29 =	sand.u32 $0x3C00, s24;
	s26 =	sadd.s32 $0x9080, s26  }
0x80: {  	s30 =	sand.u32 $0x70, s24;
	s31 =	sadd.s32 s29, s26  }
0x81: {  	s29 =	simm.s32 $0x10;
	s31 =	sadd.s32 s30, s31;
	s30 =	simm.s32 $0x0  }
.LBB2_5:
0x82: {  	p0 =	sne.s32 s29, $0x7F0  }
0x83: {  	[tilespmem:s31+$0x0] =	vst v3;
	s30 =	sadd.s32 $0x80, s30;
	s31 =	smov.u32 s29;
	s29 =	sadd.s32 $0x10, s29  }
.Ltmp4:
0x84: {  	(pc) =	sbr.rel @p0 .LBB2_5-.Ltmp4, $4  }
0x85: {  	_ = 	snop  }
0x86: {  	s2 =	sand.u32 $0x3C00, s30  }
0x87: {  	s31 =	sand.u32 $0x70, s31;
	s2 =	sadd.s32 s2, s26  }
0x88: {  	s31 =	sadd.s32 s31, s2  }
0x89: {  	s13 =	sadd.s32 $0x1, s13  }
0x8a: {  	p0 =	sne.s32 s13, s23  }
.Ltmp5:
0x8b: {  	_ = 	snop;
	(pc) =	sbr.rel @p0 .LBB2_4-.Ltmp5, $2  }
0x8c: {  	_ =	sdelay $0x2  }
0x8d: {  	[tilespmem:s31+$0x0] =	vst v3  }
.LBB2_7:
0x8e: {  	s2 =	rddreg [dreg:$0x8]  }
0x8f: {  	[hbm4b:s2+s4] =	stream.linear.scatter [tilespmem:s28], [sflag:$0x2], $0x8000, $0x38;
	[tilespmem:$0x19080] =	vst v63  }
.LBB2_8:
0x90: {  	(v2sf) =	vpush v5, $0x1;
	_ =	sdelay $0xb  }
0x91: {  	p0 =	sne.s32 s20, $0x0  }
0x92: {  	s20 =	rddreg [dreg:$0x8];
	s2 =	simm.s32 @!p0 $0x0;
	s13 =	simm.s32 @!p0 $0x1080  }
0x93: {  	[hbm4b:s20+s2] =	stream.linear.scatter @!p0 [tilespmem:s13], [sflag:$0x2], $0x8000, $0x38;
	[tilespmem:$0x19080] =	vst v63  }
0x94: {  	s20 =	spop (v2sf)  }
0x95: {  	p0 =	slt.s32 s20, $0x1  }
.Ltmp6:
0x96: {  	_ = 	snop;
	(pc) =	sbr.rel @p0 .LBB2_15-.Ltmp6, $1  }
0x97: {  	_ =	sdelay $0x3  }
0x98: {  	v6 =	vld [tilespmem:$0x80];
	_ =	sdelay $0x4  }
0x99: {  	v7 =	vshll.u32 v6, $0x4  }
0x9a: {  	v6 =	vand.u32 $0x7, v6;
	v7 =	vand.u32 $0xFFFFFF80, v7  }
0x9b: {  	v6 =	vor.u32 v6, v7  }
0x9c: {  	v7 =	vperm.xlane v6, v0;
	_ =	sdelay $0x1  }
0x9d: {  	v7 =	vadd.s32 v1, v7;
	_ =	sdelay $0x4  }
0x9e: {  	[tilespmem:s22], [sflag:$0x1] =	stream.indirect_vreg.gather [hbm4b:s0+s4], $0x80, v7, vm0, $0xb8;
	[tilespmem:$0x19080] =	vst v63  }
0x9f: {  	s2 =	simm.s32 $0x11880  }
0xa0: {  	[tilespmem:s2], [sflag:$0x1] =	stream.indirect_vreg.gather [hbm4b:s7+s4], $0x80, v7, vm0, $0xb8;
	[tilespmem:$0x19080] =	vst v63  }
0xa1: {  	s13 =	simm.s32 $0x12080  }
0xa2: {  	[tilespmem:s13], [sflag:$0x1] =	stream.indirect_vreg.gather [hbm4b:s8+s4], $0x80, v7, vm0, $0xb8;
	[tilespmem:$0x19080] =	vst v63  }
0xa3: {  	s23 =	simm.s32 $0x12880  }
0xa4: {  	[tilespmem:s23], [sflag:$0x1] =	stream.indirect_vreg.gather [hbm4b:s9+s4], $0x80, v7, vm0, $0xb8;
	[tilespmem:$0x19080] =	vst v63  }
0xa5: {  	s24 =	simm.s32 $0x13080  }
0xa6: {  	[tilespmem:s24], [sflag:$0x1] =	stream.indirect_vreg.gather [hbm4b:s10+s4], $0x80, v7, vm0, $0xb8;
	[tilespmem:$0x19080] =	vst v63  }
0xa7: {  	s26 =	simm.s32 $0x13880;
	v6 =	vperm.xlane v6, v2  }
0xa8: {  	[tilespmem:s26], [sflag:$0x1] =	stream.indirect_vreg.gather [hbm4b:s11+s4], $0x80, v7, vm0, $0xb8;
	[tilespmem:$0x19080] =	vst v63  }
0xa9: {  	s29 =	simm.s32 $0x14080;
	v6 =	vadd.s32 v1, v6  }
0xaa: {  	[tilespmem:s29], [sflag:$0x1] =	stream.indirect_vreg.gather [hbm4b:s12+s4], $0x80, v7, vm0, $0xb8;
	[tilespmem:$0x19080] =	vst v63  }
0xab: {  	s30 =	simm.s32 $0x14880  }
0xac: {  	[tilespmem:s30], [sflag:$0x1] =	stream.indirect_vreg.gather [hbm4b:s14+s4], $0x80, v7, vm0, $0xb8;
	[tilespmem:$0x19080] =	vst v63  }
0xad: {  	s31 =	simm.s32 $0x15080  }
0xae: {  	[tilespmem:s31], [sflag:$0x1] =	stream.indirect_vreg.gather [hbm4b:s0+s4], $0x80, v6, vm0, $0xb8;
	[tilespmem:$0x19080] =	vst v63  }
0xaf: {  	_ = 	snop  }
0xb0: {  	[tilespmem:s1], [sflag:$0x1] =	stream.indirect_vreg.gather [hbm4b:s7+s4], $0x80, v6, vm0, $0xb8;
	[tilespmem:$0x19080] =	vst v63  }
0xb1: {  	_ = 	snop  }
0xb2: {  	[tilespmem:s3], [sflag:$0x1] =	stream.indirect_vreg.gather [hbm4b:s8+s4], $0x80, v6, vm0, $0xb8;
	[tilespmem:$0x19080] =	vst v63  }
0xb3: {  	_ = 	snop  }
0xb4: {  	[tilespmem:s5], [sflag:$0x1] =	stream.indirect_vreg.gather [hbm4b:s9+s4], $0x80, v6, vm0, $0xb8;
	[tilespmem:$0x19080] =	vst v63  }
0xb5: {  	_ = 	snop  }
0xb6: {  	[tilespmem:s6], [sflag:$0x1] =	stream.indirect_vreg.gather [hbm4b:s10+s4], $0x80, v6, vm0, $0xb8;
	[tilespmem:$0x19080] =	vst v63  }
0xb7: {  	_ = 	snop  }
0xb8: {  	[tilespmem:s25], [sflag:$0x1] =	stream.indirect_vreg.gather [hbm4b:s11+s4], $0x80, v6, vm0, $0xb8;
	[tilespmem:$0x19080] =	vst v63  }
0xb9: {  	p0 =	sgt.u32 s20, $0xF  }
0xba: {  	[tilespmem:s15], [sflag:$0x1] =	stream.indirect_vreg.gather [hbm4b:s12+s4], $0x80, v6, vm0, $0xb8;
	[tilespmem:$0x19080] =	vst v63  }
.Ltmp7:
0xbb: {  	_ = 	snop;
	(pc) =	sbr.rel @p0 .LBB2_14-.Ltmp7, $4  }
0xbc: {  	[tilespmem:s16], [sflag:$0x1] =	stream.indirect_vreg.gather [hbm4b:s14+s4], $0x80, v6, vm0, $0xb8;
	[tilespmem:$0x19080] =	vst v63  }
0xbd: {  	_ =	swait.ge [sflag:s21], $0x8000  }
0xbe: {  	[sflag:s21] =	ssyncset.done $0x0  }
0xbf: {  	[sflag:s21] =	ssyncadd.s32 $0xFFFF8000  }
0xc0: {  	s23 =	ssub.s32 $0x10, s20;
	s24 =	simm.s32 $0x0;
	s13 =	simm.s32 $0x0  }
.LBB2_11:
0xc1: {  	s2 =	sadd.s32 s20, s13  }
0xc2: {  	s26 =	sshll.u32 s2, $0xB;
	s2 =	sshll.u32 s2, $0x7  }
0xc3: {  	s26 =	sand.u32 $0xFFFFC000, s26;
	s2 =	sand.u32 $0x380, s2  }
0xc4: {  	s2 =	sor.u32 s2, s26  }
0xc5: {  	s26 =	sadd.s32 $0x11080, s2;
	s2 =	sand.u32 $0x3C00, s24  }
0xc6: {  	s30 =	sand.u32 $0x70, s24;
	s2 =	sadd.s32 s2, s26  }
0xc7: {  	s29 =	simm.s32 $0x10;
	s31 =	sadd.s32 s30, s2;
	s30 =	simm.s32 $0x0  }
.LBB2_12:
0xc8: {  	p0 =	sne.s32 s29, $0x7F0  }
0xc9: {  	[tilespmem:s31+$0x0] =	vst v3;
	s30 =	sadd.s32 $0x80, s30;
	s2 =	smov.u32 s29;
	s29 =	sadd.s32 $0x10, s29  }
.Ltmp8:
0xca: {  	(pc) =	sbr.rel @p0 .LBB2_12-.Ltmp8, $4  }
0xcb: {  	_ = 	snop  }
0xcc: {  	s31 =	sand.u32 $0x3C00, s30  }
0xcd: {  	s2 =	sand.u32 $0x70, s2;
	s31 =	sadd.s32 s31, s26  }
0xce: {  	s31 =	sadd.s32 s2, s31  }
0xcf: {  	s13 =	sadd.s32 $0x1, s13  }
0xd0: {  	p0 =	sne.s32 s13, s23  }
.Ltmp9:
0xd1: {  	_ = 	snop;
	(pc) =	sbr.rel @p0 .LBB2_11-.Ltmp9, $2  }
0xd2: {  	_ =	sdelay $0x2  }
0xd3: {  	[tilespmem:s31+$0x0] =	vst v3  }
.LBB2_14:
0xd4: {  	s2 =	rddreg [dreg:$0x9]  }
0xd5: {  	[hbm4b:s2+s4] =	stream.linear.scatter [tilespmem:s22], [sflag:$0x3], $0x8000, $0x38;
	[tilespmem:$0x19080] =	vst v63  }
.LBB2_15:
0xd6: {  	(v2sf) =	vpush v5, $0x2;
	_ =	sdelay $0xb  }
0xd7: {  	p0 =	sne.s32 s20, $0x0  }
0xd8: {  	s20 =	rddreg [dreg:$0x9];
	s2 =	simm.s32 @!p0 $0x0;
	s13 =	simm.s32 @!p0 $0x1080  }
0xd9: {  	[hbm4b:s20+s2] =	stream.linear.scatter @!p0 [tilespmem:s13], [sflag:$0x3], $0x8000, $0x38;
	[tilespmem:$0x19080] =	vst v63  }
0xda: {  	s20 =	spop (v2sf)  }
0xdb: {  	p0 =	slt.s32 s20, $0x1  }
.Ltmp10:
0xdc: {  	_ = 	snop;
	(pc) =	sbr.rel @p0 .LBB2_22-.Ltmp10, $4  }
0xdd: {  	_ = 	snop  }
0xde: {  	_ =	swait.ge [sflag:s17], $0x8000  }
0xdf: {  	[sflag:s17] =	ssyncset.done $0x0  }
0xe0: {  	[sflag:s17] =	ssyncadd.s32 $0xFFFF8000  }
0xe1: {  	v6 =	vld [tilespmem:$0x100];
	_ =	sdelay $0x4  }
0xe2: {  	v7 =	vshll.u32 v6, $0x4  }
0xe3: {  	v6 =	vand.u32 $0x7, v6;
	v7 =	vand.u32 $0xFFFFFF80, v7  }
0xe4: {  	v6 =	vor.u32 v6, v7  }
0xe5: {  	v7 =	vperm.xlane v6, v0;
	_ =	sdelay $0x1  }
0xe6: {  	v7 =	vadd.s32 v1, v7;
	_ =	sdelay $0x4  }
0xe7: {  	[tilespmem:s28], [sflag:$0x1] =	stream.indirect_vreg.gather [hbm4b:s0+s4], $0x80, v7, vm0, $0xb8;
	[tilespmem:$0x19080] =	vst v63  }
0xe8: {  	s2 =	simm.s32 $0x9880  }
0xe9: {  	[tilespmem:s2], [sflag:$0x1] =	stream.indirect_vreg.gather [hbm4b:s7+s4], $0x80, v7, vm0, $0xb8;
	[tilespmem:$0x19080] =	vst v63  }
0xea: {  	s13 =	simm.s32 $0xA080  }
0xeb: {  	[tilespmem:s13], [sflag:$0x1] =	stream.indirect_vreg.gather [hbm4b:s8+s4], $0x80, v7, vm0, $0xb8;
	[tilespmem:$0x19080] =	vst v63  }
0xec: {  	s23 =	simm.s32 $0xA880  }
0xed: {  	[tilespmem:s23], [sflag:$0x1] =	stream.indirect_vreg.gather [hbm4b:s9+s4], $0x80, v7, vm0, $0xb8;
	[tilespmem:$0x19080] =	vst v63  }
0xee: {  	s24 =	simm.s32 $0xB080  }
0xef: {  	[tilespmem:s24], [sflag:$0x1] =	stream.indirect_vreg.gather [hbm4b:s10+s4], $0x80, v7, vm0, $0xb8;
	[tilespmem:$0x19080] =	vst v63  }
0xf0: {  	s26 =	simm.s32 $0xB880;
	v6 =	vperm.xlane v6, v2  }
0xf1: {  	[tilespmem:s26], [sflag:$0x1] =	stream.indirect_vreg.gather [hbm4b:s11+s4], $0x80, v7, vm0, $0xb8;
	[tilespmem:$0x19080] =	vst v63  }
0xf2: {  	s29 =	simm.s32 $0xC080;
	v6 =	vadd.s32 v1, v6  }
0xf3: {  	[tilespmem:s29], [sflag:$0x1] =	stream.indirect_vreg.gather [hbm4b:s12+s4], $0x80, v7, vm0, $0xb8;
	[tilespmem:$0x19080] =	vst v63  }
0xf4: {  	s30 =	simm.s32 $0xC880  }
0xf5: {  	[tilespmem:s30], [sflag:$0x1] =	stream.indirect_vreg.gather [hbm4b:s14+s4], $0x80, v7, vm0, $0xb8;
	[tilespmem:$0x19080] =	vst v63  }
0xf6: {  	s31 =	simm.s32 $0xD080  }
0xf7: {  	[tilespmem:s31], [sflag:$0x1] =	stream.indirect_vreg.gather [hbm4b:s0+s4], $0x80, v6, vm0, $0xb8;
	[tilespmem:$0x19080] =	vst v63  }
0xf8: {  	s13 =	simm.s32 $0xD880  }
0xf9: {  	[tilespmem:s13], [sflag:$0x1] =	stream.indirect_vreg.gather [hbm4b:s7+s4], $0x80, v6, vm0, $0xb8;
	[tilespmem:$0x19080] =	vst v63  }
0xfa: {  	s23 =	simm.s32 $0xE080  }
0xfb: {  	[tilespmem:s23], [sflag:$0x1] =	stream.indirect_vreg.gather [hbm4b:s8+s4], $0x80, v6, vm0, $0xb8;
	[tilespmem:$0x19080] =	vst v63  }
0xfc: {  	s24 =	simm.s32 $0xE880  }
0xfd: {  	[tilespmem:s24], [sflag:$0x1] =	stream.indirect_vreg.gather [hbm4b:s9+s4], $0x80, v6, vm0, $0xb8;
	[tilespmem:$0x19080] =	vst v63  }
0xfe: {  	s26 =	simm.s32 $0xF080  }
0xff: {  	[tilespmem:s26], [sflag:$0x1] =	stream.indirect_vreg.gather [hbm4b:s10+s4], $0x80, v6, vm0, $0xb8;
	[tilespmem:$0x19080] =	vst v63  }
0x100: {  	s29 =	simm.s32 $0xF880  }
0x101: {  	[tilespmem:s29], [sflag:$0x1] =	stream.indirect_vreg.gather [hbm4b:s11+s4], $0x80, v6, vm0, $0xb8;
	[tilespmem:$0x19080] =	vst v63  }
0x102: {  	p0 =	sgt.u32 s20, $0xF;
	s30 =	simm.s32 $0x10080  }
0x103: {  	[tilespmem:s30], [sflag:$0x1] =	stream.indirect_vreg.gather [hbm4b:s12+s4], $0x80, v6, vm0, $0xb8;
	[tilespmem:$0x19080] =	vst v63  }
.Ltmp11:
0x104: {  	s31 =	simm.s32 $0x10880;
	(pc) =	sbr.rel @p0 .LBB2_21-.Ltmp11, $4  }
0x105: {  	[tilespmem:s31], [sflag:$0x1] =	stream.indirect_vreg.gather [hbm4b:s14+s4], $0x80, v6, vm0, $0xb8;
	[tilespmem:$0x19080] =	vst v63  }
0x106: {  	_ =	swait.ge [sflag:s21], $0x8000  }
0x107: {  	[sflag:s21] =	ssyncset.done $0x0  }
0x108: {  	[sflag:s21] =	ssyncadd.s32 $0xFFFF8000  }
0x109: {  	s23 =	ssub.s32 $0x10, s20;
	s24 =	simm.s32 $0x0;
	s13 =	simm.s32 $0x0  }
.LBB2_18:
0x10a: {  	s2 =	sadd.s32 s20, s13  }
0x10b: {  	s26 =	sshll.u32 s2, $0xB;
	s2 =	sshll.u32 s2, $0x7  }
0x10c: {  	s26 =	sand.u32 $0xFFFFC000, s26;
	s2 =	sand.u32 $0x380, s2  }
0x10d: {  	s2 =	sor.u32 s2, s26  }
0x10e: {  	s26 =	sadd.s32 $0x9080, s2;
	s2 =	sand.u32 $0x3C00, s24  }
0x10f: {  	s30 =	sand.u32 $0x70, s24;
	s2 =	sadd.s32 s2, s26  }
0x110: {  	s29 =	simm.s32 $0x10;
	s31 =	sadd.s32 s30, s2;
	s30 =	simm.s32 $0x0  }
.LBB2_19:
0x111: {  	p0 =	sne.s32 s29, $0x7F0  }
0x112: {  	[tilespmem:s31+$0x0] =	vst v3;
	s30 =	sadd.s32 $0x80, s30;
	s2 =	smov.u32 s29;
	s29 =	sadd.s32 $0x10, s29  }
.Ltmp12:
0x113: {  	(pc) =	sbr.rel @p0 .LBB2_19-.Ltmp12, $4  }
0x114: {  	_ = 	snop  }
0x115: {  	s31 =	sand.u32 $0x3C00, s30  }
0x116: {  	s2 =	sand.u32 $0x70, s2;
	s31 =	sadd.s32 s31, s26  }
0x117: {  	s31 =	sadd.s32 s2, s31  }
0x118: {  	s13 =	sadd.s32 $0x1, s13  }
0x119: {  	p0 =	sne.s32 s13, s23  }
.Ltmp13:
0x11a: {  	_ = 	snop;
	(pc) =	sbr.rel @p0 .LBB2_18-.Ltmp13, $2  }
0x11b: {  	_ =	sdelay $0x2  }
0x11c: {  	[tilespmem:s31+$0x0] =	vst v3  }
.LBB2_21:
0x11d: {  	s2 =	rddreg [dreg:$0xa]  }
0x11e: {  	[hbm4b:s2+s4] =	stream.linear.scatter [tilespmem:s28], [sflag:$0x2], $0x8000, $0x38;
	[tilespmem:$0x19080] =	vst v63  }
.LBB2_22:
0x11f: {  	(v2sf) =	vpush v5, $0x3;
	_ =	sdelay $0xb  }
0x120: {  	p0 =	sne.s32 s20, $0x0  }
0x121: {  	s20 =	rddreg [dreg:$0xa];
	s2 =	simm.s32 @!p0 $0x0;
	s13 =	simm.s32 @!p0 $0x1080  }
0x122: {  	[hbm4b:s20+s2] =	stream.linear.scatter @!p0 [tilespmem:s13], [sflag:$0x2], $0x8000, $0x38;
	[tilespmem:$0x19080] =	vst v63  }
0x123: {  	s20 =	spop (v2sf)  }
0x124: {  	p0 =	slt.s32 s20, $0x1  }
.Ltmp14:
0x125: {  	_ = 	snop;
	(pc) =	sbr.rel @p0 .LBB2_29-.Ltmp14, $4  }
0x126: {  	_ = 	snop  }
0x127: {  	_ =	swait.ge [sflag:s18], $0x8000  }
0x128: {  	[sflag:s18] =	ssyncset.done $0x0  }
0x129: {  	[sflag:s18] =	ssyncadd.s32 $0xFFFF8000  }
0x12a: {  	v6 =	vld [tilespmem:$0x180];
	_ =	sdelay $0x4  }
0x12b: {  	v7 =	vshll.u32 v6, $0x4  }
0x12c: {  	v6 =	vand.u32 $0x7, v6;
	v7 =	vand.u32 $0xFFFFFF80, v7  }
0x12d: {  	v6 =	vor.u32 v6, v7  }
0x12e: {  	v7 =	vperm.xlane v6, v0;
	_ =	sdelay $0x1  }
0x12f: {  	v7 =	vadd.s32 v1, v7;
	_ =	sdelay $0x4  }
0x130: {  	[tilespmem:s22], [sflag:$0x1] =	stream.indirect_vreg.gather [hbm4b:s0+s4], $0x80, v7, vm0, $0xb8;
	[tilespmem:$0x19080] =	vst v63  }
0x131: {  	s2 =	simm.s32 $0x11880  }
0x132: {  	[tilespmem:s2], [sflag:$0x1] =	stream.indirect_vreg.gather [hbm4b:s7+s4], $0x80, v7, vm0, $0xb8;
	[tilespmem:$0x19080] =	vst v63  }
0x133: {  	s13 =	simm.s32 $0x12080  }
0x134: {  	[tilespmem:s13], [sflag:$0x1] =	stream.indirect_vreg.gather [hbm4b:s8+s4], $0x80, v7, vm0, $0xb8;
	[tilespmem:$0x19080] =	vst v63  }
0x135: {  	s23 =	simm.s32 $0x12880  }
0x136: {  	[tilespmem:s23], [sflag:$0x1] =	stream.indirect_vreg.gather [hbm4b:s9+s4], $0x80, v7, vm0, $0xb8;
	[tilespmem:$0x19080] =	vst v63  }
0x137: {  	s24 =	simm.s32 $0x13080  }
0x138: {  	[tilespmem:s24], [sflag:$0x1] =	stream.indirect_vreg.gather [hbm4b:s10+s4], $0x80, v7, vm0, $0xb8;
	[tilespmem:$0x19080] =	vst v63  }
0x139: {  	s26 =	simm.s32 $0x13880;
	v6 =	vperm.xlane v6, v2  }
0x13a: {  	[tilespmem:s26], [sflag:$0x1] =	stream.indirect_vreg.gather [hbm4b:s11+s4], $0x80, v7, vm0, $0xb8;
	[tilespmem:$0x19080] =	vst v63  }
0x13b: {  	s29 =	simm.s32 $0x14080;
	v6 =	vadd.s32 v1, v6  }
0x13c: {  	[tilespmem:s29], [sflag:$0x1] =	stream.indirect_vreg.gather [hbm4b:s12+s4], $0x80, v7, vm0, $0xb8;
	[tilespmem:$0x19080] =	vst v63  }
0x13d: {  	s30 =	simm.s32 $0x14880  }
0x13e: {  	[tilespmem:s30], [sflag:$0x1] =	stream.indirect_vreg.gather [hbm4b:s14+s4], $0x80, v7, vm0, $0xb8;
	[tilespmem:$0x19080] =	vst v63  }
0x13f: {  	s31 =	simm.s32 $0x15080  }
0x140: {  	[tilespmem:s31], [sflag:$0x1] =	stream.indirect_vreg.gather [hbm4b:s0+s4], $0x80, v6, vm0, $0xb8;
	[tilespmem:$0x19080] =	vst v63  }
0x141: {  	_ = 	snop  }
0x142: {  	[tilespmem:s1], [sflag:$0x1] =	stream.indirect_vreg.gather [hbm4b:s7+s4], $0x80, v6, vm0, $0xb8;
	[tilespmem:$0x19080] =	vst v63  }
0x143: {  	_ = 	snop  }
0x144: {  	[tilespmem:s3], [sflag:$0x1] =	stream.indirect_vreg.gather [hbm4b:s8+s4], $0x80, v6, vm0, $0xb8;
	[tilespmem:$0x19080] =	vst v63  }
0x145: {  	_ = 	snop  }
0x146: {  	[tilespmem:s5], [sflag:$0x1] =	stream.indirect_vreg.gather [hbm4b:s9+s4], $0x80, v6, vm0, $0xb8;
	[tilespmem:$0x19080] =	vst v63  }
0x147: {  	_ = 	snop  }
0x148: {  	[tilespmem:s6], [sflag:$0x1] =	stream.indirect_vreg.gather [hbm4b:s10+s4], $0x80, v6, vm0, $0xb8;
	[tilespmem:$0x19080] =	vst v63  }
0x149: {  	_ = 	snop  }
0x14a: {  	[tilespmem:s25], [sflag:$0x1] =	stream.indirect_vreg.gather [hbm4b:s11+s4], $0x80, v6, vm0, $0xb8;
	[tilespmem:$0x19080] =	vst v63  }
0x14b: {  	p0 =	sgt.u32 s20, $0xF  }
0x14c: {  	[tilespmem:s15], [sflag:$0x1] =	stream.indirect_vreg.gather [hbm4b:s12+s4], $0x80, v6, vm0, $0xb8;
	[tilespmem:$0x19080] =	vst v63  }
.Ltmp15:
0x14d: {  	_ = 	snop;
	(pc) =	sbr.rel @p0 .LBB2_28-.Ltmp15, $4  }
0x14e: {  	[tilespmem:s16], [sflag:$0x1] =	stream.indirect_vreg.gather [hbm4b:s14+s4], $0x80, v6, vm0, $0xb8;
	[tilespmem:$0x19080] =	vst v63  }
0x14f: {  	_ =	swait.ge [sflag:s21], $0x8000  }
0x150: {  	[sflag:s21] =	ssyncset.done $0x0  }
0x151: {  	[sflag:s21] =	ssyncadd.s32 $0xFFFF8000  }
0x152: {  	s23 =	ssub.s32 $0x10, s20;
	s24 =	simm.s32 $0x0;
	s13 =	simm.s32 $0x0  }
.LBB2_25:
0x153: {  	s2 =	sadd.s32 s20, s13  }
0x154: {  	s26 =	sshll.u32 s2, $0xB;
	s2 =	sshll.u32 s2, $0x7  }
0x155: {  	s26 =	sand.u32 $0xFFFFC000, s26;
	s2 =	sand.u32 $0x380, s2  }
0x156: {  	s2 =	sor.u32 s2, s26  }
0x157: {  	s26 =	sadd.s32 $0x11080, s2;
	s2 =	sand.u32 $0x3C00, s24  }
0x158: {  	s30 =	sand.u32 $0x70, s24;
	s2 =	sadd.s32 s2, s26  }
0x159: {  	s29 =	simm.s32 $0x10;
	s31 =	sadd.s32 s30, s2;
	s30 =	simm.s32 $0x0  }
.LBB2_26:
0x15a: {  	p0 =	sne.s32 s29, $0x7F0  }
0x15b: {  	[tilespmem:s31+$0x0] =	vst v3;
	s30 =	sadd.s32 $0x80, s30;
	s2 =	smov.u32 s29;
	s29 =	sadd.s32 $0x10, s29  }
.Ltmp16:
0x15c: {  	(pc) =	sbr.rel @p0 .LBB2_26-.Ltmp16, $4  }
0x15d: {  	_ = 	snop  }
0x15e: {  	s31 =	sand.u32 $0x3C00, s30  }
0x15f: {  	s2 =	sand.u32 $0x70, s2;
	s31 =	sadd.s32 s31, s26  }
0x160: {  	s31 =	sadd.s32 s2, s31  }
0x161: {  	s13 =	sadd.s32 $0x1, s13  }
0x162: {  	p0 =	sne.s32 s13, s23  }
.Ltmp17:
0x163: {  	_ = 	snop;
	(pc) =	sbr.rel @p0 .LBB2_25-.Ltmp17, $2  }
0x164: {  	_ =	sdelay $0x2  }
0x165: {  	[tilespmem:s31+$0x0] =	vst v3  }
.LBB2_28:
0x166: {  	s2 =	rddreg [dreg:$0xb]  }
0x167: {  	[hbm4b:s2+s4] =	stream.linear.scatter [tilespmem:s22], [sflag:$0x3], $0x8000, $0x38;
	[tilespmem:$0x19080] =	vst v63  }
.LBB2_29:
0x168: {  	(v2sf) =	vpush v5, $0x4;
	_ =	sdelay $0xb  }
0x169: {  	p0 =	sne.s32 s20, $0x0  }
0x16a: {  	s20 =	rddreg [dreg:$0xb];
	s2 =	simm.s32 @!p0 $0x0;
	s13 =	simm.s32 @!p0 $0x1080  }
0x16b: {  	[hbm4b:s20+s2] =	stream.linear.scatter @!p0 [tilespmem:s13], [sflag:$0x3], $0x8000, $0x38;
	[tilespmem:$0x19080] =	vst v63  }
0x16c: {  	s20 =	spop (v2sf)  }
0x16d: {  	p0 =	slt.s32 s20, $0x1  }
.Ltmp18:
0x16e: {  	_ = 	snop;
	(pc) =	sbr.rel @p0 .LBB2_36-.Ltmp18, $4  }
0x16f: {  	_ = 	snop  }
0x170: {  	_ =	swait.ge [sflag:s17], $0x8000  }
0x171: {  	[sflag:s17] =	ssyncset.done $0x0  }
0x172: {  	[sflag:s17] =	ssyncadd.s32 $0xFFFF8000  }
0x173: {  	v6 =	vld [tilespmem:$0x200];
	_ =	sdelay $0x4  }
0x174: {  	v7 =	vshll.u32 v6, $0x4  }
0x175: {  	v6 =	vand.u32 $0x7, v6;
	v7 =	vand.u32 $0xFFFFFF80, v7  }
0x176: {  	v6 =	vor.u32 v6, v7  }
0x177: {  	v7 =	vperm.xlane v6, v0;
	_ =	sdelay $0x1  }
0x178: {  	v7 =	vadd.s32 v1, v7;
	_ =	sdelay $0x4  }
0x179: {  	[tilespmem:s28], [sflag:$0x1] =	stream.indirect_vreg.gather [hbm4b:s0+s4], $0x80, v7, vm0, $0xb8;
	[tilespmem:$0x19080] =	vst v63  }
0x17a: {  	s2 =	simm.s32 $0x9880  }
0x17b: {  	[tilespmem:s2], [sflag:$0x1] =	stream.indirect_vreg.gather [hbm4b:s7+s4], $0x80, v7, vm0, $0xb8;
	[tilespmem:$0x19080] =	vst v63  }
0x17c: {  	s13 =	simm.s32 $0xA080  }
0x17d: {  	[tilespmem:s13], [sflag:$0x1] =	stream.indirect_vreg.gather [hbm4b:s8+s4], $0x80, v7, vm0, $0xb8;
	[tilespmem:$0x19080] =	vst v63  }
0x17e: {  	s23 =	simm.s32 $0xA880  }
0x17f: {  	[tilespmem:s23], [sflag:$0x1] =	stream.indirect_vreg.gather [hbm4b:s9+s4], $0x80, v7, vm0, $0xb8;
	[tilespmem:$0x19080] =	vst v63  }
0x180: {  	s24 =	simm.s32 $0xB080  }
0x181: {  	[tilespmem:s24], [sflag:$0x1] =	stream.indirect_vreg.gather [hbm4b:s10+s4], $0x80, v7, vm0, $0xb8;
	[tilespmem:$0x19080] =	vst v63  }
0x182: {  	s26 =	simm.s32 $0xB880;
	v6 =	vperm.xlane v6, v2  }
0x183: {  	[tilespmem:s26], [sflag:$0x1] =	stream.indirect_vreg.gather [hbm4b:s11+s4], $0x80, v7, vm0, $0xb8;
	[tilespmem:$0x19080] =	vst v63  }
0x184: {  	s29 =	simm.s32 $0xC080;
	v6 =	vadd.s32 v1, v6  }
0x185: {  	[tilespmem:s29], [sflag:$0x1] =	stream.indirect_vreg.gather [hbm4b:s12+s4], $0x80, v7, vm0, $0xb8;
	[tilespmem:$0x19080] =	vst v63  }
0x186: {  	s30 =	simm.s32 $0xC880  }
0x187: {  	[tilespmem:s30], [sflag:$0x1] =	stream.indirect_vreg.gather [hbm4b:s14+s4], $0x80, v7, vm0, $0xb8;
	[tilespmem:$0x19080] =	vst v63  }
0x188: {  	s31 =	simm.s32 $0xD080  }
0x189: {  	[tilespmem:s31], [sflag:$0x1] =	stream.indirect_vreg.gather [hbm4b:s0+s4], $0x80, v6, vm0, $0xb8;
	[tilespmem:$0x19080] =	vst v63  }
0x18a: {  	s13 =	simm.s32 $0xD880  }
0x18b: {  	[tilespmem:s13], [sflag:$0x1] =	stream.indirect_vreg.gather [hbm4b:s7+s4], $0x80, v6, vm0, $0xb8;
	[tilespmem:$0x19080] =	vst v63  }
0x18c: {  	s23 =	simm.s32 $0xE080  }
0x18d: {  	[tilespmem:s23], [sflag:$0x1] =	stream.indirect_vreg.gather [hbm4b:s8+s4], $0x80, v6, vm0, $0xb8;
	[tilespmem:$0x19080] =	vst v63  }
0x18e: {  	s24 =	simm.s32 $0xE880  }
0x18f: {  	[tilespmem:s24], [sflag:$0x1] =	stream.indirect_vreg.gather [hbm4b:s9+s4], $0x80, v6, vm0, $0xb8;
	[tilespmem:$0x19080] =	vst v63  }
0x190: {  	s26 =	simm.s32 $0xF080  }
0x191: {  	[tilespmem:s26], [sflag:$0x1] =	stream.indirect_vreg.gather [hbm4b:s10+s4], $0x80, v6, vm0, $0xb8;
	[tilespmem:$0x19080] =	vst v63  }
0x192: {  	s29 =	simm.s32 $0xF880  }
0x193: {  	[tilespmem:s29], [sflag:$0x1] =	stream.indirect_vreg.gather [hbm4b:s11+s4], $0x80, v6, vm0, $0xb8;
	[tilespmem:$0x19080] =	vst v63  }
0x194: {  	p0 =	sgt.u32 s20, $0xF;
	s30 =	simm.s32 $0x10080  }
0x195: {  	[tilespmem:s30], [sflag:$0x1] =	stream.indirect_vreg.gather [hbm4b:s12+s4], $0x80, v6, vm0, $0xb8;
	[tilespmem:$0x19080] =	vst v63  }
.Ltmp19:
0x196: {  	s31 =	simm.s32 $0x10880;
	(pc) =	sbr.rel @p0 .LBB2_35-.Ltmp19, $4  }
0x197: {  	[tilespmem:s31], [sflag:$0x1] =	stream.indirect_vreg.gather [hbm4b:s14+s4], $0x80, v6, vm0, $0xb8;
	[tilespmem:$0x19080] =	vst v63  }
0x198: {  	_ =	swait.ge [sflag:s21], $0x8000  }
0x199: {  	[sflag:s21] =	ssyncset.done $0x0  }
0x19a: {  	[sflag:s21] =	ssyncadd.s32 $0xFFFF8000  }
0x19b: {  	s23 =	ssub.s32 $0x10, s20;
	s24 =	simm.s32 $0x0;
	s13 =	simm.s32 $0x0  }
.LBB2_32:
0x19c: {  	s2 =	sadd.s32 s20, s13  }
0x19d: {  	s26 =	sshll.u32 s2, $0xB;
	s2 =	sshll.u32 s2, $0x7  }
0x19e: {  	s26 =	sand.u32 $0xFFFFC000, s26;
	s2 =	sand.u32 $0x380, s2  }
0x19f: {  	s2 =	sor.u32 s2, s26  }
0x1a0: {  	s26 =	sadd.s32 $0x9080, s2;
	s2 =	sand.u32 $0x3C00, s24  }
0x1a1: {  	s30 =	sand.u32 $0x70, s24;
	s2 =	sadd.s32 s2, s26  }
0x1a2: {  	s29 =	simm.s32 $0x10;
	s31 =	sadd.s32 s30, s2;
	s30 =	simm.s32 $0x0  }
.LBB2_33:
0x1a3: {  	p0 =	sne.s32 s29, $0x7F0  }
0x1a4: {  	[tilespmem:s31+$0x0] =	vst v3;
	s30 =	sadd.s32 $0x80, s30;
	s2 =	smov.u32 s29;
	s29 =	sadd.s32 $0x10, s29  }
.Ltmp20:
0x1a5: {  	(pc) =	sbr.rel @p0 .LBB2_33-.Ltmp20, $4  }
0x1a6: {  	_ = 	snop  }
0x1a7: {  	s31 =	sand.u32 $0x3C00, s30  }
0x1a8: {  	s2 =	sand.u32 $0x70, s2;
	s31 =	sadd.s32 s31, s26  }
0x1a9: {  	s31 =	sadd.s32 s2, s31  }
0x1aa: {  	s13 =	sadd.s32 $0x1, s13  }
0x1ab: {  	p0 =	sne.s32 s13, s23  }
.Ltmp21:
0x1ac: {  	_ = 	snop;
	(pc) =	sbr.rel @p0 .LBB2_32-.Ltmp21, $2  }
0x1ad: {  	_ =	sdelay $0x2  }
0x1ae: {  	[tilespmem:s31+$0x0] =	vst v3  }
.LBB2_35:
0x1af: {  	s2 =	rddreg [dreg:$0xc]  }
0x1b0: {  	[hbm4b:s2+s4] =	stream.linear.scatter [tilespmem:s28], [sflag:$0x2], $0x8000, $0x38;
	[tilespmem:$0x19080] =	vst v63  }
.LBB2_36:
0x1b1: {  	(v2sf) =	vpush v5, $0x5;
	_ =	sdelay $0xb  }
0x1b2: {  	p0 =	sne.s32 s20, $0x0  }
0x1b3: {  	s20 =	rddreg [dreg:$0xc];
	s2 =	simm.s32 @!p0 $0x0;
	s13 =	simm.s32 @!p0 $0x1080  }
0x1b4: {  	[hbm4b:s20+s2] =	stream.linear.scatter @!p0 [tilespmem:s13], [sflag:$0x2], $0x8000, $0x38;
	[tilespmem:$0x19080] =	vst v63  }
0x1b5: {  	s20 =	spop (v2sf)  }
0x1b6: {  	p0 =	slt.s32 s20, $0x1  }
.Ltmp22:
0x1b7: {  	_ = 	snop;
	(pc) =	sbr.rel @p0 .LBB2_43-.Ltmp22, $4  }
0x1b8: {  	_ = 	snop  }
0x1b9: {  	_ =	swait.ge [sflag:s18], $0x8000  }
0x1ba: {  	[sflag:s18] =	ssyncset.done $0x0  }
0x1bb: {  	[sflag:s18] =	ssyncadd.s32 $0xFFFF8000  }
0x1bc: {  	v6 =	vld [tilespmem:$0x280];
	_ =	sdelay $0x4  }
0x1bd: {  	v7 =	vshll.u32 v6, $0x4  }
0x1be: {  	v6 =	vand.u32 $0x7, v6;
	v7 =	vand.u32 $0xFFFFFF80, v7  }
0x1bf: {  	v6 =	vor.u32 v6, v7  }
0x1c0: {  	v7 =	vperm.xlane v6, v0;
	_ =	sdelay $0x1  }
0x1c1: {  	v7 =	vadd.s32 v1, v7;
	_ =	sdelay $0x4  }
0x1c2: {  	[tilespmem:s22], [sflag:$0x1] =	stream.indirect_vreg.gather [hbm4b:s0+s4], $0x80, v7, vm0, $0xb8;
	[tilespmem:$0x19080] =	vst v63  }
0x1c3: {  	s2 =	simm.s32 $0x11880  }
0x1c4: {  	[tilespmem:s2], [sflag:$0x1] =	stream.indirect_vreg.gather [hbm4b:s7+s4], $0x80, v7, vm0, $0xb8;
	[tilespmem:$0x19080] =	vst v63  }
0x1c5: {  	s13 =	simm.s32 $0x12080  }
0x1c6: {  	[tilespmem:s13], [sflag:$0x1] =	stream.indirect_vreg.gather [hbm4b:s8+s4], $0x80, v7, vm0, $0xb8;
	[tilespmem:$0x19080] =	vst v63  }
0x1c7: {  	s23 =	simm.s32 $0x12880  }
0x1c8: {  	[tilespmem:s23], [sflag:$0x1] =	stream.indirect_vreg.gather [hbm4b:s9+s4], $0x80, v7, vm0, $0xb8;
	[tilespmem:$0x19080] =	vst v63  }
0x1c9: {  	s24 =	simm.s32 $0x13080  }
0x1ca: {  	[tilespmem:s24], [sflag:$0x1] =	stream.indirect_vreg.gather [hbm4b:s10+s4], $0x80, v7, vm0, $0xb8;
	[tilespmem:$0x19080] =	vst v63  }
0x1cb: {  	s26 =	simm.s32 $0x13880;
	v6 =	vperm.xlane v6, v2  }
0x1cc: {  	[tilespmem:s26], [sflag:$0x1] =	stream.indirect_vreg.gather [hbm4b:s11+s4], $0x80, v7, vm0, $0xb8;
	[tilespmem:$0x19080] =	vst v63  }
0x1cd: {  	s29 =	simm.s32 $0x14080;
	v6 =	vadd.s32 v1, v6  }
0x1ce: {  	[tilespmem:s29], [sflag:$0x1] =	stream.indirect_vreg.gather [hbm4b:s12+s4], $0x80, v7, vm0, $0xb8;
	[tilespmem:$0x19080] =	vst v63  }
0x1cf: {  	s30 =	simm.s32 $0x14880  }
0x1d0: {  	[tilespmem:s30], [sflag:$0x1] =	stream.indirect_vreg.gather [hbm4b:s14+s4], $0x80, v7, vm0, $0xb8;
	[tilespmem:$0x19080] =	vst v63  }
0x1d1: {  	s31 =	simm.s32 $0x15080  }
0x1d2: {  	[tilespmem:s31], [sflag:$0x1] =	stream.indirect_vreg.gather [hbm4b:s0+s4], $0x80, v6, vm0, $0xb8;
	[tilespmem:$0x19080] =	vst v63  }
0x1d3: {  	_ = 	snop  }
0x1d4: {  	[tilespmem:s1], [sflag:$0x1] =	stream.indirect_vreg.gather [hbm4b:s7+s4], $0x80, v6, vm0, $0xb8;
	[tilespmem:$0x19080] =	vst v63  }
0x1d5: {  	_ = 	snop  }
0x1d6: {  	[tilespmem:s3], [sflag:$0x1] =	stream.indirect_vreg.gather [hbm4b:s8+s4], $0x80, v6, vm0, $0xb8;
	[tilespmem:$0x19080] =	vst v63  }
0x1d7: {  	_ = 	snop  }
0x1d8: {  	[tilespmem:s5], [sflag:$0x1] =	stream.indirect_vreg.gather [hbm4b:s9+s4], $0x80, v6, vm0, $0xb8;
	[tilespmem:$0x19080] =	vst v63  }
0x1d9: {  	_ = 	snop  }
0x1da: {  	[tilespmem:s6], [sflag:$0x1] =	stream.indirect_vreg.gather [hbm4b:s10+s4], $0x80, v6, vm0, $0xb8;
	[tilespmem:$0x19080] =	vst v63  }
0x1db: {  	_ = 	snop  }
0x1dc: {  	[tilespmem:s25], [sflag:$0x1] =	stream.indirect_vreg.gather [hbm4b:s11+s4], $0x80, v6, vm0, $0xb8;
	[tilespmem:$0x19080] =	vst v63  }
0x1dd: {  	p0 =	sgt.u32 s20, $0xF  }
0x1de: {  	[tilespmem:s15], [sflag:$0x1] =	stream.indirect_vreg.gather [hbm4b:s12+s4], $0x80, v6, vm0, $0xb8;
	[tilespmem:$0x19080] =	vst v63  }
.Ltmp23:
0x1df: {  	_ = 	snop;
	(pc) =	sbr.rel @p0 .LBB2_42-.Ltmp23, $4  }
0x1e0: {  	[tilespmem:s16], [sflag:$0x1] =	stream.indirect_vreg.gather [hbm4b:s14+s4], $0x80, v6, vm0, $0xb8;
	[tilespmem:$0x19080] =	vst v63  }
0x1e1: {  	_ =	swait.ge [sflag:s21], $0x8000  }
0x1e2: {  	[sflag:s21] =	ssyncset.done $0x0  }
0x1e3: {  	[sflag:s21] =	ssyncadd.s32 $0xFFFF8000  }
0x1e4: {  	s23 =	ssub.s32 $0x10, s20;
	s24 =	simm.s32 $0x0;
	s13 =	simm.s32 $0x0  }
.LBB2_39:
0x1e5: {  	s2 =	sadd.s32 s20, s13  }
0x1e6: {  	s26 =	sshll.u32 s2, $0xB;
	s2 =	sshll.u32 s2, $0x7  }
0x1e7: {  	s26 =	sand.u32 $0xFFFFC000, s26;
	s2 =	sand.u32 $0x380, s2  }
0x1e8: {  	s2 =	sor.u32 s2, s26  }
0x1e9: {  	s26 =	sadd.s32 $0x11080, s2;
	s2 =	sand.u32 $0x3C00, s24  }
0x1ea: {  	s30 =	sand.u32 $0x70, s24;
	s2 =	sadd.s32 s2, s26  }
0x1eb: {  	s29 =	simm.s32 $0x10;
	s31 =	sadd.s32 s30, s2;
	s30 =	simm.s32 $0x0  }
.LBB2_40:
0x1ec: {  	p0 =	sne.s32 s29, $0x7F0  }
0x1ed: {  	[tilespmem:s31+$0x0] =	vst v3;
	s30 =	sadd.s32 $0x80, s30;
	s2 =	smov.u32 s29;
	s29 =	sadd.s32 $0x10, s29  }
.Ltmp24:
0x1ee: {  	(pc) =	sbr.rel @p0 .LBB2_40-.Ltmp24, $4  }
0x1ef: {  	_ = 	snop  }
0x1f0: {  	s31 =	sand.u32 $0x3C00, s30  }
0x1f1: {  	s2 =	sand.u32 $0x70, s2;
	s31 =	sadd.s32 s31, s26  }
0x1f2: {  	s31 =	sadd.s32 s2, s31  }
0x1f3: {  	s13 =	sadd.s32 $0x1, s13  }
0x1f4: {  	p0 =	sne.s32 s13, s23  }
.Ltmp25:
0x1f5: {  	_ = 	snop;
	(pc) =	sbr.rel @p0 .LBB2_39-.Ltmp25, $2  }
0x1f6: {  	_ =	sdelay $0x2  }
0x1f7: {  	[tilespmem:s31+$0x0] =	vst v3  }
.LBB2_42:
0x1f8: {  	s2 =	rddreg [dreg:$0xd]  }
0x1f9: {  	[hbm4b:s2+s4] =	stream.linear.scatter [tilespmem:s22], [sflag:$0x3], $0x8000, $0x38;
	[tilespmem:$0x19080] =	vst v63  }
.LBB2_43:
0x1fa: {  	(v2sf) =	vpush v5, $0x6;
	_ =	sdelay $0xb  }
0x1fb: {  	p0 =	sne.s32 s20, $0x0  }
0x1fc: {  	s20 =	rddreg [dreg:$0xd];
	s2 =	simm.s32 @!p0 $0x0;
	s13 =	simm.s32 @!p0 $0x1080  }
0x1fd: {  	[hbm4b:s20+s2] =	stream.linear.scatter @!p0 [tilespmem:s13], [sflag:$0x3], $0x8000, $0x38;
	[tilespmem:$0x19080] =	vst v63  }
0x1fe: {  	s20 =	spop (v2sf)  }
0x1ff: {  	p0 =	slt.s32 s20, $0x1  }
.Ltmp26:
0x200: {  	_ = 	snop;
	(pc) =	sbr.rel @p0 .LBB2_50-.Ltmp26, $4  }
0x201: {  	_ = 	snop  }
0x202: {  	_ =	swait.ge [sflag:s17], $0x8000  }
0x203: {  	[sflag:s17] =	ssyncset.done $0x0  }
0x204: {  	[sflag:s17] =	ssyncadd.s32 $0xFFFF8000  }
0x205: {  	v6 =	vld [tilespmem:$0x300];
	_ =	sdelay $0x4  }
0x206: {  	v7 =	vshll.u32 v6, $0x4  }
0x207: {  	v6 =	vand.u32 $0x7, v6;
	v7 =	vand.u32 $0xFFFFFF80, v7  }
0x208: {  	v6 =	vor.u32 v6, v7  }
0x209: {  	v7 =	vperm.xlane v6, v0;
	_ =	sdelay $0x1  }
0x20a: {  	v7 =	vadd.s32 v1, v7;
	_ =	sdelay $0x4  }
0x20b: {  	[tilespmem:s28], [sflag:$0x1] =	stream.indirect_vreg.gather [hbm4b:s0+s4], $0x80, v7, vm0, $0xb8;
	[tilespmem:$0x19080] =	vst v63  }
0x20c: {  	s2 =	simm.s32 $0x9880  }
0x20d: {  	[tilespmem:s2], [sflag:$0x1] =	stream.indirect_vreg.gather [hbm4b:s7+s4], $0x80, v7, vm0, $0xb8;
	[tilespmem:$0x19080] =	vst v63  }
0x20e: {  	s13 =	simm.s32 $0xA080  }
0x20f: {  	[tilespmem:s13], [sflag:$0x1] =	stream.indirect_vreg.gather [hbm4b:s8+s4], $0x80, v7, vm0, $0xb8;
	[tilespmem:$0x19080] =	vst v63  }
0x210: {  	s23 =	simm.s32 $0xA880  }
0x211: {  	[tilespmem:s23], [sflag:$0x1] =	stream.indirect_vreg.gather [hbm4b:s9+s4], $0x80, v7, vm0, $0xb8;
	[tilespmem:$0x19080] =	vst v63  }
0x212: {  	s24 =	simm.s32 $0xB080  }
0x213: {  	[tilespmem:s24], [sflag:$0x1] =	stream.indirect_vreg.gather [hbm4b:s10+s4], $0x80, v7, vm0, $0xb8;
	[tilespmem:$0x19080] =	vst v63  }
0x214: {  	s26 =	simm.s32 $0xB880;
	v6 =	vperm.xlane v6, v2  }
0x215: {  	[tilespmem:s26], [sflag:$0x1] =	stream.indirect_vreg.gather [hbm4b:s11+s4], $0x80, v7, vm0, $0xb8;
	[tilespmem:$0x19080] =	vst v63  }
0x216: {  	s29 =	simm.s32 $0xC080;
	v6 =	vadd.s32 v1, v6  }
0x217: {  	[tilespmem:s29], [sflag:$0x1] =	stream.indirect_vreg.gather [hbm4b:s12+s4], $0x80, v7, vm0, $0xb8;
	[tilespmem:$0x19080] =	vst v63  }
0x218: {  	s30 =	simm.s32 $0xC880  }
0x219: {  	[tilespmem:s30], [sflag:$0x1] =	stream.indirect_vreg.gather [hbm4b:s14+s4], $0x80, v7, vm0, $0xb8;
	[tilespmem:$0x19080] =	vst v63  }
0x21a: {  	s31 =	simm.s32 $0xD080  }
0x21b: {  	[tilespmem:s31], [sflag:$0x1] =	stream.indirect_vreg.gather [hbm4b:s0+s4], $0x80, v6, vm0, $0xb8;
	[tilespmem:$0x19080] =	vst v63  }
0x21c: {  	s13 =	simm.s32 $0xD880  }
0x21d: {  	[tilespmem:s13], [sflag:$0x1] =	stream.indirect_vreg.gather [hbm4b:s7+s4], $0x80, v6, vm0, $0xb8;
	[tilespmem:$0x19080] =	vst v63  }
0x21e: {  	s23 =	simm.s32 $0xE080  }
0x21f: {  	[tilespmem:s23], [sflag:$0x1] =	stream.indirect_vreg.gather [hbm4b:s8+s4], $0x80, v6, vm0, $0xb8;
	[tilespmem:$0x19080] =	vst v63  }
0x220: {  	s24 =	simm.s32 $0xE880  }
0x221: {  	[tilespmem:s24], [sflag:$0x1] =	stream.indirect_vreg.gather [hbm4b:s9+s4], $0x80, v6, vm0, $0xb8;
	[tilespmem:$0x19080] =	vst v63  }
0x222: {  	s26 =	simm.s32 $0xF080  }
0x223: {  	[tilespmem:s26], [sflag:$0x1] =	stream.indirect_vreg.gather [hbm4b:s10+s4], $0x80, v6, vm0, $0xb8;
	[tilespmem:$0x19080] =	vst v63  }
0x224: {  	s29 =	simm.s32 $0xF880  }
0x225: {  	[tilespmem:s29], [sflag:$0x1] =	stream.indirect_vreg.gather [hbm4b:s11+s4], $0x80, v6, vm0, $0xb8;
	[tilespmem:$0x19080] =	vst v63  }
0x226: {  	p0 =	sgt.u32 s20, $0xF;
	s30 =	simm.s32 $0x10080  }
0x227: {  	[tilespmem:s30], [sflag:$0x1] =	stream.indirect_vreg.gather [hbm4b:s12+s4], $0x80, v6, vm0, $0xb8;
	[tilespmem:$0x19080] =	vst v63  }
.Ltmp27:
0x228: {  	s31 =	simm.s32 $0x10880;
	(pc) =	sbr.rel @p0 .LBB2_49-.Ltmp27, $4  }
0x229: {  	[tilespmem:s31], [sflag:$0x1] =	stream.indirect_vreg.gather [hbm4b:s14+s4], $0x80, v6, vm0, $0xb8;
	[tilespmem:$0x19080] =	vst v63  }
0x22a: {  	_ =	swait.ge [sflag:s21], $0x8000  }
0x22b: {  	[sflag:s21] =	ssyncset.done $0x0  }
0x22c: {  	[sflag:s21] =	ssyncadd.s32 $0xFFFF8000  }
0x22d: {  	s23 =	ssub.s32 $0x10, s20;
	s24 =	simm.s32 $0x0;
	s13 =	simm.s32 $0x0  }
.LBB2_46:
0x22e: {  	s2 =	sadd.s32 s20, s13  }
0x22f: {  	s26 =	sshll.u32 s2, $0xB;
	s2 =	sshll.u32 s2, $0x7  }
0x230: {  	s26 =	sand.u32 $0xFFFFC000, s26;
	s2 =	sand.u32 $0x380, s2  }
0x231: {  	s2 =	sor.u32 s2, s26  }
0x232: {  	s26 =	sadd.s32 $0x9080, s2;
	s2 =	sand.u32 $0x3C00, s24  }
0x233: {  	s30 =	sand.u32 $0x70, s24;
	s2 =	sadd.s32 s2, s26  }
0x234: {  	s29 =	simm.s32 $0x10;
	s31 =	sadd.s32 s30, s2;
	s30 =	simm.s32 $0x0  }
.LBB2_47:
0x235: {  	p0 =	sne.s32 s29, $0x7F0  }
0x236: {  	[tilespmem:s31+$0x0] =	vst v3;
	s30 =	sadd.s32 $0x80, s30;
	s2 =	smov.u32 s29;
	s29 =	sadd.s32 $0x10, s29  }
.Ltmp28:
0x237: {  	(pc) =	sbr.rel @p0 .LBB2_47-.Ltmp28, $4  }
0x238: {  	_ = 	snop  }
0x239: {  	s31 =	sand.u32 $0x3C00, s30  }
0x23a: {  	s2 =	sand.u32 $0x70, s2;
	s31 =	sadd.s32 s31, s26  }
0x23b: {  	s31 =	sadd.s32 s2, s31  }
0x23c: {  	s13 =	sadd.s32 $0x1, s13  }
0x23d: {  	p0 =	sne.s32 s13, s23  }
.Ltmp29:
0x23e: {  	_ = 	snop;
	(pc) =	sbr.rel @p0 .LBB2_46-.Ltmp29, $2  }
0x23f: {  	_ =	sdelay $0x2  }
0x240: {  	[tilespmem:s31+$0x0] =	vst v3  }
.LBB2_49:
0x241: {  	s2 =	rddreg [dreg:$0xe]  }
0x242: {  	[hbm4b:s2+s4] =	stream.linear.scatter [tilespmem:s28], [sflag:$0x2], $0x8000, $0x38;
	[tilespmem:$0x19080] =	vst v63  }
.LBB2_50:
0x243: {  	(v2sf) =	vpush v5, $0x7;
	_ =	sdelay $0xb  }
0x244: {  	p0 =	sne.s32 s20, $0x0  }
0x245: {  	s20 =	rddreg [dreg:$0xe];
	s2 =	simm.s32 @!p0 $0x0;
	s13 =	simm.s32 @!p0 $0x1080  }
0x246: {  	[hbm4b:s20+s2] =	stream.linear.scatter @!p0 [tilespmem:s13], [sflag:$0x2], $0x8000, $0x38;
	[tilespmem:$0x19080] =	vst v63  }
0x247: {  	s20 =	spop (v2sf)  }
0x248: {  	p0 =	slt.s32 s20, $0x1  }
.Ltmp30:
0x249: {  	_ = 	snop;
	(pc) =	sbr.rel @p0 .LBB2_57-.Ltmp30, $4  }
0x24a: {  	_ = 	snop  }
0x24b: {  	_ =	swait.ge [sflag:s18], $0x8000  }
0x24c: {  	[sflag:s18] =	ssyncset.done $0x0  }
0x24d: {  	[sflag:s18] =	ssyncadd.s32 $0xFFFF8000  }
0x24e: {  	v6 =	vld [tilespmem:$0x380];
	_ =	sdelay $0x4  }
0x24f: {  	v7 =	vshll.u32 v6, $0x4  }
0x250: {  	v6 =	vand.u32 $0x7, v6;
	v7 =	vand.u32 $0xFFFFFF80, v7  }
0x251: {  	v6 =	vor.u32 v6, v7  }
0x252: {  	v7 =	vperm.xlane v6, v0;
	_ =	sdelay $0x1  }
0x253: {  	v7 =	vadd.s32 v1, v7;
	_ =	sdelay $0x4  }
0x254: {  	[tilespmem:s22], [sflag:$0x1] =	stream.indirect_vreg.gather [hbm4b:s0+s4], $0x80, v7, vm0, $0xb8;
	[tilespmem:$0x19080] =	vst v63  }
0x255: {  	s2 =	simm.s32 $0x11880  }
0x256: {  	[tilespmem:s2], [sflag:$0x1] =	stream.indirect_vreg.gather [hbm4b:s7+s4], $0x80, v7, vm0, $0xb8;
	[tilespmem:$0x19080] =	vst v63  }
0x257: {  	s13 =	simm.s32 $0x12080  }
0x258: {  	[tilespmem:s13], [sflag:$0x1] =	stream.indirect_vreg.gather [hbm4b:s8+s4], $0x80, v7, vm0, $0xb8;
	[tilespmem:$0x19080] =	vst v63  }
0x259: {  	s23 =	simm.s32 $0x12880  }
0x25a: {  	[tilespmem:s23], [sflag:$0x1] =	stream.indirect_vreg.gather [hbm4b:s9+s4], $0x80, v7, vm0, $0xb8;
	[tilespmem:$0x19080] =	vst v63  }
0x25b: {  	s24 =	simm.s32 $0x13080  }
0x25c: {  	[tilespmem:s24], [sflag:$0x1] =	stream.indirect_vreg.gather [hbm4b:s10+s4], $0x80, v7, vm0, $0xb8;
	[tilespmem:$0x19080] =	vst v63  }
0x25d: {  	s26 =	simm.s32 $0x13880;
	v6 =	vperm.xlane v6, v2  }
0x25e: {  	[tilespmem:s26], [sflag:$0x1] =	stream.indirect_vreg.gather [hbm4b:s11+s4], $0x80, v7, vm0, $0xb8;
	[tilespmem:$0x19080] =	vst v63  }
0x25f: {  	s29 =	simm.s32 $0x14080;
	v6 =	vadd.s32 v1, v6  }
0x260: {  	[tilespmem:s29], [sflag:$0x1] =	stream.indirect_vreg.gather [hbm4b:s12+s4], $0x80, v7, vm0, $0xb8;
	[tilespmem:$0x19080] =	vst v63  }
0x261: {  	s30 =	simm.s32 $0x14880  }
0x262: {  	[tilespmem:s30], [sflag:$0x1] =	stream.indirect_vreg.gather [hbm4b:s14+s4], $0x80, v7, vm0, $0xb8;
	[tilespmem:$0x19080] =	vst v63  }
0x263: {  	s31 =	simm.s32 $0x15080  }
0x264: {  	[tilespmem:s31], [sflag:$0x1] =	stream.indirect_vreg.gather [hbm4b:s0+s4], $0x80, v6, vm0, $0xb8;
	[tilespmem:$0x19080] =	vst v63  }
0x265: {  	_ = 	snop  }
0x266: {  	[tilespmem:s1], [sflag:$0x1] =	stream.indirect_vreg.gather [hbm4b:s7+s4], $0x80, v6, vm0, $0xb8;
	[tilespmem:$0x19080] =	vst v63  }
0x267: {  	_ = 	snop  }
0x268: {  	[tilespmem:s3], [sflag:$0x1] =	stream.indirect_vreg.gather [hbm4b:s8+s4], $0x80, v6, vm0, $0xb8;
	[tilespmem:$0x19080] =	vst v63  }
0x269: {  	_ = 	snop  }
0x26a: {  	[tilespmem:s5], [sflag:$0x1] =	stream.indirect_vreg.gather [hbm4b:s9+s4], $0x80, v6, vm0, $0xb8;
	[tilespmem:$0x19080] =	vst v63  }
0x26b: {  	_ = 	snop  }
0x26c: {  	[tilespmem:s6], [sflag:$0x1] =	stream.indirect_vreg.gather [hbm4b:s10+s4], $0x80, v6, vm0, $0xb8;
	[tilespmem:$0x19080] =	vst v63  }
0x26d: {  	_ = 	snop  }
0x26e: {  	[tilespmem:s25], [sflag:$0x1] =	stream.indirect_vreg.gather [hbm4b:s11+s4], $0x80, v6, vm0, $0xb8;
	[tilespmem:$0x19080] =	vst v63  }
0x26f: {  	p0 =	sgt.u32 s20, $0xF  }
0x270: {  	[tilespmem:s15], [sflag:$0x1] =	stream.indirect_vreg.gather [hbm4b:s12+s4], $0x80, v6, vm0, $0xb8;
	[tilespmem:$0x19080] =	vst v63  }
.Ltmp31:
0x271: {  	_ = 	snop;
	(pc) =	sbr.rel @p0 .LBB2_56-.Ltmp31, $4  }
0x272: {  	[tilespmem:s16], [sflag:$0x1] =	stream.indirect_vreg.gather [hbm4b:s14+s4], $0x80, v6, vm0, $0xb8;
	[tilespmem:$0x19080] =	vst v63  }
0x273: {  	_ =	swait.ge [sflag:s21], $0x8000  }
0x274: {  	[sflag:s21] =	ssyncset.done $0x0  }
0x275: {  	[sflag:s21] =	ssyncadd.s32 $0xFFFF8000  }
0x276: {  	s23 =	ssub.s32 $0x10, s20;
	s24 =	simm.s32 $0x0;
	s13 =	simm.s32 $0x0  }
.LBB2_53:
0x277: {  	s2 =	sadd.s32 s20, s13  }
0x278: {  	s26 =	sshll.u32 s2, $0xB;
	s2 =	sshll.u32 s2, $0x7  }
0x279: {  	s26 =	sand.u32 $0xFFFFC000, s26;
	s2 =	sand.u32 $0x380, s2  }
0x27a: {  	s2 =	sor.u32 s2, s26  }
0x27b: {  	s26 =	sadd.s32 $0x11080, s2;
	s2 =	sand.u32 $0x3C00, s24  }
0x27c: {  	s30 =	sand.u32 $0x70, s24;
	s2 =	sadd.s32 s2, s26  }
0x27d: {  	s29 =	simm.s32 $0x10;
	s31 =	sadd.s32 s30, s2;
	s30 =	simm.s32 $0x0  }
.LBB2_54:
0x27e: {  	p0 =	sne.s32 s29, $0x7F0  }
0x27f: {  	[tilespmem:s31+$0x0] =	vst v3;
	s30 =	sadd.s32 $0x80, s30;
	s2 =	smov.u32 s29;
	s29 =	sadd.s32 $0x10, s29  }
.Ltmp32:
0x280: {  	(pc) =	sbr.rel @p0 .LBB2_54-.Ltmp32, $4  }
0x281: {  	_ = 	snop  }
0x282: {  	s31 =	sand.u32 $0x3C00, s30  }
0x283: {  	s2 =	sand.u32 $0x70, s2;
	s31 =	sadd.s32 s31, s26  }
0x284: {  	s31 =	sadd.s32 s2, s31  }
0x285: {  	s13 =	sadd.s32 $0x1, s13  }
0x286: {  	p0 =	sne.s32 s13, s23  }
.Ltmp33:
0x287: {  	_ = 	snop;
	(pc) =	sbr.rel @p0 .LBB2_53-.Ltmp33, $2  }
0x288: {  	_ =	sdelay $0x2  }
0x289: {  	[tilespmem:s31+$0x0] =	vst v3  }
.LBB2_56:
0x28a: {  	s2 =	rddreg [dreg:$0xf]  }
0x28b: {  	[hbm4b:s2+s4] =	stream.linear.scatter [tilespmem:s22], [sflag:$0x3], $0x8000, $0x38;
	[tilespmem:$0x19080] =	vst v63  }
.LBB2_57:
0x28c: {  	(v2sf) =	vpush v5, $0x8;
	_ =	sdelay $0xb  }
0x28d: {  	p0 =	sne.s32 s20, $0x0  }
0x28e: {  	s20 =	rddreg [dreg:$0xf];
	s2 =	simm.s32 @!p0 $0x0;
	s13 =	simm.s32 @!p0 $0x1080  }
0x28f: {  	[hbm4b:s20+s2] =	stream.linear.scatter @!p0 [tilespmem:s13], [sflag:$0x3], $0x8000, $0x38;
	[tilespmem:$0x19080] =	vst v63  }
0x290: {  	s20 =	spop (v2sf)  }
0x291: {  	p0 =	slt.s32 s20, $0x1  }
.Ltmp34:
0x292: {  	_ = 	snop;
	(pc) =	sbr.rel @p0 .LBB2_64-.Ltmp34, $4  }
0x293: {  	_ = 	snop  }
0x294: {  	_ =	swait.ge [sflag:s17], $0x8000  }
0x295: {  	[sflag:s17] =	ssyncset.done $0x0  }
0x296: {  	[sflag:s17] =	ssyncadd.s32 $0xFFFF8000  }
0x297: {  	v6 =	vld [tilespmem:$0x400];
	_ =	sdelay $0x4  }
0x298: {  	v7 =	vshll.u32 v6, $0x4  }
0x299: {  	v6 =	vand.u32 $0x7, v6;
	v7 =	vand.u32 $0xFFFFFF80, v7  }
0x29a: {  	v6 =	vor.u32 v6, v7  }
0x29b: {  	v7 =	vperm.xlane v6, v0;
	_ =	sdelay $0x1  }
0x29c: {  	v7 =	vadd.s32 v1, v7;
	_ =	sdelay $0x4  }
0x29d: {  	[tilespmem:s28], [sflag:$0x1] =	stream.indirect_vreg.gather [hbm4b:s0+s4], $0x80, v7, vm0, $0xb8;
	[tilespmem:$0x19080] =	vst v63  }
0x29e: {  	s2 =	simm.s32 $0x9880  }
0x29f: {  	[tilespmem:s2], [sflag:$0x1] =	stream.indirect_vreg.gather [hbm4b:s7+s4], $0x80, v7, vm0, $0xb8;
	[tilespmem:$0x19080] =	vst v63  }
0x2a0: {  	s13 =	simm.s32 $0xA080  }
0x2a1: {  	[tilespmem:s13], [sflag:$0x1] =	stream.indirect_vreg.gather [hbm4b:s8+s4], $0x80, v7, vm0, $0xb8;
	[tilespmem:$0x19080] =	vst v63  }
0x2a2: {  	s23 =	simm.s32 $0xA880  }
0x2a3: {  	[tilespmem:s23], [sflag:$0x1] =	stream.indirect_vreg.gather [hbm4b:s9+s4], $0x80, v7, vm0, $0xb8;
	[tilespmem:$0x19080] =	vst v63  }
0x2a4: {  	s24 =	simm.s32 $0xB080  }
0x2a5: {  	[tilespmem:s24], [sflag:$0x1] =	stream.indirect_vreg.gather [hbm4b:s10+s4], $0x80, v7, vm0, $0xb8;
	[tilespmem:$0x19080] =	vst v63  }
0x2a6: {  	s26 =	simm.s32 $0xB880;
	v6 =	vperm.xlane v6, v2  }
0x2a7: {  	[tilespmem:s26], [sflag:$0x1] =	stream.indirect_vreg.gather [hbm4b:s11+s4], $0x80, v7, vm0, $0xb8;
	[tilespmem:$0x19080] =	vst v63  }
0x2a8: {  	s29 =	simm.s32 $0xC080;
	v6 =	vadd.s32 v1, v6  }
0x2a9: {  	[tilespmem:s29], [sflag:$0x1] =	stream.indirect_vreg.gather [hbm4b:s12+s4], $0x80, v7, vm0, $0xb8;
	[tilespmem:$0x19080] =	vst v63  }
0x2aa: {  	s30 =	simm.s32 $0xC880  }
0x2ab: {  	[tilespmem:s30], [sflag:$0x1] =	stream.indirect_vreg.gather [hbm4b:s14+s4], $0x80, v7, vm0, $0xb8;
	[tilespmem:$0x19080] =	vst v63  }
0x2ac: {  	s31 =	simm.s32 $0xD080  }
0x2ad: {  	[tilespmem:s31], [sflag:$0x1] =	stream.indirect_vreg.gather [hbm4b:s0+s4], $0x80, v6, vm0, $0xb8;
	[tilespmem:$0x19080] =	vst v63  }
0x2ae: {  	s13 =	simm.s32 $0xD880  }
0x2af: {  	[tilespmem:s13], [sflag:$0x1] =	stream.indirect_vreg.gather [hbm4b:s7+s4], $0x80, v6, vm0, $0xb8;
	[tilespmem:$0x19080] =	vst v63  }
0x2b0: {  	s23 =	simm.s32 $0xE080  }
0x2b1: {  	[tilespmem:s23], [sflag:$0x1] =	stream.indirect_vreg.gather [hbm4b:s8+s4], $0x80, v6, vm0, $0xb8;
	[tilespmem:$0x19080] =	vst v63  }
0x2b2: {  	s24 =	simm.s32 $0xE880  }
0x2b3: {  	[tilespmem:s24], [sflag:$0x1] =	stream.indirect_vreg.gather [hbm4b:s9+s4], $0x80, v6, vm0, $0xb8;
	[tilespmem:$0x19080] =	vst v63  }
0x2b4: {  	s26 =	simm.s32 $0xF080  }
0x2b5: {  	[tilespmem:s26], [sflag:$0x1] =	stream.indirect_vreg.gather [hbm4b:s10+s4], $0x80, v6, vm0, $0xb8;
	[tilespmem:$0x19080] =	vst v63  }
0x2b6: {  	s29 =	simm.s32 $0xF880  }
0x2b7: {  	[tilespmem:s29], [sflag:$0x1] =	stream.indirect_vreg.gather [hbm4b:s11+s4], $0x80, v6, vm0, $0xb8;
	[tilespmem:$0x19080] =	vst v63  }
0x2b8: {  	p0 =	sgt.u32 s20, $0xF;
	s30 =	simm.s32 $0x10080  }
0x2b9: {  	[tilespmem:s30], [sflag:$0x1] =	stream.indirect_vreg.gather [hbm4b:s12+s4], $0x80, v6, vm0, $0xb8;
	[tilespmem:$0x19080] =	vst v63  }
.Ltmp35:
0x2ba: {  	s31 =	simm.s32 $0x10880;
	(pc) =	sbr.rel @p0 .LBB2_63-.Ltmp35, $4  }
0x2bb: {  	[tilespmem:s31], [sflag:$0x1] =	stream.indirect_vreg.gather [hbm4b:s14+s4], $0x80, v6, vm0, $0xb8;
	[tilespmem:$0x19080] =	vst v63  }
0x2bc: {  	_ =	swait.ge [sflag:s21], $0x8000  }
0x2bd: {  	[sflag:s21] =	ssyncset.done $0x0  }
0x2be: {  	[sflag:s21] =	ssyncadd.s32 $0xFFFF8000  }
0x2bf: {  	s23 =	ssub.s32 $0x10, s20;
	s24 =	simm.s32 $0x0;
	s13 =	simm.s32 $0x0  }
.LBB2_60:
0x2c0: {  	s2 =	sadd.s32 s20, s13  }
0x2c1: {  	s26 =	sshll.u32 s2, $0xB;
	s2 =	sshll.u32 s2, $0x7  }
0x2c2: {  	s26 =	sand.u32 $0xFFFFC000, s26;
	s2 =	sand.u32 $0x380, s2  }
0x2c3: {  	s2 =	sor.u32 s2, s26  }
0x2c4: {  	s26 =	sadd.s32 $0x9080, s2;
	s2 =	sand.u32 $0x3C00, s24  }
0x2c5: {  	s30 =	sand.u32 $0x70, s24;
	s2 =	sadd.s32 s2, s26  }
0x2c6: {  	s29 =	simm.s32 $0x10;
	s31 =	sadd.s32 s30, s2;
	s30 =	simm.s32 $0x0  }
.LBB2_61:
0x2c7: {  	p0 =	sne.s32 s29, $0x7F0  }
0x2c8: {  	[tilespmem:s31+$0x0] =	vst v3;
	s30 =	sadd.s32 $0x80, s30;
	s2 =	smov.u32 s29;
	s29 =	sadd.s32 $0x10, s29  }
.Ltmp36:
0x2c9: {  	(pc) =	sbr.rel @p0 .LBB2_61-.Ltmp36, $4  }
0x2ca: {  	_ = 	snop  }
0x2cb: {  	s31 =	sand.u32 $0x3C00, s30  }
0x2cc: {  	s2 =	sand.u32 $0x70, s2;
	s31 =	sadd.s32 s31, s26  }
0x2cd: {  	s31 =	sadd.s32 s2, s31  }
0x2ce: {  	s13 =	sadd.s32 $0x1, s13  }
0x2cf: {  	p0 =	sne.s32 s13, s23  }
.Ltmp37:
0x2d0: {  	_ = 	snop;
	(pc) =	sbr.rel @p0 .LBB2_60-.Ltmp37, $2  }
0x2d1: {  	_ =	sdelay $0x2  }
0x2d2: {  	[tilespmem:s31+$0x0] =	vst v3  }
.LBB2_63:
0x2d3: {  	s2 =	rddreg [dreg:$0x10]  }
0x2d4: {  	[hbm4b:s2+s4] =	stream.linear.scatter [tilespmem:s28], [sflag:$0x2], $0x8000, $0x38;
	[tilespmem:$0x19080] =	vst v63  }
.LBB2_64:
0x2d5: {  	(v2sf) =	vpush v5, $0x9;
	_ =	sdelay $0xb  }
0x2d6: {  	p0 =	sne.s32 s20, $0x0  }
0x2d7: {  	s20 =	rddreg [dreg:$0x10];
	s2 =	simm.s32 @!p0 $0x0;
	s13 =	simm.s32 @!p0 $0x1080  }
0x2d8: {  	[hbm4b:s20+s2] =	stream.linear.scatter @!p0 [tilespmem:s13], [sflag:$0x2], $0x8000, $0x38;
	[tilespmem:$0x19080] =	vst v63  }
0x2d9: {  	s20 =	spop (v2sf)  }
0x2da: {  	p0 =	slt.s32 s20, $0x1  }
.Ltmp38:
0x2db: {  	_ = 	snop;
	(pc) =	sbr.rel @p0 .LBB2_71-.Ltmp38, $4  }
0x2dc: {  	_ = 	snop  }
0x2dd: {  	_ =	swait.ge [sflag:s18], $0x8000  }
0x2de: {  	[sflag:s18] =	ssyncset.done $0x0  }
0x2df: {  	[sflag:s18] =	ssyncadd.s32 $0xFFFF8000  }
0x2e0: {  	v6 =	vld [tilespmem:$0x480];
	_ =	sdelay $0x4  }
0x2e1: {  	v7 =	vshll.u32 v6, $0x4  }
0x2e2: {  	v6 =	vand.u32 $0x7, v6;
	v7 =	vand.u32 $0xFFFFFF80, v7  }
0x2e3: {  	v6 =	vor.u32 v6, v7  }
0x2e4: {  	v7 =	vperm.xlane v6, v0;
	_ =	sdelay $0x1  }
0x2e5: {  	v7 =	vadd.s32 v1, v7;
	_ =	sdelay $0x4  }
0x2e6: {  	[tilespmem:s22], [sflag:$0x1] =	stream.indirect_vreg.gather [hbm4b:s0+s4], $0x80, v7, vm0, $0xb8;
	[tilespmem:$0x19080] =	vst v63  }
0x2e7: {  	s2 =	simm.s32 $0x11880  }
0x2e8: {  	[tilespmem:s2], [sflag:$0x1] =	stream.indirect_vreg.gather [hbm4b:s7+s4], $0x80, v7, vm0, $0xb8;
	[tilespmem:$0x19080] =	vst v63  }
0x2e9: {  	s13 =	simm.s32 $0x12080  }
0x2ea: {  	[tilespmem:s13], [sflag:$0x1] =	stream.indirect_vreg.gather [hbm4b:s8+s4], $0x80, v7, vm0, $0xb8;
	[tilespmem:$0x19080] =	vst v63  }
0x2eb: {  	s23 =	simm.s32 $0x12880  }
0x2ec: {  	[tilespmem:s23], [sflag:$0x1] =	stream.indirect_vreg.gather [hbm4b:s9+s4], $0x80, v7, vm0, $0xb8;
	[tilespmem:$0x19080] =	vst v63  }
0x2ed: {  	s24 =	simm.s32 $0x13080  }
0x2ee: {  	[tilespmem:s24], [sflag:$0x1] =	stream.indirect_vreg.gather [hbm4b:s10+s4], $0x80, v7, vm0, $0xb8;
	[tilespmem:$0x19080] =	vst v63  }
0x2ef: {  	s26 =	simm.s32 $0x13880;
	v6 =	vperm.xlane v6, v2  }
0x2f0: {  	[tilespmem:s26], [sflag:$0x1] =	stream.indirect_vreg.gather [hbm4b:s11+s4], $0x80, v7, vm0, $0xb8;
	[tilespmem:$0x19080] =	vst v63  }
0x2f1: {  	s29 =	simm.s32 $0x14080;
	v6 =	vadd.s32 v1, v6  }
0x2f2: {  	[tilespmem:s29], [sflag:$0x1] =	stream.indirect_vreg.gather [hbm4b:s12+s4], $0x80, v7, vm0, $0xb8;
	[tilespmem:$0x19080] =	vst v63  }
0x2f3: {  	s30 =	simm.s32 $0x14880  }
0x2f4: {  	[tilespmem:s30], [sflag:$0x1] =	stream.indirect_vreg.gather [hbm4b:s14+s4], $0x80, v7, vm0, $0xb8;
	[tilespmem:$0x19080] =	vst v63  }
0x2f5: {  	s31 =	simm.s32 $0x15080  }
0x2f6: {  	[tilespmem:s31], [sflag:$0x1] =	stream.indirect_vreg.gather [hbm4b:s0+s4], $0x80, v6, vm0, $0xb8;
	[tilespmem:$0x19080] =	vst v63  }
0x2f7: {  	_ = 	snop  }
0x2f8: {  	[tilespmem:s1], [sflag:$0x1] =	stream.indirect_vreg.gather [hbm4b:s7+s4], $0x80, v6, vm0, $0xb8;
	[tilespmem:$0x19080] =	vst v63  }
0x2f9: {  	_ = 	snop  }
0x2fa: {  	[tilespmem:s3], [sflag:$0x1] =	stream.indirect_vreg.gather [hbm4b:s8+s4], $0x80, v6, vm0, $0xb8;
	[tilespmem:$0x19080] =	vst v63  }
0x2fb: {  	_ = 	snop  }
0x2fc: {  	[tilespmem:s5], [sflag:$0x1] =	stream.indirect_vreg.gather [hbm4b:s9+s4], $0x80, v6, vm0, $0xb8;
	[tilespmem:$0x19080] =	vst v63  }
0x2fd: {  	_ = 	snop  }
0x2fe: {  	[tilespmem:s6], [sflag:$0x1] =	stream.indirect_vreg.gather [hbm4b:s10+s4], $0x80, v6, vm0, $0xb8;
	[tilespmem:$0x19080] =	vst v63  }
0x2ff: {  	_ = 	snop  }
0x300: {  	[tilespmem:s25], [sflag:$0x1] =	stream.indirect_vreg.gather [hbm4b:s11+s4], $0x80, v6, vm0, $0xb8;
	[tilespmem:$0x19080] =	vst v63  }
0x301: {  	p0 =	sgt.u32 s20, $0xF  }
0x302: {  	[tilespmem:s15], [sflag:$0x1] =	stream.indirect_vreg.gather [hbm4b:s12+s4], $0x80, v6, vm0, $0xb8;
	[tilespmem:$0x19080] =	vst v63  }
.Ltmp39:
0x303: {  	_ = 	snop;
	(pc) =	sbr.rel @p0 .LBB2_70-.Ltmp39, $4  }
0x304: {  	[tilespmem:s16], [sflag:$0x1] =	stream.indirect_vreg.gather [hbm4b:s14+s4], $0x80, v6, vm0, $0xb8;
	[tilespmem:$0x19080] =	vst v63  }
0x305: {  	_ =	swait.ge [sflag:s21], $0x8000  }
0x306: {  	[sflag:s21] =	ssyncset.done $0x0  }
0x307: {  	[sflag:s21] =	ssyncadd.s32 $0xFFFF8000  }
0x308: {  	s23 =	ssub.s32 $0x10, s20;
	s24 =	simm.s32 $0x0;
	s13 =	simm.s32 $0x0  }
.LBB2_67:
0x309: {  	s2 =	sadd.s32 s20, s13  }
0x30a: {  	s26 =	sshll.u32 s2, $0xB;
	s2 =	sshll.u32 s2, $0x7  }
0x30b: {  	s26 =	sand.u32 $0xFFFFC000, s26;
	s2 =	sand.u32 $0x380, s2  }
0x30c: {  	s2 =	sor.u32 s2, s26  }
0x30d: {  	s26 =	sadd.s32 $0x11080, s2;
	s2 =	sand.u32 $0x3C00, s24  }
0x30e: {  	s30 =	sand.u32 $0x70, s24;
	s2 =	sadd.s32 s2, s26  }
0x30f: {  	s29 =	simm.s32 $0x10;
	s31 =	sadd.s32 s30, s2;
	s30 =	simm.s32 $0x0  }
.LBB2_68:
0x310: {  	p0 =	sne.s32 s29, $0x7F0  }
0x311: {  	[tilespmem:s31+$0x0] =	vst v3;
	s30 =	sadd.s32 $0x80, s30;
	s2 =	smov.u32 s29;
	s29 =	sadd.s32 $0x10, s29  }
.Ltmp40:
0x312: {  	(pc) =	sbr.rel @p0 .LBB2_68-.Ltmp40, $4  }
0x313: {  	_ = 	snop  }
0x314: {  	s31 =	sand.u32 $0x3C00, s30  }
0x315: {  	s2 =	sand.u32 $0x70, s2;
	s31 =	sadd.s32 s31, s26  }
0x316: {  	s31 =	sadd.s32 s2, s31  }
0x317: {  	s13 =	sadd.s32 $0x1, s13  }
0x318: {  	p0 =	sne.s32 s13, s23  }
.Ltmp41:
0x319: {  	_ = 	snop;
	(pc) =	sbr.rel @p0 .LBB2_67-.Ltmp41, $2  }
0x31a: {  	_ =	sdelay $0x2  }
0x31b: {  	[tilespmem:s31+$0x0] =	vst v3  }
.LBB2_70:
0x31c: {  	s2 =	rddreg [dreg:$0x11]  }
0x31d: {  	[hbm4b:s2+s4] =	stream.linear.scatter [tilespmem:s22], [sflag:$0x3], $0x8000, $0x38;
	[tilespmem:$0x19080] =	vst v63  }
.LBB2_71:
0x31e: {  	(v2sf) =	vpush v5, $0xA;
	_ =	sdelay $0xb  }
0x31f: {  	p0 =	sne.s32 s20, $0x0  }
0x320: {  	s20 =	rddreg [dreg:$0x11];
	s2 =	simm.s32 @!p0 $0x0;
	s13 =	simm.s32 @!p0 $0x1080  }
0x321: {  	[hbm4b:s20+s2] =	stream.linear.scatter @!p0 [tilespmem:s13], [sflag:$0x3], $0x8000, $0x38;
	[tilespmem:$0x19080] =	vst v63  }
0x322: {  	s20 =	spop (v2sf)  }
0x323: {  	p0 =	slt.s32 s20, $0x1  }
.Ltmp42:
0x324: {  	_ = 	snop;
	(pc) =	sbr.rel @p0 .LBB2_78-.Ltmp42, $4  }
0x325: {  	_ = 	snop  }
0x326: {  	_ =	swait.ge [sflag:s17], $0x8000  }
0x327: {  	[sflag:s17] =	ssyncset.done $0x0  }
0x328: {  	[sflag:s17] =	ssyncadd.s32 $0xFFFF8000  }
0x329: {  	v6 =	vld [tilespmem:$0x500];
	_ =	sdelay $0x4  }
0x32a: {  	v7 =	vshll.u32 v6, $0x4  }
0x32b: {  	v6 =	vand.u32 $0x7, v6;
	v7 =	vand.u32 $0xFFFFFF80, v7  }
0x32c: {  	v6 =	vor.u32 v6, v7  }
0x32d: {  	v7 =	vperm.xlane v6, v0;
	_ =	sdelay $0x1  }
0x32e: {  	v7 =	vadd.s32 v1, v7;
	_ =	sdelay $0x4  }
0x32f: {  	[tilespmem:s28], [sflag:$0x1] =	stream.indirect_vreg.gather [hbm4b:s0+s4], $0x80, v7, vm0, $0xb8;
	[tilespmem:$0x19080] =	vst v63  }
0x330: {  	s2 =	simm.s32 $0x9880  }
0x331: {  	[tilespmem:s2], [sflag:$0x1] =	stream.indirect_vreg.gather [hbm4b:s7+s4], $0x80, v7, vm0, $0xb8;
	[tilespmem:$0x19080] =	vst v63  }
0x332: {  	s13 =	simm.s32 $0xA080  }
0x333: {  	[tilespmem:s13], [sflag:$0x1] =	stream.indirect_vreg.gather [hbm4b:s8+s4], $0x80, v7, vm0, $0xb8;
	[tilespmem:$0x19080] =	vst v63  }
0x334: {  	s23 =	simm.s32 $0xA880  }
0x335: {  	[tilespmem:s23], [sflag:$0x1] =	stream.indirect_vreg.gather [hbm4b:s9+s4], $0x80, v7, vm0, $0xb8;
	[tilespmem:$0x19080] =	vst v63  }
0x336: {  	s24 =	simm.s32 $0xB080  }
0x337: {  	[tilespmem:s24], [sflag:$0x1] =	stream.indirect_vreg.gather [hbm4b:s10+s4], $0x80, v7, vm0, $0xb8;
	[tilespmem:$0x19080] =	vst v63  }
0x338: {  	s26 =	simm.s32 $0xB880;
	v6 =	vperm.xlane v6, v2  }
0x339: {  	[tilespmem:s26], [sflag:$0x1] =	stream.indirect_vreg.gather [hbm4b:s11+s4], $0x80, v7, vm0, $0xb8;
	[tilespmem:$0x19080] =	vst v63  }
0x33a: {  	s29 =	simm.s32 $0xC080;
	v6 =	vadd.s32 v1, v6  }
0x33b: {  	[tilespmem:s29], [sflag:$0x1] =	stream.indirect_vreg.gather [hbm4b:s12+s4], $0x80, v7, vm0, $0xb8;
	[tilespmem:$0x19080] =	vst v63  }
0x33c: {  	s30 =	simm.s32 $0xC880  }
0x33d: {  	[tilespmem:s30], [sflag:$0x1] =	stream.indirect_vreg.gather [hbm4b:s14+s4], $0x80, v7, vm0, $0xb8;
	[tilespmem:$0x19080] =	vst v63  }
0x33e: {  	s31 =	simm.s32 $0xD080  }
0x33f: {  	[tilespmem:s31], [sflag:$0x1] =	stream.indirect_vreg.gather [hbm4b:s0+s4], $0x80, v6, vm0, $0xb8;
	[tilespmem:$0x19080] =	vst v63  }
0x340: {  	s13 =	simm.s32 $0xD880  }
0x341: {  	[tilespmem:s13], [sflag:$0x1] =	stream.indirect_vreg.gather [hbm4b:s7+s4], $0x80, v6, vm0, $0xb8;
	[tilespmem:$0x19080] =	vst v63  }
0x342: {  	s23 =	simm.s32 $0xE080  }
0x343: {  	[tilespmem:s23], [sflag:$0x1] =	stream.indirect_vreg.gather [hbm4b:s8+s4], $0x80, v6, vm0, $0xb8;
	[tilespmem:$0x19080] =	vst v63  }
0x344: {  	s24 =	simm.s32 $0xE880  }
0x345: {  	[tilespmem:s24], [sflag:$0x1] =	stream.indirect_vreg.gather [hbm4b:s9+s4], $0x80, v6, vm0, $0xb8;
	[tilespmem:$0x19080] =	vst v63  }
0x346: {  	s26 =	simm.s32 $0xF080  }
0x347: {  	[tilespmem:s26], [sflag:$0x1] =	stream.indirect_vreg.gather [hbm4b:s10+s4], $0x80, v6, vm0, $0xb8;
	[tilespmem:$0x19080] =	vst v63  }
0x348: {  	s29 =	simm.s32 $0xF880  }
0x349: {  	[tilespmem:s29], [sflag:$0x1] =	stream.indirect_vreg.gather [hbm4b:s11+s4], $0x80, v6, vm0, $0xb8;
	[tilespmem:$0x19080] =	vst v63  }
0x34a: {  	p0 =	sgt.u32 s20, $0xF;
	s30 =	simm.s32 $0x10080  }
0x34b: {  	[tilespmem:s30], [sflag:$0x1] =	stream.indirect_vreg.gather [hbm4b:s12+s4], $0x80, v6, vm0, $0xb8;
	[tilespmem:$0x19080] =	vst v63  }
.Ltmp43:
0x34c: {  	s31 =	simm.s32 $0x10880;
	(pc) =	sbr.rel @p0 .LBB2_77-.Ltmp43, $4  }
0x34d: {  	[tilespmem:s31], [sflag:$0x1] =	stream.indirect_vreg.gather [hbm4b:s14+s4], $0x80, v6, vm0, $0xb8;
	[tilespmem:$0x19080] =	vst v63  }
0x34e: {  	_ =	swait.ge [sflag:s21], $0x8000  }
0x34f: {  	[sflag:s21] =	ssyncset.done $0x0  }
0x350: {  	[sflag:s21] =	ssyncadd.s32 $0xFFFF8000  }
0x351: {  	s23 =	ssub.s32 $0x10, s20;
	s24 =	simm.s32 $0x0;
	s13 =	simm.s32 $0x0  }
.LBB2_74:
0x352: {  	s2 =	sadd.s32 s20, s13  }
0x353: {  	s26 =	sshll.u32 s2, $0xB;
	s2 =	sshll.u32 s2, $0x7  }
0x354: {  	s26 =	sand.u32 $0xFFFFC000, s26;
	s2 =	sand.u32 $0x380, s2  }
0x355: {  	s2 =	sor.u32 s2, s26  }
0x356: {  	s26 =	sadd.s32 $0x9080, s2;
	s2 =	sand.u32 $0x3C00, s24  }
0x357: {  	s30 =	sand.u32 $0x70, s24;
	s2 =	sadd.s32 s2, s26  }
0x358: {  	s29 =	simm.s32 $0x10;
	s31 =	sadd.s32 s30, s2;
	s30 =	simm.s32 $0x0  }
.LBB2_75:
0x359: {  	p0 =	sne.s32 s29, $0x7F0  }
0x35a: {  	[tilespmem:s31+$0x0] =	vst v3;
	s30 =	sadd.s32 $0x80, s30;
	s2 =	smov.u32 s29;
	s29 =	sadd.s32 $0x10, s29  }
.Ltmp44:
0x35b: {  	(pc) =	sbr.rel @p0 .LBB2_75-.Ltmp44, $4  }
0x35c: {  	_ = 	snop  }
0x35d: {  	s31 =	sand.u32 $0x3C00, s30  }
0x35e: {  	s2 =	sand.u32 $0x70, s2;
	s31 =	sadd.s32 s31, s26  }
0x35f: {  	s31 =	sadd.s32 s2, s31  }
0x360: {  	s13 =	sadd.s32 $0x1, s13  }
0x361: {  	p0 =	sne.s32 s13, s23  }
.Ltmp45:
0x362: {  	_ = 	snop;
	(pc) =	sbr.rel @p0 .LBB2_74-.Ltmp45, $2  }
0x363: {  	_ =	sdelay $0x2  }
0x364: {  	[tilespmem:s31+$0x0] =	vst v3  }
.LBB2_77:
0x365: {  	s2 =	rddreg [dreg:$0x12]  }
0x366: {  	[hbm4b:s2+s4] =	stream.linear.scatter [tilespmem:s28], [sflag:$0x2], $0x8000, $0x38;
	[tilespmem:$0x19080] =	vst v63  }
.LBB2_78:
0x367: {  	(v2sf) =	vpush v5, $0xB;
	_ =	sdelay $0xb  }
0x368: {  	p0 =	sne.s32 s20, $0x0  }
0x369: {  	s20 =	rddreg [dreg:$0x12];
	s2 =	simm.s32 @!p0 $0x0;
	s13 =	simm.s32 @!p0 $0x1080  }
0x36a: {  	[hbm4b:s20+s2] =	stream.linear.scatter @!p0 [tilespmem:s13], [sflag:$0x2], $0x8000, $0x38;
	[tilespmem:$0x19080] =	vst v63  }
0x36b: {  	s20 =	spop (v2sf)  }
0x36c: {  	p0 =	slt.s32 s20, $0x1  }
.Ltmp46:
0x36d: {  	_ = 	snop;
	(pc) =	sbr.rel @p0 .LBB2_85-.Ltmp46, $4  }
0x36e: {  	_ = 	snop  }
0x36f: {  	_ =	swait.ge [sflag:s18], $0x8000  }
0x370: {  	[sflag:s18] =	ssyncset.done $0x0  }
0x371: {  	[sflag:s18] =	ssyncadd.s32 $0xFFFF8000  }
0x372: {  	v6 =	vld [tilespmem:$0x580];
	_ =	sdelay $0x4  }
0x373: {  	v7 =	vshll.u32 v6, $0x4  }
0x374: {  	v6 =	vand.u32 $0x7, v6;
	v7 =	vand.u32 $0xFFFFFF80, v7  }
0x375: {  	v6 =	vor.u32 v6, v7  }
0x376: {  	v7 =	vperm.xlane v6, v0;
	_ =	sdelay $0x1  }
0x377: {  	v7 =	vadd.s32 v1, v7;
	_ =	sdelay $0x4  }
0x378: {  	[tilespmem:s22], [sflag:$0x1] =	stream.indirect_vreg.gather [hbm4b:s0+s4], $0x80, v7, vm0, $0xb8;
	[tilespmem:$0x19080] =	vst v63  }
0x379: {  	s2 =	simm.s32 $0x11880  }
0x37a: {  	[tilespmem:s2], [sflag:$0x1] =	stream.indirect_vreg.gather [hbm4b:s7+s4], $0x80, v7, vm0, $0xb8;
	[tilespmem:$0x19080] =	vst v63  }
0x37b: {  	s13 =	simm.s32 $0x12080  }
0x37c: {  	[tilespmem:s13], [sflag:$0x1] =	stream.indirect_vreg.gather [hbm4b:s8+s4], $0x80, v7, vm0, $0xb8;
	[tilespmem:$0x19080] =	vst v63  }
0x37d: {  	s23 =	simm.s32 $0x12880  }
0x37e: {  	[tilespmem:s23], [sflag:$0x1] =	stream.indirect_vreg.gather [hbm4b:s9+s4], $0x80, v7, vm0, $0xb8;
	[tilespmem:$0x19080] =	vst v63  }
0x37f: {  	s24 =	simm.s32 $0x13080  }
0x380: {  	[tilespmem:s24], [sflag:$0x1] =	stream.indirect_vreg.gather [hbm4b:s10+s4], $0x80, v7, vm0, $0xb8;
	[tilespmem:$0x19080] =	vst v63  }
0x381: {  	s26 =	simm.s32 $0x13880;
	v6 =	vperm.xlane v6, v2  }
0x382: {  	[tilespmem:s26], [sflag:$0x1] =	stream.indirect_vreg.gather [hbm4b:s11+s4], $0x80, v7, vm0, $0xb8;
	[tilespmem:$0x19080] =	vst v63  }
0x383: {  	s29 =	simm.s32 $0x14080;
	v6 =	vadd.s32 v1, v6  }
0x384: {  	[tilespmem:s29], [sflag:$0x1] =	stream.indirect_vreg.gather [hbm4b:s12+s4], $0x80, v7, vm0, $0xb8;
	[tilespmem:$0x19080] =	vst v63  }
0x385: {  	s30 =	simm.s32 $0x14880  }
0x386: {  	[tilespmem:s30], [sflag:$0x1] =	stream.indirect_vreg.gather [hbm4b:s14+s4], $0x80, v7, vm0, $0xb8;
	[tilespmem:$0x19080] =	vst v63  }
0x387: {  	s31 =	simm.s32 $0x15080  }
0x388: {  	[tilespmem:s31], [sflag:$0x1] =	stream.indirect_vreg.gather [hbm4b:s0+s4], $0x80, v6, vm0, $0xb8;
	[tilespmem:$0x19080] =	vst v63  }
0x389: {  	_ = 	snop  }
0x38a: {  	[tilespmem:s1], [sflag:$0x1] =	stream.indirect_vreg.gather [hbm4b:s7+s4], $0x80, v6, vm0, $0xb8;
	[tilespmem:$0x19080] =	vst v63  }
0x38b: {  	_ = 	snop  }
0x38c: {  	[tilespmem:s3], [sflag:$0x1] =	stream.indirect_vreg.gather [hbm4b:s8+s4], $0x80, v6, vm0, $0xb8;
	[tilespmem:$0x19080] =	vst v63  }
0x38d: {  	_ = 	snop  }
0x38e: {  	[tilespmem:s5], [sflag:$0x1] =	stream.indirect_vreg.gather [hbm4b:s9+s4], $0x80, v6, vm0, $0xb8;
	[tilespmem:$0x19080] =	vst v63  }
0x38f: {  	_ = 	snop  }
0x390: {  	[tilespmem:s6], [sflag:$0x1] =	stream.indirect_vreg.gather [hbm4b:s10+s4], $0x80, v6, vm0, $0xb8;
	[tilespmem:$0x19080] =	vst v63  }
0x391: {  	_ = 	snop  }
0x392: {  	[tilespmem:s25], [sflag:$0x1] =	stream.indirect_vreg.gather [hbm4b:s11+s4], $0x80, v6, vm0, $0xb8;
	[tilespmem:$0x19080] =	vst v63  }
0x393: {  	p0 =	sgt.u32 s20, $0xF  }
0x394: {  	[tilespmem:s15], [sflag:$0x1] =	stream.indirect_vreg.gather [hbm4b:s12+s4], $0x80, v6, vm0, $0xb8;
	[tilespmem:$0x19080] =	vst v63  }
.Ltmp47:
0x395: {  	_ = 	snop;
	(pc) =	sbr.rel @p0 .LBB2_84-.Ltmp47, $4  }
0x396: {  	[tilespmem:s16], [sflag:$0x1] =	stream.indirect_vreg.gather [hbm4b:s14+s4], $0x80, v6, vm0, $0xb8;
	[tilespmem:$0x19080] =	vst v63  }
0x397: {  	_ =	swait.ge [sflag:s21], $0x8000  }
0x398: {  	[sflag:s21] =	ssyncset.done $0x0  }
0x399: {  	[sflag:s21] =	ssyncadd.s32 $0xFFFF8000  }
0x39a: {  	s23 =	ssub.s32 $0x10, s20;
	s24 =	simm.s32 $0x0;
	s13 =	simm.s32 $0x0  }
.LBB2_81:
0x39b: {  	s2 =	sadd.s32 s20, s13  }
0x39c: {  	s26 =	sshll.u32 s2, $0xB;
	s2 =	sshll.u32 s2, $0x7  }
0x39d: {  	s26 =	sand.u32 $0xFFFFC000, s26;
	s2 =	sand.u32 $0x380, s2  }
0x39e: {  	s2 =	sor.u32 s2, s26  }
0x39f: {  	s26 =	sadd.s32 $0x11080, s2;
	s2 =	sand.u32 $0x3C00, s24  }
0x3a0: {  	s30 =	sand.u32 $0x70, s24;
	s2 =	sadd.s32 s2, s26  }
0x3a1: {  	s29 =	simm.s32 $0x10;
	s31 =	sadd.s32 s30, s2;
	s30 =	simm.s32 $0x0  }
.LBB2_82:
0x3a2: {  	p0 =	sne.s32 s29, $0x7F0  }
0x3a3: {  	[tilespmem:s31+$0x0] =	vst v3;
	s30 =	sadd.s32 $0x80, s30;
	s2 =	smov.u32 s29;
	s29 =	sadd.s32 $0x10, s29  }
.Ltmp48:
0x3a4: {  	(pc) =	sbr.rel @p0 .LBB2_82-.Ltmp48, $4  }
0x3a5: {  	_ = 	snop  }
0x3a6: {  	s31 =	sand.u32 $0x3C00, s30  }
0x3a7: {  	s2 =	sand.u32 $0x70, s2;
	s31 =	sadd.s32 s31, s26  }
0x3a8: {  	s31 =	sadd.s32 s2, s31  }
0x3a9: {  	s13 =	sadd.s32 $0x1, s13  }
0x3aa: {  	p0 =	sne.s32 s13, s23  }
.Ltmp49:
0x3ab: {  	_ = 	snop;
	(pc) =	sbr.rel @p0 .LBB2_81-.Ltmp49, $2  }
0x3ac: {  	_ =	sdelay $0x2  }
0x3ad: {  	[tilespmem:s31+$0x0] =	vst v3  }
.LBB2_84:
0x3ae: {  	s2 =	rddreg [dreg:$0x14]  }
0x3af: {  	[hbm4b:s2+s4] =	stream.linear.scatter [tilespmem:s22], [sflag:$0x3], $0x8000, $0x38;
	[tilespmem:$0x19080] =	vst v63  }
.LBB2_85:
0x3b0: {  	(v2sf) =	vpush v5, $0xC;
	_ =	sdelay $0xb  }
0x3b1: {  	p0 =	sne.s32 s20, $0x0  }
0x3b2: {  	s20 =	rddreg [dreg:$0x14];
	s2 =	simm.s32 @!p0 $0x0;
	s13 =	simm.s32 @!p0 $0x1080  }
0x3b3: {  	[hbm4b:s20+s2] =	stream.linear.scatter @!p0 [tilespmem:s13], [sflag:$0x3], $0x8000, $0x38;
	[tilespmem:$0x19080] =	vst v63  }
0x3b4: {  	s20 =	spop (v2sf)  }
0x3b5: {  	p0 =	slt.s32 s20, $0x1  }
.Ltmp50:
0x3b6: {  	_ = 	snop;
	(pc) =	sbr.rel @p0 .LBB2_92-.Ltmp50, $4  }
0x3b7: {  	_ = 	snop  }
0x3b8: {  	_ =	swait.ge [sflag:s17], $0x8000  }
0x3b9: {  	[sflag:s17] =	ssyncset.done $0x0  }
0x3ba: {  	[sflag:s17] =	ssyncadd.s32 $0xFFFF8000  }
0x3bb: {  	v6 =	vld [tilespmem:$0x600];
	_ =	sdelay $0x4  }
0x3bc: {  	v7 =	vshll.u32 v6, $0x4  }
0x3bd: {  	v6 =	vand.u32 $0x7, v6;
	v7 =	vand.u32 $0xFFFFFF80, v7  }
0x3be: {  	v6 =	vor.u32 v6, v7  }
0x3bf: {  	v7 =	vperm.xlane v6, v0;
	_ =	sdelay $0x1  }
0x3c0: {  	v7 =	vadd.s32 v1, v7;
	_ =	sdelay $0x4  }
0x3c1: {  	[tilespmem:s28], [sflag:$0x1] =	stream.indirect_vreg.gather [hbm4b:s0+s4], $0x80, v7, vm0, $0xb8;
	[tilespmem:$0x19080] =	vst v63  }
0x3c2: {  	s2 =	simm.s32 $0x9880  }
0x3c3: {  	[tilespmem:s2], [sflag:$0x1] =	stream.indirect_vreg.gather [hbm4b:s7+s4], $0x80, v7, vm0, $0xb8;
	[tilespmem:$0x19080] =	vst v63  }
0x3c4: {  	s13 =	simm.s32 $0xA080  }
0x3c5: {  	[tilespmem:s13], [sflag:$0x1] =	stream.indirect_vreg.gather [hbm4b:s8+s4], $0x80, v7, vm0, $0xb8;
	[tilespmem:$0x19080] =	vst v63  }
0x3c6: {  	s23 =	simm.s32 $0xA880  }
0x3c7: {  	[tilespmem:s23], [sflag:$0x1] =	stream.indirect_vreg.gather [hbm4b:s9+s4], $0x80, v7, vm0, $0xb8;
	[tilespmem:$0x19080] =	vst v63  }
0x3c8: {  	s24 =	simm.s32 $0xB080  }
0x3c9: {  	[tilespmem:s24], [sflag:$0x1] =	stream.indirect_vreg.gather [hbm4b:s10+s4], $0x80, v7, vm0, $0xb8;
	[tilespmem:$0x19080] =	vst v63  }
0x3ca: {  	s26 =	simm.s32 $0xB880;
	v6 =	vperm.xlane v6, v2  }
0x3cb: {  	[tilespmem:s26], [sflag:$0x1] =	stream.indirect_vreg.gather [hbm4b:s11+s4], $0x80, v7, vm0, $0xb8;
	[tilespmem:$0x19080] =	vst v63  }
0x3cc: {  	s29 =	simm.s32 $0xC080;
	v6 =	vadd.s32 v1, v6  }
0x3cd: {  	[tilespmem:s29], [sflag:$0x1] =	stream.indirect_vreg.gather [hbm4b:s12+s4], $0x80, v7, vm0, $0xb8;
	[tilespmem:$0x19080] =	vst v63  }
0x3ce: {  	s30 =	simm.s32 $0xC880  }
0x3cf: {  	[tilespmem:s30], [sflag:$0x1] =	stream.indirect_vreg.gather [hbm4b:s14+s4], $0x80, v7, vm0, $0xb8;
	[tilespmem:$0x19080] =	vst v63  }
0x3d0: {  	s31 =	simm.s32 $0xD080  }
0x3d1: {  	[tilespmem:s31], [sflag:$0x1] =	stream.indirect_vreg.gather [hbm4b:s0+s4], $0x80, v6, vm0, $0xb8;
	[tilespmem:$0x19080] =	vst v63  }
0x3d2: {  	s13 =	simm.s32 $0xD880  }
0x3d3: {  	[tilespmem:s13], [sflag:$0x1] =	stream.indirect_vreg.gather [hbm4b:s7+s4], $0x80, v6, vm0, $0xb8;
	[tilespmem:$0x19080] =	vst v63  }
0x3d4: {  	s23 =	simm.s32 $0xE080  }
0x3d5: {  	[tilespmem:s23], [sflag:$0x1] =	stream.indirect_vreg.gather [hbm4b:s8+s4], $0x80, v6, vm0, $0xb8;
	[tilespmem:$0x19080] =	vst v63  }
0x3d6: {  	s24 =	simm.s32 $0xE880  }
0x3d7: {  	[tilespmem:s24], [sflag:$0x1] =	stream.indirect_vreg.gather [hbm4b:s9+s4], $0x80, v6, vm0, $0xb8;
	[tilespmem:$0x19080] =	vst v63  }
0x3d8: {  	s26 =	simm.s32 $0xF080  }
0x3d9: {  	[tilespmem:s26], [sflag:$0x1] =	stream.indirect_vreg.gather [hbm4b:s10+s4], $0x80, v6, vm0, $0xb8;
	[tilespmem:$0x19080] =	vst v63  }
0x3da: {  	s29 =	simm.s32 $0xF880  }
0x3db: {  	[tilespmem:s29], [sflag:$0x1] =	stream.indirect_vreg.gather [hbm4b:s11+s4], $0x80, v6, vm0, $0xb8;
	[tilespmem:$0x19080] =	vst v63  }
0x3dc: {  	p0 =	sgt.u32 s20, $0xF;
	s30 =	simm.s32 $0x10080  }
0x3dd: {  	[tilespmem:s30], [sflag:$0x1] =	stream.indirect_vreg.gather [hbm4b:s12+s4], $0x80, v6, vm0, $0xb8;
	[tilespmem:$0x19080] =	vst v63  }
.Ltmp51:
0x3de: {  	s31 =	simm.s32 $0x10880;
	(pc) =	sbr.rel @p0 .LBB2_91-.Ltmp51, $4  }
0x3df: {  	[tilespmem:s31], [sflag:$0x1] =	stream.indirect_vreg.gather [hbm4b:s14+s4], $0x80, v6, vm0, $0xb8;
	[tilespmem:$0x19080] =	vst v63  }
0x3e0: {  	_ =	swait.ge [sflag:s21], $0x8000  }
0x3e1: {  	[sflag:s21] =	ssyncset.done $0x0  }
0x3e2: {  	[sflag:s21] =	ssyncadd.s32 $0xFFFF8000  }
0x3e3: {  	s23 =	ssub.s32 $0x10, s20;
	s24 =	simm.s32 $0x0;
	s13 =	simm.s32 $0x0  }
.LBB2_88:
0x3e4: {  	s2 =	sadd.s32 s20, s13  }
0x3e5: {  	s26 =	sshll.u32 s2, $0xB;
	s2 =	sshll.u32 s2, $0x7  }
0x3e6: {  	s26 =	sand.u32 $0xFFFFC000, s26;
	s2 =	sand.u32 $0x380, s2  }
0x3e7: {  	s2 =	sor.u32 s2, s26  }
0x3e8: {  	s26 =	sadd.s32 $0x9080, s2;
	s2 =	sand.u32 $0x3C00, s24  }
0x3e9: {  	s30 =	sand.u32 $0x70, s24;
	s2 =	sadd.s32 s2, s26  }
0x3ea: {  	s29 =	simm.s32 $0x10;
	s31 =	sadd.s32 s30, s2;
	s30 =	simm.s32 $0x0  }
.LBB2_89:
0x3eb: {  	p0 =	sne.s32 s29, $0x7F0  }
0x3ec: {  	[tilespmem:s31+$0x0] =	vst v3;
	s30 =	sadd.s32 $0x80, s30;
	s2 =	smov.u32 s29;
	s29 =	sadd.s32 $0x10, s29  }
.Ltmp52:
0x3ed: {  	(pc) =	sbr.rel @p0 .LBB2_89-.Ltmp52, $4  }
0x3ee: {  	_ = 	snop  }
0x3ef: {  	s31 =	sand.u32 $0x3C00, s30  }
0x3f0: {  	s2 =	sand.u32 $0x70, s2;
	s31 =	sadd.s32 s31, s26  }
0x3f1: {  	s31 =	sadd.s32 s2, s31  }
0x3f2: {  	s13 =	sadd.s32 $0x1, s13  }
0x3f3: {  	p0 =	sne.s32 s13, s23  }
.Ltmp53:
0x3f4: {  	_ = 	snop;
	(pc) =	sbr.rel @p0 .LBB2_88-.Ltmp53, $2  }
0x3f5: {  	_ =	sdelay $0x2  }
0x3f6: {  	[tilespmem:s31+$0x0] =	vst v3  }
.LBB2_91:
0x3f7: {  	s2 =	rddreg [dreg:$0x15]  }
0x3f8: {  	[hbm4b:s2+s4] =	stream.linear.scatter [tilespmem:s28], [sflag:$0x2], $0x8000, $0x38;
	[tilespmem:$0x19080] =	vst v63  }
.LBB2_92:
0x3f9: {  	(v2sf) =	vpush v5, $0xD;
	_ =	sdelay $0xb  }
0x3fa: {  	p0 =	sne.s32 s20, $0x0  }
0x3fb: {  	s20 =	rddreg [dreg:$0x15];
	s2 =	simm.s32 @!p0 $0x0;
	s13 =	simm.s32 @!p0 $0x1080  }
0x3fc: {  	[hbm4b:s20+s2] =	stream.linear.scatter @!p0 [tilespmem:s13], [sflag:$0x2], $0x8000, $0x38;
	[tilespmem:$0x19080] =	vst v63  }
0x3fd: {  	s20 =	spop (v2sf)  }
0x3fe: {  	p0 =	slt.s32 s20, $0x1  }
.Ltmp54:
0x3ff: {  	_ = 	snop;
	(pc) =	sbr.rel @p0 .LBB2_99-.Ltmp54, $4  }
0x400: {  	_ = 	snop  }
0x401: {  	_ =	swait.ge [sflag:s18], $0x8000  }
0x402: {  	[sflag:s18] =	ssyncset.done $0x0  }
0x403: {  	[sflag:s18] =	ssyncadd.s32 $0xFFFF8000  }
0x404: {  	v6 =	vld [tilespmem:$0x680];
	_ =	sdelay $0x4  }
0x405: {  	v7 =	vshll.u32 v6, $0x4  }
0x406: {  	v6 =	vand.u32 $0x7, v6;
	v7 =	vand.u32 $0xFFFFFF80, v7  }
0x407: {  	v6 =	vor.u32 v6, v7  }
0x408: {  	v7 =	vperm.xlane v6, v0;
	_ =	sdelay $0x1  }
0x409: {  	v7 =	vadd.s32 v1, v7;
	_ =	sdelay $0x4  }
0x40a: {  	[tilespmem:s22], [sflag:$0x1] =	stream.indirect_vreg.gather [hbm4b:s0+s4], $0x80, v7, vm0, $0xb8;
	[tilespmem:$0x19080] =	vst v63  }
0x40b: {  	s2 =	simm.s32 $0x11880  }
0x40c: {  	[tilespmem:s2], [sflag:$0x1] =	stream.indirect_vreg.gather [hbm4b:s7+s4], $0x80, v7, vm0, $0xb8;
	[tilespmem:$0x19080] =	vst v63  }
0x40d: {  	s13 =	simm.s32 $0x12080  }
0x40e: {  	[tilespmem:s13], [sflag:$0x1] =	stream.indirect_vreg.gather [hbm4b:s8+s4], $0x80, v7, vm0, $0xb8;
	[tilespmem:$0x19080] =	vst v63  }
0x40f: {  	s23 =	simm.s32 $0x12880  }
0x410: {  	[tilespmem:s23], [sflag:$0x1] =	stream.indirect_vreg.gather [hbm4b:s9+s4], $0x80, v7, vm0, $0xb8;
	[tilespmem:$0x19080] =	vst v63  }
0x411: {  	s24 =	simm.s32 $0x13080  }
0x412: {  	[tilespmem:s24], [sflag:$0x1] =	stream.indirect_vreg.gather [hbm4b:s10+s4], $0x80, v7, vm0, $0xb8;
	[tilespmem:$0x19080] =	vst v63  }
0x413: {  	s26 =	simm.s32 $0x13880;
	v6 =	vperm.xlane v6, v2  }
0x414: {  	[tilespmem:s26], [sflag:$0x1] =	stream.indirect_vreg.gather [hbm4b:s11+s4], $0x80, v7, vm0, $0xb8;
	[tilespmem:$0x19080] =	vst v63  }
0x415: {  	s29 =	simm.s32 $0x14080;
	v6 =	vadd.s32 v1, v6  }
0x416: {  	[tilespmem:s29], [sflag:$0x1] =	stream.indirect_vreg.gather [hbm4b:s12+s4], $0x80, v7, vm0, $0xb8;
	[tilespmem:$0x19080] =	vst v63  }
0x417: {  	s30 =	simm.s32 $0x14880  }
0x418: {  	[tilespmem:s30], [sflag:$0x1] =	stream.indirect_vreg.gather [hbm4b:s14+s4], $0x80, v7, vm0, $0xb8;
	[tilespmem:$0x19080] =	vst v63  }
0x419: {  	s31 =	simm.s32 $0x15080  }
0x41a: {  	[tilespmem:s31], [sflag:$0x1] =	stream.indirect_vreg.gather [hbm4b:s0+s4], $0x80, v6, vm0, $0xb8;
	[tilespmem:$0x19080] =	vst v63  }
0x41b: {  	_ = 	snop  }
0x41c: {  	[tilespmem:s1], [sflag:$0x1] =	stream.indirect_vreg.gather [hbm4b:s7+s4], $0x80, v6, vm0, $0xb8;
	[tilespmem:$0x19080] =	vst v63  }
0x41d: {  	_ = 	snop  }
0x41e: {  	[tilespmem:s3], [sflag:$0x1] =	stream.indirect_vreg.gather [hbm4b:s8+s4], $0x80, v6, vm0, $0xb8;
	[tilespmem:$0x19080] =	vst v63  }
0x41f: {  	_ = 	snop  }
0x420: {  	[tilespmem:s5], [sflag:$0x1] =	stream.indirect_vreg.gather [hbm4b:s9+s4], $0x80, v6, vm0, $0xb8;
	[tilespmem:$0x19080] =	vst v63  }
0x421: {  	_ = 	snop  }
0x422: {  	[tilespmem:s6], [sflag:$0x1] =	stream.indirect_vreg.gather [hbm4b:s10+s4], $0x80, v6, vm0, $0xb8;
	[tilespmem:$0x19080] =	vst v63  }
0x423: {  	_ = 	snop  }
0x424: {  	[tilespmem:s25], [sflag:$0x1] =	stream.indirect_vreg.gather [hbm4b:s11+s4], $0x80, v6, vm0, $0xb8;
	[tilespmem:$0x19080] =	vst v63  }
0x425: {  	p0 =	sgt.u32 s20, $0xF  }
0x426: {  	[tilespmem:s15], [sflag:$0x1] =	stream.indirect_vreg.gather [hbm4b:s12+s4], $0x80, v6, vm0, $0xb8;
	[tilespmem:$0x19080] =	vst v63  }
.Ltmp55:
0x427: {  	_ = 	snop;
	(pc) =	sbr.rel @p0 .LBB2_98-.Ltmp55, $4  }
0x428: {  	[tilespmem:s16], [sflag:$0x1] =	stream.indirect_vreg.gather [hbm4b:s14+s4], $0x80, v6, vm0, $0xb8;
	[tilespmem:$0x19080] =	vst v63  }
0x429: {  	_ =	swait.ge [sflag:s21], $0x8000  }
0x42a: {  	[sflag:s21] =	ssyncset.done $0x0  }
0x42b: {  	[sflag:s21] =	ssyncadd.s32 $0xFFFF8000  }
0x42c: {  	s23 =	ssub.s32 $0x10, s20;
	s24 =	simm.s32 $0x0;
	s13 =	simm.s32 $0x0  }
.LBB2_95:
0x42d: {  	s2 =	sadd.s32 s20, s13  }
0x42e: {  	s26 =	sshll.u32 s2, $0xB;
	s2 =	sshll.u32 s2, $0x7  }
0x42f: {  	s26 =	sand.u32 $0xFFFFC000, s26;
	s2 =	sand.u32 $0x380, s2  }
0x430: {  	s2 =	sor.u32 s2, s26  }
0x431: {  	s26 =	sadd.s32 $0x11080, s2;
	s2 =	sand.u32 $0x3C00, s24  }
0x432: {  	s30 =	sand.u32 $0x70, s24;
	s2 =	sadd.s32 s2, s26  }
0x433: {  	s29 =	simm.s32 $0x10;
	s31 =	sadd.s32 s30, s2;
	s30 =	simm.s32 $0x0  }
.LBB2_96:
0x434: {  	p0 =	sne.s32 s29, $0x7F0  }
0x435: {  	[tilespmem:s31+$0x0] =	vst v3;
	s30 =	sadd.s32 $0x80, s30;
	s2 =	smov.u32 s29;
	s29 =	sadd.s32 $0x10, s29  }
.Ltmp56:
0x436: {  	(pc) =	sbr.rel @p0 .LBB2_96-.Ltmp56, $4  }
0x437: {  	_ = 	snop  }
0x438: {  	s31 =	sand.u32 $0x3C00, s30  }
0x439: {  	s2 =	sand.u32 $0x70, s2;
	s31 =	sadd.s32 s31, s26  }
0x43a: {  	s31 =	sadd.s32 s2, s31  }
0x43b: {  	s13 =	sadd.s32 $0x1, s13  }
0x43c: {  	p0 =	sne.s32 s13, s23  }
.Ltmp57:
0x43d: {  	_ = 	snop;
	(pc) =	sbr.rel @p0 .LBB2_95-.Ltmp57, $2  }
0x43e: {  	_ =	sdelay $0x2  }
0x43f: {  	[tilespmem:s31+$0x0] =	vst v3  }
.LBB2_98:
0x440: {  	s2 =	rddreg [dreg:$0x16]  }
0x441: {  	[hbm4b:s2+s4] =	stream.linear.scatter [tilespmem:s22], [sflag:$0x3], $0x8000, $0x38;
	[tilespmem:$0x19080] =	vst v63  }
.LBB2_99:
0x442: {  	(v2sf) =	vpush v5, $0xE;
	_ =	sdelay $0xb  }
0x443: {  	p0 =	sne.s32 s20, $0x0  }
0x444: {  	s20 =	rddreg [dreg:$0x16];
	s2 =	simm.s32 @!p0 $0x0;
	s13 =	simm.s32 @!p0 $0x1080  }
0x445: {  	[hbm4b:s20+s2] =	stream.linear.scatter @!p0 [tilespmem:s13], [sflag:$0x3], $0x8000, $0x38;
	[tilespmem:$0x19080] =	vst v63  }
0x446: {  	s20 =	spop (v2sf)  }
0x447: {  	p0 =	slt.s32 s20, $0x1  }
.Ltmp58:
0x448: {  	_ = 	snop;
	(pc) =	sbr.rel @p0 .LBB2_106-.Ltmp58, $4  }
0x449: {  	_ = 	snop  }
0x44a: {  	_ =	swait.ge [sflag:s17], $0x8000  }
0x44b: {  	[sflag:s17] =	ssyncset.done $0x0  }
0x44c: {  	[sflag:s17] =	ssyncadd.s32 $0xFFFF8000  }
0x44d: {  	v6 =	vld [tilespmem:$0x700];
	_ =	sdelay $0x4  }
0x44e: {  	v7 =	vshll.u32 v6, $0x4  }
0x44f: {  	v6 =	vand.u32 $0x7, v6;
	v7 =	vand.u32 $0xFFFFFF80, v7  }
0x450: {  	v6 =	vor.u32 v6, v7  }
0x451: {  	v7 =	vperm.xlane v6, v0;
	_ =	sdelay $0x1  }
0x452: {  	v7 =	vadd.s32 v1, v7;
	_ =	sdelay $0x4  }
0x453: {  	[tilespmem:s28], [sflag:$0x1] =	stream.indirect_vreg.gather [hbm4b:s0+s4], $0x80, v7, vm0, $0xb8;
	[tilespmem:$0x19080] =	vst v63  }
0x454: {  	s2 =	simm.s32 $0x9880  }
0x455: {  	[tilespmem:s2], [sflag:$0x1] =	stream.indirect_vreg.gather [hbm4b:s7+s4], $0x80, v7, vm0, $0xb8;
	[tilespmem:$0x19080] =	vst v63  }
0x456: {  	s13 =	simm.s32 $0xA080  }
0x457: {  	[tilespmem:s13], [sflag:$0x1] =	stream.indirect_vreg.gather [hbm4b:s8+s4], $0x80, v7, vm0, $0xb8;
	[tilespmem:$0x19080] =	vst v63  }
0x458: {  	s23 =	simm.s32 $0xA880  }
0x459: {  	[tilespmem:s23], [sflag:$0x1] =	stream.indirect_vreg.gather [hbm4b:s9+s4], $0x80, v7, vm0, $0xb8;
	[tilespmem:$0x19080] =	vst v63  }
0x45a: {  	s24 =	simm.s32 $0xB080  }
0x45b: {  	[tilespmem:s24], [sflag:$0x1] =	stream.indirect_vreg.gather [hbm4b:s10+s4], $0x80, v7, vm0, $0xb8;
	[tilespmem:$0x19080] =	vst v63  }
0x45c: {  	s26 =	simm.s32 $0xB880;
	v6 =	vperm.xlane v6, v2  }
0x45d: {  	[tilespmem:s26], [sflag:$0x1] =	stream.indirect_vreg.gather [hbm4b:s11+s4], $0x80, v7, vm0, $0xb8;
	[tilespmem:$0x19080] =	vst v63  }
0x45e: {  	s29 =	simm.s32 $0xC080;
	v6 =	vadd.s32 v1, v6  }
0x45f: {  	[tilespmem:s29], [sflag:$0x1] =	stream.indirect_vreg.gather [hbm4b:s12+s4], $0x80, v7, vm0, $0xb8;
	[tilespmem:$0x19080] =	vst v63  }
0x460: {  	s30 =	simm.s32 $0xC880  }
0x461: {  	[tilespmem:s30], [sflag:$0x1] =	stream.indirect_vreg.gather [hbm4b:s14+s4], $0x80, v7, vm0, $0xb8;
	[tilespmem:$0x19080] =	vst v63  }
0x462: {  	s31 =	simm.s32 $0xD080  }
0x463: {  	[tilespmem:s31], [sflag:$0x1] =	stream.indirect_vreg.gather [hbm4b:s0+s4], $0x80, v6, vm0, $0xb8;
	[tilespmem:$0x19080] =	vst v63  }
0x464: {  	s13 =	simm.s32 $0xD880  }
0x465: {  	[tilespmem:s13], [sflag:$0x1] =	stream.indirect_vreg.gather [hbm4b:s7+s4], $0x80, v6, vm0, $0xb8;
	[tilespmem:$0x19080] =	vst v63  }
0x466: {  	s23 =	simm.s32 $0xE080  }
0x467: {  	[tilespmem:s23], [sflag:$0x1] =	stream.indirect_vreg.gather [hbm4b:s8+s4], $0x80, v6, vm0, $0xb8;
	[tilespmem:$0x19080] =	vst v63  }
0x468: {  	s24 =	simm.s32 $0xE880  }
0x469: {  	[tilespmem:s24], [sflag:$0x1] =	stream.indirect_vreg.gather [hbm4b:s9+s4], $0x80, v6, vm0, $0xb8;
	[tilespmem:$0x19080] =	vst v63  }
0x46a: {  	s26 =	simm.s32 $0xF080  }
0x46b: {  	[tilespmem:s26], [sflag:$0x1] =	stream.indirect_vreg.gather [hbm4b:s10+s4], $0x80, v6, vm0, $0xb8;
	[tilespmem:$0x19080] =	vst v63  }
0x46c: {  	s29 =	simm.s32 $0xF880  }
0x46d: {  	[tilespmem:s29], [sflag:$0x1] =	stream.indirect_vreg.gather [hbm4b:s11+s4], $0x80, v6, vm0, $0xb8;
	[tilespmem:$0x19080] =	vst v63  }
0x46e: {  	p0 =	sgt.u32 s20, $0xF;
	s30 =	simm.s32 $0x10080  }
0x46f: {  	[tilespmem:s30], [sflag:$0x1] =	stream.indirect_vreg.gather [hbm4b:s12+s4], $0x80, v6, vm0, $0xb8;
	[tilespmem:$0x19080] =	vst v63  }
.Ltmp59:
0x470: {  	s31 =	simm.s32 $0x10880;
	(pc) =	sbr.rel @p0 .LBB2_105-.Ltmp59, $4  }
0x471: {  	[tilespmem:s31], [sflag:$0x1] =	stream.indirect_vreg.gather [hbm4b:s14+s4], $0x80, v6, vm0, $0xb8;
	[tilespmem:$0x19080] =	vst v63  }
0x472: {  	_ =	swait.ge [sflag:s21], $0x8000  }
0x473: {  	[sflag:s21] =	ssyncset.done $0x0  }
0x474: {  	[sflag:s21] =	ssyncadd.s32 $0xFFFF8000  }
0x475: {  	s23 =	ssub.s32 $0x10, s20;
	s24 =	simm.s32 $0x0;
	s13 =	simm.s32 $0x0  }
.LBB2_102:
0x476: {  	s2 =	sadd.s32 s20, s13  }
0x477: {  	s26 =	sshll.u32 s2, $0xB;
	s2 =	sshll.u32 s2, $0x7  }
0x478: {  	s26 =	sand.u32 $0xFFFFC000, s26;
	s2 =	sand.u32 $0x380, s2  }
0x479: {  	s2 =	sor.u32 s2, s26  }
0x47a: {  	s26 =	sadd.s32 $0x9080, s2;
	s2 =	sand.u32 $0x3C00, s24  }
0x47b: {  	s30 =	sand.u32 $0x70, s24;
	s2 =	sadd.s32 s2, s26  }
0x47c: {  	s29 =	simm.s32 $0x10;
	s31 =	sadd.s32 s30, s2;
	s30 =	simm.s32 $0x0  }
.LBB2_103:
0x47d: {  	p0 =	sne.s32 s29, $0x7F0  }
0x47e: {  	[tilespmem:s31+$0x0] =	vst v3;
	s30 =	sadd.s32 $0x80, s30;
	s2 =	smov.u32 s29;
	s29 =	sadd.s32 $0x10, s29  }
.Ltmp60:
0x47f: {  	(pc) =	sbr.rel @p0 .LBB2_103-.Ltmp60, $4  }
0x480: {  	_ = 	snop  }
0x481: {  	s31 =	sand.u32 $0x3C00, s30  }
0x482: {  	s2 =	sand.u32 $0x70, s2;
	s31 =	sadd.s32 s31, s26  }
0x483: {  	s31 =	sadd.s32 s2, s31  }
0x484: {  	s13 =	sadd.s32 $0x1, s13  }
0x485: {  	p0 =	sne.s32 s13, s23  }
.Ltmp61:
0x486: {  	_ = 	snop;
	(pc) =	sbr.rel @p0 .LBB2_102-.Ltmp61, $2  }
0x487: {  	_ =	sdelay $0x2  }
0x488: {  	[tilespmem:s31+$0x0] =	vst v3  }
.LBB2_105:
0x489: {  	s2 =	rddreg [dreg:$0x17]  }
0x48a: {  	[hbm4b:s2+s4] =	stream.linear.scatter [tilespmem:s28], [sflag:$0x2], $0x8000, $0x38;
	[tilespmem:$0x19080] =	vst v63  }
.LBB2_106:
0x48b: {  	(v2sf) =	vpush v5, $0xF;
	_ =	sdelay $0xb  }
0x48c: {  	p0 =	sne.s32 s20, $0x0  }
0x48d: {  	s20 =	rddreg [dreg:$0x17];
	s2 =	simm.s32 @!p0 $0x0;
	s13 =	simm.s32 @!p0 $0x1080  }
0x48e: {  	[hbm4b:s20+s2] =	stream.linear.scatter @!p0 [tilespmem:s13], [sflag:$0x2], $0x8000, $0x38;
	[tilespmem:$0x19080] =	vst v63  }
0x48f: {  	s20 =	spop (v2sf)  }
0x490: {  	p0 =	slt.s32 s20, $0x1  }
.Ltmp62:
0x491: {  	_ = 	snop;
	(pc) =	sbr.rel @p0 .LBB2_113-.Ltmp62, $4  }
0x492: {  	_ = 	snop  }
0x493: {  	_ =	swait.ge [sflag:s18], $0x8000  }
0x494: {  	[sflag:s18] =	ssyncset.done $0x0  }
0x495: {  	[sflag:s18] =	ssyncadd.s32 $0xFFFF8000  }
0x496: {  	v5 =	vld [tilespmem:$0x780];
	_ =	sdelay $0x4  }
0x497: {  	v6 =	vshll.u32 v5, $0x4  }
0x498: {  	v5 =	vand.u32 $0x7, v5;
	v6 =	vand.u32 $0xFFFFFF80, v6  }
0x499: {  	v5 =	vor.u32 v5, v6  }
0x49a: {  	v6 =	vperm.xlane v5, v0;
	_ =	sdelay $0x1  }
0x49b: {  	v6 =	vadd.s32 v1, v6;
	_ =	sdelay $0x4  }
0x49c: {  	[tilespmem:s22], [sflag:$0x1] =	stream.indirect_vreg.gather [hbm4b:s0+s4], $0x80, v6, vm0, $0xb8;
	[tilespmem:$0x19080] =	vst v63  }
0x49d: {  	s2 =	simm.s32 $0x11880  }
0x49e: {  	[tilespmem:s2], [sflag:$0x1] =	stream.indirect_vreg.gather [hbm4b:s7+s4], $0x80, v6, vm0, $0xb8;
	[tilespmem:$0x19080] =	vst v63  }
0x49f: {  	s13 =	simm.s32 $0x12080  }
0x4a0: {  	[tilespmem:s13], [sflag:$0x1] =	stream.indirect_vreg.gather [hbm4b:s8+s4], $0x80, v6, vm0, $0xb8;
	[tilespmem:$0x19080] =	vst v63  }
0x4a1: {  	s23 =	simm.s32 $0x12880  }
0x4a2: {  	[tilespmem:s23], [sflag:$0x1] =	stream.indirect_vreg.gather [hbm4b:s9+s4], $0x80, v6, vm0, $0xb8;
	[tilespmem:$0x19080] =	vst v63  }
0x4a3: {  	s24 =	simm.s32 $0x13080  }
0x4a4: {  	[tilespmem:s24], [sflag:$0x1] =	stream.indirect_vreg.gather [hbm4b:s10+s4], $0x80, v6, vm0, $0xb8;
	[tilespmem:$0x19080] =	vst v63  }
0x4a5: {  	s26 =	simm.s32 $0x13880;
	v5 =	vperm.xlane v5, v2  }
0x4a6: {  	[tilespmem:s26], [sflag:$0x1] =	stream.indirect_vreg.gather [hbm4b:s11+s4], $0x80, v6, vm0, $0xb8;
	[tilespmem:$0x19080] =	vst v63  }
0x4a7: {  	s29 =	simm.s32 $0x14080;
	v5 =	vadd.s32 v1, v5  }
0x4a8: {  	[tilespmem:s29], [sflag:$0x1] =	stream.indirect_vreg.gather [hbm4b:s12+s4], $0x80, v6, vm0, $0xb8;
	[tilespmem:$0x19080] =	vst v63  }
0x4a9: {  	s30 =	simm.s32 $0x14880  }
0x4aa: {  	[tilespmem:s30], [sflag:$0x1] =	stream.indirect_vreg.gather [hbm4b:s14+s4], $0x80, v6, vm0, $0xb8;
	[tilespmem:$0x19080] =	vst v63  }
0x4ab: {  	s31 =	simm.s32 $0x15080  }
0x4ac: {  	[tilespmem:s31], [sflag:$0x1] =	stream.indirect_vreg.gather [hbm4b:s0+s4], $0x80, v5, vm0, $0xb8;
	[tilespmem:$0x19080] =	vst v63  }
0x4ad: {  	_ = 	snop  }
0x4ae: {  	[tilespmem:s1], [sflag:$0x1] =	stream.indirect_vreg.gather [hbm4b:s7+s4], $0x80, v5, vm0, $0xb8;
	[tilespmem:$0x19080] =	vst v63  }
0x4af: {  	_ = 	snop  }
0x4b0: {  	[tilespmem:s3], [sflag:$0x1] =	stream.indirect_vreg.gather [hbm4b:s8+s4], $0x80, v5, vm0, $0xb8;
	[tilespmem:$0x19080] =	vst v63  }
0x4b1: {  	_ = 	snop  }
0x4b2: {  	[tilespmem:s5], [sflag:$0x1] =	stream.indirect_vreg.gather [hbm4b:s9+s4], $0x80, v5, vm0, $0xb8;
	[tilespmem:$0x19080] =	vst v63  }
0x4b3: {  	_ = 	snop  }
0x4b4: {  	[tilespmem:s6], [sflag:$0x1] =	stream.indirect_vreg.gather [hbm4b:s10+s4], $0x80, v5, vm0, $0xb8;
	[tilespmem:$0x19080] =	vst v63  }
0x4b5: {  	_ = 	snop  }
0x4b6: {  	[tilespmem:s25], [sflag:$0x1] =	stream.indirect_vreg.gather [hbm4b:s11+s4], $0x80, v5, vm0, $0xb8;
	[tilespmem:$0x19080] =	vst v63  }
0x4b7: {  	p0 =	sgt.u32 s20, $0xF  }
0x4b8: {  	[tilespmem:s15], [sflag:$0x1] =	stream.indirect_vreg.gather [hbm4b:s12+s4], $0x80, v5, vm0, $0xb8;
	[tilespmem:$0x19080] =	vst v63  }
.Ltmp63:
0x4b9: {  	_ = 	snop;
	(pc) =	sbr.rel @p0 .LBB2_112-.Ltmp63, $4  }
0x4ba: {  	[tilespmem:s16], [sflag:$0x1] =	stream.indirect_vreg.gather [hbm4b:s14+s4], $0x80, v5, vm0, $0xb8;
	[tilespmem:$0x19080] =	vst v63  }
0x4bb: {  	_ =	swait.ge [sflag:s21], $0x8000  }
0x4bc: {  	[sflag:s21] =	ssyncset.done $0x0  }
0x4bd: {  	[sflag:s21] =	ssyncadd.s32 $0xFFFF8000  }
0x4be: {  	s23 =	ssub.s32 $0x10, s20;
	s24 =	simm.s32 $0x0;
	s13 =	simm.s32 $0x0  }
.LBB2_109:
0x4bf: {  	s2 =	sadd.s32 s20, s13  }
0x4c0: {  	s26 =	sshll.u32 s2, $0xB;
	s2 =	sshll.u32 s2, $0x7  }
0x4c1: {  	s26 =	sand.u32 $0xFFFFC000, s26;
	s2 =	sand.u32 $0x380, s2  }
0x4c2: {  	s2 =	sor.u32 s2, s26  }
0x4c3: {  	s26 =	sadd.s32 $0x11080, s2;
	s2 =	sand.u32 $0x3C00, s24  }
0x4c4: {  	s30 =	sand.u32 $0x70, s24;
	s2 =	sadd.s32 s2, s26  }
0x4c5: {  	s29 =	simm.s32 $0x10;
	s31 =	sadd.s32 s30, s2;
	s30 =	simm.s32 $0x0  }
.LBB2_110:
0x4c6: {  	p0 =	sne.s32 s29, $0x7F0  }
0x4c7: {  	[tilespmem:s31+$0x0] =	vst v3;
	s30 =	sadd.s32 $0x80, s30;
	s2 =	smov.u32 s29;
	s29 =	sadd.s32 $0x10, s29  }
.Ltmp64:
0x4c8: {  	(pc) =	sbr.rel @p0 .LBB2_110-.Ltmp64, $4  }
0x4c9: {  	_ = 	snop  }
0x4ca: {  	s31 =	sand.u32 $0x3C00, s30  }
0x4cb: {  	s2 =	sand.u32 $0x70, s2;
	s31 =	sadd.s32 s31, s26  }
0x4cc: {  	s31 =	sadd.s32 s2, s31  }
0x4cd: {  	s13 =	sadd.s32 $0x1, s13  }
0x4ce: {  	p0 =	sne.s32 s13, s23  }
.Ltmp65:
0x4cf: {  	_ = 	snop;
	(pc) =	sbr.rel @p0 .LBB2_109-.Ltmp65, $2  }
0x4d0: {  	_ =	sdelay $0x2  }
0x4d1: {  	[tilespmem:s31+$0x0] =	vst v3  }
.LBB2_112:
0x4d2: {  	s2 =	rddreg [dreg:$0x18]  }
0x4d3: {  	[hbm4b:s2+s4] =	stream.linear.scatter [tilespmem:s22], [sflag:$0x3], $0x8000, $0x38;
	[tilespmem:$0x19080] =	vst v63  }
.LBB2_113:
0x4d4: {  	(v2sf) =	vpush v4, $0x0;
	_ =	sdelay $0xb  }
0x4d5: {  	p0 =	sne.s32 s20, $0x0  }
0x4d6: {  	s20 =	rddreg [dreg:$0x18];
	s2 =	simm.s32 @!p0 $0x0;
	s13 =	simm.s32 @!p0 $0x1080  }
0x4d7: {  	[hbm4b:s20+s2] =	stream.linear.scatter @!p0 [tilespmem:s13], [sflag:$0x3], $0x8000, $0x38;
	[tilespmem:$0x19080] =	vst v63  }
0x4d8: {  	s20 =	spop (v2sf)  }
0x4d9: {  	p0 =	slt.s32 s20, $0x1  }
.Ltmp66:
0x4da: {  	_ = 	snop;
	(pc) =	sbr.rel @p0 .LBB2_120-.Ltmp66, $4  }
0x4db: {  	_ = 	snop  }
0x4dc: {  	_ =	swait.ge [sflag:s17], $0x8000  }
0x4dd: {  	[sflag:s17] =	ssyncset.done $0x0  }
0x4de: {  	[sflag:s17] =	ssyncadd.s32 $0xFFFF8000  }
0x4df: {  	v5 =	vld [tilespmem:$0x800];
	_ =	sdelay $0x4  }
0x4e0: {  	v6 =	vshll.u32 v5, $0x4  }
0x4e1: {  	v5 =	vand.u32 $0x7, v5;
	v6 =	vand.u32 $0xFFFFFF80, v6  }
0x4e2: {  	v5 =	vor.u32 v5, v6  }
0x4e3: {  	v6 =	vperm.xlane v5, v0;
	_ =	sdelay $0x1  }
0x4e4: {  	v6 =	vadd.s32 v1, v6;
	_ =	sdelay $0x4  }
0x4e5: {  	[tilespmem:s28], [sflag:$0x1] =	stream.indirect_vreg.gather [hbm4b:s0+s4], $0x80, v6, vm0, $0xb8;
	[tilespmem:$0x19080] =	vst v63  }
0x4e6: {  	s2 =	simm.s32 $0x9880  }
0x4e7: {  	[tilespmem:s2], [sflag:$0x1] =	stream.indirect_vreg.gather [hbm4b:s7+s4], $0x80, v6, vm0, $0xb8;
	[tilespmem:$0x19080] =	vst v63  }
0x4e8: {  	s13 =	simm.s32 $0xA080  }
0x4e9: {  	[tilespmem:s13], [sflag:$0x1] =	stream.indirect_vreg.gather [hbm4b:s8+s4], $0x80, v6, vm0, $0xb8;
	[tilespmem:$0x19080] =	vst v63  }
0x4ea: {  	s23 =	simm.s32 $0xA880  }
0x4eb: {  	[tilespmem:s23], [sflag:$0x1] =	stream.indirect_vreg.gather [hbm4b:s9+s4], $0x80, v6, vm0, $0xb8;
	[tilespmem:$0x19080] =	vst v63  }
0x4ec: {  	s24 =	simm.s32 $0xB080  }
0x4ed: {  	[tilespmem:s24], [sflag:$0x1] =	stream.indirect_vreg.gather [hbm4b:s10+s4], $0x80, v6, vm0, $0xb8;
	[tilespmem:$0x19080] =	vst v63  }
0x4ee: {  	s26 =	simm.s32 $0xB880;
	v5 =	vperm.xlane v5, v2  }
0x4ef: {  	[tilespmem:s26], [sflag:$0x1] =	stream.indirect_vreg.gather [hbm4b:s11+s4], $0x80, v6, vm0, $0xb8;
	[tilespmem:$0x19080] =	vst v63  }
0x4f0: {  	s29 =	simm.s32 $0xC080;
	v5 =	vadd.s32 v1, v5  }
0x4f1: {  	[tilespmem:s29], [sflag:$0x1] =	stream.indirect_vreg.gather [hbm4b:s12+s4], $0x80, v6, vm0, $0xb8;
	[tilespmem:$0x19080] =	vst v63  }
0x4f2: {  	s30 =	simm.s32 $0xC880  }
0x4f3: {  	[tilespmem:s30], [sflag:$0x1] =	stream.indirect_vreg.gather [hbm4b:s14+s4], $0x80, v6, vm0, $0xb8;
	[tilespmem:$0x19080] =	vst v63  }
0x4f4: {  	s31 =	simm.s32 $0xD080  }
0x4f5: {  	[tilespmem:s31], [sflag:$0x1] =	stream.indirect_vreg.gather [hbm4b:s0+s4], $0x80, v5, vm0, $0xb8;
	[tilespmem:$0x19080] =	vst v63  }
0x4f6: {  	s13 =	simm.s32 $0xD880  }
0x4f7: {  	[tilespmem:s13], [sflag:$0x1] =	stream.indirect_vreg.gather [hbm4b:s7+s4], $0x80, v5, vm0, $0xb8;
	[tilespmem:$0x19080] =	vst v63  }
0x4f8: {  	s23 =	simm.s32 $0xE080  }
0x4f9: {  	[tilespmem:s23], [sflag:$0x1] =	stream.indirect_vreg.gather [hbm4b:s8+s4], $0x80, v5, vm0, $0xb8;
	[tilespmem:$0x19080] =	vst v63  }
0x4fa: {  	s24 =	simm.s32 $0xE880  }
0x4fb: {  	[tilespmem:s24], [sflag:$0x1] =	stream.indirect_vreg.gather [hbm4b:s9+s4], $0x80, v5, vm0, $0xb8;
	[tilespmem:$0x19080] =	vst v63  }
0x4fc: {  	s26 =	simm.s32 $0xF080  }
0x4fd: {  	[tilespmem:s26], [sflag:$0x1] =	stream.indirect_vreg.gather [hbm4b:s10+s4], $0x80, v5, vm0, $0xb8;
	[tilespmem:$0x19080] =	vst v63  }
0x4fe: {  	s29 =	simm.s32 $0xF880  }
0x4ff: {  	[tilespmem:s29], [sflag:$0x1] =	stream.indirect_vreg.gather [hbm4b:s11+s4], $0x80, v5, vm0, $0xb8;
	[tilespmem:$0x19080] =	vst v63  }
0x500: {  	p0 =	sgt.u32 s20, $0xF;
	s30 =	simm.s32 $0x10080  }
0x501: {  	[tilespmem:s30], [sflag:$0x1] =	stream.indirect_vreg.gather [hbm4b:s12+s4], $0x80, v5, vm0, $0xb8;
	[tilespmem:$0x19080] =	vst v63  }
.Ltmp67:
0x502: {  	s31 =	simm.s32 $0x10880;
	(pc) =	sbr.rel @p0 .LBB2_119-.Ltmp67, $4  }
0x503: {  	[tilespmem:s31], [sflag:$0x1] =	stream.indirect_vreg.gather [hbm4b:s14+s4], $0x80, v5, vm0, $0xb8;
	[tilespmem:$0x19080] =	vst v63  }
0x504: {  	_ =	swait.ge [sflag:s21], $0x8000  }
0x505: {  	[sflag:s21] =	ssyncset.done $0x0  }
0x506: {  	[sflag:s21] =	ssyncadd.s32 $0xFFFF8000  }
0x507: {  	s23 =	ssub.s32 $0x10, s20;
	s24 =	simm.s32 $0x0;
	s13 =	simm.s32 $0x0  }
.LBB2_116:
0x508: {  	s2 =	sadd.s32 s20, s13  }
0x509: {  	s26 =	sshll.u32 s2, $0xB;
	s2 =	sshll.u32 s2, $0x7  }
0x50a: {  	s26 =	sand.u32 $0xFFFFC000, s26;
	s2 =	sand.u32 $0x380, s2  }
0x50b: {  	s2 =	sor.u32 s2, s26  }
0x50c: {  	s26 =	sadd.s32 $0x9080, s2;
	s2 =	sand.u32 $0x3C00, s24  }
0x50d: {  	s30 =	sand.u32 $0x70, s24;
	s2 =	sadd.s32 s2, s26  }
0x50e: {  	s29 =	simm.s32 $0x10;
	s31 =	sadd.s32 s30, s2;
	s30 =	simm.s32 $0x0  }
.LBB2_117:
0x50f: {  	p0 =	sne.s32 s29, $0x7F0  }
0x510: {  	[tilespmem:s31+$0x0] =	vst v3;
	s30 =	sadd.s32 $0x80, s30;
	s2 =	smov.u32 s29;
	s29 =	sadd.s32 $0x10, s29  }
.Ltmp68:
0x511: {  	(pc) =	sbr.rel @p0 .LBB2_117-.Ltmp68, $4  }
0x512: {  	_ = 	snop  }
0x513: {  	s31 =	sand.u32 $0x3C00, s30  }
0x514: {  	s2 =	sand.u32 $0x70, s2;
	s31 =	sadd.s32 s31, s26  }
0x515: {  	s31 =	sadd.s32 s2, s31  }
0x516: {  	s13 =	sadd.s32 $0x1, s13  }
0x517: {  	p0 =	sne.s32 s13, s23  }
.Ltmp69:
0x518: {  	_ = 	snop;
	(pc) =	sbr.rel @p0 .LBB2_116-.Ltmp69, $2  }
0x519: {  	_ =	sdelay $0x2  }
0x51a: {  	[tilespmem:s31+$0x0] =	vst v3  }
.LBB2_119:
0x51b: {  	s2 =	rddreg [dreg:$0x19]  }
0x51c: {  	[hbm4b:s2+s4] =	stream.linear.scatter [tilespmem:s28], [sflag:$0x2], $0x8000, $0x38;
	[tilespmem:$0x19080] =	vst v63  }
.LBB2_120:
0x51d: {  	(v2sf) =	vpush v4, $0x1;
	_ =	sdelay $0xb  }
0x51e: {  	p0 =	sne.s32 s20, $0x0  }
0x51f: {  	s20 =	rddreg [dreg:$0x19];
	s2 =	simm.s32 @!p0 $0x0;
	s13 =	simm.s32 @!p0 $0x1080  }
0x520: {  	[hbm4b:s20+s2] =	stream.linear.scatter @!p0 [tilespmem:s13], [sflag:$0x2], $0x8000, $0x38;
	[tilespmem:$0x19080] =	vst v63  }
0x521: {  	s20 =	spop (v2sf)  }
0x522: {  	p0 =	slt.s32 s20, $0x1  }
.Ltmp70:
0x523: {  	_ = 	snop;
	(pc) =	sbr.rel @p0 .LBB2_127-.Ltmp70, $4  }
0x524: {  	_ = 	snop  }
0x525: {  	_ =	swait.ge [sflag:s18], $0x8000  }
0x526: {  	[sflag:s18] =	ssyncset.done $0x0  }
0x527: {  	[sflag:s18] =	ssyncadd.s32 $0xFFFF8000  }
0x528: {  	v5 =	vld [tilespmem:$0x880];
	_ =	sdelay $0x4  }
0x529: {  	v6 =	vshll.u32 v5, $0x4  }
0x52a: {  	v5 =	vand.u32 $0x7, v5;
	v6 =	vand.u32 $0xFFFFFF80, v6  }
0x52b: {  	v5 =	vor.u32 v5, v6  }
0x52c: {  	v6 =	vperm.xlane v5, v0;
	_ =	sdelay $0x1  }
0x52d: {  	v6 =	vadd.s32 v1, v6;
	_ =	sdelay $0x4  }
0x52e: {  	[tilespmem:s22], [sflag:$0x1] =	stream.indirect_vreg.gather [hbm4b:s0+s4], $0x80, v6, vm0, $0xb8;
	[tilespmem:$0x19080] =	vst v63  }
0x52f: {  	s2 =	simm.s32 $0x11880  }
0x530: {  	[tilespmem:s2], [sflag:$0x1] =	stream.indirect_vreg.gather [hbm4b:s7+s4], $0x80, v6, vm0, $0xb8;
	[tilespmem:$0x19080] =	vst v63  }
0x531: {  	s13 =	simm.s32 $0x12080  }
0x532: {  	[tilespmem:s13], [sflag:$0x1] =	stream.indirect_vreg.gather [hbm4b:s8+s4], $0x80, v6, vm0, $0xb8;
	[tilespmem:$0x19080] =	vst v63  }
0x533: {  	s23 =	simm.s32 $0x12880  }
0x534: {  	[tilespmem:s23], [sflag:$0x1] =	stream.indirect_vreg.gather [hbm4b:s9+s4], $0x80, v6, vm0, $0xb8;
	[tilespmem:$0x19080] =	vst v63  }
0x535: {  	s24 =	simm.s32 $0x13080  }
0x536: {  	[tilespmem:s24], [sflag:$0x1] =	stream.indirect_vreg.gather [hbm4b:s10+s4], $0x80, v6, vm0, $0xb8;
	[tilespmem:$0x19080] =	vst v63  }
0x537: {  	s26 =	simm.s32 $0x13880;
	v5 =	vperm.xlane v5, v2  }
0x538: {  	[tilespmem:s26], [sflag:$0x1] =	stream.indirect_vreg.gather [hbm4b:s11+s4], $0x80, v6, vm0, $0xb8;
	[tilespmem:$0x19080] =	vst v63  }
0x539: {  	s29 =	simm.s32 $0x14080;
	v5 =	vadd.s32 v1, v5  }
0x53a: {  	[tilespmem:s29], [sflag:$0x1] =	stream.indirect_vreg.gather [hbm4b:s12+s4], $0x80, v6, vm0, $0xb8;
	[tilespmem:$0x19080] =	vst v63  }
0x53b: {  	s30 =	simm.s32 $0x14880  }
0x53c: {  	[tilespmem:s30], [sflag:$0x1] =	stream.indirect_vreg.gather [hbm4b:s14+s4], $0x80, v6, vm0, $0xb8;
	[tilespmem:$0x19080] =	vst v63  }
0x53d: {  	s31 =	simm.s32 $0x15080  }
0x53e: {  	[tilespmem:s31], [sflag:$0x1] =	stream.indirect_vreg.gather [hbm4b:s0+s4], $0x80, v5, vm0, $0xb8;
	[tilespmem:$0x19080] =	vst v63  }
0x53f: {  	_ = 	snop  }
0x540: {  	[tilespmem:s1], [sflag:$0x1] =	stream.indirect_vreg.gather [hbm4b:s7+s4], $0x80, v5, vm0, $0xb8;
	[tilespmem:$0x19080] =	vst v63  }
0x541: {  	_ = 	snop  }
0x542: {  	[tilespmem:s3], [sflag:$0x1] =	stream.indirect_vreg.gather [hbm4b:s8+s4], $0x80, v5, vm0, $0xb8;
	[tilespmem:$0x19080] =	vst v63  }
0x543: {  	_ = 	snop  }
0x544: {  	[tilespmem:s5], [sflag:$0x1] =	stream.indirect_vreg.gather [hbm4b:s9+s4], $0x80, v5, vm0, $0xb8;
	[tilespmem:$0x19080] =	vst v63  }
0x545: {  	_ = 	snop  }
0x546: {  	[tilespmem:s6], [sflag:$0x1] =	stream.indirect_vreg.gather [hbm4b:s10+s4], $0x80, v5, vm0, $0xb8;
	[tilespmem:$0x19080] =	vst v63  }
0x547: {  	_ = 	snop  }
0x548: {  	[tilespmem:s25], [sflag:$0x1] =	stream.indirect_vreg.gather [hbm4b:s11+s4], $0x80, v5, vm0, $0xb8;
	[tilespmem:$0x19080] =	vst v63  }
0x549: {  	p0 =	sgt.u32 s20, $0xF  }
0x54a: {  	[tilespmem:s15], [sflag:$0x1] =	stream.indirect_vreg.gather [hbm4b:s12+s4], $0x80, v5, vm0, $0xb8;
	[tilespmem:$0x19080] =	vst v63  }
.Ltmp71:
0x54b: {  	_ = 	snop;
	(pc) =	sbr.rel @p0 .LBB2_126-.Ltmp71, $4  }
0x54c: {  	[tilespmem:s16], [sflag:$0x1] =	stream.indirect_vreg.gather [hbm4b:s14+s4], $0x80, v5, vm0, $0xb8;
	[tilespmem:$0x19080] =	vst v63  }
0x54d: {  	_ =	swait.ge [sflag:s21], $0x8000  }
0x54e: {  	[sflag:s21] =	ssyncset.done $0x0  }
0x54f: {  	[sflag:s21] =	ssyncadd.s32 $0xFFFF8000  }
0x550: {  	s23 =	ssub.s32 $0x10, s20;
	s24 =	simm.s32 $0x0;
	s13 =	simm.s32 $0x0  }
.LBB2_123:
0x551: {  	s2 =	sadd.s32 s20, s13  }
0x552: {  	s26 =	sshll.u32 s2, $0xB;
	s2 =	sshll.u32 s2, $0x7  }
0x553: {  	s26 =	sand.u32 $0xFFFFC000, s26;
	s2 =	sand.u32 $0x380, s2  }
0x554: {  	s2 =	sor.u32 s2, s26  }
0x555: {  	s26 =	sadd.s32 $0x11080, s2;
	s2 =	sand.u32 $0x3C00, s24  }
0x556: {  	s30 =	sand.u32 $0x70, s24;
	s2 =	sadd.s32 s2, s26  }
0x557: {  	s29 =	simm.s32 $0x10;
	s31 =	sadd.s32 s30, s2;
	s30 =	simm.s32 $0x0  }
.LBB2_124:
0x558: {  	p0 =	sne.s32 s29, $0x7F0  }
0x559: {  	[tilespmem:s31+$0x0] =	vst v3;
	s30 =	sadd.s32 $0x80, s30;
	s2 =	smov.u32 s29;
	s29 =	sadd.s32 $0x10, s29  }
.Ltmp72:
0x55a: {  	(pc) =	sbr.rel @p0 .LBB2_124-.Ltmp72, $4  }
0x55b: {  	_ = 	snop  }
0x55c: {  	s31 =	sand.u32 $0x3C00, s30  }
0x55d: {  	s2 =	sand.u32 $0x70, s2;
	s31 =	sadd.s32 s31, s26  }
0x55e: {  	s31 =	sadd.s32 s2, s31  }
0x55f: {  	s13 =	sadd.s32 $0x1, s13  }
0x560: {  	p0 =	sne.s32 s13, s23  }
.Ltmp73:
0x561: {  	_ = 	snop;
	(pc) =	sbr.rel @p0 .LBB2_123-.Ltmp73, $2  }
0x562: {  	_ =	sdelay $0x2  }
0x563: {  	[tilespmem:s31+$0x0] =	vst v3  }
.LBB2_126:
0x564: {  	s2 =	rddreg [dreg:$0x1a]  }
0x565: {  	[hbm4b:s2+s4] =	stream.linear.scatter [tilespmem:s22], [sflag:$0x3], $0x8000, $0x38;
	[tilespmem:$0x19080] =	vst v63  }
.LBB2_127:
0x566: {  	(v2sf) =	vpush v4, $0x2;
	_ =	sdelay $0xb  }
0x567: {  	p0 =	sne.s32 s20, $0x0  }
0x568: {  	s20 =	rddreg [dreg:$0x1a];
	s2 =	simm.s32 @!p0 $0x0;
	s13 =	simm.s32 @!p0 $0x1080  }
0x569: {  	[hbm4b:s20+s2] =	stream.linear.scatter @!p0 [tilespmem:s13], [sflag:$0x3], $0x8000, $0x38;
	[tilespmem:$0x19080] =	vst v63  }
0x56a: {  	s20 =	spop (v2sf)  }
0x56b: {  	p0 =	slt.s32 s20, $0x1  }
.Ltmp74:
0x56c: {  	_ = 	snop;
	(pc) =	sbr.rel @p0 .LBB2_134-.Ltmp74, $4  }
0x56d: {  	_ = 	snop  }
0x56e: {  	_ =	swait.ge [sflag:s17], $0x8000  }
0x56f: {  	[sflag:s17] =	ssyncset.done $0x0  }
0x570: {  	[sflag:s17] =	ssyncadd.s32 $0xFFFF8000  }
0x571: {  	v5 =	vld [tilespmem:$0x900];
	_ =	sdelay $0x4  }
0x572: {  	v6 =	vshll.u32 v5, $0x4  }
0x573: {  	v5 =	vand.u32 $0x7, v5;
	v6 =	vand.u32 $0xFFFFFF80, v6  }
0x574: {  	v5 =	vor.u32 v5, v6  }
0x575: {  	v6 =	vperm.xlane v5, v0;
	_ =	sdelay $0x1  }
0x576: {  	v6 =	vadd.s32 v1, v6;
	_ =	sdelay $0x4  }
0x577: {  	[tilespmem:s28], [sflag:$0x1] =	stream.indirect_vreg.gather [hbm4b:s0+s4], $0x80, v6, vm0, $0xb8;
	[tilespmem:$0x19080] =	vst v63  }
0x578: {  	s2 =	simm.s32 $0x9880  }
0x579: {  	[tilespmem:s2], [sflag:$0x1] =	stream.indirect_vreg.gather [hbm4b:s7+s4], $0x80, v6, vm0, $0xb8;
	[tilespmem:$0x19080] =	vst v63  }
0x57a: {  	s13 =	simm.s32 $0xA080  }
0x57b: {  	[tilespmem:s13], [sflag:$0x1] =	stream.indirect_vreg.gather [hbm4b:s8+s4], $0x80, v6, vm0, $0xb8;
	[tilespmem:$0x19080] =	vst v63  }
0x57c: {  	s23 =	simm.s32 $0xA880  }
0x57d: {  	[tilespmem:s23], [sflag:$0x1] =	stream.indirect_vreg.gather [hbm4b:s9+s4], $0x80, v6, vm0, $0xb8;
	[tilespmem:$0x19080] =	vst v63  }
0x57e: {  	s24 =	simm.s32 $0xB080  }
0x57f: {  	[tilespmem:s24], [sflag:$0x1] =	stream.indirect_vreg.gather [hbm4b:s10+s4], $0x80, v6, vm0, $0xb8;
	[tilespmem:$0x19080] =	vst v63  }
0x580: {  	s26 =	simm.s32 $0xB880;
	v5 =	vperm.xlane v5, v2  }
0x581: {  	[tilespmem:s26], [sflag:$0x1] =	stream.indirect_vreg.gather [hbm4b:s11+s4], $0x80, v6, vm0, $0xb8;
	[tilespmem:$0x19080] =	vst v63  }
0x582: {  	s29 =	simm.s32 $0xC080;
	v5 =	vadd.s32 v1, v5  }
0x583: {  	[tilespmem:s29], [sflag:$0x1] =	stream.indirect_vreg.gather [hbm4b:s12+s4], $0x80, v6, vm0, $0xb8;
	[tilespmem:$0x19080] =	vst v63  }
0x584: {  	s30 =	simm.s32 $0xC880  }
0x585: {  	[tilespmem:s30], [sflag:$0x1] =	stream.indirect_vreg.gather [hbm4b:s14+s4], $0x80, v6, vm0, $0xb8;
	[tilespmem:$0x19080] =	vst v63  }
0x586: {  	s31 =	simm.s32 $0xD080  }
0x587: {  	[tilespmem:s31], [sflag:$0x1] =	stream.indirect_vreg.gather [hbm4b:s0+s4], $0x80, v5, vm0, $0xb8;
	[tilespmem:$0x19080] =	vst v63  }
0x588: {  	s13 =	simm.s32 $0xD880  }
0x589: {  	[tilespmem:s13], [sflag:$0x1] =	stream.indirect_vreg.gather [hbm4b:s7+s4], $0x80, v5, vm0, $0xb8;
	[tilespmem:$0x19080] =	vst v63  }
0x58a: {  	s23 =	simm.s32 $0xE080  }
0x58b: {  	[tilespmem:s23], [sflag:$0x1] =	stream.indirect_vreg.gather [hbm4b:s8+s4], $0x80, v5, vm0, $0xb8;
	[tilespmem:$0x19080] =	vst v63  }
0x58c: {  	s24 =	simm.s32 $0xE880  }
0x58d: {  	[tilespmem:s24], [sflag:$0x1] =	stream.indirect_vreg.gather [hbm4b:s9+s4], $0x80, v5, vm0, $0xb8;
	[tilespmem:$0x19080] =	vst v63  }
0x58e: {  	s26 =	simm.s32 $0xF080  }
0x58f: {  	[tilespmem:s26], [sflag:$0x1] =	stream.indirect_vreg.gather [hbm4b:s10+s4], $0x80, v5, vm0, $0xb8;
	[tilespmem:$0x19080] =	vst v63  }
0x590: {  	s29 =	simm.s32 $0xF880  }
0x591: {  	[tilespmem:s29], [sflag:$0x1] =	stream.indirect_vreg.gather [hbm4b:s11+s4], $0x80, v5, vm0, $0xb8;
	[tilespmem:$0x19080] =	vst v63  }
0x592: {  	p0 =	sgt.u32 s20, $0xF;
	s30 =	simm.s32 $0x10080  }
0x593: {  	[tilespmem:s30], [sflag:$0x1] =	stream.indirect_vreg.gather [hbm4b:s12+s4], $0x80, v5, vm0, $0xb8;
	[tilespmem:$0x19080] =	vst v63  }
.Ltmp75:
0x594: {  	s31 =	simm.s32 $0x10880;
	(pc) =	sbr.rel @p0 .LBB2_133-.Ltmp75, $4  }
0x595: {  	[tilespmem:s31], [sflag:$0x1] =	stream.indirect_vreg.gather [hbm4b:s14+s4], $0x80, v5, vm0, $0xb8;
	[tilespmem:$0x19080] =	vst v63  }
0x596: {  	_ =	swait.ge [sflag:s21], $0x8000  }
0x597: {  	[sflag:s21] =	ssyncset.done $0x0  }
0x598: {  	[sflag:s21] =	ssyncadd.s32 $0xFFFF8000  }
0x599: {  	s23 =	ssub.s32 $0x10, s20;
	s24 =	simm.s32 $0x0;
	s13 =	simm.s32 $0x0  }
.LBB2_130:
0x59a: {  	s2 =	sadd.s32 s20, s13  }
0x59b: {  	s26 =	sshll.u32 s2, $0xB;
	s2 =	sshll.u32 s2, $0x7  }
0x59c: {  	s26 =	sand.u32 $0xFFFFC000, s26;
	s2 =	sand.u32 $0x380, s2  }
0x59d: {  	s2 =	sor.u32 s2, s26  }
0x59e: {  	s26 =	sadd.s32 $0x9080, s2;
	s2 =	sand.u32 $0x3C00, s24  }
0x59f: {  	s30 =	sand.u32 $0x70, s24;
	s2 =	sadd.s32 s2, s26  }
0x5a0: {  	s29 =	simm.s32 $0x10;
	s31 =	sadd.s32 s30, s2;
	s30 =	simm.s32 $0x0  }
.LBB2_131:
0x5a1: {  	p0 =	sne.s32 s29, $0x7F0  }
0x5a2: {  	[tilespmem:s31+$0x0] =	vst v3;
	s30 =	sadd.s32 $0x80, s30;
	s2 =	smov.u32 s29;
	s29 =	sadd.s32 $0x10, s29  }
.Ltmp76:
0x5a3: {  	(pc) =	sbr.rel @p0 .LBB2_131-.Ltmp76, $4  }
0x5a4: {  	_ = 	snop  }
0x5a5: {  	s31 =	sand.u32 $0x3C00, s30  }
0x5a6: {  	s2 =	sand.u32 $0x70, s2;
	s31 =	sadd.s32 s31, s26  }
0x5a7: {  	s31 =	sadd.s32 s2, s31  }
0x5a8: {  	s13 =	sadd.s32 $0x1, s13  }
0x5a9: {  	p0 =	sne.s32 s13, s23  }
.Ltmp77:
0x5aa: {  	_ = 	snop;
	(pc) =	sbr.rel @p0 .LBB2_130-.Ltmp77, $2  }
0x5ab: {  	_ =	sdelay $0x2  }
0x5ac: {  	[tilespmem:s31+$0x0] =	vst v3  }
.LBB2_133:
0x5ad: {  	s2 =	rddreg [dreg:$0x1b]  }
0x5ae: {  	[hbm4b:s2+s4] =	stream.linear.scatter [tilespmem:s28], [sflag:$0x2], $0x8000, $0x38;
	[tilespmem:$0x19080] =	vst v63  }
.LBB2_134:
0x5af: {  	(v2sf) =	vpush v4, $0x3;
	_ =	sdelay $0xb  }
0x5b0: {  	p0 =	sne.s32 s20, $0x0  }
0x5b1: {  	s20 =	rddreg [dreg:$0x1b];
	s2 =	simm.s32 @!p0 $0x0;
	s13 =	simm.s32 @!p0 $0x1080  }
0x5b2: {  	[hbm4b:s20+s2] =	stream.linear.scatter @!p0 [tilespmem:s13], [sflag:$0x2], $0x8000, $0x38;
	[tilespmem:$0x19080] =	vst v63  }
0x5b3: {  	s20 =	spop (v2sf)  }
0x5b4: {  	p0 =	slt.s32 s20, $0x1  }
.Ltmp78:
0x5b5: {  	_ = 	snop;
	(pc) =	sbr.rel @p0 .LBB2_141-.Ltmp78, $4  }
0x5b6: {  	_ = 	snop  }
0x5b7: {  	_ =	swait.ge [sflag:s18], $0x8000  }
0x5b8: {  	[sflag:s18] =	ssyncset.done $0x0  }
0x5b9: {  	[sflag:s18] =	ssyncadd.s32 $0xFFFF8000  }
0x5ba: {  	v5 =	vld [tilespmem:$0x980];
	_ =	sdelay $0x4  }
0x5bb: {  	v6 =	vshll.u32 v5, $0x4  }
0x5bc: {  	v5 =	vand.u32 $0x7, v5;
	v6 =	vand.u32 $0xFFFFFF80, v6  }
0x5bd: {  	v5 =	vor.u32 v5, v6  }
0x5be: {  	v6 =	vperm.xlane v5, v0;
	_ =	sdelay $0x1  }
0x5bf: {  	v6 =	vadd.s32 v1, v6;
	_ =	sdelay $0x4  }
0x5c0: {  	[tilespmem:s22], [sflag:$0x1] =	stream.indirect_vreg.gather [hbm4b:s0+s4], $0x80, v6, vm0, $0xb8;
	[tilespmem:$0x19080] =	vst v63  }
0x5c1: {  	s2 =	simm.s32 $0x11880  }
0x5c2: {  	[tilespmem:s2], [sflag:$0x1] =	stream.indirect_vreg.gather [hbm4b:s7+s4], $0x80, v6, vm0, $0xb8;
	[tilespmem:$0x19080] =	vst v63  }
0x5c3: {  	s13 =	simm.s32 $0x12080  }
0x5c4: {  	[tilespmem:s13], [sflag:$0x1] =	stream.indirect_vreg.gather [hbm4b:s8+s4], $0x80, v6, vm0, $0xb8;
	[tilespmem:$0x19080] =	vst v63  }
0x5c5: {  	s23 =	simm.s32 $0x12880  }
0x5c6: {  	[tilespmem:s23], [sflag:$0x1] =	stream.indirect_vreg.gather [hbm4b:s9+s4], $0x80, v6, vm0, $0xb8;
	[tilespmem:$0x19080] =	vst v63  }
0x5c7: {  	s24 =	simm.s32 $0x13080  }
0x5c8: {  	[tilespmem:s24], [sflag:$0x1] =	stream.indirect_vreg.gather [hbm4b:s10+s4], $0x80, v6, vm0, $0xb8;
	[tilespmem:$0x19080] =	vst v63  }
0x5c9: {  	s26 =	simm.s32 $0x13880;
	v5 =	vperm.xlane v5, v2  }
0x5ca: {  	[tilespmem:s26], [sflag:$0x1] =	stream.indirect_vreg.gather [hbm4b:s11+s4], $0x80, v6, vm0, $0xb8;
	[tilespmem:$0x19080] =	vst v63  }
0x5cb: {  	s29 =	simm.s32 $0x14080;
	v5 =	vadd.s32 v1, v5  }
0x5cc: {  	[tilespmem:s29], [sflag:$0x1] =	stream.indirect_vreg.gather [hbm4b:s12+s4], $0x80, v6, vm0, $0xb8;
	[tilespmem:$0x19080] =	vst v63  }
0x5cd: {  	s30 =	simm.s32 $0x14880  }
0x5ce: {  	[tilespmem:s30], [sflag:$0x1] =	stream.indirect_vreg.gather [hbm4b:s14+s4], $0x80, v6, vm0, $0xb8;
	[tilespmem:$0x19080] =	vst v63  }
0x5cf: {  	s31 =	simm.s32 $0x15080  }
0x5d0: {  	[tilespmem:s31], [sflag:$0x1] =	stream.indirect_vreg.gather [hbm4b:s0+s4], $0x80, v5, vm0, $0xb8;
	[tilespmem:$0x19080] =	vst v63  }
0x5d1: {  	_ = 	snop  }
0x5d2: {  	[tilespmem:s1], [sflag:$0x1] =	stream.indirect_vreg.gather [hbm4b:s7+s4], $0x80, v5, vm0, $0xb8;
	[tilespmem:$0x19080] =	vst v63  }
0x5d3: {  	_ = 	snop  }
0x5d4: {  	[tilespmem:s3], [sflag:$0x1] =	stream.indirect_vreg.gather [hbm4b:s8+s4], $0x80, v5, vm0, $0xb8;
	[tilespmem:$0x19080] =	vst v63  }
0x5d5: {  	_ = 	snop  }
0x5d6: {  	[tilespmem:s5], [sflag:$0x1] =	stream.indirect_vreg.gather [hbm4b:s9+s4], $0x80, v5, vm0, $0xb8;
	[tilespmem:$0x19080] =	vst v63  }
0x5d7: {  	_ = 	snop  }
0x5d8: {  	[tilespmem:s6], [sflag:$0x1] =	stream.indirect_vreg.gather [hbm4b:s10+s4], $0x80, v5, vm0, $0xb8;
	[tilespmem:$0x19080] =	vst v63  }
0x5d9: {  	_ = 	snop  }
0x5da: {  	[tilespmem:s25], [sflag:$0x1] =	stream.indirect_vreg.gather [hbm4b:s11+s4], $0x80, v5, vm0, $0xb8;
	[tilespmem:$0x19080] =	vst v63  }
0x5db: {  	p0 =	sgt.u32 s20, $0xF  }
0x5dc: {  	[tilespmem:s15], [sflag:$0x1] =	stream.indirect_vreg.gather [hbm4b:s12+s4], $0x80, v5, vm0, $0xb8;
	[tilespmem:$0x19080] =	vst v63  }
.Ltmp79:
0x5dd: {  	_ = 	snop;
	(pc) =	sbr.rel @p0 .LBB2_140-.Ltmp79, $4  }
0x5de: {  	[tilespmem:s16], [sflag:$0x1] =	stream.indirect_vreg.gather [hbm4b:s14+s4], $0x80, v5, vm0, $0xb8;
	[tilespmem:$0x19080] =	vst v63  }
0x5df: {  	_ =	swait.ge [sflag:s21], $0x8000  }
0x5e0: {  	[sflag:s21] =	ssyncset.done $0x0  }
0x5e1: {  	[sflag:s21] =	ssyncadd.s32 $0xFFFF8000  }
0x5e2: {  	s23 =	ssub.s32 $0x10, s20;
	s24 =	simm.s32 $0x0;
	s13 =	simm.s32 $0x0  }
.LBB2_137:
0x5e3: {  	s2 =	sadd.s32 s20, s13  }
0x5e4: {  	s26 =	sshll.u32 s2, $0xB;
	s2 =	sshll.u32 s2, $0x7  }
0x5e5: {  	s26 =	sand.u32 $0xFFFFC000, s26;
	s2 =	sand.u32 $0x380, s2  }
0x5e6: {  	s2 =	sor.u32 s2, s26  }
0x5e7: {  	s26 =	sadd.s32 $0x11080, s2;
	s2 =	sand.u32 $0x3C00, s24  }
0x5e8: {  	s30 =	sand.u32 $0x70, s24;
	s2 =	sadd.s32 s2, s26  }
0x5e9: {  	s29 =	simm.s32 $0x10;
	s31 =	sadd.s32 s30, s2;
	s30 =	simm.s32 $0x0  }
.LBB2_138:
0x5ea: {  	p0 =	sne.s32 s29, $0x7F0  }
0x5eb: {  	[tilespmem:s31+$0x0] =	vst v3;
	s30 =	sadd.s32 $0x80, s30;
	s2 =	smov.u32 s29;
	s29 =	sadd.s32 $0x10, s29  }
.Ltmp80:
0x5ec: {  	(pc) =	sbr.rel @p0 .LBB2_138-.Ltmp80, $4  }
0x5ed: {  	_ = 	snop  }
0x5ee: {  	s31 =	sand.u32 $0x3C00, s30  }
0x5ef: {  	s2 =	sand.u32 $0x70, s2;
	s31 =	sadd.s32 s31, s26  }
0x5f0: {  	s31 =	sadd.s32 s2, s31  }
0x5f1: {  	s13 =	sadd.s32 $0x1, s13  }
0x5f2: {  	p0 =	sne.s32 s13, s23  }
.Ltmp81:
0x5f3: {  	_ = 	snop;
	(pc) =	sbr.rel @p0 .LBB2_137-.Ltmp81, $2  }
0x5f4: {  	_ =	sdelay $0x2  }
0x5f5: {  	[tilespmem:s31+$0x0] =	vst v3  }
.LBB2_140:
0x5f6: {  	s2 =	rddreg [dreg:$0x1c]  }
0x5f7: {  	[hbm4b:s2+s4] =	stream.linear.scatter [tilespmem:s22], [sflag:$0x3], $0x8000, $0x38;
	[tilespmem:$0x19080] =	vst v63  }
.LBB2_141:
0x5f8: {  	(v2sf) =	vpush v4, $0x4;
	_ =	sdelay $0xb  }
0x5f9: {  	p0 =	sne.s32 s20, $0x0  }
0x5fa: {  	s20 =	rddreg [dreg:$0x1c];
	s2 =	simm.s32 @!p0 $0x0;
	s13 =	simm.s32 @!p0 $0x1080  }
0x5fb: {  	[hbm4b:s20+s2] =	stream.linear.scatter @!p0 [tilespmem:s13], [sflag:$0x3], $0x8000, $0x38;
	[tilespmem:$0x19080] =	vst v63  }
0x5fc: {  	s20 =	spop (v2sf)  }
0x5fd: {  	p0 =	slt.s32 s20, $0x1  }
.Ltmp82:
0x5fe: {  	_ = 	snop;
	(pc) =	sbr.rel @p0 .LBB2_148-.Ltmp82, $4  }
0x5ff: {  	_ = 	snop  }
0x600: {  	_ =	swait.ge [sflag:s17], $0x8000  }
0x601: {  	[sflag:s17] =	ssyncset.done $0x0  }
0x602: {  	[sflag:s17] =	ssyncadd.s32 $0xFFFF8000  }
0x603: {  	v5 =	vld [tilespmem:$0xA00];
	_ =	sdelay $0x4  }
0x604: {  	v6 =	vshll.u32 v5, $0x4  }
0x605: {  	v5 =	vand.u32 $0x7, v5;
	v6 =	vand.u32 $0xFFFFFF80, v6  }
0x606: {  	v5 =	vor.u32 v5, v6  }
0x607: {  	v6 =	vperm.xlane v5, v0;
	_ =	sdelay $0x1  }
0x608: {  	v6 =	vadd.s32 v1, v6;
	_ =	sdelay $0x4  }
0x609: {  	[tilespmem:s28], [sflag:$0x1] =	stream.indirect_vreg.gather [hbm4b:s0+s4], $0x80, v6, vm0, $0xb8;
	[tilespmem:$0x19080] =	vst v63  }
0x60a: {  	s2 =	simm.s32 $0x9880  }
0x60b: {  	[tilespmem:s2], [sflag:$0x1] =	stream.indirect_vreg.gather [hbm4b:s7+s4], $0x80, v6, vm0, $0xb8;
	[tilespmem:$0x19080] =	vst v63  }
0x60c: {  	s13 =	simm.s32 $0xA080  }
0x60d: {  	[tilespmem:s13], [sflag:$0x1] =	stream.indirect_vreg.gather [hbm4b:s8+s4], $0x80, v6, vm0, $0xb8;
	[tilespmem:$0x19080] =	vst v63  }
0x60e: {  	s23 =	simm.s32 $0xA880  }
0x60f: {  	[tilespmem:s23], [sflag:$0x1] =	stream.indirect_vreg.gather [hbm4b:s9+s4], $0x80, v6, vm0, $0xb8;
	[tilespmem:$0x19080] =	vst v63  }
0x610: {  	s24 =	simm.s32 $0xB080  }
0x611: {  	[tilespmem:s24], [sflag:$0x1] =	stream.indirect_vreg.gather [hbm4b:s10+s4], $0x80, v6, vm0, $0xb8;
	[tilespmem:$0x19080] =	vst v63  }
0x612: {  	s26 =	simm.s32 $0xB880;
	v5 =	vperm.xlane v5, v2  }
0x613: {  	[tilespmem:s26], [sflag:$0x1] =	stream.indirect_vreg.gather [hbm4b:s11+s4], $0x80, v6, vm0, $0xb8;
	[tilespmem:$0x19080] =	vst v63  }
0x614: {  	s29 =	simm.s32 $0xC080;
	v5 =	vadd.s32 v1, v5  }
0x615: {  	[tilespmem:s29], [sflag:$0x1] =	stream.indirect_vreg.gather [hbm4b:s12+s4], $0x80, v6, vm0, $0xb8;
	[tilespmem:$0x19080] =	vst v63  }
0x616: {  	s30 =	simm.s32 $0xC880  }
0x617: {  	[tilespmem:s30], [sflag:$0x1] =	stream.indirect_vreg.gather [hbm4b:s14+s4], $0x80, v6, vm0, $0xb8;
	[tilespmem:$0x19080] =	vst v63  }
0x618: {  	s31 =	simm.s32 $0xD080  }
0x619: {  	[tilespmem:s31], [sflag:$0x1] =	stream.indirect_vreg.gather [hbm4b:s0+s4], $0x80, v5, vm0, $0xb8;
	[tilespmem:$0x19080] =	vst v63  }
0x61a: {  	s13 =	simm.s32 $0xD880  }
0x61b: {  	[tilespmem:s13], [sflag:$0x1] =	stream.indirect_vreg.gather [hbm4b:s7+s4], $0x80, v5, vm0, $0xb8;
	[tilespmem:$0x19080] =	vst v63  }
0x61c: {  	s23 =	simm.s32 $0xE080  }
0x61d: {  	[tilespmem:s23], [sflag:$0x1] =	stream.indirect_vreg.gather [hbm4b:s8+s4], $0x80, v5, vm0, $0xb8;
	[tilespmem:$0x19080] =	vst v63  }
0x61e: {  	s24 =	simm.s32 $0xE880  }
0x61f: {  	[tilespmem:s24], [sflag:$0x1] =	stream.indirect_vreg.gather [hbm4b:s9+s4], $0x80, v5, vm0, $0xb8;
	[tilespmem:$0x19080] =	vst v63  }
0x620: {  	s26 =	simm.s32 $0xF080  }
0x621: {  	[tilespmem:s26], [sflag:$0x1] =	stream.indirect_vreg.gather [hbm4b:s10+s4], $0x80, v5, vm0, $0xb8;
	[tilespmem:$0x19080] =	vst v63  }
0x622: {  	s29 =	simm.s32 $0xF880  }
0x623: {  	[tilespmem:s29], [sflag:$0x1] =	stream.indirect_vreg.gather [hbm4b:s11+s4], $0x80, v5, vm0, $0xb8;
	[tilespmem:$0x19080] =	vst v63  }
0x624: {  	p0 =	sgt.u32 s20, $0xF;
	s30 =	simm.s32 $0x10080  }
0x625: {  	[tilespmem:s30], [sflag:$0x1] =	stream.indirect_vreg.gather [hbm4b:s12+s4], $0x80, v5, vm0, $0xb8;
	[tilespmem:$0x19080] =	vst v63  }
.Ltmp83:
0x626: {  	s31 =	simm.s32 $0x10880;
	(pc) =	sbr.rel @p0 .LBB2_147-.Ltmp83, $4  }
0x627: {  	[tilespmem:s31], [sflag:$0x1] =	stream.indirect_vreg.gather [hbm4b:s14+s4], $0x80, v5, vm0, $0xb8;
	[tilespmem:$0x19080] =	vst v63  }
0x628: {  	_ =	swait.ge [sflag:s21], $0x8000  }
0x629: {  	[sflag:s21] =	ssyncset.done $0x0  }
0x62a: {  	[sflag:s21] =	ssyncadd.s32 $0xFFFF8000  }
0x62b: {  	s23 =	ssub.s32 $0x10, s20;
	s24 =	simm.s32 $0x0;
	s13 =	simm.s32 $0x0  }
.LBB2_144:
0x62c: {  	s2 =	sadd.s32 s20, s13  }
0x62d: {  	s26 =	sshll.u32 s2, $0xB;
	s2 =	sshll.u32 s2, $0x7  }
0x62e: {  	s26 =	sand.u32 $0xFFFFC000, s26;
	s2 =	sand.u32 $0x380, s2  }
0x62f: {  	s2 =	sor.u32 s2, s26  }
0x630: {  	s26 =	sadd.s32 $0x9080, s2;
	s2 =	sand.u32 $0x3C00, s24  }
0x631: {  	s30 =	sand.u32 $0x70, s24;
	s2 =	sadd.s32 s2, s26  }
0x632: {  	s29 =	simm.s32 $0x10;
	s31 =	sadd.s32 s30, s2;
	s30 =	simm.s32 $0x0  }
.LBB2_145:
0x633: {  	p0 =	sne.s32 s29, $0x7F0  }
0x634: {  	[tilespmem:s31+$0x0] =	vst v3;
	s30 =	sadd.s32 $0x80, s30;
	s2 =	smov.u32 s29;
	s29 =	sadd.s32 $0x10, s29  }
.Ltmp84:
0x635: {  	(pc) =	sbr.rel @p0 .LBB2_145-.Ltmp84, $4  }
0x636: {  	_ = 	snop  }
0x637: {  	s31 =	sand.u32 $0x3C00, s30  }
0x638: {  	s2 =	sand.u32 $0x70, s2;
	s31 =	sadd.s32 s31, s26  }
0x639: {  	s31 =	sadd.s32 s2, s31  }
0x63a: {  	s13 =	sadd.s32 $0x1, s13  }
0x63b: {  	p0 =	sne.s32 s13, s23  }
.Ltmp85:
0x63c: {  	_ = 	snop;
	(pc) =	sbr.rel @p0 .LBB2_144-.Ltmp85, $2  }
0x63d: {  	_ =	sdelay $0x2  }
0x63e: {  	[tilespmem:s31+$0x0] =	vst v3  }
.LBB2_147:
0x63f: {  	s2 =	rddreg [dreg:$0x1d]  }
0x640: {  	[hbm4b:s2+s4] =	stream.linear.scatter [tilespmem:s28], [sflag:$0x2], $0x8000, $0x38;
	[tilespmem:$0x19080] =	vst v63  }
.LBB2_148:
0x641: {  	(v2sf) =	vpush v4, $0x5;
	_ =	sdelay $0xb  }
0x642: {  	p0 =	sne.s32 s20, $0x0  }
0x643: {  	s20 =	rddreg [dreg:$0x1d];
	s2 =	simm.s32 @!p0 $0x0;
	s13 =	simm.s32 @!p0 $0x1080  }
0x644: {  	[hbm4b:s20+s2] =	stream.linear.scatter @!p0 [tilespmem:s13], [sflag:$0x2], $0x8000, $0x38;
	[tilespmem:$0x19080] =	vst v63  }
0x645: {  	s20 =	spop (v2sf)  }
0x646: {  	p0 =	slt.s32 s20, $0x1  }
.Ltmp86:
0x647: {  	_ = 	snop;
	(pc) =	sbr.rel @p0 .LBB2_155-.Ltmp86, $4  }
0x648: {  	_ = 	snop  }
0x649: {  	_ =	swait.ge [sflag:s18], $0x8000  }
0x64a: {  	[sflag:s18] =	ssyncset.done $0x0  }
0x64b: {  	[sflag:s18] =	ssyncadd.s32 $0xFFFF8000  }
0x64c: {  	v5 =	vld [tilespmem:$0xA80];
	_ =	sdelay $0x4  }
0x64d: {  	v6 =	vshll.u32 v5, $0x4  }
0x64e: {  	v5 =	vand.u32 $0x7, v5;
	v6 =	vand.u32 $0xFFFFFF80, v6  }
0x64f: {  	v5 =	vor.u32 v5, v6  }
0x650: {  	v6 =	vperm.xlane v5, v0;
	_ =	sdelay $0x1  }
0x651: {  	v6 =	vadd.s32 v1, v6;
	_ =	sdelay $0x4  }
0x652: {  	[tilespmem:s22], [sflag:$0x1] =	stream.indirect_vreg.gather [hbm4b:s0+s4], $0x80, v6, vm0, $0xb8;
	[tilespmem:$0x19080] =	vst v63  }
0x653: {  	s2 =	simm.s32 $0x11880  }
0x654: {  	[tilespmem:s2], [sflag:$0x1] =	stream.indirect_vreg.gather [hbm4b:s7+s4], $0x80, v6, vm0, $0xb8;
	[tilespmem:$0x19080] =	vst v63  }
0x655: {  	s13 =	simm.s32 $0x12080  }
0x656: {  	[tilespmem:s13], [sflag:$0x1] =	stream.indirect_vreg.gather [hbm4b:s8+s4], $0x80, v6, vm0, $0xb8;
	[tilespmem:$0x19080] =	vst v63  }
0x657: {  	s23 =	simm.s32 $0x12880  }
0x658: {  	[tilespmem:s23], [sflag:$0x1] =	stream.indirect_vreg.gather [hbm4b:s9+s4], $0x80, v6, vm0, $0xb8;
	[tilespmem:$0x19080] =	vst v63  }
0x659: {  	s24 =	simm.s32 $0x13080  }
0x65a: {  	[tilespmem:s24], [sflag:$0x1] =	stream.indirect_vreg.gather [hbm4b:s10+s4], $0x80, v6, vm0, $0xb8;
	[tilespmem:$0x19080] =	vst v63  }
0x65b: {  	s26 =	simm.s32 $0x13880;
	v5 =	vperm.xlane v5, v2  }
0x65c: {  	[tilespmem:s26], [sflag:$0x1] =	stream.indirect_vreg.gather [hbm4b:s11+s4], $0x80, v6, vm0, $0xb8;
	[tilespmem:$0x19080] =	vst v63  }
0x65d: {  	s29 =	simm.s32 $0x14080;
	v5 =	vadd.s32 v1, v5  }
0x65e: {  	[tilespmem:s29], [sflag:$0x1] =	stream.indirect_vreg.gather [hbm4b:s12+s4], $0x80, v6, vm0, $0xb8;
	[tilespmem:$0x19080] =	vst v63  }
0x65f: {  	s30 =	simm.s32 $0x14880  }
0x660: {  	[tilespmem:s30], [sflag:$0x1] =	stream.indirect_vreg.gather [hbm4b:s14+s4], $0x80, v6, vm0, $0xb8;
	[tilespmem:$0x19080] =	vst v63  }
0x661: {  	s31 =	simm.s32 $0x15080  }
0x662: {  	[tilespmem:s31], [sflag:$0x1] =	stream.indirect_vreg.gather [hbm4b:s0+s4], $0x80, v5, vm0, $0xb8;
	[tilespmem:$0x19080] =	vst v63  }
0x663: {  	_ = 	snop  }
0x664: {  	[tilespmem:s1], [sflag:$0x1] =	stream.indirect_vreg.gather [hbm4b:s7+s4], $0x80, v5, vm0, $0xb8;
	[tilespmem:$0x19080] =	vst v63  }
0x665: {  	_ = 	snop  }
0x666: {  	[tilespmem:s3], [sflag:$0x1] =	stream.indirect_vreg.gather [hbm4b:s8+s4], $0x80, v5, vm0, $0xb8;
	[tilespmem:$0x19080] =	vst v63  }
0x667: {  	_ = 	snop  }
0x668: {  	[tilespmem:s5], [sflag:$0x1] =	stream.indirect_vreg.gather [hbm4b:s9+s4], $0x80, v5, vm0, $0xb8;
	[tilespmem:$0x19080] =	vst v63  }
0x669: {  	_ = 	snop  }
0x66a: {  	[tilespmem:s6], [sflag:$0x1] =	stream.indirect_vreg.gather [hbm4b:s10+s4], $0x80, v5, vm0, $0xb8;
	[tilespmem:$0x19080] =	vst v63  }
0x66b: {  	_ = 	snop  }
0x66c: {  	[tilespmem:s25], [sflag:$0x1] =	stream.indirect_vreg.gather [hbm4b:s11+s4], $0x80, v5, vm0, $0xb8;
	[tilespmem:$0x19080] =	vst v63  }
0x66d: {  	p0 =	sgt.u32 s20, $0xF  }
0x66e: {  	[tilespmem:s15], [sflag:$0x1] =	stream.indirect_vreg.gather [hbm4b:s12+s4], $0x80, v5, vm0, $0xb8;
	[tilespmem:$0x19080] =	vst v63  }
.Ltmp87:
0x66f: {  	_ = 	snop;
	(pc) =	sbr.rel @p0 .LBB2_154-.Ltmp87, $4  }
0x670: {  	[tilespmem:s16], [sflag:$0x1] =	stream.indirect_vreg.gather [hbm4b:s14+s4], $0x80, v5, vm0, $0xb8;
	[tilespmem:$0x19080] =	vst v63  }
0x671: {  	_ =	swait.ge [sflag:s21], $0x8000  }
0x672: {  	[sflag:s21] =	ssyncset.done $0x0  }
0x673: {  	[sflag:s21] =	ssyncadd.s32 $0xFFFF8000  }
0x674: {  	s23 =	ssub.s32 $0x10, s20;
	s24 =	simm.s32 $0x0;
	s13 =	simm.s32 $0x0  }
.LBB2_151:
0x675: {  	s2 =	sadd.s32 s20, s13  }
0x676: {  	s26 =	sshll.u32 s2, $0xB;
	s2 =	sshll.u32 s2, $0x7  }
0x677: {  	s26 =	sand.u32 $0xFFFFC000, s26;
	s2 =	sand.u32 $0x380, s2  }
0x678: {  	s2 =	sor.u32 s2, s26  }
0x679: {  	s26 =	sadd.s32 $0x11080, s2;
	s2 =	sand.u32 $0x3C00, s24  }
0x67a: {  	s30 =	sand.u32 $0x70, s24;
	s2 =	sadd.s32 s2, s26  }
0x67b: {  	s29 =	simm.s32 $0x10;
	s31 =	sadd.s32 s30, s2;
	s30 =	simm.s32 $0x0  }
.LBB2_152:
0x67c: {  	p0 =	sne.s32 s29, $0x7F0  }
0x67d: {  	[tilespmem:s31+$0x0] =	vst v3;
	s30 =	sadd.s32 $0x80, s30;
	s2 =	smov.u32 s29;
	s29 =	sadd.s32 $0x10, s29  }
.Ltmp88:
0x67e: {  	(pc) =	sbr.rel @p0 .LBB2_152-.Ltmp88, $4  }
0x67f: {  	_ = 	snop  }
0x680: {  	s31 =	sand.u32 $0x3C00, s30  }
0x681: {  	s2 =	sand.u32 $0x70, s2;
	s31 =	sadd.s32 s31, s26  }
0x682: {  	s31 =	sadd.s32 s2, s31  }
0x683: {  	s13 =	sadd.s32 $0x1, s13  }
0x684: {  	p0 =	sne.s32 s13, s23  }
.Ltmp89:
0x685: {  	_ = 	snop;
	(pc) =	sbr.rel @p0 .LBB2_151-.Ltmp89, $2  }
0x686: {  	_ =	sdelay $0x2  }
0x687: {  	[tilespmem:s31+$0x0] =	vst v3  }
.LBB2_154:
0x688: {  	s2 =	rddreg [dreg:$0x1e]  }
0x689: {  	[hbm4b:s2+s4] =	stream.linear.scatter [tilespmem:s22], [sflag:$0x3], $0x8000, $0x38;
	[tilespmem:$0x19080] =	vst v63  }
.LBB2_155:
0x68a: {  	(v2sf) =	vpush v4, $0x6;
	_ =	sdelay $0xb  }
0x68b: {  	p0 =	sne.s32 s20, $0x0  }
0x68c: {  	s20 =	rddreg [dreg:$0x1e];
	s2 =	simm.s32 @!p0 $0x0;
	s13 =	simm.s32 @!p0 $0x1080  }
0x68d: {  	[hbm4b:s20+s2] =	stream.linear.scatter @!p0 [tilespmem:s13], [sflag:$0x3], $0x8000, $0x38;
	[tilespmem:$0x19080] =	vst v63  }
0x68e: {  	s20 =	spop (v2sf)  }
0x68f: {  	p0 =	slt.s32 s20, $0x1  }
.Ltmp90:
0x690: {  	_ = 	snop;
	(pc) =	sbr.rel @p0 .LBB2_162-.Ltmp90, $4  }
0x691: {  	_ = 	snop  }
0x692: {  	_ =	swait.ge [sflag:s17], $0x8000  }
0x693: {  	[sflag:s17] =	ssyncset.done $0x0  }
0x694: {  	[sflag:s17] =	ssyncadd.s32 $0xFFFF8000  }
0x695: {  	v5 =	vld [tilespmem:$0xB00];
	_ =	sdelay $0x4  }
0x696: {  	v6 =	vshll.u32 v5, $0x4  }
0x697: {  	v5 =	vand.u32 $0x7, v5;
	v6 =	vand.u32 $0xFFFFFF80, v6  }
0x698: {  	v5 =	vor.u32 v5, v6  }
0x699: {  	v6 =	vperm.xlane v5, v0;
	_ =	sdelay $0x1  }
0x69a: {  	v6 =	vadd.s32 v1, v6;
	_ =	sdelay $0x4  }
0x69b: {  	[tilespmem:s28], [sflag:$0x1] =	stream.indirect_vreg.gather [hbm4b:s0+s4], $0x80, v6, vm0, $0xb8;
	[tilespmem:$0x19080] =	vst v63  }
0x69c: {  	s2 =	simm.s32 $0x9880  }
0x69d: {  	[tilespmem:s2], [sflag:$0x1] =	stream.indirect_vreg.gather [hbm4b:s7+s4], $0x80, v6, vm0, $0xb8;
	[tilespmem:$0x19080] =	vst v63  }
0x69e: {  	s13 =	simm.s32 $0xA080  }
0x69f: {  	[tilespmem:s13], [sflag:$0x1] =	stream.indirect_vreg.gather [hbm4b:s8+s4], $0x80, v6, vm0, $0xb8;
	[tilespmem:$0x19080] =	vst v63  }
0x6a0: {  	s23 =	simm.s32 $0xA880  }
0x6a1: {  	[tilespmem:s23], [sflag:$0x1] =	stream.indirect_vreg.gather [hbm4b:s9+s4], $0x80, v6, vm0, $0xb8;
	[tilespmem:$0x19080] =	vst v63  }
0x6a2: {  	s24 =	simm.s32 $0xB080  }
0x6a3: {  	[tilespmem:s24], [sflag:$0x1] =	stream.indirect_vreg.gather [hbm4b:s10+s4], $0x80, v6, vm0, $0xb8;
	[tilespmem:$0x19080] =	vst v63  }
0x6a4: {  	s26 =	simm.s32 $0xB880;
	v5 =	vperm.xlane v5, v2  }
0x6a5: {  	[tilespmem:s26], [sflag:$0x1] =	stream.indirect_vreg.gather [hbm4b:s11+s4], $0x80, v6, vm0, $0xb8;
	[tilespmem:$0x19080] =	vst v63  }
0x6a6: {  	s29 =	simm.s32 $0xC080;
	v5 =	vadd.s32 v1, v5  }
0x6a7: {  	[tilespmem:s29], [sflag:$0x1] =	stream.indirect_vreg.gather [hbm4b:s12+s4], $0x80, v6, vm0, $0xb8;
	[tilespmem:$0x19080] =	vst v63  }
0x6a8: {  	s30 =	simm.s32 $0xC880  }
0x6a9: {  	[tilespmem:s30], [sflag:$0x1] =	stream.indirect_vreg.gather [hbm4b:s14+s4], $0x80, v6, vm0, $0xb8;
	[tilespmem:$0x19080] =	vst v63  }
0x6aa: {  	s31 =	simm.s32 $0xD080  }
0x6ab: {  	[tilespmem:s31], [sflag:$0x1] =	stream.indirect_vreg.gather [hbm4b:s0+s4], $0x80, v5, vm0, $0xb8;
	[tilespmem:$0x19080] =	vst v63  }
0x6ac: {  	s13 =	simm.s32 $0xD880  }
0x6ad: {  	[tilespmem:s13], [sflag:$0x1] =	stream.indirect_vreg.gather [hbm4b:s7+s4], $0x80, v5, vm0, $0xb8;
	[tilespmem:$0x19080] =	vst v63  }
0x6ae: {  	s23 =	simm.s32 $0xE080  }
0x6af: {  	[tilespmem:s23], [sflag:$0x1] =	stream.indirect_vreg.gather [hbm4b:s8+s4], $0x80, v5, vm0, $0xb8;
	[tilespmem:$0x19080] =	vst v63  }
0x6b0: {  	s24 =	simm.s32 $0xE880  }
0x6b1: {  	[tilespmem:s24], [sflag:$0x1] =	stream.indirect_vreg.gather [hbm4b:s9+s4], $0x80, v5, vm0, $0xb8;
	[tilespmem:$0x19080] =	vst v63  }
0x6b2: {  	s26 =	simm.s32 $0xF080  }
0x6b3: {  	[tilespmem:s26], [sflag:$0x1] =	stream.indirect_vreg.gather [hbm4b:s10+s4], $0x80, v5, vm0, $0xb8;
	[tilespmem:$0x19080] =	vst v63  }
0x6b4: {  	s29 =	simm.s32 $0xF880  }
0x6b5: {  	[tilespmem:s29], [sflag:$0x1] =	stream.indirect_vreg.gather [hbm4b:s11+s4], $0x80, v5, vm0, $0xb8;
	[tilespmem:$0x19080] =	vst v63  }
0x6b6: {  	p0 =	sgt.u32 s20, $0xF;
	s30 =	simm.s32 $0x10080  }
0x6b7: {  	[tilespmem:s30], [sflag:$0x1] =	stream.indirect_vreg.gather [hbm4b:s12+s4], $0x80, v5, vm0, $0xb8;
	[tilespmem:$0x19080] =	vst v63  }
.Ltmp91:
0x6b8: {  	s31 =	simm.s32 $0x10880;
	(pc) =	sbr.rel @p0 .LBB2_161-.Ltmp91, $4  }
0x6b9: {  	[tilespmem:s31], [sflag:$0x1] =	stream.indirect_vreg.gather [hbm4b:s14+s4], $0x80, v5, vm0, $0xb8;
	[tilespmem:$0x19080] =	vst v63  }
0x6ba: {  	_ =	swait.ge [sflag:s21], $0x8000  }
0x6bb: {  	[sflag:s21] =	ssyncset.done $0x0  }
0x6bc: {  	[sflag:s21] =	ssyncadd.s32 $0xFFFF8000  }
0x6bd: {  	s23 =	ssub.s32 $0x10, s20;
	s24 =	simm.s32 $0x0;
	s13 =	simm.s32 $0x0  }
.LBB2_158:
0x6be: {  	s2 =	sadd.s32 s20, s13  }
0x6bf: {  	s26 =	sshll.u32 s2, $0xB;
	s2 =	sshll.u32 s2, $0x7  }
0x6c0: {  	s26 =	sand.u32 $0xFFFFC000, s26;
	s2 =	sand.u32 $0x380, s2  }
0x6c1: {  	s2 =	sor.u32 s2, s26  }
0x6c2: {  	s26 =	sadd.s32 $0x9080, s2;
	s2 =	sand.u32 $0x3C00, s24  }
0x6c3: {  	s30 =	sand.u32 $0x70, s24;
	s2 =	sadd.s32 s2, s26  }
0x6c4: {  	s29 =	simm.s32 $0x10;
	s31 =	sadd.s32 s30, s2;
	s30 =	simm.s32 $0x0  }
.LBB2_159:
0x6c5: {  	p0 =	sne.s32 s29, $0x7F0  }
0x6c6: {  	[tilespmem:s31+$0x0] =	vst v3;
	s30 =	sadd.s32 $0x80, s30;
	s2 =	smov.u32 s29;
	s29 =	sadd.s32 $0x10, s29  }
.Ltmp92:
0x6c7: {  	(pc) =	sbr.rel @p0 .LBB2_159-.Ltmp92, $4  }
0x6c8: {  	_ = 	snop  }
0x6c9: {  	s31 =	sand.u32 $0x3C00, s30  }
0x6ca: {  	s2 =	sand.u32 $0x70, s2;
	s31 =	sadd.s32 s31, s26  }
0x6cb: {  	s31 =	sadd.s32 s2, s31  }
0x6cc: {  	s13 =	sadd.s32 $0x1, s13  }
0x6cd: {  	p0 =	sne.s32 s13, s23  }
.Ltmp93:
0x6ce: {  	_ = 	snop;
	(pc) =	sbr.rel @p0 .LBB2_158-.Ltmp93, $2  }
0x6cf: {  	_ =	sdelay $0x2  }
0x6d0: {  	[tilespmem:s31+$0x0] =	vst v3  }
.LBB2_161:
0x6d1: {  	s2 =	rddreg [dreg:$0x1f]  }
0x6d2: {  	[hbm4b:s2+s4] =	stream.linear.scatter [tilespmem:s28], [sflag:$0x2], $0x8000, $0x38;
	[tilespmem:$0x19080] =	vst v63  }
.LBB2_162:
0x6d3: {  	(v2sf) =	vpush v4, $0x7;
	_ =	sdelay $0xb  }
0x6d4: {  	p0 =	sne.s32 s20, $0x0  }
0x6d5: {  	s20 =	rddreg [dreg:$0x1f];
	s2 =	simm.s32 @!p0 $0x0;
	s13 =	simm.s32 @!p0 $0x1080  }
0x6d6: {  	[hbm4b:s20+s2] =	stream.linear.scatter @!p0 [tilespmem:s13], [sflag:$0x2], $0x8000, $0x38;
	[tilespmem:$0x19080] =	vst v63  }
0x6d7: {  	s20 =	spop (v2sf)  }
0x6d8: {  	p0 =	slt.s32 s20, $0x1  }
.Ltmp94:
0x6d9: {  	_ = 	snop;
	(pc) =	sbr.rel @p0 .LBB2_169-.Ltmp94, $4  }
0x6da: {  	_ = 	snop  }
0x6db: {  	_ =	swait.ge [sflag:s18], $0x8000  }
0x6dc: {  	[sflag:s18] =	ssyncset.done $0x0  }
0x6dd: {  	[sflag:s18] =	ssyncadd.s32 $0xFFFF8000  }
0x6de: {  	v5 =	vld [tilespmem:$0xB80];
	_ =	sdelay $0x4  }
0x6df: {  	v6 =	vshll.u32 v5, $0x4  }
0x6e0: {  	v5 =	vand.u32 $0x7, v5;
	v6 =	vand.u32 $0xFFFFFF80, v6  }
0x6e1: {  	v5 =	vor.u32 v5, v6  }
0x6e2: {  	v6 =	vperm.xlane v5, v0;
	_ =	sdelay $0x1  }
0x6e3: {  	v6 =	vadd.s32 v1, v6;
	_ =	sdelay $0x4  }
0x6e4: {  	[tilespmem:s22], [sflag:$0x1] =	stream.indirect_vreg.gather [hbm4b:s0+s4], $0x80, v6, vm0, $0xb8;
	[tilespmem:$0x19080] =	vst v63  }
0x6e5: {  	s2 =	simm.s32 $0x11880  }
0x6e6: {  	[tilespmem:s2], [sflag:$0x1] =	stream.indirect_vreg.gather [hbm4b:s7+s4], $0x80, v6, vm0, $0xb8;
	[tilespmem:$0x19080] =	vst v63  }
0x6e7: {  	s13 =	simm.s32 $0x12080  }
0x6e8: {  	[tilespmem:s13], [sflag:$0x1] =	stream.indirect_vreg.gather [hbm4b:s8+s4], $0x80, v6, vm0, $0xb8;
	[tilespmem:$0x19080] =	vst v63  }
0x6e9: {  	s23 =	simm.s32 $0x12880  }
0x6ea: {  	[tilespmem:s23], [sflag:$0x1] =	stream.indirect_vreg.gather [hbm4b:s9+s4], $0x80, v6, vm0, $0xb8;
	[tilespmem:$0x19080] =	vst v63  }
0x6eb: {  	s24 =	simm.s32 $0x13080  }
0x6ec: {  	[tilespmem:s24], [sflag:$0x1] =	stream.indirect_vreg.gather [hbm4b:s10+s4], $0x80, v6, vm0, $0xb8;
	[tilespmem:$0x19080] =	vst v63  }
0x6ed: {  	s26 =	simm.s32 $0x13880;
	v5 =	vperm.xlane v5, v2  }
0x6ee: {  	[tilespmem:s26], [sflag:$0x1] =	stream.indirect_vreg.gather [hbm4b:s11+s4], $0x80, v6, vm0, $0xb8;
	[tilespmem:$0x19080] =	vst v63  }
0x6ef: {  	s29 =	simm.s32 $0x14080;
	v5 =	vadd.s32 v1, v5  }
0x6f0: {  	[tilespmem:s29], [sflag:$0x1] =	stream.indirect_vreg.gather [hbm4b:s12+s4], $0x80, v6, vm0, $0xb8;
	[tilespmem:$0x19080] =	vst v63  }
0x6f1: {  	s30 =	simm.s32 $0x14880  }
0x6f2: {  	[tilespmem:s30], [sflag:$0x1] =	stream.indirect_vreg.gather [hbm4b:s14+s4], $0x80, v6, vm0, $0xb8;
	[tilespmem:$0x19080] =	vst v63  }
0x6f3: {  	s31 =	simm.s32 $0x15080  }
0x6f4: {  	[tilespmem:s31], [sflag:$0x1] =	stream.indirect_vreg.gather [hbm4b:s0+s4], $0x80, v5, vm0, $0xb8;
	[tilespmem:$0x19080] =	vst v63  }
0x6f5: {  	_ = 	snop  }
0x6f6: {  	[tilespmem:s1], [sflag:$0x1] =	stream.indirect_vreg.gather [hbm4b:s7+s4], $0x80, v5, vm0, $0xb8;
	[tilespmem:$0x19080] =	vst v63  }
0x6f7: {  	_ = 	snop  }
0x6f8: {  	[tilespmem:s3], [sflag:$0x1] =	stream.indirect_vreg.gather [hbm4b:s8+s4], $0x80, v5, vm0, $0xb8;
	[tilespmem:$0x19080] =	vst v63  }
0x6f9: {  	_ = 	snop  }
0x6fa: {  	[tilespmem:s5], [sflag:$0x1] =	stream.indirect_vreg.gather [hbm4b:s9+s4], $0x80, v5, vm0, $0xb8;
	[tilespmem:$0x19080] =	vst v63  }
0x6fb: {  	_ = 	snop  }
0x6fc: {  	[tilespmem:s6], [sflag:$0x1] =	stream.indirect_vreg.gather [hbm4b:s10+s4], $0x80, v5, vm0, $0xb8;
	[tilespmem:$0x19080] =	vst v63  }
0x6fd: {  	_ = 	snop  }
0x6fe: {  	[tilespmem:s25], [sflag:$0x1] =	stream.indirect_vreg.gather [hbm4b:s11+s4], $0x80, v5, vm0, $0xb8;
	[tilespmem:$0x19080] =	vst v63  }
0x6ff: {  	p0 =	sgt.u32 s20, $0xF  }
0x700: {  	[tilespmem:s15], [sflag:$0x1] =	stream.indirect_vreg.gather [hbm4b:s12+s4], $0x80, v5, vm0, $0xb8;
	[tilespmem:$0x19080] =	vst v63  }
.Ltmp95:
0x701: {  	_ = 	snop;
	(pc) =	sbr.rel @p0 .LBB2_168-.Ltmp95, $4  }
0x702: {  	[tilespmem:s16], [sflag:$0x1] =	stream.indirect_vreg.gather [hbm4b:s14+s4], $0x80, v5, vm0, $0xb8;
	[tilespmem:$0x19080] =	vst v63  }
0x703: {  	_ =	swait.ge [sflag:s21], $0x8000  }
0x704: {  	[sflag:s21] =	ssyncset.done $0x0  }
0x705: {  	[sflag:s21] =	ssyncadd.s32 $0xFFFF8000  }
0x706: {  	s23 =	ssub.s32 $0x10, s20;
	s24 =	simm.s32 $0x0;
	s13 =	simm.s32 $0x0  }
.LBB2_165:
0x707: {  	s2 =	sadd.s32 s20, s13  }
0x708: {  	s26 =	sshll.u32 s2, $0xB;
	s2 =	sshll.u32 s2, $0x7  }
0x709: {  	s26 =	sand.u32 $0xFFFFC000, s26;
	s2 =	sand.u32 $0x380, s2  }
0x70a: {  	s2 =	sor.u32 s2, s26  }
0x70b: {  	s26 =	sadd.s32 $0x11080, s2;
	s2 =	sand.u32 $0x3C00, s24  }
0x70c: {  	s30 =	sand.u32 $0x70, s24;
	s2 =	sadd.s32 s2, s26  }
0x70d: {  	s29 =	simm.s32 $0x10;
	s31 =	sadd.s32 s30, s2;
	s30 =	simm.s32 $0x0  }
.LBB2_166:
0x70e: {  	p0 =	sne.s32 s29, $0x7F0  }
0x70f: {  	[tilespmem:s31+$0x0] =	vst v3;
	s30 =	sadd.s32 $0x80, s30;
	s2 =	smov.u32 s29;
	s29 =	sadd.s32 $0x10, s29  }
.Ltmp96:
0x710: {  	(pc) =	sbr.rel @p0 .LBB2_166-.Ltmp96, $4  }
0x711: {  	_ = 	snop  }
0x712: {  	s31 =	sand.u32 $0x3C00, s30  }
0x713: {  	s2 =	sand.u32 $0x70, s2;
	s31 =	sadd.s32 s31, s26  }
0x714: {  	s31 =	sadd.s32 s2, s31  }
0x715: {  	s13 =	sadd.s32 $0x1, s13  }
0x716: {  	p0 =	sne.s32 s13, s23  }
.Ltmp97:
0x717: {  	_ = 	snop;
	(pc) =	sbr.rel @p0 .LBB2_165-.Ltmp97, $2  }
0x718: {  	_ =	sdelay $0x2  }
0x719: {  	[tilespmem:s31+$0x0] =	vst v3  }
.LBB2_168:
0x71a: {  	s2 =	sld [smem:$0x7F5];
	_ =	sdelay $0x2  }
0x71b: {  	[hbm4b:s2+s4] =	stream.linear.scatter [tilespmem:s22], [sflag:$0x3], $0x8000, $0x38;
	[tilespmem:$0x19080] =	vst v63  }
.LBB2_169:
0x71c: {  	(v2sf) =	vpush v4, $0x8;
	_ =	sdelay $0xa  }
0x71d: {  	p0 =	sne.s32 s20, $0x0;
	s20 =	sld [smem:$0x7F5];
	_ =	sdelay $0x1  }
0x71e: {  	s2 =	simm.s32 @!p0 $0x0;
	s13 =	simm.s32 @!p0 $0x1080  }
0x71f: {  	[hbm4b:s20+s2] =	stream.linear.scatter @!p0 [tilespmem:s13], [sflag:$0x3], $0x8000, $0x38;
	[tilespmem:$0x19080] =	vst v63  }
0x720: {  	s20 =	spop (v2sf)  }
0x721: {  	p0 =	slt.s32 s20, $0x1  }
.Ltmp98:
0x722: {  	_ = 	snop;
	(pc) =	sbr.rel @p0 .LBB2_176-.Ltmp98, $4  }
0x723: {  	_ = 	snop  }
0x724: {  	_ =	swait.ge [sflag:s17], $0x8000  }
0x725: {  	[sflag:s17] =	ssyncset.done $0x0  }
0x726: {  	[sflag:s17] =	ssyncadd.s32 $0xFFFF8000  }
0x727: {  	v5 =	vld [tilespmem:$0xC00];
	_ =	sdelay $0x4  }
0x728: {  	v6 =	vshll.u32 v5, $0x4  }
0x729: {  	v5 =	vand.u32 $0x7, v5;
	v6 =	vand.u32 $0xFFFFFF80, v6  }
0x72a: {  	v5 =	vor.u32 v5, v6  }
0x72b: {  	v6 =	vperm.xlane v5, v0;
	_ =	sdelay $0x1  }
0x72c: {  	v6 =	vadd.s32 v1, v6;
	_ =	sdelay $0x4  }
0x72d: {  	[tilespmem:s28], [sflag:$0x1] =	stream.indirect_vreg.gather [hbm4b:s0+s4], $0x80, v6, vm0, $0xb8;
	[tilespmem:$0x19080] =	vst v63  }
0x72e: {  	s2 =	simm.s32 $0x9880  }
0x72f: {  	[tilespmem:s2], [sflag:$0x1] =	stream.indirect_vreg.gather [hbm4b:s7+s4], $0x80, v6, vm0, $0xb8;
	[tilespmem:$0x19080] =	vst v63  }
0x730: {  	s13 =	simm.s32 $0xA080  }
0x731: {  	[tilespmem:s13], [sflag:$0x1] =	stream.indirect_vreg.gather [hbm4b:s8+s4], $0x80, v6, vm0, $0xb8;
	[tilespmem:$0x19080] =	vst v63  }
0x732: {  	s23 =	simm.s32 $0xA880  }
0x733: {  	[tilespmem:s23], [sflag:$0x1] =	stream.indirect_vreg.gather [hbm4b:s9+s4], $0x80, v6, vm0, $0xb8;
	[tilespmem:$0x19080] =	vst v63  }
0x734: {  	s24 =	simm.s32 $0xB080  }
0x735: {  	[tilespmem:s24], [sflag:$0x1] =	stream.indirect_vreg.gather [hbm4b:s10+s4], $0x80, v6, vm0, $0xb8;
	[tilespmem:$0x19080] =	vst v63  }
0x736: {  	s26 =	simm.s32 $0xB880;
	v5 =	vperm.xlane v5, v2  }
0x737: {  	[tilespmem:s26], [sflag:$0x1] =	stream.indirect_vreg.gather [hbm4b:s11+s4], $0x80, v6, vm0, $0xb8;
	[tilespmem:$0x19080] =	vst v63  }
0x738: {  	s29 =	simm.s32 $0xC080;
	v5 =	vadd.s32 v1, v5  }
0x739: {  	[tilespmem:s29], [sflag:$0x1] =	stream.indirect_vreg.gather [hbm4b:s12+s4], $0x80, v6, vm0, $0xb8;
	[tilespmem:$0x19080] =	vst v63  }
0x73a: {  	s30 =	simm.s32 $0xC880  }
0x73b: {  	[tilespmem:s30], [sflag:$0x1] =	stream.indirect_vreg.gather [hbm4b:s14+s4], $0x80, v6, vm0, $0xb8;
	[tilespmem:$0x19080] =	vst v63  }
0x73c: {  	s31 =	simm.s32 $0xD080  }
0x73d: {  	[tilespmem:s31], [sflag:$0x1] =	stream.indirect_vreg.gather [hbm4b:s0+s4], $0x80, v5, vm0, $0xb8;
	[tilespmem:$0x19080] =	vst v63  }
0x73e: {  	s13 =	simm.s32 $0xD880  }
0x73f: {  	[tilespmem:s13], [sflag:$0x1] =	stream.indirect_vreg.gather [hbm4b:s7+s4], $0x80, v5, vm0, $0xb8;
	[tilespmem:$0x19080] =	vst v63  }
0x740: {  	s23 =	simm.s32 $0xE080  }
0x741: {  	[tilespmem:s23], [sflag:$0x1] =	stream.indirect_vreg.gather [hbm4b:s8+s4], $0x80, v5, vm0, $0xb8;
	[tilespmem:$0x19080] =	vst v63  }
0x742: {  	s24 =	simm.s32 $0xE880  }
0x743: {  	[tilespmem:s24], [sflag:$0x1] =	stream.indirect_vreg.gather [hbm4b:s9+s4], $0x80, v5, vm0, $0xb8;
	[tilespmem:$0x19080] =	vst v63  }
0x744: {  	s26 =	simm.s32 $0xF080  }
0x745: {  	[tilespmem:s26], [sflag:$0x1] =	stream.indirect_vreg.gather [hbm4b:s10+s4], $0x80, v5, vm0, $0xb8;
	[tilespmem:$0x19080] =	vst v63  }
0x746: {  	s29 =	simm.s32 $0xF880  }
0x747: {  	[tilespmem:s29], [sflag:$0x1] =	stream.indirect_vreg.gather [hbm4b:s11+s4], $0x80, v5, vm0, $0xb8;
	[tilespmem:$0x19080] =	vst v63  }
0x748: {  	p0 =	sgt.u32 s20, $0xF;
	s30 =	simm.s32 $0x10080  }
0x749: {  	[tilespmem:s30], [sflag:$0x1] =	stream.indirect_vreg.gather [hbm4b:s12+s4], $0x80, v5, vm0, $0xb8;
	[tilespmem:$0x19080] =	vst v63  }
.Ltmp99:
0x74a: {  	s31 =	simm.s32 $0x10880;
	(pc) =	sbr.rel @p0 .LBB2_175-.Ltmp99, $4  }
0x74b: {  	[tilespmem:s31], [sflag:$0x1] =	stream.indirect_vreg.gather [hbm4b:s14+s4], $0x80, v5, vm0, $0xb8;
	[tilespmem:$0x19080] =	vst v63  }
0x74c: {  	_ =	swait.ge [sflag:s21], $0x8000  }
0x74d: {  	[sflag:s21] =	ssyncset.done $0x0  }
0x74e: {  	[sflag:s21] =	ssyncadd.s32 $0xFFFF8000  }
0x74f: {  	s23 =	ssub.s32 $0x10, s20;
	s24 =	simm.s32 $0x0;
	s13 =	simm.s32 $0x0  }
.LBB2_172:
0x750: {  	s2 =	sadd.s32 s20, s13  }
0x751: {  	s26 =	sshll.u32 s2, $0xB;
	s2 =	sshll.u32 s2, $0x7  }
0x752: {  	s26 =	sand.u32 $0xFFFFC000, s26;
	s2 =	sand.u32 $0x380, s2  }
0x753: {  	s2 =	sor.u32 s2, s26  }
0x754: {  	s26 =	sadd.s32 $0x9080, s2;
	s2 =	sand.u32 $0x3C00, s24  }
0x755: {  	s30 =	sand.u32 $0x70, s24;
	s2 =	sadd.s32 s2, s26  }
0x756: {  	s29 =	simm.s32 $0x10;
	s31 =	sadd.s32 s30, s2;
	s30 =	simm.s32 $0x0  }
.LBB2_173:
0x757: {  	p0 =	sne.s32 s29, $0x7F0  }
0x758: {  	[tilespmem:s31+$0x0] =	vst v3;
	s30 =	sadd.s32 $0x80, s30;
	s2 =	smov.u32 s29;
	s29 =	sadd.s32 $0x10, s29  }
.Ltmp100:
0x759: {  	(pc) =	sbr.rel @p0 .LBB2_173-.Ltmp100, $4  }
0x75a: {  	_ = 	snop  }
0x75b: {  	s31 =	sand.u32 $0x3C00, s30  }
0x75c: {  	s2 =	sand.u32 $0x70, s2;
	s31 =	sadd.s32 s31, s26  }
0x75d: {  	s31 =	sadd.s32 s2, s31  }
0x75e: {  	s13 =	sadd.s32 $0x1, s13  }
0x75f: {  	p0 =	sne.s32 s13, s23  }
.Ltmp101:
0x760: {  	_ = 	snop;
	(pc) =	sbr.rel @p0 .LBB2_172-.Ltmp101, $2  }
0x761: {  	_ =	sdelay $0x2  }
0x762: {  	[tilespmem:s31+$0x0] =	vst v3  }
.LBB2_175:
0x763: {  	s2 =	sld [smem:$0x7F6];
	_ =	sdelay $0x2  }
0x764: {  	[hbm4b:s2+s4] =	stream.linear.scatter [tilespmem:s28], [sflag:$0x2], $0x8000, $0x38;
	[tilespmem:$0x19080] =	vst v63  }
.LBB2_176:
0x765: {  	(v2sf) =	vpush v4, $0x9;
	_ =	sdelay $0xa  }
0x766: {  	p0 =	sne.s32 s20, $0x0;
	s20 =	sld [smem:$0x7F6];
	_ =	sdelay $0x1  }
0x767: {  	s2 =	simm.s32 @!p0 $0x0;
	s13 =	simm.s32 @!p0 $0x1080  }
0x768: {  	[hbm4b:s20+s2] =	stream.linear.scatter @!p0 [tilespmem:s13], [sflag:$0x2], $0x8000, $0x38;
	[tilespmem:$0x19080] =	vst v63  }
0x769: {  	s20 =	spop (v2sf)  }
0x76a: {  	p0 =	slt.s32 s20, $0x1  }
.Ltmp102:
0x76b: {  	_ = 	snop;
	(pc) =	sbr.rel @p0 .LBB2_183-.Ltmp102, $4  }
0x76c: {  	_ = 	snop  }
0x76d: {  	_ =	swait.ge [sflag:s18], $0x8000  }
0x76e: {  	[sflag:s18] =	ssyncset.done $0x0  }
0x76f: {  	[sflag:s18] =	ssyncadd.s32 $0xFFFF8000  }
0x770: {  	v5 =	vld [tilespmem:$0xC80];
	_ =	sdelay $0x4  }
0x771: {  	v6 =	vshll.u32 v5, $0x4  }
0x772: {  	v5 =	vand.u32 $0x7, v5;
	v6 =	vand.u32 $0xFFFFFF80, v6  }
0x773: {  	v5 =	vor.u32 v5, v6  }
0x774: {  	v6 =	vperm.xlane v5, v0;
	_ =	sdelay $0x1  }
0x775: {  	v6 =	vadd.s32 v1, v6;
	_ =	sdelay $0x4  }
0x776: {  	[tilespmem:s22], [sflag:$0x1] =	stream.indirect_vreg.gather [hbm4b:s0+s4], $0x80, v6, vm0, $0xb8;
	[tilespmem:$0x19080] =	vst v63  }
0x777: {  	s2 =	simm.s32 $0x11880  }
0x778: {  	[tilespmem:s2], [sflag:$0x1] =	stream.indirect_vreg.gather [hbm4b:s7+s4], $0x80, v6, vm0, $0xb8;
	[tilespmem:$0x19080] =	vst v63  }
0x779: {  	s13 =	simm.s32 $0x12080  }
0x77a: {  	[tilespmem:s13], [sflag:$0x1] =	stream.indirect_vreg.gather [hbm4b:s8+s4], $0x80, v6, vm0, $0xb8;
	[tilespmem:$0x19080] =	vst v63  }
0x77b: {  	s23 =	simm.s32 $0x12880  }
0x77c: {  	[tilespmem:s23], [sflag:$0x1] =	stream.indirect_vreg.gather [hbm4b:s9+s4], $0x80, v6, vm0, $0xb8;
	[tilespmem:$0x19080] =	vst v63  }
0x77d: {  	s24 =	simm.s32 $0x13080  }
0x77e: {  	[tilespmem:s24], [sflag:$0x1] =	stream.indirect_vreg.gather [hbm4b:s10+s4], $0x80, v6, vm0, $0xb8;
	[tilespmem:$0x19080] =	vst v63  }
0x77f: {  	s26 =	simm.s32 $0x13880;
	v5 =	vperm.xlane v5, v2  }
0x780: {  	[tilespmem:s26], [sflag:$0x1] =	stream.indirect_vreg.gather [hbm4b:s11+s4], $0x80, v6, vm0, $0xb8;
	[tilespmem:$0x19080] =	vst v63  }
0x781: {  	s29 =	simm.s32 $0x14080;
	v5 =	vadd.s32 v1, v5  }
0x782: {  	[tilespmem:s29], [sflag:$0x1] =	stream.indirect_vreg.gather [hbm4b:s12+s4], $0x80, v6, vm0, $0xb8;
	[tilespmem:$0x19080] =	vst v63  }
0x783: {  	s30 =	simm.s32 $0x14880  }
0x784: {  	[tilespmem:s30], [sflag:$0x1] =	stream.indirect_vreg.gather [hbm4b:s14+s4], $0x80, v6, vm0, $0xb8;
	[tilespmem:$0x19080] =	vst v63  }
0x785: {  	s31 =	simm.s32 $0x15080  }
0x786: {  	[tilespmem:s31], [sflag:$0x1] =	stream.indirect_vreg.gather [hbm4b:s0+s4], $0x80, v5, vm0, $0xb8;
	[tilespmem:$0x19080] =	vst v63  }
0x787: {  	_ = 	snop  }
0x788: {  	[tilespmem:s1], [sflag:$0x1] =	stream.indirect_vreg.gather [hbm4b:s7+s4], $0x80, v5, vm0, $0xb8;
	[tilespmem:$0x19080] =	vst v63  }
0x789: {  	_ = 	snop  }
0x78a: {  	[tilespmem:s3], [sflag:$0x1] =	stream.indirect_vreg.gather [hbm4b:s8+s4], $0x80, v5, vm0, $0xb8;
	[tilespmem:$0x19080] =	vst v63  }
0x78b: {  	_ = 	snop  }
0x78c: {  	[tilespmem:s5], [sflag:$0x1] =	stream.indirect_vreg.gather [hbm4b:s9+s4], $0x80, v5, vm0, $0xb8;
	[tilespmem:$0x19080] =	vst v63  }
0x78d: {  	_ = 	snop  }
0x78e: {  	[tilespmem:s6], [sflag:$0x1] =	stream.indirect_vreg.gather [hbm4b:s10+s4], $0x80, v5, vm0, $0xb8;
	[tilespmem:$0x19080] =	vst v63  }
0x78f: {  	_ = 	snop  }
0x790: {  	[tilespmem:s25], [sflag:$0x1] =	stream.indirect_vreg.gather [hbm4b:s11+s4], $0x80, v5, vm0, $0xb8;
	[tilespmem:$0x19080] =	vst v63  }
0x791: {  	p0 =	sgt.u32 s20, $0xF  }
0x792: {  	[tilespmem:s15], [sflag:$0x1] =	stream.indirect_vreg.gather [hbm4b:s12+s4], $0x80, v5, vm0, $0xb8;
	[tilespmem:$0x19080] =	vst v63  }
.Ltmp103:
0x793: {  	_ = 	snop;
	(pc) =	sbr.rel @p0 .LBB2_182-.Ltmp103, $4  }
0x794: {  	[tilespmem:s16], [sflag:$0x1] =	stream.indirect_vreg.gather [hbm4b:s14+s4], $0x80, v5, vm0, $0xb8;
	[tilespmem:$0x19080] =	vst v63  }
0x795: {  	_ =	swait.ge [sflag:s21], $0x8000  }
0x796: {  	[sflag:s21] =	ssyncset.done $0x0  }
0x797: {  	[sflag:s21] =	ssyncadd.s32 $0xFFFF8000  }
0x798: {  	s23 =	ssub.s32 $0x10, s20;
	s24 =	simm.s32 $0x0;
	s13 =	simm.s32 $0x0  }
.LBB2_179:
0x799: {  	s2 =	sadd.s32 s20, s13  }
0x79a: {  	s26 =	sshll.u32 s2, $0xB;
	s2 =	sshll.u32 s2, $0x7  }
0x79b: {  	s26 =	sand.u32 $0xFFFFC000, s26;
	s2 =	sand.u32 $0x380, s2  }
0x79c: {  	s2 =	sor.u32 s2, s26  }
0x79d: {  	s26 =	sadd.s32 $0x11080, s2;
	s2 =	sand.u32 $0x3C00, s24  }
0x79e: {  	s30 =	sand.u32 $0x70, s24;
	s2 =	sadd.s32 s2, s26  }
0x79f: {  	s29 =	simm.s32 $0x10;
	s31 =	sadd.s32 s30, s2;
	s30 =	simm.s32 $0x0  }
.LBB2_180:
0x7a0: {  	p0 =	sne.s32 s29, $0x7F0  }
0x7a1: {  	[tilespmem:s31+$0x0] =	vst v3;
	s30 =	sadd.s32 $0x80, s30;
	s2 =	smov.u32 s29;
	s29 =	sadd.s32 $0x10, s29  }
.Ltmp104:
0x7a2: {  	(pc) =	sbr.rel @p0 .LBB2_180-.Ltmp104, $4  }
0x7a3: {  	_ = 	snop  }
0x7a4: {  	s31 =	sand.u32 $0x3C00, s30  }
0x7a5: {  	s2 =	sand.u32 $0x70, s2;
	s31 =	sadd.s32 s31, s26  }
0x7a6: {  	s31 =	sadd.s32 s2, s31  }
0x7a7: {  	s13 =	sadd.s32 $0x1, s13  }
0x7a8: {  	p0 =	sne.s32 s13, s23  }
.Ltmp105:
0x7a9: {  	_ = 	snop;
	(pc) =	sbr.rel @p0 .LBB2_179-.Ltmp105, $2  }
0x7aa: {  	_ =	sdelay $0x2  }
0x7ab: {  	[tilespmem:s31+$0x0] =	vst v3  }
.LBB2_182:
0x7ac: {  	s2 =	sld [smem:$0x7F7];
	_ =	sdelay $0x2  }
0x7ad: {  	[hbm4b:s2+s4] =	stream.linear.scatter [tilespmem:s22], [sflag:$0x3], $0x8000, $0x38;
	[tilespmem:$0x19080] =	vst v63  }
.LBB2_183:
0x7ae: {  	(v2sf) =	vpush v4, $0xA;
	_ =	sdelay $0xa  }
0x7af: {  	p0 =	sne.s32 s20, $0x0;
	s20 =	sld [smem:$0x7F7];
	_ =	sdelay $0x1  }
0x7b0: {  	s2 =	simm.s32 @!p0 $0x0;
	s13 =	simm.s32 @!p0 $0x1080  }
0x7b1: {  	[hbm4b:s20+s2] =	stream.linear.scatter @!p0 [tilespmem:s13], [sflag:$0x3], $0x8000, $0x38;
	[tilespmem:$0x19080] =	vst v63  }
0x7b2: {  	s20 =	spop (v2sf)  }
0x7b3: {  	p0 =	slt.s32 s20, $0x1  }
.Ltmp106:
0x7b4: {  	_ = 	snop;
	(pc) =	sbr.rel @p0 .LBB2_190-.Ltmp106, $4  }
0x7b5: {  	_ = 	snop  }
0x7b6: {  	_ =	swait.ge [sflag:s17], $0x8000  }
0x7b7: {  	[sflag:s17] =	ssyncset.done $0x0  }
0x7b8: {  	[sflag:s17] =	ssyncadd.s32 $0xFFFF8000  }
0x7b9: {  	v5 =	vld [tilespmem:$0xD00];
	_ =	sdelay $0x4  }
0x7ba: {  	v6 =	vshll.u32 v5, $0x4  }
0x7bb: {  	v5 =	vand.u32 $0x7, v5;
	v6 =	vand.u32 $0xFFFFFF80, v6  }
0x7bc: {  	v5 =	vor.u32 v5, v6  }
0x7bd: {  	v6 =	vperm.xlane v5, v0;
	_ =	sdelay $0x1  }
0x7be: {  	v6 =	vadd.s32 v1, v6;
	_ =	sdelay $0x4  }
0x7bf: {  	[tilespmem:s28], [sflag:$0x1] =	stream.indirect_vreg.gather [hbm4b:s0+s4], $0x80, v6, vm0, $0xb8;
	[tilespmem:$0x19080] =	vst v63  }
0x7c0: {  	s2 =	simm.s32 $0x9880  }
0x7c1: {  	[tilespmem:s2], [sflag:$0x1] =	stream.indirect_vreg.gather [hbm4b:s7+s4], $0x80, v6, vm0, $0xb8;
	[tilespmem:$0x19080] =	vst v63  }
0x7c2: {  	s13 =	simm.s32 $0xA080  }
0x7c3: {  	[tilespmem:s13], [sflag:$0x1] =	stream.indirect_vreg.gather [hbm4b:s8+s4], $0x80, v6, vm0, $0xb8;
	[tilespmem:$0x19080] =	vst v63  }
0x7c4: {  	s23 =	simm.s32 $0xA880  }
0x7c5: {  	[tilespmem:s23], [sflag:$0x1] =	stream.indirect_vreg.gather [hbm4b:s9+s4], $0x80, v6, vm0, $0xb8;
	[tilespmem:$0x19080] =	vst v63  }
0x7c6: {  	s24 =	simm.s32 $0xB080  }
0x7c7: {  	[tilespmem:s24], [sflag:$0x1] =	stream.indirect_vreg.gather [hbm4b:s10+s4], $0x80, v6, vm0, $0xb8;
	[tilespmem:$0x19080] =	vst v63  }
0x7c8: {  	s26 =	simm.s32 $0xB880;
	v5 =	vperm.xlane v5, v2  }
0x7c9: {  	[tilespmem:s26], [sflag:$0x1] =	stream.indirect_vreg.gather [hbm4b:s11+s4], $0x80, v6, vm0, $0xb8;
	[tilespmem:$0x19080] =	vst v63  }
0x7ca: {  	s29 =	simm.s32 $0xC080;
	v5 =	vadd.s32 v1, v5  }
0x7cb: {  	[tilespmem:s29], [sflag:$0x1] =	stream.indirect_vreg.gather [hbm4b:s12+s4], $0x80, v6, vm0, $0xb8;
	[tilespmem:$0x19080] =	vst v63  }
0x7cc: {  	s30 =	simm.s32 $0xC880  }
0x7cd: {  	[tilespmem:s30], [sflag:$0x1] =	stream.indirect_vreg.gather [hbm4b:s14+s4], $0x80, v6, vm0, $0xb8;
	[tilespmem:$0x19080] =	vst v63  }
0x7ce: {  	s31 =	simm.s32 $0xD080  }
0x7cf: {  	[tilespmem:s31], [sflag:$0x1] =	stream.indirect_vreg.gather [hbm4b:s0+s4], $0x80, v5, vm0, $0xb8;
	[tilespmem:$0x19080] =	vst v63  }
0x7d0: {  	s13 =	simm.s32 $0xD880  }
0x7d1: {  	[tilespmem:s13], [sflag:$0x1] =	stream.indirect_vreg.gather [hbm4b:s7+s4], $0x80, v5, vm0, $0xb8;
	[tilespmem:$0x19080] =	vst v63  }
0x7d2: {  	s23 =	simm.s32 $0xE080  }
0x7d3: {  	[tilespmem:s23], [sflag:$0x1] =	stream.indirect_vreg.gather [hbm4b:s8+s4], $0x80, v5, vm0, $0xb8;
	[tilespmem:$0x19080] =	vst v63  }
0x7d4: {  	s24 =	simm.s32 $0xE880  }
0x7d5: {  	[tilespmem:s24], [sflag:$0x1] =	stream.indirect_vreg.gather [hbm4b:s9+s4], $0x80, v5, vm0, $0xb8;
	[tilespmem:$0x19080] =	vst v63  }
0x7d6: {  	s26 =	simm.s32 $0xF080  }
0x7d7: {  	[tilespmem:s26], [sflag:$0x1] =	stream.indirect_vreg.gather [hbm4b:s10+s4], $0x80, v5, vm0, $0xb8;
	[tilespmem:$0x19080] =	vst v63  }
0x7d8: {  	s29 =	simm.s32 $0xF880  }
0x7d9: {  	[tilespmem:s29], [sflag:$0x1] =	stream.indirect_vreg.gather [hbm4b:s11+s4], $0x80, v5, vm0, $0xb8;
	[tilespmem:$0x19080] =	vst v63  }
0x7da: {  	p0 =	sgt.u32 s20, $0xF;
	s30 =	simm.s32 $0x10080  }
0x7db: {  	[tilespmem:s30], [sflag:$0x1] =	stream.indirect_vreg.gather [hbm4b:s12+s4], $0x80, v5, vm0, $0xb8;
	[tilespmem:$0x19080] =	vst v63  }
.Ltmp107:
0x7dc: {  	s31 =	simm.s32 $0x10880;
	(pc) =	sbr.rel @p0 .LBB2_189-.Ltmp107, $4  }
0x7dd: {  	[tilespmem:s31], [sflag:$0x1] =	stream.indirect_vreg.gather [hbm4b:s14+s4], $0x80, v5, vm0, $0xb8;
	[tilespmem:$0x19080] =	vst v63  }
0x7de: {  	_ =	swait.ge [sflag:s21], $0x8000  }
0x7df: {  	[sflag:s21] =	ssyncset.done $0x0  }
0x7e0: {  	[sflag:s21] =	ssyncadd.s32 $0xFFFF8000  }
0x7e1: {  	s23 =	ssub.s32 $0x10, s20;
	s24 =	simm.s32 $0x0;
	s13 =	simm.s32 $0x0  }
.LBB2_186:
0x7e2: {  	s2 =	sadd.s32 s20, s13  }
0x7e3: {  	s26 =	sshll.u32 s2, $0xB;
	s2 =	sshll.u32 s2, $0x7  }
0x7e4: {  	s26 =	sand.u32 $0xFFFFC000, s26;
	s2 =	sand.u32 $0x380, s2  }
0x7e5: {  	s2 =	sor.u32 s2, s26  }
0x7e6: {  	s26 =	sadd.s32 $0x9080, s2;
	s2 =	sand.u32 $0x3C00, s24  }
0x7e7: {  	s30 =	sand.u32 $0x70, s24;
	s2 =	sadd.s32 s2, s26  }
0x7e8: {  	s29 =	simm.s32 $0x10;
	s31 =	sadd.s32 s30, s2;
	s30 =	simm.s32 $0x0  }
.LBB2_187:
0x7e9: {  	p0 =	sne.s32 s29, $0x7F0  }
0x7ea: {  	[tilespmem:s31+$0x0] =	vst v3;
	s30 =	sadd.s32 $0x80, s30;
	s2 =	smov.u32 s29;
	s29 =	sadd.s32 $0x10, s29  }
.Ltmp108:
0x7eb: {  	(pc) =	sbr.rel @p0 .LBB2_187-.Ltmp108, $4  }
0x7ec: {  	_ = 	snop  }
0x7ed: {  	s31 =	sand.u32 $0x3C00, s30  }
0x7ee: {  	s2 =	sand.u32 $0x70, s2;
	s31 =	sadd.s32 s31, s26  }
0x7ef: {  	s31 =	sadd.s32 s2, s31  }
0x7f0: {  	s13 =	sadd.s32 $0x1, s13  }
0x7f1: {  	p0 =	sne.s32 s13, s23  }
.Ltmp109:
0x7f2: {  	_ = 	snop;
	(pc) =	sbr.rel @p0 .LBB2_186-.Ltmp109, $2  }
0x7f3: {  	_ =	sdelay $0x2  }
0x7f4: {  	[tilespmem:s31+$0x0] =	vst v3  }
.LBB2_189:
0x7f5: {  	s2 =	sld [smem:$0x7F8];
	_ =	sdelay $0x2  }
0x7f6: {  	[hbm4b:s2+s4] =	stream.linear.scatter [tilespmem:s28], [sflag:$0x2], $0x8000, $0x38;
	[tilespmem:$0x19080] =	vst v63  }
.LBB2_190:
0x7f7: {  	(v2sf) =	vpush v4, $0xB;
	_ =	sdelay $0xa  }
0x7f8: {  	p0 =	sne.s32 s20, $0x0;
	s20 =	sld [smem:$0x7F8];
	_ =	sdelay $0x1  }
0x7f9: {  	s2 =	simm.s32 @!p0 $0x0;
	s13 =	simm.s32 @!p0 $0x1080  }
0x7fa: {  	[hbm4b:s20+s2] =	stream.linear.scatter @!p0 [tilespmem:s13], [sflag:$0x2], $0x8000, $0x38;
	[tilespmem:$0x19080] =	vst v63  }
0x7fb: {  	s20 =	spop (v2sf)  }
0x7fc: {  	p0 =	slt.s32 s20, $0x1  }
.Ltmp110:
0x7fd: {  	_ = 	snop;
	(pc) =	sbr.rel @p0 .LBB2_197-.Ltmp110, $4  }
0x7fe: {  	_ = 	snop  }
0x7ff: {  	_ =	swait.ge [sflag:s18], $0x8000  }
0x800: {  	[sflag:s18] =	ssyncset.done $0x0  }
0x801: {  	[sflag:s18] =	ssyncadd.s32 $0xFFFF8000  }
0x802: {  	v5 =	vld [tilespmem:$0xD80];
	_ =	sdelay $0x4  }
0x803: {  	v6 =	vshll.u32 v5, $0x4  }
0x804: {  	v5 =	vand.u32 $0x7, v5;
	v6 =	vand.u32 $0xFFFFFF80, v6  }
0x805: {  	v5 =	vor.u32 v5, v6  }
0x806: {  	v6 =	vperm.xlane v5, v0;
	_ =	sdelay $0x1  }
0x807: {  	v6 =	vadd.s32 v1, v6;
	_ =	sdelay $0x4  }
0x808: {  	[tilespmem:s22], [sflag:$0x1] =	stream.indirect_vreg.gather [hbm4b:s0+s4], $0x80, v6, vm0, $0xb8;
	[tilespmem:$0x19080] =	vst v63  }
0x809: {  	s2 =	simm.s32 $0x11880  }
0x80a: {  	[tilespmem:s2], [sflag:$0x1] =	stream.indirect_vreg.gather [hbm4b:s7+s4], $0x80, v6, vm0, $0xb8;
	[tilespmem:$0x19080] =	vst v63  }
0x80b: {  	s13 =	simm.s32 $0x12080  }
0x80c: {  	[tilespmem:s13], [sflag:$0x1] =	stream.indirect_vreg.gather [hbm4b:s8+s4], $0x80, v6, vm0, $0xb8;
	[tilespmem:$0x19080] =	vst v63  }
0x80d: {  	s23 =	simm.s32 $0x12880  }
0x80e: {  	[tilespmem:s23], [sflag:$0x1] =	stream.indirect_vreg.gather [hbm4b:s9+s4], $0x80, v6, vm0, $0xb8;
	[tilespmem:$0x19080] =	vst v63  }
0x80f: {  	s24 =	simm.s32 $0x13080  }
0x810: {  	[tilespmem:s24], [sflag:$0x1] =	stream.indirect_vreg.gather [hbm4b:s10+s4], $0x80, v6, vm0, $0xb8;
	[tilespmem:$0x19080] =	vst v63  }
0x811: {  	s26 =	simm.s32 $0x13880;
	v5 =	vperm.xlane v5, v2  }
0x812: {  	[tilespmem:s26], [sflag:$0x1] =	stream.indirect_vreg.gather [hbm4b:s11+s4], $0x80, v6, vm0, $0xb8;
	[tilespmem:$0x19080] =	vst v63  }
0x813: {  	s29 =	simm.s32 $0x14080;
	v5 =	vadd.s32 v1, v5  }
0x814: {  	[tilespmem:s29], [sflag:$0x1] =	stream.indirect_vreg.gather [hbm4b:s12+s4], $0x80, v6, vm0, $0xb8;
	[tilespmem:$0x19080] =	vst v63  }
0x815: {  	s30 =	simm.s32 $0x14880  }
0x816: {  	[tilespmem:s30], [sflag:$0x1] =	stream.indirect_vreg.gather [hbm4b:s14+s4], $0x80, v6, vm0, $0xb8;
	[tilespmem:$0x19080] =	vst v63  }
0x817: {  	s31 =	simm.s32 $0x15080  }
0x818: {  	[tilespmem:s31], [sflag:$0x1] =	stream.indirect_vreg.gather [hbm4b:s0+s4], $0x80, v5, vm0, $0xb8;
	[tilespmem:$0x19080] =	vst v63  }
0x819: {  	_ = 	snop  }
0x81a: {  	[tilespmem:s1], [sflag:$0x1] =	stream.indirect_vreg.gather [hbm4b:s7+s4], $0x80, v5, vm0, $0xb8;
	[tilespmem:$0x19080] =	vst v63  }
0x81b: {  	_ = 	snop  }
0x81c: {  	[tilespmem:s3], [sflag:$0x1] =	stream.indirect_vreg.gather [hbm4b:s8+s4], $0x80, v5, vm0, $0xb8;
	[tilespmem:$0x19080] =	vst v63  }
0x81d: {  	_ = 	snop  }
0x81e: {  	[tilespmem:s5], [sflag:$0x1] =	stream.indirect_vreg.gather [hbm4b:s9+s4], $0x80, v5, vm0, $0xb8;
	[tilespmem:$0x19080] =	vst v63  }
0x81f: {  	_ = 	snop  }
0x820: {  	[tilespmem:s6], [sflag:$0x1] =	stream.indirect_vreg.gather [hbm4b:s10+s4], $0x80, v5, vm0, $0xb8;
	[tilespmem:$0x19080] =	vst v63  }
0x821: {  	_ = 	snop  }
0x822: {  	[tilespmem:s25], [sflag:$0x1] =	stream.indirect_vreg.gather [hbm4b:s11+s4], $0x80, v5, vm0, $0xb8;
	[tilespmem:$0x19080] =	vst v63  }
0x823: {  	p0 =	sgt.u32 s20, $0xF  }
0x824: {  	[tilespmem:s15], [sflag:$0x1] =	stream.indirect_vreg.gather [hbm4b:s12+s4], $0x80, v5, vm0, $0xb8;
	[tilespmem:$0x19080] =	vst v63  }
.Ltmp111:
0x825: {  	_ = 	snop;
	(pc) =	sbr.rel @p0 .LBB2_196-.Ltmp111, $4  }
0x826: {  	[tilespmem:s16], [sflag:$0x1] =	stream.indirect_vreg.gather [hbm4b:s14+s4], $0x80, v5, vm0, $0xb8;
	[tilespmem:$0x19080] =	vst v63  }
0x827: {  	_ =	swait.ge [sflag:s21], $0x8000  }
0x828: {  	[sflag:s21] =	ssyncset.done $0x0  }
0x829: {  	[sflag:s21] =	ssyncadd.s32 $0xFFFF8000  }
0x82a: {  	s23 =	ssub.s32 $0x10, s20;
	s24 =	simm.s32 $0x0;
	s13 =	simm.s32 $0x0  }
.LBB2_193:
0x82b: {  	s2 =	sadd.s32 s20, s13  }
0x82c: {  	s26 =	sshll.u32 s2, $0xB;
	s2 =	sshll.u32 s2, $0x7  }
0x82d: {  	s26 =	sand.u32 $0xFFFFC000, s26;
	s2 =	sand.u32 $0x380, s2  }
0x82e: {  	s2 =	sor.u32 s2, s26  }
0x82f: {  	s26 =	sadd.s32 $0x11080, s2;
	s2 =	sand.u32 $0x3C00, s24  }
0x830: {  	s30 =	sand.u32 $0x70, s24;
	s2 =	sadd.s32 s2, s26  }
0x831: {  	s29 =	simm.s32 $0x10;
	s31 =	sadd.s32 s30, s2;
	s30 =	simm.s32 $0x0  }
.LBB2_194:
0x832: {  	p0 =	sne.s32 s29, $0x7F0  }
0x833: {  	[tilespmem:s31+$0x0] =	vst v3;
	s30 =	sadd.s32 $0x80, s30;
	s2 =	smov.u32 s29;
	s29 =	sadd.s32 $0x10, s29  }
.Ltmp112:
0x834: {  	(pc) =	sbr.rel @p0 .LBB2_194-.Ltmp112, $4  }
0x835: {  	_ = 	snop  }
0x836: {  	s31 =	sand.u32 $0x3C00, s30  }
0x837: {  	s2 =	sand.u32 $0x70, s2;
	s31 =	sadd.s32 s31, s26  }
0x838: {  	s31 =	sadd.s32 s2, s31  }
0x839: {  	s13 =	sadd.s32 $0x1, s13  }
0x83a: {  	p0 =	sne.s32 s13, s23  }
.Ltmp113:
0x83b: {  	_ = 	snop;
	(pc) =	sbr.rel @p0 .LBB2_193-.Ltmp113, $2  }
0x83c: {  	_ =	sdelay $0x2  }
0x83d: {  	[tilespmem:s31+$0x0] =	vst v3  }
.LBB2_196:
0x83e: {  	s2 =	sld [smem:$0x7F9];
	_ =	sdelay $0x2  }
0x83f: {  	[hbm4b:s2+s4] =	stream.linear.scatter [tilespmem:s22], [sflag:$0x3], $0x8000, $0x38;
	[tilespmem:$0x19080] =	vst v63  }
.LBB2_197:
0x840: {  	(v2sf) =	vpush v4, $0xC;
	_ =	sdelay $0xa  }
0x841: {  	p0 =	sne.s32 s20, $0x0;
	s20 =	sld [smem:$0x7F9];
	_ =	sdelay $0x1  }
0x842: {  	s2 =	simm.s32 @!p0 $0x0;
	s13 =	simm.s32 @!p0 $0x1080  }
0x843: {  	[hbm4b:s20+s2] =	stream.linear.scatter @!p0 [tilespmem:s13], [sflag:$0x3], $0x8000, $0x38;
	[tilespmem:$0x19080] =	vst v63  }
0x844: {  	s20 =	spop (v2sf)  }
0x845: {  	p0 =	slt.s32 s20, $0x1  }
.Ltmp114:
0x846: {  	_ = 	snop;
	(pc) =	sbr.rel @p0 .LBB2_204-.Ltmp114, $4  }
0x847: {  	_ = 	snop  }
0x848: {  	_ =	swait.ge [sflag:s17], $0x8000  }
0x849: {  	[sflag:s17] =	ssyncset.done $0x0  }
0x84a: {  	[sflag:s17] =	ssyncadd.s32 $0xFFFF8000  }
0x84b: {  	v5 =	vld [tilespmem:$0xE00];
	_ =	sdelay $0x4  }
0x84c: {  	v6 =	vshll.u32 v5, $0x4  }
0x84d: {  	v5 =	vand.u32 $0x7, v5;
	v6 =	vand.u32 $0xFFFFFF80, v6  }
0x84e: {  	v5 =	vor.u32 v5, v6  }
0x84f: {  	v6 =	vperm.xlane v5, v0;
	_ =	sdelay $0x1  }
0x850: {  	v6 =	vadd.s32 v1, v6;
	_ =	sdelay $0x4  }
0x851: {  	[tilespmem:s28], [sflag:$0x1] =	stream.indirect_vreg.gather [hbm4b:s0+s4], $0x80, v6, vm0, $0xb8;
	[tilespmem:$0x19080] =	vst v63  }
0x852: {  	s2 =	simm.s32 $0x9880  }
0x853: {  	[tilespmem:s2], [sflag:$0x1] =	stream.indirect_vreg.gather [hbm4b:s7+s4], $0x80, v6, vm0, $0xb8;
	[tilespmem:$0x19080] =	vst v63  }
0x854: {  	s13 =	simm.s32 $0xA080  }
0x855: {  	[tilespmem:s13], [sflag:$0x1] =	stream.indirect_vreg.gather [hbm4b:s8+s4], $0x80, v6, vm0, $0xb8;
	[tilespmem:$0x19080] =	vst v63  }
0x856: {  	s23 =	simm.s32 $0xA880  }
0x857: {  	[tilespmem:s23], [sflag:$0x1] =	stream.indirect_vreg.gather [hbm4b:s9+s4], $0x80, v6, vm0, $0xb8;
	[tilespmem:$0x19080] =	vst v63  }
0x858: {  	s24 =	simm.s32 $0xB080  }
0x859: {  	[tilespmem:s24], [sflag:$0x1] =	stream.indirect_vreg.gather [hbm4b:s10+s4], $0x80, v6, vm0, $0xb8;
	[tilespmem:$0x19080] =	vst v63  }
0x85a: {  	s26 =	simm.s32 $0xB880;
	v5 =	vperm.xlane v5, v2  }
0x85b: {  	[tilespmem:s26], [sflag:$0x1] =	stream.indirect_vreg.gather [hbm4b:s11+s4], $0x80, v6, vm0, $0xb8;
	[tilespmem:$0x19080] =	vst v63  }
0x85c: {  	s29 =	simm.s32 $0xC080;
	v5 =	vadd.s32 v1, v5  }
0x85d: {  	[tilespmem:s29], [sflag:$0x1] =	stream.indirect_vreg.gather [hbm4b:s12+s4], $0x80, v6, vm0, $0xb8;
	[tilespmem:$0x19080] =	vst v63  }
0x85e: {  	s30 =	simm.s32 $0xC880  }
0x85f: {  	[tilespmem:s30], [sflag:$0x1] =	stream.indirect_vreg.gather [hbm4b:s14+s4], $0x80, v6, vm0, $0xb8;
	[tilespmem:$0x19080] =	vst v63  }
0x860: {  	s31 =	simm.s32 $0xD080  }
0x861: {  	[tilespmem:s31], [sflag:$0x1] =	stream.indirect_vreg.gather [hbm4b:s0+s4], $0x80, v5, vm0, $0xb8;
	[tilespmem:$0x19080] =	vst v63  }
0x862: {  	s13 =	simm.s32 $0xD880  }
0x863: {  	[tilespmem:s13], [sflag:$0x1] =	stream.indirect_vreg.gather [hbm4b:s7+s4], $0x80, v5, vm0, $0xb8;
	[tilespmem:$0x19080] =	vst v63  }
0x864: {  	s23 =	simm.s32 $0xE080  }
0x865: {  	[tilespmem:s23], [sflag:$0x1] =	stream.indirect_vreg.gather [hbm4b:s8+s4], $0x80, v5, vm0, $0xb8;
	[tilespmem:$0x19080] =	vst v63  }
0x866: {  	s24 =	simm.s32 $0xE880  }
0x867: {  	[tilespmem:s24], [sflag:$0x1] =	stream.indirect_vreg.gather [hbm4b:s9+s4], $0x80, v5, vm0, $0xb8;
	[tilespmem:$0x19080] =	vst v63  }
0x868: {  	s26 =	simm.s32 $0xF080  }
0x869: {  	[tilespmem:s26], [sflag:$0x1] =	stream.indirect_vreg.gather [hbm4b:s10+s4], $0x80, v5, vm0, $0xb8;
	[tilespmem:$0x19080] =	vst v63  }
0x86a: {  	s29 =	simm.s32 $0xF880  }
0x86b: {  	[tilespmem:s29], [sflag:$0x1] =	stream.indirect_vreg.gather [hbm4b:s11+s4], $0x80, v5, vm0, $0xb8;
	[tilespmem:$0x19080] =	vst v63  }
0x86c: {  	p0 =	sgt.u32 s20, $0xF;
	s30 =	simm.s32 $0x10080  }
0x86d: {  	[tilespmem:s30], [sflag:$0x1] =	stream.indirect_vreg.gather [hbm4b:s12+s4], $0x80, v5, vm0, $0xb8;
	[tilespmem:$0x19080] =	vst v63  }
.Ltmp115:
0x86e: {  	s31 =	simm.s32 $0x10880;
	(pc) =	sbr.rel @p0 .LBB2_203-.Ltmp115, $4  }
0x86f: {  	[tilespmem:s31], [sflag:$0x1] =	stream.indirect_vreg.gather [hbm4b:s14+s4], $0x80, v5, vm0, $0xb8;
	[tilespmem:$0x19080] =	vst v63  }
0x870: {  	_ =	swait.ge [sflag:s21], $0x8000  }
0x871: {  	[sflag:s21] =	ssyncset.done $0x0  }
0x872: {  	[sflag:s21] =	ssyncadd.s32 $0xFFFF8000  }
0x873: {  	s23 =	ssub.s32 $0x10, s20;
	s24 =	simm.s32 $0x0;
	s13 =	simm.s32 $0x0  }
.LBB2_200:
0x874: {  	s2 =	sadd.s32 s20, s13  }
0x875: {  	s26 =	sshll.u32 s2, $0xB;
	s2 =	sshll.u32 s2, $0x7  }
0x876: {  	s26 =	sand.u32 $0xFFFFC000, s26;
	s2 =	sand.u32 $0x380, s2  }
0x877: {  	s2 =	sor.u32 s2, s26  }
0x878: {  	s26 =	sadd.s32 $0x9080, s2;
	s2 =	sand.u32 $0x3C00, s24  }
0x879: {  	s30 =	sand.u32 $0x70, s24;
	s2 =	sadd.s32 s2, s26  }
0x87a: {  	s29 =	simm.s32 $0x10;
	s31 =	sadd.s32 s30, s2;
	s30 =	simm.s32 $0x0  }
.LBB2_201:
0x87b: {  	p0 =	sne.s32 s29, $0x7F0  }
0x87c: {  	[tilespmem:s31+$0x0] =	vst v3;
	s30 =	sadd.s32 $0x80, s30;
	s2 =	smov.u32 s29;
	s29 =	sadd.s32 $0x10, s29  }
.Ltmp116:
0x87d: {  	(pc) =	sbr.rel @p0 .LBB2_201-.Ltmp116, $4  }
0x87e: {  	_ = 	snop  }
0x87f: {  	s31 =	sand.u32 $0x3C00, s30  }
0x880: {  	s2 =	sand.u32 $0x70, s2;
	s31 =	sadd.s32 s31, s26  }
0x881: {  	s31 =	sadd.s32 s2, s31  }
0x882: {  	s13 =	sadd.s32 $0x1, s13  }
0x883: {  	p0 =	sne.s32 s13, s23  }
.Ltmp117:
0x884: {  	_ = 	snop;
	(pc) =	sbr.rel @p0 .LBB2_200-.Ltmp117, $2  }
0x885: {  	_ =	sdelay $0x2  }
0x886: {  	[tilespmem:s31+$0x0] =	vst v3  }
.LBB2_203:
0x887: {  	s2 =	sld [smem:$0x7FA];
	_ =	sdelay $0x2  }
0x888: {  	[hbm4b:s2+s4] =	stream.linear.scatter [tilespmem:s28], [sflag:$0x2], $0x8000, $0x38;
	[tilespmem:$0x19080] =	vst v63  }
.LBB2_204:
0x889: {  	(v2sf) =	vpush v4, $0xD;
	_ =	sdelay $0xa  }
0x88a: {  	p0 =	sne.s32 s20, $0x0;
	s20 =	sld [smem:$0x7FA];
	_ =	sdelay $0x1  }
0x88b: {  	s2 =	simm.s32 @!p0 $0x0;
	s13 =	simm.s32 @!p0 $0x1080  }
0x88c: {  	[hbm4b:s20+s2] =	stream.linear.scatter @!p0 [tilespmem:s13], [sflag:$0x2], $0x8000, $0x38;
	[tilespmem:$0x19080] =	vst v63  }
0x88d: {  	s20 =	spop (v2sf)  }
0x88e: {  	p0 =	slt.s32 s20, $0x1  }
.Ltmp118:
0x88f: {  	_ = 	snop;
	(pc) =	sbr.rel @p0 .LBB2_211-.Ltmp118, $4  }
0x890: {  	_ = 	snop  }
0x891: {  	_ =	swait.ge [sflag:s18], $0x8000  }
0x892: {  	[sflag:s18] =	ssyncset.done $0x0  }
0x893: {  	[sflag:s18] =	ssyncadd.s32 $0xFFFF8000  }
0x894: {  	v5 =	vld [tilespmem:$0xE80];
	_ =	sdelay $0x4  }
0x895: {  	v6 =	vshll.u32 v5, $0x4  }
0x896: {  	v5 =	vand.u32 $0x7, v5;
	v6 =	vand.u32 $0xFFFFFF80, v6  }
0x897: {  	v5 =	vor.u32 v5, v6  }
0x898: {  	v6 =	vperm.xlane v5, v0;
	_ =	sdelay $0x1  }
0x899: {  	v6 =	vadd.s32 v1, v6;
	_ =	sdelay $0x4  }
0x89a: {  	[tilespmem:s22], [sflag:$0x1] =	stream.indirect_vreg.gather [hbm4b:s0+s4], $0x80, v6, vm0, $0xb8;
	[tilespmem:$0x19080] =	vst v63  }
0x89b: {  	s2 =	simm.s32 $0x11880  }
0x89c: {  	[tilespmem:s2], [sflag:$0x1] =	stream.indirect_vreg.gather [hbm4b:s7+s4], $0x80, v6, vm0, $0xb8;
	[tilespmem:$0x19080] =	vst v63  }
0x89d: {  	s13 =	simm.s32 $0x12080  }
0x89e: {  	[tilespmem:s13], [sflag:$0x1] =	stream.indirect_vreg.gather [hbm4b:s8+s4], $0x80, v6, vm0, $0xb8;
	[tilespmem:$0x19080] =	vst v63  }
0x89f: {  	s23 =	simm.s32 $0x12880  }
0x8a0: {  	[tilespmem:s23], [sflag:$0x1] =	stream.indirect_vreg.gather [hbm4b:s9+s4], $0x80, v6, vm0, $0xb8;
	[tilespmem:$0x19080] =	vst v63  }
0x8a1: {  	s24 =	simm.s32 $0x13080  }
0x8a2: {  	[tilespmem:s24], [sflag:$0x1] =	stream.indirect_vreg.gather [hbm4b:s10+s4], $0x80, v6, vm0, $0xb8;
	[tilespmem:$0x19080] =	vst v63  }
0x8a3: {  	s26 =	simm.s32 $0x13880;
	v5 =	vperm.xlane v5, v2  }
0x8a4: {  	[tilespmem:s26], [sflag:$0x1] =	stream.indirect_vreg.gather [hbm4b:s11+s4], $0x80, v6, vm0, $0xb8;
	[tilespmem:$0x19080] =	vst v63  }
0x8a5: {  	s29 =	simm.s32 $0x14080;
	v5 =	vadd.s32 v1, v5  }
0x8a6: {  	[tilespmem:s29], [sflag:$0x1] =	stream.indirect_vreg.gather [hbm4b:s12+s4], $0x80, v6, vm0, $0xb8;
	[tilespmem:$0x19080] =	vst v63  }
0x8a7: {  	s30 =	simm.s32 $0x14880  }
0x8a8: {  	[tilespmem:s30], [sflag:$0x1] =	stream.indirect_vreg.gather [hbm4b:s14+s4], $0x80, v6, vm0, $0xb8;
	[tilespmem:$0x19080] =	vst v63  }
0x8a9: {  	s31 =	simm.s32 $0x15080  }
0x8aa: {  	[tilespmem:s31], [sflag:$0x1] =	stream.indirect_vreg.gather [hbm4b:s0+s4], $0x80, v5, vm0, $0xb8;
	[tilespmem:$0x19080] =	vst v63  }
0x8ab: {  	_ = 	snop  }
0x8ac: {  	[tilespmem:s1], [sflag:$0x1] =	stream.indirect_vreg.gather [hbm4b:s7+s4], $0x80, v5, vm0, $0xb8;
	[tilespmem:$0x19080] =	vst v63  }
0x8ad: {  	_ = 	snop  }
0x8ae: {  	[tilespmem:s3], [sflag:$0x1] =	stream.indirect_vreg.gather [hbm4b:s8+s4], $0x80, v5, vm0, $0xb8;
	[tilespmem:$0x19080] =	vst v63  }
0x8af: {  	_ = 	snop  }
0x8b0: {  	[tilespmem:s5], [sflag:$0x1] =	stream.indirect_vreg.gather [hbm4b:s9+s4], $0x80, v5, vm0, $0xb8;
	[tilespmem:$0x19080] =	vst v63  }
0x8b1: {  	_ = 	snop  }
0x8b2: {  	[tilespmem:s6], [sflag:$0x1] =	stream.indirect_vreg.gather [hbm4b:s10+s4], $0x80, v5, vm0, $0xb8;
	[tilespmem:$0x19080] =	vst v63  }
0x8b3: {  	_ = 	snop  }
0x8b4: {  	[tilespmem:s25], [sflag:$0x1] =	stream.indirect_vreg.gather [hbm4b:s11+s4], $0x80, v5, vm0, $0xb8;
	[tilespmem:$0x19080] =	vst v63  }
0x8b5: {  	p0 =	sgt.u32 s20, $0xF  }
0x8b6: {  	[tilespmem:s15], [sflag:$0x1] =	stream.indirect_vreg.gather [hbm4b:s12+s4], $0x80, v5, vm0, $0xb8;
	[tilespmem:$0x19080] =	vst v63  }
.Ltmp119:
0x8b7: {  	_ = 	snop;
	(pc) =	sbr.rel @p0 .LBB2_210-.Ltmp119, $4  }
0x8b8: {  	[tilespmem:s16], [sflag:$0x1] =	stream.indirect_vreg.gather [hbm4b:s14+s4], $0x80, v5, vm0, $0xb8;
	[tilespmem:$0x19080] =	vst v63  }
0x8b9: {  	_ =	swait.ge [sflag:s21], $0x8000  }
0x8ba: {  	[sflag:s21] =	ssyncset.done $0x0  }
0x8bb: {  	[sflag:s21] =	ssyncadd.s32 $0xFFFF8000  }
0x8bc: {  	s23 =	ssub.s32 $0x10, s20;
	s24 =	simm.s32 $0x0;
	s13 =	simm.s32 $0x0  }
.LBB2_207:
0x8bd: {  	s2 =	sadd.s32 s20, s13  }
0x8be: {  	s26 =	sshll.u32 s2, $0xB;
	s2 =	sshll.u32 s2, $0x7  }
0x8bf: {  	s26 =	sand.u32 $0xFFFFC000, s26;
	s2 =	sand.u32 $0x380, s2  }
0x8c0: {  	s2 =	sor.u32 s2, s26  }
0x8c1: {  	s26 =	sadd.s32 $0x11080, s2;
	s2 =	sand.u32 $0x3C00, s24  }
0x8c2: {  	s30 =	sand.u32 $0x70, s24;
	s2 =	sadd.s32 s2, s26  }
0x8c3: {  	s29 =	simm.s32 $0x10;
	s31 =	sadd.s32 s30, s2;
	s30 =	simm.s32 $0x0  }
.LBB2_208:
0x8c4: {  	p0 =	sne.s32 s29, $0x7F0  }
0x8c5: {  	[tilespmem:s31+$0x0] =	vst v3;
	s30 =	sadd.s32 $0x80, s30;
	s2 =	smov.u32 s29;
	s29 =	sadd.s32 $0x10, s29  }
.Ltmp120:
0x8c6: {  	(pc) =	sbr.rel @p0 .LBB2_208-.Ltmp120, $4  }
0x8c7: {  	_ = 	snop  }
0x8c8: {  	s31 =	sand.u32 $0x3C00, s30  }
0x8c9: {  	s2 =	sand.u32 $0x70, s2;
	s31 =	sadd.s32 s31, s26  }
0x8ca: {  	s31 =	sadd.s32 s2, s31  }
0x8cb: {  	s13 =	sadd.s32 $0x1, s13  }
0x8cc: {  	p0 =	sne.s32 s13, s23  }
.Ltmp121:
0x8cd: {  	_ = 	snop;
	(pc) =	sbr.rel @p0 .LBB2_207-.Ltmp121, $2  }
0x8ce: {  	_ =	sdelay $0x2  }
0x8cf: {  	[tilespmem:s31+$0x0] =	vst v3  }
.LBB2_210:
0x8d0: {  	s2 =	sld [smem:$0x7FB];
	_ =	sdelay $0x2  }
0x8d1: {  	[hbm4b:s2+s4] =	stream.linear.scatter [tilespmem:s22], [sflag:$0x3], $0x8000, $0x38;
	[tilespmem:$0x19080] =	vst v63  }
.LBB2_211:
0x8d2: {  	(v2sf) =	vpush v4, $0xE;
	_ =	sdelay $0xa  }
0x8d3: {  	p0 =	sne.s32 s20, $0x0;
	s20 =	sld [smem:$0x7FB];
	_ =	sdelay $0x1  }
0x8d4: {  	s2 =	simm.s32 @!p0 $0x0;
	s13 =	simm.s32 @!p0 $0x1080  }
0x8d5: {  	[hbm4b:s20+s2] =	stream.linear.scatter @!p0 [tilespmem:s13], [sflag:$0x3], $0x8000, $0x38;
	[tilespmem:$0x19080] =	vst v63  }
0x8d6: {  	s20 =	spop (v2sf)  }
0x8d7: {  	p0 =	slt.s32 s20, $0x1  }
.Ltmp122:
0x8d8: {  	_ = 	snop;
	(pc) =	sbr.rel @p0 .LBB2_218-.Ltmp122, $4  }
0x8d9: {  	_ = 	snop  }
0x8da: {  	_ =	swait.ge [sflag:s17], $0x8000  }
0x8db: {  	[sflag:s17] =	ssyncset.done $0x0  }
0x8dc: {  	[sflag:s17] =	ssyncadd.s32 $0xFFFF8000  }
0x8dd: {  	v5 =	vld [tilespmem:$0xF00];
	_ =	sdelay $0x4  }
0x8de: {  	v6 =	vshll.u32 v5, $0x4  }
0x8df: {  	v5 =	vand.u32 $0x7, v5;
	v6 =	vand.u32 $0xFFFFFF80, v6  }
0x8e0: {  	v5 =	vor.u32 v5, v6  }
0x8e1: {  	v6 =	vperm.xlane v5, v0;
	_ =	sdelay $0x1  }
0x8e2: {  	v6 =	vadd.s32 v1, v6;
	_ =	sdelay $0x4  }
0x8e3: {  	[tilespmem:s28], [sflag:$0x1] =	stream.indirect_vreg.gather [hbm4b:s0+s4], $0x80, v6, vm0, $0xb8;
	[tilespmem:$0x19080] =	vst v63  }
0x8e4: {  	s2 =	simm.s32 $0x9880  }
0x8e5: {  	[tilespmem:s2], [sflag:$0x1] =	stream.indirect_vreg.gather [hbm4b:s7+s4], $0x80, v6, vm0, $0xb8;
	[tilespmem:$0x19080] =	vst v63  }
0x8e6: {  	s13 =	simm.s32 $0xA080  }
0x8e7: {  	[tilespmem:s13], [sflag:$0x1] =	stream.indirect_vreg.gather [hbm4b:s8+s4], $0x80, v6, vm0, $0xb8;
	[tilespmem:$0x19080] =	vst v63  }
0x8e8: {  	s23 =	simm.s32 $0xA880  }
0x8e9: {  	[tilespmem:s23], [sflag:$0x1] =	stream.indirect_vreg.gather [hbm4b:s9+s4], $0x80, v6, vm0, $0xb8;
	[tilespmem:$0x19080] =	vst v63  }
0x8ea: {  	s24 =	simm.s32 $0xB080  }
0x8eb: {  	[tilespmem:s24], [sflag:$0x1] =	stream.indirect_vreg.gather [hbm4b:s10+s4], $0x80, v6, vm0, $0xb8;
	[tilespmem:$0x19080] =	vst v63  }
0x8ec: {  	s26 =	simm.s32 $0xB880;
	v5 =	vperm.xlane v5, v2  }
0x8ed: {  	[tilespmem:s26], [sflag:$0x1] =	stream.indirect_vreg.gather [hbm4b:s11+s4], $0x80, v6, vm0, $0xb8;
	[tilespmem:$0x19080] =	vst v63  }
0x8ee: {  	s29 =	simm.s32 $0xC080;
	v5 =	vadd.s32 v1, v5  }
0x8ef: {  	[tilespmem:s29], [sflag:$0x1] =	stream.indirect_vreg.gather [hbm4b:s12+s4], $0x80, v6, vm0, $0xb8;
	[tilespmem:$0x19080] =	vst v63  }
0x8f0: {  	s30 =	simm.s32 $0xC880  }
0x8f1: {  	[tilespmem:s30], [sflag:$0x1] =	stream.indirect_vreg.gather [hbm4b:s14+s4], $0x80, v6, vm0, $0xb8;
	[tilespmem:$0x19080] =	vst v63  }
0x8f2: {  	s31 =	simm.s32 $0xD080  }
0x8f3: {  	[tilespmem:s31], [sflag:$0x1] =	stream.indirect_vreg.gather [hbm4b:s0+s4], $0x80, v5, vm0, $0xb8;
	[tilespmem:$0x19080] =	vst v63  }
0x8f4: {  	s13 =	simm.s32 $0xD880  }
0x8f5: {  	[tilespmem:s13], [sflag:$0x1] =	stream.indirect_vreg.gather [hbm4b:s7+s4], $0x80, v5, vm0, $0xb8;
	[tilespmem:$0x19080] =	vst v63  }
0x8f6: {  	s23 =	simm.s32 $0xE080  }
0x8f7: {  	[tilespmem:s23], [sflag:$0x1] =	stream.indirect_vreg.gather [hbm4b:s8+s4], $0x80, v5, vm0, $0xb8;
	[tilespmem:$0x19080] =	vst v63  }
0x8f8: {  	s24 =	simm.s32 $0xE880  }
0x8f9: {  	[tilespmem:s24], [sflag:$0x1] =	stream.indirect_vreg.gather [hbm4b:s9+s4], $0x80, v5, vm0, $0xb8;
	[tilespmem:$0x19080] =	vst v63  }
0x8fa: {  	s26 =	simm.s32 $0xF080  }
0x8fb: {  	[tilespmem:s26], [sflag:$0x1] =	stream.indirect_vreg.gather [hbm4b:s10+s4], $0x80, v5, vm0, $0xb8;
	[tilespmem:$0x19080] =	vst v63  }
0x8fc: {  	s29 =	simm.s32 $0xF880  }
0x8fd: {  	[tilespmem:s29], [sflag:$0x1] =	stream.indirect_vreg.gather [hbm4b:s11+s4], $0x80, v5, vm0, $0xb8;
	[tilespmem:$0x19080] =	vst v63  }
0x8fe: {  	p0 =	sgt.u32 s20, $0xF;
	s30 =	simm.s32 $0x10080  }
0x8ff: {  	[tilespmem:s30], [sflag:$0x1] =	stream.indirect_vreg.gather [hbm4b:s12+s4], $0x80, v5, vm0, $0xb8;
	[tilespmem:$0x19080] =	vst v63  }
.Ltmp123:
0x900: {  	s31 =	simm.s32 $0x10880;
	(pc) =	sbr.rel @p0 .LBB2_217-.Ltmp123, $4  }
0x901: {  	[tilespmem:s31], [sflag:$0x1] =	stream.indirect_vreg.gather [hbm4b:s14+s4], $0x80, v5, vm0, $0xb8;
	[tilespmem:$0x19080] =	vst v63  }
0x902: {  	_ =	swait.ge [sflag:s21], $0x8000  }
0x903: {  	[sflag:s21] =	ssyncset.done $0x0  }
0x904: {  	[sflag:s21] =	ssyncadd.s32 $0xFFFF8000  }
0x905: {  	s23 =	ssub.s32 $0x10, s20;
	s24 =	simm.s32 $0x0;
	s13 =	simm.s32 $0x0  }
.LBB2_214:
0x906: {  	s2 =	sadd.s32 s20, s13  }
0x907: {  	s26 =	sshll.u32 s2, $0xB;
	s2 =	sshll.u32 s2, $0x7  }
0x908: {  	s26 =	sand.u32 $0xFFFFC000, s26;
	s2 =	sand.u32 $0x380, s2  }
0x909: {  	s2 =	sor.u32 s2, s26  }
0x90a: {  	s26 =	sadd.s32 $0x9080, s2;
	s2 =	sand.u32 $0x3C00, s24  }
0x90b: {  	s30 =	sand.u32 $0x70, s24;
	s2 =	sadd.s32 s2, s26  }
0x90c: {  	s29 =	simm.s32 $0x10;
	s31 =	sadd.s32 s30, s2;
	s30 =	simm.s32 $0x0  }
.LBB2_215:
0x90d: {  	p0 =	sne.s32 s29, $0x7F0  }
0x90e: {  	[tilespmem:s31+$0x0] =	vst v3;
	s30 =	sadd.s32 $0x80, s30;
	s2 =	smov.u32 s29;
	s29 =	sadd.s32 $0x10, s29  }
.Ltmp124:
0x90f: {  	(pc) =	sbr.rel @p0 .LBB2_215-.Ltmp124, $4  }
0x910: {  	_ = 	snop  }
0x911: {  	s31 =	sand.u32 $0x3C00, s30  }
0x912: {  	s2 =	sand.u32 $0x70, s2;
	s31 =	sadd.s32 s31, s26  }
0x913: {  	s31 =	sadd.s32 s2, s31  }
0x914: {  	s13 =	sadd.s32 $0x1, s13  }
0x915: {  	p0 =	sne.s32 s13, s23  }
.Ltmp125:
0x916: {  	_ = 	snop;
	(pc) =	sbr.rel @p0 .LBB2_214-.Ltmp125, $2  }
0x917: {  	_ =	sdelay $0x2  }
0x918: {  	[tilespmem:s31+$0x0] =	vst v3  }
.LBB2_217:
0x919: {  	s2 =	sld [smem:$0x7FC];
	_ =	sdelay $0x2  }
0x91a: {  	[hbm4b:s2+s4] =	stream.linear.scatter [tilespmem:s28], [sflag:$0x2], $0x8000, $0x38;
	[tilespmem:$0x19080] =	vst v63  }
.LBB2_218:
0x91b: {  	(v2sf) =	vpush v4, $0xF;
	_ =	sdelay $0xa  }
0x91c: {  	p0 =	sne.s32 s20, $0x0;
	s20 =	sld [smem:$0x7FC];
	_ =	sdelay $0x1  }
0x91d: {  	s2 =	simm.s32 @!p0 $0x0;
	s13 =	simm.s32 @!p0 $0x1080  }
0x91e: {  	[hbm4b:s20+s2] =	stream.linear.scatter @!p0 [tilespmem:s13], [sflag:$0x2], $0x8000, $0x38;
	[tilespmem:$0x19080] =	vst v63  }
0x91f: {  	s20 =	spop (v2sf)  }
0x920: {  	p0 =	slt.s32 s20, $0x1  }
.Ltmp126:
0x921: {  	_ = 	snop;
	(pc) =	sbr.rel @p0 .LBB2_225-.Ltmp126, $4  }
0x922: {  	_ = 	snop  }
0x923: {  	_ =	swait.ge [sflag:s18], $0x8000  }
0x924: {  	[sflag:s18] =	ssyncset.done $0x0  }
0x925: {  	[sflag:s18] =	ssyncadd.s32 $0xFFFF8000  }
0x926: {  	v4 =	vld [tilespmem:$0xF80];
	_ =	sdelay $0x4  }
0x927: {  	v5 =	vshll.u32 v4, $0x4  }
0x928: {  	v4 =	vand.u32 $0x7, v4;
	v5 =	vand.u32 $0xFFFFFF80, v5  }
0x929: {  	v4 =	vor.u32 v4, v5  }
0x92a: {  	v5 =	vperm.xlane v4, v0;
	_ =	sdelay $0x1  }
0x92b: {  	v5 =	vadd.s32 v1, v5;
	_ =	sdelay $0x4  }
0x92c: {  	[tilespmem:s22], [sflag:$0x1] =	stream.indirect_vreg.gather [hbm4b:s0+s4], $0x80, v5, vm0, $0xb8;
	[tilespmem:$0x19080] =	vst v63  }
0x92d: {  	s2 =	simm.s32 $0x11880  }
0x92e: {  	[tilespmem:s2], [sflag:$0x1] =	stream.indirect_vreg.gather [hbm4b:s7+s4], $0x80, v5, vm0, $0xb8;
	[tilespmem:$0x19080] =	vst v63  }
0x92f: {  	s13 =	simm.s32 $0x12080  }
0x930: {  	[tilespmem:s13], [sflag:$0x1] =	stream.indirect_vreg.gather [hbm4b:s8+s4], $0x80, v5, vm0, $0xb8;
	[tilespmem:$0x19080] =	vst v63  }
0x931: {  	s23 =	simm.s32 $0x12880  }
0x932: {  	[tilespmem:s23], [sflag:$0x1] =	stream.indirect_vreg.gather [hbm4b:s9+s4], $0x80, v5, vm0, $0xb8;
	[tilespmem:$0x19080] =	vst v63  }
0x933: {  	s24 =	simm.s32 $0x13080  }
0x934: {  	[tilespmem:s24], [sflag:$0x1] =	stream.indirect_vreg.gather [hbm4b:s10+s4], $0x80, v5, vm0, $0xb8;
	[tilespmem:$0x19080] =	vst v63  }
0x935: {  	s26 =	simm.s32 $0x13880;
	v4 =	vperm.xlane v4, v2  }
0x936: {  	[tilespmem:s26], [sflag:$0x1] =	stream.indirect_vreg.gather [hbm4b:s11+s4], $0x80, v5, vm0, $0xb8;
	[tilespmem:$0x19080] =	vst v63  }
0x937: {  	s29 =	simm.s32 $0x14080;
	v4 =	vadd.s32 v1, v4  }
0x938: {  	[tilespmem:s29], [sflag:$0x1] =	stream.indirect_vreg.gather [hbm4b:s12+s4], $0x80, v5, vm0, $0xb8;
	[tilespmem:$0x19080] =	vst v63  }
0x939: {  	s30 =	simm.s32 $0x14880  }
0x93a: {  	[tilespmem:s30], [sflag:$0x1] =	stream.indirect_vreg.gather [hbm4b:s14+s4], $0x80, v5, vm0, $0xb8;
	[tilespmem:$0x19080] =	vst v63  }
0x93b: {  	s31 =	simm.s32 $0x15080  }
0x93c: {  	[tilespmem:s31], [sflag:$0x1] =	stream.indirect_vreg.gather [hbm4b:s0+s4], $0x80, v4, vm0, $0xb8;
	[tilespmem:$0x19080] =	vst v63  }
0x93d: {  	_ = 	snop  }
0x93e: {  	[tilespmem:s1], [sflag:$0x1] =	stream.indirect_vreg.gather [hbm4b:s7+s4], $0x80, v4, vm0, $0xb8;
	[tilespmem:$0x19080] =	vst v63  }
0x93f: {  	_ = 	snop  }
0x940: {  	[tilespmem:s3], [sflag:$0x1] =	stream.indirect_vreg.gather [hbm4b:s8+s4], $0x80, v4, vm0, $0xb8;
	[tilespmem:$0x19080] =	vst v63  }
0x941: {  	_ = 	snop  }
0x942: {  	[tilespmem:s5], [sflag:$0x1] =	stream.indirect_vreg.gather [hbm4b:s9+s4], $0x80, v4, vm0, $0xb8;
	[tilespmem:$0x19080] =	vst v63  }
0x943: {  	_ = 	snop  }
0x944: {  	[tilespmem:s6], [sflag:$0x1] =	stream.indirect_vreg.gather [hbm4b:s10+s4], $0x80, v4, vm0, $0xb8;
	[tilespmem:$0x19080] =	vst v63  }
0x945: {  	_ = 	snop  }
0x946: {  	[tilespmem:s25], [sflag:$0x1] =	stream.indirect_vreg.gather [hbm4b:s11+s4], $0x80, v4, vm0, $0xb8;
	[tilespmem:$0x19080] =	vst v63  }
0x947: {  	p0 =	sgt.u32 s20, $0xF  }
0x948: {  	[tilespmem:s15], [sflag:$0x1] =	stream.indirect_vreg.gather [hbm4b:s12+s4], $0x80, v4, vm0, $0xb8;
	[tilespmem:$0x19080] =	vst v63  }
.Ltmp127:
0x949: {  	_ = 	snop;
	(pc) =	sbr.rel @p0 .LBB2_224-.Ltmp127, $4  }
0x94a: {  	[tilespmem:s16], [sflag:$0x1] =	stream.indirect_vreg.gather [hbm4b:s14+s4], $0x80, v4, vm0, $0xb8;
	[tilespmem:$0x19080] =	vst v63  }
0x94b: {  	_ =	swait.ge [sflag:s21], $0x8000  }
0x94c: {  	[sflag:s21] =	ssyncset.done $0x0  }
0x94d: {  	[sflag:s21] =	ssyncadd.s32 $0xFFFF8000  }
0x94e: {  	s23 =	ssub.s32 $0x10, s20;
	s24 =	simm.s32 $0x0;
	s13 =	simm.s32 $0x0  }
.LBB2_221:
0x94f: {  	s2 =	sadd.s32 s20, s13  }
0x950: {  	s26 =	sshll.u32 s2, $0xB;
	s2 =	sshll.u32 s2, $0x7  }
0x951: {  	s26 =	sand.u32 $0xFFFFC000, s26;
	s2 =	sand.u32 $0x380, s2  }
0x952: {  	s2 =	sor.u32 s2, s26  }
0x953: {  	s26 =	sadd.s32 $0x11080, s2;
	s2 =	sand.u32 $0x3C00, s24  }
0x954: {  	s30 =	sand.u32 $0x70, s24;
	s2 =	sadd.s32 s2, s26  }
0x955: {  	s29 =	simm.s32 $0x10;
	s31 =	sadd.s32 s30, s2;
	s30 =	simm.s32 $0x0  }
.LBB2_222:
0x956: {  	p0 =	sne.s32 s29, $0x7F0  }
0x957: {  	[tilespmem:s31+$0x0] =	vst v3;
	s30 =	sadd.s32 $0x80, s30;
	s2 =	smov.u32 s29;
	s29 =	sadd.s32 $0x10, s29  }
.Ltmp128:
0x958: {  	(pc) =	sbr.rel @p0 .LBB2_222-.Ltmp128, $4  }
0x959: {  	_ = 	snop  }
0x95a: {  	s31 =	sand.u32 $0x3C00, s30  }
0x95b: {  	s2 =	sand.u32 $0x70, s2;
	s31 =	sadd.s32 s31, s26  }
0x95c: {  	s31 =	sadd.s32 s2, s31  }
0x95d: {  	s13 =	sadd.s32 $0x1, s13  }
0x95e: {  	p0 =	sne.s32 s13, s23  }
.Ltmp129:
0x95f: {  	_ = 	snop;
	(pc) =	sbr.rel @p0 .LBB2_221-.Ltmp129, $4  }
.Ltmp130:
0x960: {  	_ = 	snop;
	(pc) =	sbr.rel @!p0 .LBB2_224-.Ltmp130, $4  }
0x961: {  	_ = 	snop  }
0x962: {  	_ = 	snop  }
0x963: {  	[tilespmem:s31+$0x0] =	vst v3  }
0x964: {  	_ = 	snop  }
.LBB2_226:
0x965: {  	_ =	sfence.sel $0x180000  }
0x966: {  	[bflag:$0x0] =	sbarrier.arrive $0xFFFF  }
0x967: {  	_ =	strace $0x90000047  }
0x968: {  	s0 =	stileid.u32;
	[bflag:$0x2] =	sbarrier.arrive $0xFFFF  }
0x969: {  	p0 =	sne.s32 s0, $0x0;
	s0 =	rddreg [dreg:$0x5]  }
0x96a: {  	s0 =	sadd.s32 @!p0 $0x100000, s0  }
0x96b: {  	[sflag:s0] =	ssyncadd.tile.s32 @!p0 $0x1;
	_ =	shalt  }
.Lfunc_end2:
_tile_overlayer_lowered:
.L_overlay_start_2:
0x96c: {  	(tag) =	ssettag $0x2  }
0x96d: {  	s0 =	rddreg [dreg:$0x0];
	s2 =	stileid.u32  }
0x96e: {  	s1 =	rddreg [dreg:$0x1];
	p0 =	sne.s32 s2, $0x0  }
0x96f: {  	s3 =	rddreg [dreg:$0x2];
	[bflag:$0x3] =	sbarrier.arrive $0xFFFF;
	s2 =	simm.s32 @!p0 $0x1C04  }
0x970: {  	[timem:s3], [sflag:s2] =	dma.local @!p0 [hbm:s0], s1  }
0x971: {  	s0 =	simm.s32 @!p0 $0x4  }
0x972: {  	_ =	swait.ge @!p0 [sflag:s0], s1  }
0x973: {  	s1 =	ssub.s32 @!p0 $0x0, s1;
	[sflag:s0] =	ssyncset.done @!p0 $0x0  }
0x974: {  	[sflag:s0] =	ssyncadd.s32 @!p0 s1  }
0x975: {  	[bflag:$0x3] =	sbarrier.arrive $0xFFFF  }
0x976: {  	_ =	shalt  }

</sc_bundles>
